<compile_context>
chip_gen: v7x
topology: tpu7x:2x2x1
jax: 0.10.2.dev20260603
libtpu: 0.0.44.dev20260713+nightly
codegen_flags: <defaults>
</compile_context>

<pallas_src>
import dataclasses
import functools

import jax
import jax.numpy as jnp
from jax import lax
from jax.experimental import pallas as pl
from jax.experimental.pallas import tpu as pltpu
from jax.experimental.pallas import tpu_sc as plsc

N = 10000
NP = 10240
NA = 5
E = 160000
EP = 163840
CH = 128
D0 = 128
DH = 512

_MESH = plsc.VectorSubcoreMesh(core_axis_name="c", subcore_axis_name="s")
f32 = jnp.float32
i32 = jnp.int32

_CP0 = pltpu.CompilerParams(use_tc_tiling_on_sc=False)
_CP = dataclasses.replace(_CP0, needs_layout_passes=False)


@functools.partial(
    pl.kernel,
    out_type=jax.ShapeDtypeStruct((2, NP, 16), f32),
    mesh=_MESH,
    compiler_params=_CP0,
    scratch_types=[
        pltpu.VMEM((40, CH), i32),
        pltpu.VMEM((NA, CH, 16), f32),
        pltpu.VMEM((CH, 16), f32),
        pltpu.VMEM_SHARED((NP, 16), f32),
    ],
)
def _deg_kernel(dstd, onesg, z16, out, idx_v, ones_v, zbuf, acc):
    c = lax.axis_index("c")
    s = lax.axis_index("s")
    w = s * 2 + c
    pltpu.sync_copy(onesg, ones_v)
    pltpu.sync_copy(z16, zbuf)
    rows_per_tile = NP // 16
    base = s * rows_per_tile

    @pl.loop(0, rows_per_tile // CH)
    def _(j):
        pltpu.sync_copy(zbuf, acc.at[pl.ds(base + j * CH, CH)])

    plsc.subcore_barrier()

    for g in range(NA):
        pltpu.sync_copy(dstd.at[w, pl.ds(g * 40, 40)], idx_v)

        @pl.loop(0, 40)
        def _(k):
            pltpu.sync_copy(ones_v.at[g], acc.at[idx_v.at[k]],
                            add=True)

    plsc.subcore_barrier()
    pltpu.sync_copy(acc.at[pl.ds(base, rows_per_tile)],
                    out.at[c, pl.ds(base, rows_per_tile)])


@functools.partial(
    pl.kernel,
    out_type=jax.ShapeDtypeStruct((NA * 2 * NP, D0), f32),
    mesh=_MESH,
    compiler_params=_CP0,
    scratch_types=[
        pltpu.VMEM((40, CH), i32),
        pltpu.VMEM((40, CH), i32),
        pltpu.VMEM((CH, D0), f32),
        pltpu.VMEM((CH, D0), f32),
        pltpu.VMEM_SHARED((NP, D0), f32),
        pltpu.SemaphoreType.DMA,
        pltpu.SemaphoreType.DMA,
        pltpu.SemaphoreType.DMA,
        pltpu.SemaphoreType.DMA,
    ],
)
def _scatter_kernel(u2, src2, dst2, zrows, out, src_v, dst_v, rows0, rows1,
                    acc, g0, g1, s0, s1):
    c = lax.axis_index("c")
    s = lax.axis_index("s")
    rows_per_tile = NP // 16
    base = s * rows_per_tile

    def gath(k, buf, sem):
        pltpu.async_copy(u2.at[src_v.at[k]], buf, sem)

    def gwait(buf, sem):
        pltpu.make_async_copy(u2.at[src_v.at[0]], buf, sem).wait()

    def scat(k, buf, sem):
        pltpu.async_copy(buf, acc.at[dst_v.at[k]], sem, add=True)

    def swait(buf, sem):
        pltpu.make_async_copy(buf, acc.at[dst_v.at[0]], sem).wait()

    for g in range(NA):
        pltpu.sync_copy(zrows, rows0)

        @pl.loop(0, rows_per_tile // CH)
        def _(j):
            pltpu.sync_copy(rows0, acc.at[pl.ds(base + j * CH, CH)])

        plsc.subcore_barrier()

        for p in range(2):
            pltpu.sync_copy(src2.at[g, c, s, pl.ds(p * 40, 40)], src_v)
            pltpu.sync_copy(dst2.at[g, s, pl.ds(p * 40, 40)], dst_v)

            gath(0, rows0, g0)
            gwait(rows0, g0)
            gath(1, rows1, g1)
            scat(0, rows0, s0)

            @pl.loop(0, 19)
            def _(j):
                k = 1 + 2 * j
                swait(rows0, s0)
                gwait(rows1, g1)
                gath(k + 1, rows0, g0)
                scat(k, rows1, s1)
                swait(rows1, s1)
                gwait(rows0, g0)
                gath(k + 2, rows1, g1)
                scat(k + 1, rows0, s0)

            swait(rows0, s0)
            gwait(rows1, g1)
            scat(39, rows1, s1)
            swait(rows1, s1)

        plsc.subcore_barrier()
        obase = (g * 2 + c) * NP + base
        pltpu.sync_copy(acc.at[pl.ds(base, rows_per_tile)],
                        out.at[pl.ds(obase, rows_per_tile)])
        plsc.subcore_barrier()


@functools.partial(
    pl.kernel,
    out_type=jax.ShapeDtypeStruct((2, NP, 16), f32),
    mesh=_MESH,
    compiler_params=_CP,
    scratch_types=[
        pltpu.VMEM((NA * NP,), f32),
        pltpu.VMEM((40, CH), i32),
        pltpu.VMEM((40, CH), i32),
        pltpu.VMEM((CH, 16), f32),
        pltpu.VMEM_SHARED((NP, 16), f32),
    ],
)
def _t_scatter_kernel(t_tab, src3, dst3, z16, out, t_v, src_v, dst_v,
                      buf, acc):
    c = lax.axis_index("c")
    s = lax.axis_index("s")
    w = s * 2 + c
    pltpu.sync_copy(t_tab, t_v)
    pltpu.sync_copy(z16, buf)
    rows_per_tile = NP // 16
    base = s * rows_per_tile

    @pl.loop(0, rows_per_tile // CH)
    def _(j):
        pltpu.sync_copy(buf, acc.at[pl.ds(base + j * CH, CH)])

    plsc.subcore_barrier()
    lane = lax.iota(i32, 16)
    zero16 = jnp.zeros((16,), f32)

    for g in range(NA):
        colg = jnp.full((16,), g, i32)
        pltpu.sync_copy(src3.at[w, pl.ds(g * 40, 40)], src_v)
        pltpu.sync_copy(dst3.at[w, pl.ds(g * 40, 40)], dst_v)

        @pl.loop(0, CH)
        def _(r):
            buf[r, pl.ds(0, 16)] = zero16

        @pl.loop(0, 40)
        def _(k):
            @pl.loop(0, 8)
            def _(j):
                sidx = src_v[k, pl.ds(j * 16, 16)]
                vals = plsc.load_gather(t_v, [g * NP + sidx])
                plsc.store_scatter(buf, [j * 16 + lane, colg], vals)

            pltpu.sync_copy(buf, acc.at[dst_v.at[k]],
                            add=True)

    plsc.subcore_barrier()
    pltpu.sync_copy(acc.at[pl.ds(base, rows_per_tile)],
                    out.at[c, pl.ds(base, rows_per_tile)])


_BLK = 1024


def _dense_body(a0, a1, u0, u1, dv, w1, b1r, w2r, t16o):
    z0 = dv[...] * (a0[...] + u0[...])
    z1 = dv[...] * (a1[...] + u1[...])
    w = w1[...]
    h = lax.dot_general(z0, w[:D0], (((1,), (0,)), ((), ())),
                        precision=lax.Precision.HIGHEST)
    h = h + lax.dot_general(z1, w[D0:], (((1,), (0,)), ((), ())),
                            precision=lax.Precision.HIGHEST)
    h = h + b1r[...]
    r = jnp.maximum(h, 0.0)
    y = jnp.sum(r * w2r[...], axis=1, keepdims=True)
    t16o[...] = jnp.broadcast_to(dv[...] * y, (_BLK, 16))


def _dense_tc(acc_flat, u_flat, dinv_col, W1, b1, w2row):
    grid = (NA, NP // _BLK)
    return pl.pallas_call(
        _dense_body,
        grid=grid,
        in_specs=[
            pl.BlockSpec((_BLK, D0), lambda g, i: (g * 2 * (NP // _BLK) + i, 0)),
            pl.BlockSpec((_BLK, D0),
                         lambda g, i: ((g * 2 + 1) * (NP // _BLK) + i, 0)),
            pl.BlockSpec((_BLK, D0), lambda g, i: (g * 2 * (NP // _BLK) + i, 0)),
            pl.BlockSpec((_BLK, D0),
                         lambda g, i: ((g * 2 + 1) * (NP // _BLK) + i, 0)),
            pl.BlockSpec((_BLK, 1), lambda g, i: (g * (NP // _BLK) + i, 0)),
            pl.BlockSpec((2 * D0, DH), lambda g, i: (0, 0)),
            pl.BlockSpec((1, DH), lambda g, i: (0, 0)),
            pl.BlockSpec((1, DH), lambda g, i: (0, 0)),
        ],
        out_specs=pl.BlockSpec((_BLK, 16), lambda g, i: (g * (NP // _BLK) + i, 0)),
        out_shape=jax.ShapeDtypeStruct((NA * NP, 16), f32),
    )(acc_flat, acc_flat, u_flat, u_flat, dinv_col, W1, b1, w2row)


def kernel(x, edge_index, W1, b1, W2, b2):
    ei = edge_index.astype(i32)
    pad = jnp.full((NA, 2, EP - E), N, dtype=i32)
    eip = jnp.concatenate([ei, pad], axis=2)

    z16 = jnp.zeros((CH, 16), f32)
    zrows = jnp.zeros((CH, D0), f32)
    onesg = (jnp.arange(16)[None, :] == jnp.arange(NA)[:, None]).astype(f32)
    onesg = jnp.broadcast_to(onesg[:, None, :], (NA, CH, 16))

    src_t = jnp.transpose(eip[:, 0].reshape(NA, 32, 40, CH),
                          (1, 0, 2, 3)).reshape(32, NA * 40, CH)
    dst_t = jnp.transpose(eip[:, 1].reshape(NA, 32, 40, CH),
                          (1, 0, 2, 3)).reshape(32, NA * 40, CH)

    deg_parts = _deg_kernel(dst_t, onesg, z16)
    deg = deg_parts[0, :N, :NA] + deg_parts[1, :N, :NA] + 1.0
    dinv = (1.0 / jnp.sqrt(deg)).T

    u = dinv[:, :, None] * x
    u_halves = jnp.stack([u[:, :, :D0], u[:, :, D0:]], axis=1)
    u2 = jnp.pad(u_halves, ((0, 0), (0, 0), (0, NP - N), (0, 0)))
    u2 = u2.reshape(NA * 2 * NP, D0)

    offs = (jnp.arange(NA * 2, dtype=i32) * NP).reshape(NA, 2, 1)
    src2 = (eip[:, 0][:, None, :] + offs).reshape(NA, 2, 16, 80, CH)
    dst2 = eip[:, 1].reshape(NA, 16, 80, CH)
    acc_flat = _scatter_kernel(u2, src2, dst2, zrows)

    b1r = b1.reshape(1, DH)
    w2row = W2.reshape(1, DH)
    dv_col = jnp.pad(dinv, ((0, 0), (0, NP - N))).reshape(NA * NP, 1)
    t16 = _dense_tc(acc_flat, u2, dv_col, W1, b1r, w2row)
    t_tab = t16[:, 0].reshape(NA, NP)

    s_parts = _t_scatter_kernel(t_tab.reshape(-1), src_t, dst_t, z16)
    S = s_parts[0, :N, :NA] + s_parts[1, :N, :NA]

    scores = []
    for i in range(NA):
        scores.append(
            jnp.sum(dinv[i] * (S[:, i] + t_tab[i, :N])) / N + b2[0])
    return jax.nn.log_softmax(jnp.stack(scores), axis=0)

# --- scband reference (transcript-rebuilt; emitter-appended) ---
"""Pipeline reference for scband-gcn-73409581023608 (READ-ONLY COPY).

The authoritative reference and input builder live on the scoring server;
editing this copy changes nothing except your own understanding.
"""

import jax, jax.numpy as jnp
import numpy as np

N_NODES = 10000
N_ANS = 5
D_IN = 256
D_HID = 512
N_EDGES = 160000


def gcn_conv(x, src, dst, W, b, n):
    # linear transform
    h = x @ W
    # add self loops
    loop = jnp.arange(n, dtype=src.dtype)
    src2 = jnp.concatenate([src, loop])
    dst2 = jnp.concatenate([dst, loop])
    # symmetric normalization deg^{-1/2}[src] * deg^{-1/2}[dst]
    ones = jnp.ones(src2.shape[0], dtype=h.dtype)
    deg = jax.ops.segment_sum(ones, dst2, num_segments=n)
    dinv = jnp.where(deg > 0, 1.0 / jnp.sqrt(deg), 0.0)
    norm = dinv[src2] * dinv[dst2]
    msg = h[src2] * norm[:, None]
    out = jax.ops.segment_sum(msg, dst2, num_segments=n)
    return out + b


def setup_inputs(seed: int = 0) -> dict:
    key = jax.random.key(seed)
    k1, k2, k3, k4, k5 = jax.random.split(key, 5)
    x = jax.random.normal(k1, (N_ANS, N_NODES, D_IN), dtype=jnp.float32)
    edge_index = jax.random.randint(k2, (N_ANS, 2, N_EDGES), 0, N_NODES, dtype=jnp.int64)
    # GCNConv params (glorot-ish init)
    W1 = jax.random.normal(k3, (D_IN, D_HID), dtype=jnp.float32) * (1.0 / np.sqrt(D_IN))
    b1 = jnp.zeros((D_HID,), dtype=jnp.float32)
    W2 = jax.random.normal(k4, (D_HID, 1), dtype=jnp.float32) * (1.0 / np.sqrt(D_HID))
    b2 = jnp.zeros((1,), dtype=jnp.float32)
    return {"x": x, "edge_index": edge_index, "W1": W1, "b1": b1, "W2": W2, "b2": b2}


def reference(x, edge_index, W1, b1, W2, b2):
    # Eval mode: dropout is identity. Loop over the 5 answer graphs.
    scores = []
    for i in range(N_ANS):
        src = edge_index[i, 0]
        dst = edge_index[i, 1]
        h = gcn_conv(x[i], src, dst, W1, b1, N_NODES)
        h = jax.nn.relu(h)
        h = gcn_conv(h, src, dst, W2, b2, N_NODES)
        scores.append(h.mean(axis=0)[0])
    proba_vec = jnp.stack(scores)
    return jax.nn.log_softmax(proba_vec, axis=0)

if __name__ == "__main__":
    import jax
    _d = setup_inputs()
    print(jax.jit(kernel)(*tuple(_d.values())))

</pallas_src>

<mosaic_0001>
#map = affine_map<(d0, d1) -> (0, 0, 0)>
#map1 = affine_map<(d0, d1) -> (0, 0)>
module attributes {stable_mosaic.version = 14 : i64} {
  func.func @_deg_kernel(%arg0: i32, %arg1: i32, %arg2: memref<32x200x128xi32, #tpu.memory_space<hbm>>, %arg3: memref<5x128x16xf32, #tpu.memory_space<hbm>>, %arg4: memref<128x16xf32, #tpu.memory_space<hbm>>, %arg5: memref<2x10240x16xf32, #tpu.memory_space<hbm>>, %arg6: memref<40x128xi32, #tpu.memory_space<vmem>>, %arg7: memref<5x128x16xf32, #tpu.memory_space<vmem>>, %arg8: memref<128x16xf32, #tpu.memory_space<vmem>>, %arg9: memref<10240x16xf32, #tpu.memory_space<vmem_shared>>) attributes {dimension_semantics = [#tpu.dimension_semantics<core_parallel>, #tpu.dimension_semantics<subcore_parallel>], iteration_bounds = array<i64: 2, 16>, scalar_prefetch = 0 : i64, scratch_operands = 4 : i64, tpu.core_type = #tpu.core_type<sc_vector_subcore>, window_params = [{transform_indices = #map}, {transform_indices = #map}, {transform_indices = #map1}, {transform_indices = #map}]} {
    %mul3A = arith.constant 2 : i32
    %mul3A_0 = arith.muli %arg1, %mul3A : i32
    %add3A = arith.addi %mul3A_0, %arg0 : i32
    "tpu.region"() ({
      %run_scoped3A = tpu.sem_alloc : memref<!tpu.dma_semaphore, #tpu.memory_space<semaphore_mem>>
      tpu.enqueue_dma source(%arg3 : memref<5x128x16xf32, #tpu.memory_space<hbm>>) target(%arg7 : memref<5x128x16xf32, #tpu.memory_space<vmem>>) target_semaphore(%run_scoped3A : memref<!tpu.dma_semaphore, #tpu.memory_space<semaphore_mem>>)
      tpu.wait_dma2 semaphore(%run_scoped3A : memref<!tpu.dma_semaphore, #tpu.memory_space<semaphore_mem>>) src(%arg3 : memref<5x128x16xf32, #tpu.memory_space<hbm>>) dst(%arg7 : memref<5x128x16xf32, #tpu.memory_space<vmem>>)
      tpu.yield
    }) : () -> ()
    "tpu.region"() ({
      %run_scoped3A = tpu.sem_alloc : memref<!tpu.dma_semaphore, #tpu.memory_space<semaphore_mem>>
      tpu.enqueue_dma source(%arg4 : memref<128x16xf32, #tpu.memory_space<hbm>>) target(%arg8 : memref<128x16xf32, #tpu.memory_space<vmem>>) target_semaphore(%run_scoped3A : memref<!tpu.dma_semaphore, #tpu.memory_space<semaphore_mem>>)
      tpu.wait_dma2 semaphore(%run_scoped3A : memref<!tpu.dma_semaphore, #tpu.memory_space<semaphore_mem>>) src(%arg4 : memref<128x16xf32, #tpu.memory_space<hbm>>) dst(%arg8 : memref<128x16xf32, #tpu.memory_space<vmem>>)
      tpu.yield
    }) : () -> ()
    %mul3A_1 = arith.constant 640 : i32
    %mul3A_2 = arith.muli %arg1, %mul3A_1 : i32
    %scan3A = arith.constant 0 : i32
    %scan3A_3 = arith.constant 5 : i32
    %scan3A_4 = arith.addi %scan3A, %scan3A_3 : i32
    %scan3A_5 = arith.constant 1 : i32
    scf.for %scan3A_33 = %scan3A to %scan3A_4 step %scan3A_5  : i32 {
      %mul3A_34 = arith.constant 1 : i32
      %mul3A_35 = arith.muli %scan3A_33, %mul3A_34 : i32
      %add3A_36 = arith.constant 0 : i32
      %add3A_37 = arith.addi %add3A_36, %mul3A_35 : i32
      %mul3A_38 = arith.constant 128 : i32
      %mul3A_39 = arith.muli %add3A_37, %mul3A_38 : i32
      %add3A_40 = arith.addi %mul3A_2, %mul3A_39 : i32
      "tpu.region"() ({
        %run_scoped3A = tpu.sem_alloc : memref<!tpu.dma_semaphore, #tpu.memory_space<semaphore_mem>>
        %dma_start3A = arith.constant 0 : i32
        %dma_start3A_41 = tpu.memref_slice %arg9[%add3A_40, %dma_start3A] : memref<10240x16xf32, #tpu.memory_space<vmem_shared>> -> memref<128x16xf32, #tpu.memory_space<vmem_shared>>
        %dma_start3A_42 = arith.constant 0 : i32
        %dma_start3A_43 = tpu.memref_slice %arg9[%add3A_40, %dma_start3A_42] : memref<10240x16xf32, #tpu.memory_space<vmem_shared>> -> memref<128x16xf32, #tpu.memory_space<vmem_shared>>
        tpu.enqueue_dma source(%arg8 : memref<128x16xf32, #tpu.memory_space<vmem>>) target(%dma_start3A_43 : memref<128x16xf32, #tpu.memory_space<vmem_shared>>) target_semaphore(%run_scoped3A : memref<!tpu.dma_semaphore, #tpu.memory_space<semaphore_mem>>)
        %dma_wait3A = arith.constant 0 : i32
        %dma_wait3A_44 = tpu.memref_slice %arg9[%add3A_40, %dma_wait3A] : memref<10240x16xf32, #tpu.memory_space<vmem_shared>> -> memref<128x16xf32, #tpu.memory_space<vmem_shared>>
        %dma_wait3A_45 = arith.constant 0 : i32
        %dma_wait3A_46 = tpu.memref_slice %arg9[%add3A_40, %dma_wait3A_45] : memref<10240x16xf32, #tpu.memory_space<vmem_shared>> -> memref<128x16xf32, #tpu.memory_space<vmem_shared>>
        tpu.wait_dma2 semaphore(%run_scoped3A : memref<!tpu.dma_semaphore, #tpu.memory_space<semaphore_mem>>) src(%arg8 : memref<128x16xf32, #tpu.memory_space<vmem>>) dst(%dma_wait3A_46 : memref<128x16xf32, #tpu.memory_space<vmem_shared>>)
        tpu.yield
      }) : () -> ()
    }
    %scan3A_6 = arith.constant 5 : i32
    %barrier3A = arith.constant 0 : index
    tpu.barrier barrier_id(%barrier3A)
    "tpu.region"() ({
      %run_scoped3A = tpu.sem_alloc : memref<!tpu.dma_semaphore, #tpu.memory_space<semaphore_mem>>
      %dma_start3A = arith.constant 0 : i32
      %dma_start3A_33 = arith.constant 0 : i32
      %dma_start3A_34 = tpu.memref_slice %arg2[%add3A, %dma_start3A, %dma_start3A_33] : memref<32x200x128xi32, #tpu.memory_space<hbm>> -> memref<1x40x128xi32, #tpu.memory_space<hbm>>
      %dma_start3A_35 = tpu.memref_squeeze %dma_start3A_34 : memref<1x40x128xi32, #tpu.memory_space<hbm>> -> memref<40x128xi32, #tpu.memory_space<hbm>>
      %dma_start3A_36 = arith.constant 0 : i32
      %dma_start3A_37 = arith.constant 0 : i32
      %dma_start3A_38 = tpu.memref_slice %arg2[%add3A, %dma_start3A_36, %dma_start3A_37] : memref<32x200x128xi32, #tpu.memory_space<hbm>> -> memref<1x40x128xi32, #tpu.memory_space<hbm>>
      %dma_start3A_39 = tpu.memref_squeeze %dma_start3A_38 : memref<1x40x128xi32, #tpu.memory_space<hbm>> -> memref<40x128xi32, #tpu.memory_space<hbm>>
      tpu.enqueue_dma source(%dma_start3A_39 : memref<40x128xi32, #tpu.memory_space<hbm>>) target(%arg6 : memref<40x128xi32, #tpu.memory_space<vmem>>) target_semaphore(%run_scoped3A : memref<!tpu.dma_semaphore, #tpu.memory_space<semaphore_mem>>)
      %dma_wait3A = arith.constant 0 : i32
      %dma_wait3A_40 = arith.constant 0 : i32
      %dma_wait3A_41 = tpu.memref_slice %arg2[%add3A, %dma_wait3A, %dma_wait3A_40] : memref<32x200x128xi32, #tpu.memory_space<hbm>> -> memref<1x40x128xi32, #tpu.memory_space<hbm>>
      %dma_wait3A_42 = tpu.memref_squeeze %dma_wait3A_41 : memref<1x40x128xi32, #tpu.memory_space<hbm>> -> memref<40x128xi32, #tpu.memory_space<hbm>>
      %dma_wait3A_43 = arith.constant 0 : i32
      %dma_wait3A_44 = arith.constant 0 : i32
      %dma_wait3A_45 = tpu.memref_slice %arg2[%add3A, %dma_wait3A_43, %dma_wait3A_44] : memref<32x200x128xi32, #tpu.memory_space<hbm>> -> memref<1x40x128xi32, #tpu.memory_space<hbm>>
      %dma_wait3A_46 = tpu.memref_squeeze %dma_wait3A_45 : memref<1x40x128xi32, #tpu.memory_space<hbm>> -> memref<40x128xi32, #tpu.memory_space<hbm>>
      tpu.wait_dma2 semaphore(%run_scoped3A : memref<!tpu.dma_semaphore, #tpu.memory_space<semaphore_mem>>) src(%dma_wait3A_46 : memref<40x128xi32, #tpu.memory_space<hbm>>) dst(%arg6 : memref<40x128xi32, #tpu.memory_space<vmem>>)
      tpu.yield
    }) : () -> ()
    %scan3A_7 = arith.constant 0 : i32
    %scan3A_8 = arith.constant 40 : i32
    %scan3A_9 = arith.addi %scan3A_7, %scan3A_8 : i32
    %scan3A_10 = arith.constant 1 : i32
    scf.for %scan3A_33 = %scan3A_7 to %scan3A_9 step %scan3A_10  : i32 {
      %mul3A_34 = arith.constant 1 : i32
      %mul3A_35 = arith.muli %scan3A_33, %mul3A_34 : i32
      %add3A_36 = arith.constant 0 : i32
      %add3A_37 = arith.addi %add3A_36, %mul3A_35 : i32
      %run_scoped3A = arith.constant 0 : i32
      "tpu.region"() ({
        %run_scoped3A_38 = tpu.sem_alloc : memref<!tpu.dma_semaphore, #tpu.memory_space<semaphore_mem>>
        %dma_start3A = arith.constant 0 : i32
        %dma_start3A_39 = arith.constant 0 : i32
        %dma_start3A_40 = tpu.memref_slice %arg7[%run_scoped3A, %dma_start3A, %dma_start3A_39] : memref<5x128x16xf32, #tpu.memory_space<vmem>> -> memref<1x128x16xf32, #tpu.memory_space<vmem>>
        %dma_start3A_41 = tpu.memref_squeeze %dma_start3A_40 : memref<1x128x16xf32, #tpu.memory_space<vmem>> -> memref<128x16xf32, #tpu.memory_space<vmem>>
        %dma_start3A_42 = arith.constant 0 : i32
        %dma_start3A_43 = tpu.memref_slice %arg6[%add3A_37, %dma_start3A_42] : memref<40x128xi32, #tpu.memory_space<vmem>> -> memref<1x128xi32, #tpu.memory_space<vmem>>
        %dma_start3A_44 = tpu.memref_squeeze %dma_start3A_43 : memref<1x128xi32, #tpu.memory_space<vmem>> -> memref<128xi32, #tpu.memory_space<vmem>>
        %dma_start3A_45 = arith.constant 0 : i32
        %dma_start3A_46 = arith.constant 0 : i32
        %dma_start3A_47 = tpu.memref_slice %arg9[%dma_start3A_45, %dma_start3A_46] : memref<10240x16xf32, #tpu.memory_space<vmem_shared>> -> memref<10240x16xf32, #tpu.memory_space<vmem_shared>>
        tpu.enqueue_indirect_dma source(%dma_start3A_41 : memref<128x16xf32, #tpu.memory_space<vmem>>) target(%dma_start3A_47 : memref<10240x16xf32, #tpu.memory_space<vmem_shared>>) offsets(%dma_start3A_44 : memref<128xi32, #tpu.memory_space<vmem>>) semaphore(%run_scoped3A_38 : memref<!tpu.dma_semaphore, #tpu.memory_space<semaphore_mem>>) {add = true}
        %dma_wait3A = arith.constant 0 : i32
        %dma_wait3A_48 = arith.constant 0 : i32
        %dma_wait3A_49 = tpu.memref_slice %arg7[%run_scoped3A, %dma_wait3A, %dma_wait3A_48] : memref<5x128x16xf32, #tpu.memory_space<vmem>> -> memref<1x128x16xf32, #tpu.memory_space<vmem>>
        %dma_wait3A_50 = tpu.memref_squeeze %dma_wait3A_49 : memref<1x128x16xf32, #tpu.memory_space<vmem>> -> memref<128x16xf32, #tpu.memory_space<vmem>>
        %dma_wait3A_51 = arith.constant 0 : i32
        %dma_wait3A_52 = tpu.memref_slice %arg6[%add3A_37, %dma_wait3A_51] : memref<40x128xi32, #tpu.memory_space<vmem>> -> memref<1x128xi32, #tpu.memory_space<vmem>>
        %dma_wait3A_53 = tpu.memref_squeeze %dma_wait3A_52 : memref<1x128xi32, #tpu.memory_space<vmem>> -> memref<128xi32, #tpu.memory_space<vmem>>
        %dma_wait3A_54 = arith.constant 0 : i32
        %dma_wait3A_55 = arith.constant 0 : i32
        %dma_wait3A_56 = tpu.memref_slice %arg9[%dma_wait3A_54, %dma_wait3A_55] : memref<10240x16xf32, #tpu.memory_space<vmem_shared>> -> memref<10240x16xf32, #tpu.memory_space<vmem_shared>>
        tpu.wait_indirect_dma semaphore(%run_scoped3A_38 : memref<!tpu.dma_semaphore, #tpu.memory_space<semaphore_mem>>) src(%dma_wait3A_50 : memref<128x16xf32, #tpu.memory_space<vmem>>) dst(%dma_wait3A_56 : memref<10240x16xf32, #tpu.memory_space<vmem_shared>>)
        tpu.yield
      }) : () -> ()
    }
    %scan3A_11 = arith.constant 40 : i32
    "tpu.region"() ({
      %run_scoped3A = tpu.sem_alloc : memref<!tpu.dma_semaphore, #tpu.memory_space<semaphore_mem>>
      %dma_start3A = arith.constant 40 : i32
      %dma_start3A_33 = arith.constant 0 : i32
      %dma_start3A_34 = tpu.memref_slice %arg2[%add3A, %dma_start3A, %dma_start3A_33] : memref<32x200x128xi32, #tpu.memory_space<hbm>> -> memref<1x40x128xi32, #tpu.memory_space<hbm>>
      %dma_start3A_35 = tpu.memref_squeeze %dma_start3A_34 : memref<1x40x128xi32, #tpu.memory_space<hbm>> -> memref<40x128xi32, #tpu.memory_space<hbm>>
      %dma_start3A_36 = arith.constant 40 : i32
      %dma_start3A_37 = arith.constant 0 : i32
      %dma_start3A_38 = tpu.memref_slice %arg2[%add3A, %dma_start3A_36, %dma_start3A_37] : memref<32x200x128xi32, #tpu.memory_space<hbm>> -> memref<1x40x128xi32, #tpu.memory_space<hbm>>
      %dma_start3A_39 = tpu.memref_squeeze %dma_start3A_38 : memref<1x40x128xi32, #tpu.memory_space<hbm>> -> memref<40x128xi32, #tpu.memory_space<hbm>>
      tpu.enqueue_dma source(%dma_start3A_39 : memref<40x128xi32, #tpu.memory_space<hbm>>) target(%arg6 : memref<40x128xi32, #tpu.memory_space<vmem>>) target_semaphore(%run_scoped3A : memref<!tpu.dma_semaphore, #tpu.memory_space<semaphore_mem>>)
      %dma_wait3A = arith.constant 40 : i32
      %dma_wait3A_40 = arith.constant 0 : i32
      %dma_wait3A_41 = tpu.memref_slice %arg2[%add3A, %dma_wait3A, %dma_wait3A_40] : memref<32x200x128xi32, #tpu.memory_space<hbm>> -> memref<1x40x128xi32, #tpu.memory_space<hbm>>
      %dma_wait3A_42 = tpu.memref_squeeze %dma_wait3A_41 : memref<1x40x128xi32, #tpu.memory_space<hbm>> -> memref<40x128xi32, #tpu.memory_space<hbm>>
      %dma_wait3A_43 = arith.constant 40 : i32
      %dma_wait3A_44 = arith.constant 0 : i32
      %dma_wait3A_45 = tpu.memref_slice %arg2[%add3A, %dma_wait3A_43, %dma_wait3A_44] : memref<32x200x128xi32, #tpu.memory_space<hbm>> -> memref<1x40x128xi32, #tpu.memory_space<hbm>>
      %dma_wait3A_46 = tpu.memref_squeeze %dma_wait3A_45 : memref<1x40x128xi32, #tpu.memory_space<hbm>> -> memref<40x128xi32, #tpu.memory_space<hbm>>
      tpu.wait_dma2 semaphore(%run_scoped3A : memref<!tpu.dma_semaphore, #tpu.memory_space<semaphore_mem>>) src(%dma_wait3A_46 : memref<40x128xi32, #tpu.memory_space<hbm>>) dst(%arg6 : memref<40x128xi32, #tpu.memory_space<vmem>>)
      tpu.yield
    }) : () -> ()
    %scan3A_12 = arith.constant 0 : i32
    %scan3A_13 = arith.constant 40 : i32
    %scan3A_14 = arith.addi %scan3A_12, %scan3A_13 : i32
    %scan3A_15 = arith.constant 1 : i32
    scf.for %scan3A_33 = %scan3A_12 to %scan3A_14 step %scan3A_15  : i32 {
      %mul3A_34 = arith.constant 1 : i32
      %mul3A_35 = arith.muli %scan3A_33, %mul3A_34 : i32
      %add3A_36 = arith.constant 0 : i32
      %add3A_37 = arith.addi %add3A_36, %mul3A_35 : i32
      %run_scoped3A = arith.constant 1 : i32
      "tpu.region"() ({
        %run_scoped3A_38 = tpu.sem_alloc : memref<!tpu.dma_semaphore, #tpu.memory_space<semaphore_mem>>
        %dma_start3A = arith.constant 0 : i32
        %dma_start3A_39 = arith.constant 0 : i32
        %dma_start3A_40 = tpu.memref_slice %arg7[%run_scoped3A, %dma_start3A, %dma_start3A_39] : memref<5x128x16xf32, #tpu.memory_space<vmem>> -> memref<1x128x16xf32, #tpu.memory_space<vmem>>
        %dma_start3A_41 = tpu.memref_squeeze %dma_start3A_40 : memref<1x128x16xf32, #tpu.memory_space<vmem>> -> memref<128x16xf32, #tpu.memory_space<vmem>>
        %dma_start3A_42 = arith.constant 0 : i32
        %dma_start3A_43 = tpu.memref_slice %arg6[%add3A_37, %dma_start3A_42] : memref<40x128xi32, #tpu.memory_space<vmem>> -> memref<1x128xi32, #tpu.memory_space<vmem>>
        %dma_start3A_44 = tpu.memref_squeeze %dma_start3A_43 : memref<1x128xi32, #tpu.memory_space<vmem>> -> memref<128xi32, #tpu.memory_space<vmem>>
        %dma_start3A_45 = arith.constant 0 : i32
        %dma_start3A_46 = arith.constant 0 : i32
        %dma_start3A_47 = tpu.memref_slice %arg9[%dma_start3A_45, %dma_start3A_46] : memref<10240x16xf32, #tpu.memory_space<vmem_shared>> -> memref<10240x16xf32, #tpu.memory_space<vmem_shared>>
        tpu.enqueue_indirect_dma source(%dma_start3A_41 : memref<128x16xf32, #tpu.memory_space<vmem>>) target(%dma_start3A_47 : memref<10240x16xf32, #tpu.memory_space<vmem_shared>>) offsets(%dma_start3A_44 : memref<128xi32, #tpu.memory_space<vmem>>) semaphore(%run_scoped3A_38 : memref<!tpu.dma_semaphore, #tpu.memory_space<semaphore_mem>>) {add = true}
        %dma_wait3A = arith.constant 0 : i32
        %dma_wait3A_48 = arith.constant 0 : i32
        %dma_wait3A_49 = tpu.memref_slice %arg7[%run_scoped3A, %dma_wait3A, %dma_wait3A_48] : memref<5x128x16xf32, #tpu.memory_space<vmem>> -> memref<1x128x16xf32, #tpu.memory_space<vmem>>
        %dma_wait3A_50 = tpu.memref_squeeze %dma_wait3A_49 : memref<1x128x16xf32, #tpu.memory_space<vmem>> -> memref<128x16xf32, #tpu.memory_space<vmem>>
        %dma_wait3A_51 = arith.constant 0 : i32
        %dma_wait3A_52 = tpu.memref_slice %arg6[%add3A_37, %dma_wait3A_51] : memref<40x128xi32, #tpu.memory_space<vmem>> -> memref<1x128xi32, #tpu.memory_space<vmem>>
        %dma_wait3A_53 = tpu.memref_squeeze %dma_wait3A_52 : memref<1x128xi32, #tpu.memory_space<vmem>> -> memref<128xi32, #tpu.memory_space<vmem>>
        %dma_wait3A_54 = arith.constant 0 : i32
        %dma_wait3A_55 = arith.constant 0 : i32
        %dma_wait3A_56 = tpu.memref_slice %arg9[%dma_wait3A_54, %dma_wait3A_55] : memref<10240x16xf32, #tpu.memory_space<vmem_shared>> -> memref<10240x16xf32, #tpu.memory_space<vmem_shared>>
        tpu.wait_indirect_dma semaphore(%run_scoped3A_38 : memref<!tpu.dma_semaphore, #tpu.memory_space<semaphore_mem>>) src(%dma_wait3A_50 : memref<128x16xf32, #tpu.memory_space<vmem>>) dst(%dma_wait3A_56 : memref<10240x16xf32, #tpu.memory_space<vmem_shared>>)
        tpu.yield
      }) : () -> ()
    }
    %scan3A_16 = arith.constant 40 : i32
    "tpu.region"() ({
      %run_scoped3A = tpu.sem_alloc : memref<!tpu.dma_semaphore, #tpu.memory_space<semaphore_mem>>
      %dma_start3A = arith.constant 80 : i32
      %dma_start3A_33 = arith.constant 0 : i32
      %dma_start3A_34 = tpu.memref_slice %arg2[%add3A, %dma_start3A, %dma_start3A_33] : memref<32x200x128xi32, #tpu.memory_space<hbm>> -> memref<1x40x128xi32, #tpu.memory_space<hbm>>
      %dma_start3A_35 = tpu.memref_squeeze %dma_start3A_34 : memref<1x40x128xi32, #tpu.memory_space<hbm>> -> memref<40x128xi32, #tpu.memory_space<hbm>>
      %dma_start3A_36 = arith.constant 80 : i32
      %dma_start3A_37 = arith.constant 0 : i32
      %dma_start3A_38 = tpu.memref_slice %arg2[%add3A, %dma_start3A_36, %dma_start3A_37] : memref<32x200x128xi32, #tpu.memory_space<hbm>> -> memref<1x40x128xi32, #tpu.memory_space<hbm>>
      %dma_start3A_39 = tpu.memref_squeeze %dma_start3A_38 : memref<1x40x128xi32, #tpu.memory_space<hbm>> -> memref<40x128xi32, #tpu.memory_space<hbm>>
      tpu.enqueue_dma source(%dma_start3A_39 : memref<40x128xi32, #tpu.memory_space<hbm>>) target(%arg6 : memref<40x128xi32, #tpu.memory_space<vmem>>) target_semaphore(%run_scoped3A : memref<!tpu.dma_semaphore, #tpu.memory_space<semaphore_mem>>)
      %dma_wait3A = arith.constant 80 : i32
      %dma_wait3A_40 = arith.constant 0 : i32
      %dma_wait3A_41 = tpu.memref_slice %arg2[%add3A, %dma_wait3A, %dma_wait3A_40] : memref<32x200x128xi32, #tpu.memory_space<hbm>> -> memref<1x40x128xi32, #tpu.memory_space<hbm>>
      %dma_wait3A_42 = tpu.memref_squeeze %dma_wait3A_41 : memref<1x40x128xi32, #tpu.memory_space<hbm>> -> memref<40x128xi32, #tpu.memory_space<hbm>>
      %dma_wait3A_43 = arith.constant 80 : i32
      %dma_wait3A_44 = arith.constant 0 : i32
      %dma_wait3A_45 = tpu.memref_slice %arg2[%add3A, %dma_wait3A_43, %dma_wait3A_44] : memref<32x200x128xi32, #tpu.memory_space<hbm>> -> memref<1x40x128xi32, #tpu.memory_space<hbm>>
      %dma_wait3A_46 = tpu.memref_squeeze %dma_wait3A_45 : memref<1x40x128xi32, #tpu.memory_space<hbm>> -> memref<40x128xi32, #tpu.memory_space<hbm>>
      tpu.wait_dma2 semaphore(%run_scoped3A : memref<!tpu.dma_semaphore, #tpu.memory_space<semaphore_mem>>) src(%dma_wait3A_46 : memref<40x128xi32, #tpu.memory_space<hbm>>) dst(%arg6 : memref<40x128xi32, #tpu.memory_space<vmem>>)
      tpu.yield
    }) : () -> ()
    %scan3A_17 = arith.constant 0 : i32
    %scan3A_18 = arith.constant 40 : i32
    %scan3A_19 = arith.addi %scan3A_17, %scan3A_18 : i32
    %scan3A_20 = arith.constant 1 : i32
    scf.for %scan3A_33 = %scan3A_17 to %scan3A_19 step %scan3A_20  : i32 {
      %mul3A_34 = arith.constant 1 : i32
      %mul3A_35 = arith.muli %scan3A_33, %mul3A_34 : i32
      %add3A_36 = arith.constant 0 : i32
      %add3A_37 = arith.addi %add3A_36, %mul3A_35 : i32
      %run_scoped3A = arith.constant 2 : i32
      "tpu.region"() ({
        %run_scoped3A_38 = tpu.sem_alloc : memref<!tpu.dma_semaphore, #tpu.memory_space<semaphore_mem>>
        %dma_start3A = arith.constant 0 : i32
        %dma_start3A_39 = arith.constant 0 : i32
        %dma_start3A_40 = tpu.memref_slice %arg7[%run_scoped3A, %dma_start3A, %dma_start3A_39] : memref<5x128x16xf32, #tpu.memory_space<vmem>> -> memref<1x128x16xf32, #tpu.memory_space<vmem>>
        %dma_start3A_41 = tpu.memref_squeeze %dma_start3A_40 : memref<1x128x16xf32, #tpu.memory_space<vmem>> -> memref<128x16xf32, #tpu.memory_space<vmem>>
        %dma_start3A_42 = arith.constant 0 : i32
        %dma_start3A_43 = tpu.memref_slice %arg6[%add3A_37, %dma_start3A_42] : memref<40x128xi32, #tpu.memory_space<vmem>> -> memref<1x128xi32, #tpu.memory_space<vmem>>
        %dma_start3A_44 = tpu.memref_squeeze %dma_start3A_43 : memref<1x128xi32, #tpu.memory_space<vmem>> -> memref<128xi32, #tpu.memory_space<vmem>>
        %dma_start3A_45 = arith.constant 0 : i32
        %dma_start3A_46 = arith.constant 0 : i32
        %dma_start3A_47 = tpu.memref_slice %arg9[%dma_start3A_45, %dma_start3A_46] : memref<10240x16xf32, #tpu.memory_space<vmem_shared>> -> memref<10240x16xf32, #tpu.memory_space<vmem_shared>>
        tpu.enqueue_indirect_dma source(%dma_start3A_41 : memref<128x16xf32, #tpu.memory_space<vmem>>) target(%dma_start3A_47 : memref<10240x16xf32, #tpu.memory_space<vmem_shared>>) offsets(%dma_start3A_44 : memref<128xi32, #tpu.memory_space<vmem>>) semaphore(%run_scoped3A_38 : memref<!tpu.dma_semaphore, #tpu.memory_space<semaphore_mem>>) {add = true}
        %dma_wait3A = arith.constant 0 : i32
        %dma_wait3A_48 = arith.constant 0 : i32
        %dma_wait3A_49 = tpu.memref_slice %arg7[%run_scoped3A, %dma_wait3A, %dma_wait3A_48] : memref<5x128x16xf32, #tpu.memory_space<vmem>> -> memref<1x128x16xf32, #tpu.memory_space<vmem>>
        %dma_wait3A_50 = tpu.memref_squeeze %dma_wait3A_49 : memref<1x128x16xf32, #tpu.memory_space<vmem>> -> memref<128x16xf32, #tpu.memory_space<vmem>>
        %dma_wait3A_51 = arith.constant 0 : i32
        %dma_wait3A_52 = tpu.memref_slice %arg6[%add3A_37, %dma_wait3A_51] : memref<40x128xi32, #tpu.memory_space<vmem>> -> memref<1x128xi32, #tpu.memory_space<vmem>>
        %dma_wait3A_53 = tpu.memref_squeeze %dma_wait3A_52 : memref<1x128xi32, #tpu.memory_space<vmem>> -> memref<128xi32, #tpu.memory_space<vmem>>
        %dma_wait3A_54 = arith.constant 0 : i32
        %dma_wait3A_55 = arith.constant 0 : i32
        %dma_wait3A_56 = tpu.memref_slice %arg9[%dma_wait3A_54, %dma_wait3A_55] : memref<10240x16xf32, #tpu.memory_space<vmem_shared>> -> memref<10240x16xf32, #tpu.memory_space<vmem_shared>>
        tpu.wait_indirect_dma semaphore(%run_scoped3A_38 : memref<!tpu.dma_semaphore, #tpu.memory_space<semaphore_mem>>) src(%dma_wait3A_50 : memref<128x16xf32, #tpu.memory_space<vmem>>) dst(%dma_wait3A_56 : memref<10240x16xf32, #tpu.memory_space<vmem_shared>>)
        tpu.yield
      }) : () -> ()
    }
    %scan3A_21 = arith.constant 40 : i32
    "tpu.region"() ({
      %run_scoped3A = tpu.sem_alloc : memref<!tpu.dma_semaphore, #tpu.memory_space<semaphore_mem>>
      %dma_start3A = arith.constant 120 : i32
      %dma_start3A_33 = arith.constant 0 : i32
      %dma_start3A_34 = tpu.memref_slice %arg2[%add3A, %dma_start3A, %dma_start3A_33] : memref<32x200x128xi32, #tpu.memory_space<hbm>> -> memref<1x40x128xi32, #tpu.memory_space<hbm>>
      %dma_start3A_35 = tpu.memref_squeeze %dma_start3A_34 : memref<1x40x128xi32, #tpu.memory_space<hbm>> -> memref<40x128xi32, #tpu.memory_space<hbm>>
      %dma_start3A_36 = arith.constant 120 : i32
      %dma_start3A_37 = arith.constant 0 : i32
      %dma_start3A_38 = tpu.memref_slice %arg2[%add3A, %dma_start3A_36, %dma_start3A_37] : memref<32x200x128xi32, #tpu.memory_space<hbm>> -> memref<1x40x128xi32, #tpu.memory_space<hbm>>
      %dma_start3A_39 = tpu.memref_squeeze %dma_start3A_38 : memref<1x40x128xi32, #tpu.memory_space<hbm>> -> memref<40x128xi32, #tpu.memory_space<hbm>>
      tpu.enqueue_dma source(%dma_start3A_39 : memref<40x128xi32, #tpu.memory_space<hbm>>) target(%arg6 : memref<40x128xi32, #tpu.memory_space<vmem>>) target_semaphore(%run_scoped3A : memref<!tpu.dma_semaphore, #tpu.memory_space<semaphore_mem>>)
      %dma_wait3A = arith.constant 120 : i32
      %dma_wait3A_40 = arith.constant 0 : i32
      %dma_wait3A_41 = tpu.memref_slice %arg2[%add3A, %dma_wait3A, %dma_wait3A_40] : memref<32x200x128xi32, #tpu.memory_space<hbm>> -> memref<1x40x128xi32, #tpu.memory_space<hbm>>
      %dma_wait3A_42 = tpu.memref_squeeze %dma_wait3A_41 : memref<1x40x128xi32, #tpu.memory_space<hbm>> -> memref<40x128xi32, #tpu.memory_space<hbm>>
      %dma_wait3A_43 = arith.constant 120 : i32
      %dma_wait3A_44 = arith.constant 0 : i32
      %dma_wait3A_45 = tpu.memref_slice %arg2[%add3A, %dma_wait3A_43, %dma_wait3A_44] : memref<32x200x128xi32, #tpu.memory_space<hbm>> -> memref<1x40x128xi32, #tpu.memory_space<hbm>>
      %dma_wait3A_46 = tpu.memref_squeeze %dma_wait3A_45 : memref<1x40x128xi32, #tpu.memory_space<hbm>> -> memref<40x128xi32, #tpu.memory_space<hbm>>
      tpu.wait_dma2 semaphore(%run_scoped3A : memref<!tpu.dma_semaphore, #tpu.memory_space<semaphore_mem>>) src(%dma_wait3A_46 : memref<40x128xi32, #tpu.memory_space<hbm>>) dst(%arg6 : memref<40x128xi32, #tpu.memory_space<vmem>>)
      tpu.yield
    }) : () -> ()
    %scan3A_22 = arith.constant 0 : i32
    %scan3A_23 = arith.constant 40 : i32
    %scan3A_24 = arith.addi %scan3A_22, %scan3A_23 : i32
    %scan3A_25 = arith.constant 1 : i32
    scf.for %scan3A_33 = %scan3A_22 to %scan3A_24 step %scan3A_25  : i32 {
      %mul3A_34 = arith.constant 1 : i32
      %mul3A_35 = arith.muli %scan3A_33, %mul3A_34 : i32
      %add3A_36 = arith.constant 0 : i32
      %add3A_37 = arith.addi %add3A_36, %mul3A_35 : i32
      %run_scoped3A = arith.constant 3 : i32
      "tpu.region"() ({
        %run_scoped3A_38 = tpu.sem_alloc : memref<!tpu.dma_semaphore, #tpu.memory_space<semaphore_mem>>
        %dma_start3A = arith.constant 0 : i32
        %dma_start3A_39 = arith.constant 0 : i32
        %dma_start3A_40 = tpu.memref_slice %arg7[%run_scoped3A, %dma_start3A, %dma_start3A_39] : memref<5x128x16xf32, #tpu.memory_space<vmem>> -> memref<1x128x16xf32, #tpu.memory_space<vmem>>
        %dma_start3A_41 = tpu.memref_squeeze %dma_start3A_40 : memref<1x128x16xf32, #tpu.memory_space<vmem>> -> memref<128x16xf32, #tpu.memory_space<vmem>>
        %dma_start3A_42 = arith.constant 0 : i32
        %dma_start3A_43 = tpu.memref_slice %arg6[%add3A_37, %dma_start3A_42] : memref<40x128xi32, #tpu.memory_space<vmem>> -> memref<1x128xi32, #tpu.memory_space<vmem>>
        %dma_start3A_44 = tpu.memref_squeeze %dma_start3A_43 : memref<1x128xi32, #tpu.memory_space<vmem>> -> memref<128xi32, #tpu.memory_space<vmem>>
        %dma_start3A_45 = arith.constant 0 : i32
        %dma_start3A_46 = arith.constant 0 : i32
        %dma_start3A_47 = tpu.memref_slice %arg9[%dma_start3A_45, %dma_start3A_46] : memref<10240x16xf32, #tpu.memory_space<vmem_shared>> -> memref<10240x16xf32, #tpu.memory_space<vmem_shared>>
        tpu.enqueue_indirect_dma source(%dma_start3A_41 : memref<128x16xf32, #tpu.memory_space<vmem>>) target(%dma_start3A_47 : memref<10240x16xf32, #tpu.memory_space<vmem_shared>>) offsets(%dma_start3A_44 : memref<128xi32, #tpu.memory_space<vmem>>) semaphore(%run_scoped3A_38 : memref<!tpu.dma_semaphore, #tpu.memory_space<semaphore_mem>>) {add = true}
        %dma_wait3A = arith.constant 0 : i32
        %dma_wait3A_48 = arith.constant 0 : i32
        %dma_wait3A_49 = tpu.memref_slice %arg7[%run_scoped3A, %dma_wait3A, %dma_wait3A_48] : memref<5x128x16xf32, #tpu.memory_space<vmem>> -> memref<1x128x16xf32, #tpu.memory_space<vmem>>
        %dma_wait3A_50 = tpu.memref_squeeze %dma_wait3A_49 : memref<1x128x16xf32, #tpu.memory_space<vmem>> -> memref<128x16xf32, #tpu.memory_space<vmem>>
        %dma_wait3A_51 = arith.constant 0 : i32
        %dma_wait3A_52 = tpu.memref_slice %arg6[%add3A_37, %dma_wait3A_51] : memref<40x128xi32, #tpu.memory_space<vmem>> -> memref<1x128xi32, #tpu.memory_space<vmem>>
        %dma_wait3A_53 = tpu.memref_squeeze %dma_wait3A_52 : memref<1x128xi32, #tpu.memory_space<vmem>> -> memref<128xi32, #tpu.memory_space<vmem>>
        %dma_wait3A_54 = arith.constant 0 : i32
        %dma_wait3A_55 = arith.constant 0 : i32
        %dma_wait3A_56 = tpu.memref_slice %arg9[%dma_wait3A_54, %dma_wait3A_55] : memref<10240x16xf32, #tpu.memory_space<vmem_shared>> -> memref<10240x16xf32, #tpu.memory_space<vmem_shared>>
        tpu.wait_indirect_dma semaphore(%run_scoped3A_38 : memref<!tpu.dma_semaphore, #tpu.memory_space<semaphore_mem>>) src(%dma_wait3A_50 : memref<128x16xf32, #tpu.memory_space<vmem>>) dst(%dma_wait3A_56 : memref<10240x16xf32, #tpu.memory_space<vmem_shared>>)
        tpu.yield
      }) : () -> ()
    }
    %scan3A_26 = arith.constant 40 : i32
    "tpu.region"() ({
      %run_scoped3A = tpu.sem_alloc : memref<!tpu.dma_semaphore, #tpu.memory_space<semaphore_mem>>
      %dma_start3A = arith.constant 160 : i32
      %dma_start3A_33 = arith.constant 0 : i32
      %dma_start3A_34 = tpu.memref_slice %arg2[%add3A, %dma_start3A, %dma_start3A_33] : memref<32x200x128xi32, #tpu.memory_space<hbm>> -> memref<1x40x128xi32, #tpu.memory_space<hbm>>
      %dma_start3A_35 = tpu.memref_squeeze %dma_start3A_34 : memref<1x40x128xi32, #tpu.memory_space<hbm>> -> memref<40x128xi32, #tpu.memory_space<hbm>>
      %dma_start3A_36 = arith.constant 160 : i32
      %dma_start3A_37 = arith.constant 0 : i32
      %dma_start3A_38 = tpu.memref_slice %arg2[%add3A, %dma_start3A_36, %dma_start3A_37] : memref<32x200x128xi32, #tpu.memory_space<hbm>> -> memref<1x40x128xi32, #tpu.memory_space<hbm>>
      %dma_start3A_39 = tpu.memref_squeeze %dma_start3A_38 : memref<1x40x128xi32, #tpu.memory_space<hbm>> -> memref<40x128xi32, #tpu.memory_space<hbm>>
      tpu.enqueue_dma source(%dma_start3A_39 : memref<40x128xi32, #tpu.memory_space<hbm>>) target(%arg6 : memref<40x128xi32, #tpu.memory_space<vmem>>) target_semaphore(%run_scoped3A : memref<!tpu.dma_semaphore, #tpu.memory_space<semaphore_mem>>)
      %dma_wait3A = arith.constant 160 : i32
      %dma_wait3A_40 = arith.constant 0 : i32
      %dma_wait3A_41 = tpu.memref_slice %arg2[%add3A, %dma_wait3A, %dma_wait3A_40] : memref<32x200x128xi32, #tpu.memory_space<hbm>> -> memref<1x40x128xi32, #tpu.memory_space<hbm>>
      %dma_wait3A_42 = tpu.memref_squeeze %dma_wait3A_41 : memref<1x40x128xi32, #tpu.memory_space<hbm>> -> memref<40x128xi32, #tpu.memory_space<hbm>>
      %dma_wait3A_43 = arith.constant 160 : i32
      %dma_wait3A_44 = arith.constant 0 : i32
      %dma_wait3A_45 = tpu.memref_slice %arg2[%add3A, %dma_wait3A_43, %dma_wait3A_44] : memref<32x200x128xi32, #tpu.memory_space<hbm>> -> memref<1x40x128xi32, #tpu.memory_space<hbm>>
      %dma_wait3A_46 = tpu.memref_squeeze %dma_wait3A_45 : memref<1x40x128xi32, #tpu.memory_space<hbm>> -> memref<40x128xi32, #tpu.memory_space<hbm>>
      tpu.wait_dma2 semaphore(%run_scoped3A : memref<!tpu.dma_semaphore, #tpu.memory_space<semaphore_mem>>) src(%dma_wait3A_46 : memref<40x128xi32, #tpu.memory_space<hbm>>) dst(%arg6 : memref<40x128xi32, #tpu.memory_space<vmem>>)
      tpu.yield
    }) : () -> ()
    %scan3A_27 = arith.constant 0 : i32
    %scan3A_28 = arith.constant 40 : i32
    %scan3A_29 = arith.addi %scan3A_27, %scan3A_28 : i32
    %scan3A_30 = arith.constant 1 : i32
    scf.for %scan3A_33 = %scan3A_27 to %scan3A_29 step %scan3A_30  : i32 {
      %mul3A_34 = arith.constant 1 : i32
      %mul3A_35 = arith.muli %scan3A_33, %mul3A_34 : i32
      %add3A_36 = arith.constant 0 : i32
      %add3A_37 = arith.addi %add3A_36, %mul3A_35 : i32
      %run_scoped3A = arith.constant 4 : i32
      "tpu.region"() ({
        %run_scoped3A_38 = tpu.sem_alloc : memref<!tpu.dma_semaphore, #tpu.memory_space<semaphore_mem>>
        %dma_start3A = arith.constant 0 : i32
        %dma_start3A_39 = arith.constant 0 : i32
        %dma_start3A_40 = tpu.memref_slice %arg7[%run_scoped3A, %dma_start3A, %dma_start3A_39] : memref<5x128x16xf32, #tpu.memory_space<vmem>> -> memref<1x128x16xf32, #tpu.memory_space<vmem>>
        %dma_start3A_41 = tpu.memref_squeeze %dma_start3A_40 : memref<1x128x16xf32, #tpu.memory_space<vmem>> -> memref<128x16xf32, #tpu.memory_space<vmem>>
        %dma_start3A_42 = arith.constant 0 : i32
        %dma_start3A_43 = tpu.memref_slice %arg6[%add3A_37, %dma_start3A_42] : memref<40x128xi32, #tpu.memory_space<vmem>> -> memref<1x128xi32, #tpu.memory_space<vmem>>
        %dma_start3A_44 = tpu.memref_squeeze %dma_start3A_43 : memref<1x128xi32, #tpu.memory_space<vmem>> -> memref<128xi32, #tpu.memory_space<vmem>>
        %dma_start3A_45 = arith.constant 0 : i32
        %dma_start3A_46 = arith.constant 0 : i32
        %dma_start3A_47 = tpu.memref_slice %arg9[%dma_start3A_45, %dma_start3A_46] : memref<10240x16xf32, #tpu.memory_space<vmem_shared>> -> memref<10240x16xf32, #tpu.memory_space<vmem_shared>>
        tpu.enqueue_indirect_dma source(%dma_start3A_41 : memref<128x16xf32, #tpu.memory_space<vmem>>) target(%dma_start3A_47 : memref<10240x16xf32, #tpu.memory_space<vmem_shared>>) offsets(%dma_start3A_44 : memref<128xi32, #tpu.memory_space<vmem>>) semaphore(%run_scoped3A_38 : memref<!tpu.dma_semaphore, #tpu.memory_space<semaphore_mem>>) {add = true}
        %dma_wait3A = arith.constant 0 : i32
        %dma_wait3A_48 = arith.constant 0 : i32
        %dma_wait3A_49 = tpu.memref_slice %arg7[%run_scoped3A, %dma_wait3A, %dma_wait3A_48] : memref<5x128x16xf32, #tpu.memory_space<vmem>> -> memref<1x128x16xf32, #tpu.memory_space<vmem>>
        %dma_wait3A_50 = tpu.memref_squeeze %dma_wait3A_49 : memref<1x128x16xf32, #tpu.memory_space<vmem>> -> memref<128x16xf32, #tpu.memory_space<vmem>>
        %dma_wait3A_51 = arith.constant 0 : i32
        %dma_wait3A_52 = tpu.memref_slice %arg6[%add3A_37, %dma_wait3A_51] : memref<40x128xi32, #tpu.memory_space<vmem>> -> memref<1x128xi32, #tpu.memory_space<vmem>>
        %dma_wait3A_53 = tpu.memref_squeeze %dma_wait3A_52 : memref<1x128xi32, #tpu.memory_space<vmem>> -> memref<128xi32, #tpu.memory_space<vmem>>
        %dma_wait3A_54 = arith.constant 0 : i32
        %dma_wait3A_55 = arith.constant 0 : i32
        %dma_wait3A_56 = tpu.memref_slice %arg9[%dma_wait3A_54, %dma_wait3A_55] : memref<10240x16xf32, #tpu.memory_space<vmem_shared>> -> memref<10240x16xf32, #tpu.memory_space<vmem_shared>>
        tpu.wait_indirect_dma semaphore(%run_scoped3A_38 : memref<!tpu.dma_semaphore, #tpu.memory_space<semaphore_mem>>) src(%dma_wait3A_50 : memref<128x16xf32, #tpu.memory_space<vmem>>) dst(%dma_wait3A_56 : memref<10240x16xf32, #tpu.memory_space<vmem_shared>>)
        tpu.yield
      }) : () -> ()
    }
    %scan3A_31 = arith.constant 40 : i32
    %barrier3A_32 = arith.constant 0 : index
    tpu.barrier barrier_id(%barrier3A_32)
    "tpu.region"() ({
      %run_scoped3A = tpu.sem_alloc : memref<!tpu.dma_semaphore, #tpu.memory_space<semaphore_mem>>
      %dma_start3A = arith.constant 0 : i32
      %dma_start3A_33 = tpu.memref_slice %arg5[%arg0, %mul3A_2, %dma_start3A] : memref<2x10240x16xf32, #tpu.memory_space<hbm>> -> memref<1x640x16xf32, #tpu.memory_space<hbm>>
      %dma_start3A_34 = tpu.memref_squeeze %dma_start3A_33 : memref<1x640x16xf32, #tpu.memory_space<hbm>> -> memref<640x16xf32, #tpu.memory_space<hbm>>
      %dma_start3A_35 = arith.constant 0 : i32
      %dma_start3A_36 = tpu.memref_slice %arg9[%mul3A_2, %dma_start3A_35] : memref<10240x16xf32, #tpu.memory_space<vmem_shared>> -> memref<640x16xf32, #tpu.memory_space<vmem_shared>>
      tpu.enqueue_dma source(%dma_start3A_36 : memref<640x16xf32, #tpu.memory_space<vmem_shared>>) target(%dma_start3A_34 : memref<640x16xf32, #tpu.memory_space<hbm>>) target_semaphore(%run_scoped3A : memref<!tpu.dma_semaphore, #tpu.memory_space<semaphore_mem>>)
      %dma_wait3A = arith.constant 0 : i32
      %dma_wait3A_37 = tpu.memref_slice %arg5[%arg0, %mul3A_2, %dma_wait3A] : memref<2x10240x16xf32, #tpu.memory_space<hbm>> -> memref<1x640x16xf32, #tpu.memory_space<hbm>>
      %dma_wait3A_38 = tpu.memref_squeeze %dma_wait3A_37 : memref<1x640x16xf32, #tpu.memory_space<hbm>> -> memref<640x16xf32, #tpu.memory_space<hbm>>
      %dma_wait3A_39 = arith.constant 0 : i32
      %dma_wait3A_40 = tpu.memref_slice %arg9[%mul3A_2, %dma_wait3A_39] : memref<10240x16xf32, #tpu.memory_space<vmem_shared>> -> memref<640x16xf32, #tpu.memory_space<vmem_shared>>
      tpu.wait_dma2 semaphore(%run_scoped3A : memref<!tpu.dma_semaphore, #tpu.memory_space<semaphore_mem>>) src(%dma_wait3A_40 : memref<640x16xf32, #tpu.memory_space<vmem_shared>>) dst(%dma_wait3A_38 : memref<640x16xf32, #tpu.memory_space<hbm>>)
      tpu.yield
    }) : () -> ()
    return
  }
}

#map = affine_map<(d0, d1) -> (0, 0)>
#map1 = affine_map<(d0, d1) -> (0, 0, 0, 0, 0)>
#map2 = affine_map<(d0, d1) -> (0, 0, 0, 0)>
module attributes {stable_mosaic.version = 14 : i64} {
  func.func @_scatter_kernel(%arg0: i32, %arg1: i32, %arg2: memref<102400x128xf32, #tpu.memory_space<hbm>>, %arg3: memref<5x2x16x80x128xi32, #tpu.memory_space<hbm>>, %arg4: memref<5x16x80x128xi32, #tpu.memory_space<hbm>>, %arg5: memref<128x128xf32, #tpu.memory_space<hbm>>, %arg6: memref<102400x128xf32, #tpu.memory_space<hbm>>, %arg7: memref<40x128xi32, #tpu.memory_space<vmem>>, %arg8: memref<40x128xi32, #tpu.memory_space<vmem>>, %arg9: memref<128x128xf32, #tpu.memory_space<vmem>>, %arg10: memref<128x128xf32, #tpu.memory_space<vmem>>, %arg11: memref<10240x128xf32, #tpu.memory_space<vmem_shared>>, %arg12: memref<!tpu.dma_semaphore, #tpu.memory_space<semaphore_mem>>, %arg13: memref<!tpu.dma_semaphore, #tpu.memory_space<semaphore_mem>>, %arg14: memref<!tpu.dma_semaphore, #tpu.memory_space<semaphore_mem>>, %arg15: memref<!tpu.dma_semaphore, #tpu.memory_space<semaphore_mem>>) attributes {dimension_semantics = [#tpu.dimension_semantics<core_parallel>, #tpu.dimension_semantics<subcore_parallel>], iteration_bounds = array<i64: 2, 16>, scalar_prefetch = 0 : i64, scratch_operands = 9 : i64, tpu.core_type = #tpu.core_type<sc_vector_subcore>, window_params = [{transform_indices = #map}, {transform_indices = #map1}, {transform_indices = #map2}, {transform_indices = #map}, {transform_indices = #map}]} {
    %mul3A = arith.constant 640 : i32
    %mul3A_0 = arith.muli %arg1, %mul3A : i32
    "tpu.region"() ({
      %run_scoped3A_690 = tpu.sem_alloc : memref<!tpu.dma_semaphore, #tpu.memory_space<semaphore_mem>>
      tpu.enqueue_dma source(%arg5 : memref<128x128xf32, #tpu.memory_space<hbm>>) target(%arg9 : memref<128x128xf32, #tpu.memory_space<vmem>>) target_semaphore(%run_scoped3A_690 : memref<!tpu.dma_semaphore, #tpu.memory_space<semaphore_mem>>)
      tpu.wait_dma2 semaphore(%run_scoped3A_690 : memref<!tpu.dma_semaphore, #tpu.memory_space<semaphore_mem>>) src(%arg5 : memref<128x128xf32, #tpu.memory_space<hbm>>) dst(%arg9 : memref<128x128xf32, #tpu.memory_space<vmem>>)
      tpu.yield
    }) : () -> ()
    %scan3A = arith.constant 0 : i32
    %scan3A_1 = arith.constant 5 : i32
    %scan3A_2 = arith.addi %scan3A, %scan3A_1 : i32
    %scan3A_3 = arith.constant 1 : i32
    scf.for %scan3A_690 = %scan3A to %scan3A_2 step %scan3A_3  : i32 {
      %mul3A_691 = arith.constant 1 : i32
      %mul3A_692 = arith.muli %scan3A_690, %mul3A_691 : i32
      %add3A_693 = arith.constant 0 : i32
      %add3A_694 = arith.addi %add3A_693, %mul3A_692 : i32
      %mul3A_695 = arith.constant 128 : i32
      %mul3A_696 = arith.muli %add3A_694, %mul3A_695 : i32
      %add3A_697 = arith.addi %mul3A_0, %mul3A_696 : i32
      "tpu.region"() ({
        %run_scoped3A_698 = tpu.sem_alloc : memref<!tpu.dma_semaphore, #tpu.memory_space<semaphore_mem>>
        %dma_start3A_699 = arith.constant 0 : i32
        %dma_start3A_700 = tpu.memref_slice %arg11[%add3A_697, %dma_start3A_699] : memref<10240x128xf32, #tpu.memory_space<vmem_shared>> -> memref<128x128xf32, #tpu.memory_space<vmem_shared>>
        %dma_start3A_701 = arith.constant 0 : i32
        %dma_start3A_702 = tpu.memref_slice %arg11[%add3A_697, %dma_start3A_701] : memref<10240x128xf32, #tpu.memory_space<vmem_shared>> -> memref<128x128xf32, #tpu.memory_space<vmem_shared>>
        tpu.enqueue_dma source(%arg9 : memref<128x128xf32, #tpu.memory_space<vmem>>) target(%dma_start3A_702 : memref<128x128xf32, #tpu.memory_space<vmem_shared>>) target_semaphore(%run_scoped3A_698 : memref<!tpu.dma_semaphore, #tpu.memory_space<semaphore_mem>>)
        %dma_wait3A_703 = arith.constant 0 : i32
        %dma_wait3A_704 = tpu.memref_slice %arg11[%add3A_697, %dma_wait3A_703] : memref<10240x128xf32, #tpu.memory_space<vmem_shared>> -> memref<128x128xf32, #tpu.memory_space<vmem_shared>>
        %dma_wait3A_705 = arith.constant 0 : i32
        %dma_wait3A_706 = tpu.memref_slice %arg11[%add3A_697, %dma_wait3A_705] : memref<10240x128xf32, #tpu.memory_space<vmem_shared>> -> memref<128x128xf32, #tpu.memory_space<vmem_shared>>
        tpu.wait_dma2 semaphore(%run_scoped3A_698 : memref<!tpu.dma_semaphore, #tpu.memory_space<semaphore_mem>>) src(%arg9 : memref<128x128xf32, #tpu.memory_space<vmem>>) dst(%dma_wait3A_706 : memref<128x128xf32, #tpu.memory_space<vmem_shared>>)
        tpu.yield
      }) : () -> ()
    }
    %scan3A_4 = arith.constant 5 : i32
    %barrier3A = arith.constant 0 : index
    tpu.barrier barrier_id(%barrier3A)
    %run_scoped3A = arith.constant 0 : i32
    "tpu.region"() ({
      %run_scoped3A_690 = tpu.sem_alloc : memref<!tpu.dma_semaphore, #tpu.memory_space<semaphore_mem>>
      %dma_start3A_691 = arith.constant 0 : i32
      %dma_start3A_692 = arith.constant 0 : i32
      %dma_start3A_693 = tpu.memref_slice %arg3[%run_scoped3A, %arg0, %arg1, %dma_start3A_691, %dma_start3A_692] : memref<5x2x16x80x128xi32, #tpu.memory_space<hbm>> -> memref<1x1x1x40x128xi32, #tpu.memory_space<hbm>>
      %dma_start3A_694 = tpu.memref_squeeze %dma_start3A_693 : memref<1x1x1x40x128xi32, #tpu.memory_space<hbm>> -> memref<40x128xi32, #tpu.memory_space<hbm>>
      %dma_start3A_695 = arith.constant 0 : i32
      %dma_start3A_696 = arith.constant 0 : i32
      %dma_start3A_697 = tpu.memref_slice %arg3[%run_scoped3A, %arg0, %arg1, %dma_start3A_695, %dma_start3A_696] : memref<5x2x16x80x128xi32, #tpu.memory_space<hbm>> -> memref<1x1x1x40x128xi32, #tpu.memory_space<hbm>>
      %dma_start3A_698 = tpu.memref_squeeze %dma_start3A_697 : memref<1x1x1x40x128xi32, #tpu.memory_space<hbm>> -> memref<40x128xi32, #tpu.memory_space<hbm>>
      tpu.enqueue_dma source(%dma_start3A_698 : memref<40x128xi32, #tpu.memory_space<hbm>>) target(%arg7 : memref<40x128xi32, #tpu.memory_space<vmem>>) target_semaphore(%run_scoped3A_690 : memref<!tpu.dma_semaphore, #tpu.memory_space<semaphore_mem>>)
      %dma_wait3A_699 = arith.constant 0 : i32
      %dma_wait3A_700 = arith.constant 0 : i32
      %dma_wait3A_701 = tpu.memref_slice %arg3[%run_scoped3A, %arg0, %arg1, %dma_wait3A_699, %dma_wait3A_700] : memref<5x2x16x80x128xi32, #tpu.memory_space<hbm>> -> memref<1x1x1x40x128xi32, #tpu.memory_space<hbm>>
      %dma_wait3A_702 = tpu.memref_squeeze %dma_wait3A_701 : memref<1x1x1x40x128xi32, #tpu.memory_space<hbm>> -> memref<40x128xi32, #tpu.memory_space<hbm>>
      %dma_wait3A_703 = arith.constant 0 : i32
      %dma_wait3A_704 = arith.constant 0 : i32
      %dma_wait3A_705 = tpu.memref_slice %arg3[%run_scoped3A, %arg0, %arg1, %dma_wait3A_703, %dma_wait3A_704] : memref<5x2x16x80x128xi32, #tpu.memory_space<hbm>> -> memref<1x1x1x40x128xi32, #tpu.memory_space<hbm>>
      %dma_wait3A_706 = tpu.memref_squeeze %dma_wait3A_705 : memref<1x1x1x40x128xi32, #tpu.memory_space<hbm>> -> memref<40x128xi32, #tpu.memory_space<hbm>>
      tpu.wait_dma2 semaphore(%run_scoped3A_690 : memref<!tpu.dma_semaphore, #tpu.memory_space<semaphore_mem>>) src(%dma_wait3A_706 : memref<40x128xi32, #tpu.memory_space<hbm>>) dst(%arg7 : memref<40x128xi32, #tpu.memory_space<vmem>>)
      tpu.yield
    }) : () -> ()
    %run_scoped3A_5 = arith.constant 0 : i32
    "tpu.region"() ({
      %run_scoped3A_690 = tpu.sem_alloc : memref<!tpu.dma_semaphore, #tpu.memory_space<semaphore_mem>>
      %dma_start3A_691 = arith.constant 0 : i32
      %dma_start3A_692 = arith.constant 0 : i32
      %dma_start3A_693 = tpu.memref_slice %arg4[%run_scoped3A_5, %arg1, %dma_start3A_691, %dma_start3A_692] : memref<5x16x80x128xi32, #tpu.memory_space<hbm>> -> memref<1x1x40x128xi32, #tpu.memory_space<hbm>>
      %dma_start3A_694 = tpu.memref_squeeze %dma_start3A_693 : memref<1x1x40x128xi32, #tpu.memory_space<hbm>> -> memref<40x128xi32, #tpu.memory_space<hbm>>
      %dma_start3A_695 = arith.constant 0 : i32
      %dma_start3A_696 = arith.constant 0 : i32
      %dma_start3A_697 = tpu.memref_slice %arg4[%run_scoped3A_5, %arg1, %dma_start3A_695, %dma_start3A_696] : memref<5x16x80x128xi32, #tpu.memory_space<hbm>> -> memref<1x1x40x128xi32, #tpu.memory_space<hbm>>
      %dma_start3A_698 = tpu.memref_squeeze %dma_start3A_697 : memref<1x1x40x128xi32, #tpu.memory_space<hbm>> -> memref<40x128xi32, #tpu.memory_space<hbm>>
      tpu.enqueue_dma source(%dma_start3A_698 : memref<40x128xi32, #tpu.memory_space<hbm>>) target(%arg8 : memref<40x128xi32, #tpu.memory_space<vmem>>) target_semaphore(%run_scoped3A_690 : memref<!tpu.dma_semaphore, #tpu.memory_space<semaphore_mem>>)
      %dma_wait3A_699 = arith.constant 0 : i32
      %dma_wait3A_700 = arith.constant 0 : i32
      %dma_wait3A_701 = tpu.memref_slice %arg4[%run_scoped3A_5, %arg1, %dma_wait3A_699, %dma_wait3A_700] : memref<5x16x80x128xi32, #tpu.memory_space<hbm>> -> memref<1x1x40x128xi32, #tpu.memory_space<hbm>>
      %dma_wait3A_702 = tpu.memref_squeeze %dma_wait3A_701 : memref<1x1x40x128xi32, #tpu.memory_space<hbm>> -> memref<40x128xi32, #tpu.memory_space<hbm>>
      %dma_wait3A_703 = arith.constant 0 : i32
      %dma_wait3A_704 = arith.constant 0 : i32
      %dma_wait3A_705 = tpu.memref_slice %arg4[%run_scoped3A_5, %arg1, %dma_wait3A_703, %dma_wait3A_704] : memref<5x16x80x128xi32, #tpu.memory_space<hbm>> -> memref<1x1x40x128xi32, #tpu.memory_space<hbm>>
      %dma_wait3A_706 = tpu.memref_squeeze %dma_wait3A_705 : memref<1x1x40x128xi32, #tpu.memory_space<hbm>> -> memref<40x128xi32, #tpu.memory_space<hbm>>
      tpu.wait_dma2 semaphore(%run_scoped3A_690 : memref<!tpu.dma_semaphore, #tpu.memory_space<semaphore_mem>>) src(%dma_wait3A_706 : memref<40x128xi32, #tpu.memory_space<hbm>>) dst(%arg8 : memref<40x128xi32, #tpu.memory_space<vmem>>)
      tpu.yield
    }) : () -> ()
    %dma_start3A = arith.constant 0 : i32
    %dma_start3A_6 = arith.constant 0 : i32
    %dma_start3A_7 = tpu.memref_slice %arg7[%dma_start3A, %dma_start3A_6] : memref<40x128xi32, #tpu.memory_space<vmem>> -> memref<1x128xi32, #tpu.memory_space<vmem>>
    %dma_start3A_8 = tpu.memref_squeeze %dma_start3A_7 : memref<1x128xi32, #tpu.memory_space<vmem>> -> memref<128xi32, #tpu.memory_space<vmem>>
    %dma_start3A_9 = arith.constant 0 : i32
    %dma_start3A_10 = arith.constant 0 : i32
    %dma_start3A_11 = tpu.memref_slice %arg2[%dma_start3A_9, %dma_start3A_10] : memref<102400x128xf32, #tpu.memory_space<hbm>> -> memref<102400x128xf32, #tpu.memory_space<hbm>>
    tpu.enqueue_indirect_dma source(%dma_start3A_11 : memref<102400x128xf32, #tpu.memory_space<hbm>>) target(%arg9 : memref<128x128xf32, #tpu.memory_space<vmem>>) offsets(%dma_start3A_8 : memref<128xi32, #tpu.memory_space<vmem>>) semaphore(%arg12 : memref<!tpu.dma_semaphore, #tpu.memory_space<semaphore_mem>>)
    %dma_wait3A = arith.constant 0 : i32
    %dma_wait3A_12 = arith.constant 0 : i32
    %dma_wait3A_13 = tpu.memref_slice %arg7[%dma_wait3A, %dma_wait3A_12] : memref<40x128xi32, #tpu.memory_space<vmem>> -> memref<1x128xi32, #tpu.memory_space<vmem>>
    %dma_wait3A_14 = tpu.memref_squeeze %dma_wait3A_13 : memref<1x128xi32, #tpu.memory_space<vmem>> -> memref<128xi32, #tpu.memory_space<vmem>>
    %dma_wait3A_15 = arith.constant 0 : i32
    %dma_wait3A_16 = arith.constant 0 : i32
    %dma_wait3A_17 = tpu.memref_slice %arg2[%dma_wait3A_15, %dma_wait3A_16] : memref<102400x128xf32, #tpu.memory_space<hbm>> -> memref<102400x128xf32, #tpu.memory_space<hbm>>
    tpu.wait_indirect_dma semaphore(%arg12 : memref<!tpu.dma_semaphore, #tpu.memory_space<semaphore_mem>>) src(%dma_wait3A_17 : memref<102400x128xf32, #tpu.memory_space<hbm>>) dst(%arg9 : memref<128x128xf32, #tpu.memory_space<vmem>>)
    %dma_start3A_18 = arith.constant 1 : i32
    %dma_start3A_19 = arith.constant 0 : i32
    %dma_start3A_20 = tpu.memref_slice %arg7[%dma_start3A_18, %dma_start3A_19] : memref<40x128xi32, #tpu.memory_space<vmem>> -> memref<1x128xi32, #tpu.memory_space<vmem>>
    %dma_start3A_21 = tpu.memref_squeeze %dma_start3A_20 : memref<1x128xi32, #tpu.memory_space<vmem>> -> memref<128xi32, #tpu.memory_space<vmem>>
    %dma_start3A_22 = arith.constant 0 : i32
    %dma_start3A_23 = arith.constant 0 : i32
    %dma_start3A_24 = tpu.memref_slice %arg2[%dma_start3A_22, %dma_start3A_23] : memref<102400x128xf32, #tpu.memory_space<hbm>> -> memref<102400x128xf32, #tpu.memory_space<hbm>>
    tpu.enqueue_indirect_dma source(%dma_start3A_24 : memref<102400x128xf32, #tpu.memory_space<hbm>>) target(%arg10 : memref<128x128xf32, #tpu.memory_space<vmem>>) offsets(%dma_start3A_21 : memref<128xi32, #tpu.memory_space<vmem>>) semaphore(%arg13 : memref<!tpu.dma_semaphore, #tpu.memory_space<semaphore_mem>>)
    %dma_start3A_25 = arith.constant 0 : i32
    %dma_start3A_26 = arith.constant 0 : i32
    %dma_start3A_27 = tpu.memref_slice %arg8[%dma_start3A_25, %dma_start3A_26] : memref<40x128xi32, #tpu.memory_space<vmem>> -> memref<1x128xi32, #tpu.memory_space<vmem>>
    %dma_start3A_28 = tpu.memref_squeeze %dma_start3A_27 : memref<1x128xi32, #tpu.memory_space<vmem>> -> memref<128xi32, #tpu.memory_space<vmem>>
    %dma_start3A_29 = arith.constant 0 : i32
    %dma_start3A_30 = arith.constant 0 : i32
    %dma_start3A_31 = tpu.memref_slice %arg11[%dma_start3A_29, %dma_start3A_30] : memref<10240x128xf32, #tpu.memory_space<vmem_shared>> -> memref<10240x128xf32, #tpu.memory_space<vmem_shared>>
    tpu.enqueue_indirect_dma source(%arg9 : memref<128x128xf32, #tpu.memory_space<vmem>>) target(%dma_start3A_31 : memref<10240x128xf32, #tpu.memory_space<vmem_shared>>) offsets(%dma_start3A_28 : memref<128xi32, #tpu.memory_space<vmem>>) semaphore(%arg14 : memref<!tpu.dma_semaphore, #tpu.memory_space<semaphore_mem>>) {add = true}
    %scan3A_32 = arith.constant 0 : i32
    %scan3A_33 = arith.constant 19 : i32
    %scan3A_34 = arith.addi %scan3A_32, %scan3A_33 : i32
    %scan3A_35 = arith.constant 1 : i32
    scf.for %scan3A_690 = %scan3A_32 to %scan3A_34 step %scan3A_35  : i32 {
      %mul3A_691 = arith.constant 1 : i32
      %mul3A_692 = arith.muli %scan3A_690, %mul3A_691 : i32
      %add3A_693 = arith.constant 0 : i32
      %add3A_694 = arith.addi %add3A_693, %mul3A_692 : i32
      %mul3A_695 = arith.constant 2 : i32
      %mul3A_696 = arith.muli %mul3A_695, %add3A_694 : i32
      %add3A_697 = arith.constant 1 : i32
      %add3A_698 = arith.addi %add3A_697, %mul3A_696 : i32
      %dma_wait3A_699 = arith.constant 0 : i32
      %dma_wait3A_700 = arith.constant 0 : i32
      %dma_wait3A_701 = tpu.memref_slice %arg8[%dma_wait3A_699, %dma_wait3A_700] : memref<40x128xi32, #tpu.memory_space<vmem>> -> memref<1x128xi32, #tpu.memory_space<vmem>>
      %dma_wait3A_702 = tpu.memref_squeeze %dma_wait3A_701 : memref<1x128xi32, #tpu.memory_space<vmem>> -> memref<128xi32, #tpu.memory_space<vmem>>
      %dma_wait3A_703 = arith.constant 0 : i32
      %dma_wait3A_704 = arith.constant 0 : i32
      %dma_wait3A_705 = tpu.memref_slice %arg11[%dma_wait3A_703, %dma_wait3A_704] : memref<10240x128xf32, #tpu.memory_space<vmem_shared>> -> memref<10240x128xf32, #tpu.memory_space<vmem_shared>>
      tpu.wait_indirect_dma semaphore(%arg14 : memref<!tpu.dma_semaphore, #tpu.memory_space<semaphore_mem>>) src(%arg9 : memref<128x128xf32, #tpu.memory_space<vmem>>) dst(%dma_wait3A_705 : memref<10240x128xf32, #tpu.memory_space<vmem_shared>>)
      %dma_wait3A_706 = arith.constant 0 : i32
      %dma_wait3A_707 = arith.constant 0 : i32
      %dma_wait3A_708 = tpu.memref_slice %arg7[%dma_wait3A_706, %dma_wait3A_707] : memref<40x128xi32, #tpu.memory_space<vmem>> -> memref<1x128xi32, #tpu.memory_space<vmem>>
      %dma_wait3A_709 = tpu.memref_squeeze %dma_wait3A_708 : memref<1x128xi32, #tpu.memory_space<vmem>> -> memref<128xi32, #tpu.memory_space<vmem>>
      %dma_wait3A_710 = arith.constant 0 : i32
      %dma_wait3A_711 = arith.constant 0 : i32
      %dma_wait3A_712 = tpu.memref_slice %arg2[%dma_wait3A_710, %dma_wait3A_711] : memref<102400x128xf32, #tpu.memory_space<hbm>> -> memref<102400x128xf32, #tpu.memory_space<hbm>>
      tpu.wait_indirect_dma semaphore(%arg13 : memref<!tpu.dma_semaphore, #tpu.memory_space<semaphore_mem>>) src(%dma_wait3A_712 : memref<102400x128xf32, #tpu.memory_space<hbm>>) dst(%arg10 : memref<128x128xf32, #tpu.memory_space<vmem>>)
      %add3A_713 = arith.constant 1 : i32
      %add3A_714 = arith.addi %add3A_698, %add3A_713 : i32
      %dma_start3A_715 = arith.constant 0 : i32
      %dma_start3A_716 = tpu.memref_slice %arg7[%add3A_714, %dma_start3A_715] : memref<40x128xi32, #tpu.memory_space<vmem>> -> memref<1x128xi32, #tpu.memory_space<vmem>>
      %dma_start3A_717 = tpu.memref_squeeze %dma_start3A_716 : memref<1x128xi32, #tpu.memory_space<vmem>> -> memref<128xi32, #tpu.memory_space<vmem>>
      %dma_start3A_718 = arith.constant 0 : i32
      %dma_start3A_719 = arith.constant 0 : i32
      %dma_start3A_720 = tpu.memref_slice %arg2[%dma_start3A_718, %dma_start3A_719] : memref<102400x128xf32, #tpu.memory_space<hbm>> -> memref<102400x128xf32, #tpu.memory_space<hbm>>
      tpu.enqueue_indirect_dma source(%dma_start3A_720 : memref<102400x128xf32, #tpu.memory_space<hbm>>) target(%arg9 : memref<128x128xf32, #tpu.memory_space<vmem>>) offsets(%dma_start3A_717 : memref<128xi32, #tpu.memory_space<vmem>>) semaphore(%arg12 : memref<!tpu.dma_semaphore, #tpu.memory_space<semaphore_mem>>)
      %dma_start3A_721 = arith.constant 0 : i32
      %dma_start3A_722 = tpu.memref_slice %arg8[%add3A_698, %dma_start3A_721] : memref<40x128xi32, #tpu.memory_space<vmem>> -> memref<1x128xi32, #tpu.memory_space<vmem>>
      %dma_start3A_723 = tpu.memref_squeeze %dma_start3A_722 : memref<1x128xi32, #tpu.memory_space<vmem>> -> memref<128xi32, #tpu.memory_space<vmem>>
      %dma_start3A_724 = arith.constant 0 : i32
      %dma_start3A_725 = arith.constant 0 : i32
      %dma_start3A_726 = tpu.memref_slice %arg11[%dma_start3A_724, %dma_start3A_725] : memref<10240x128xf32, #tpu.memory_space<vmem_shared>> -> memref<10240x128xf32, #tpu.memory_space<vmem_shared>>
      tpu.enqueue_indirect_dma source(%arg10 : memref<128x128xf32, #tpu.memory_space<vmem>>) target(%dma_start3A_726 : memref<10240x128xf32, #tpu.memory_space<vmem_shared>>) offsets(%dma_start3A_723 : memref<128xi32, #tpu.memory_space<vmem>>) semaphore(%arg15 : memref<!tpu.dma_semaphore, #tpu.memory_space<semaphore_mem>>) {add = true}
      %dma_wait3A_727 = arith.constant 0 : i32
      %dma_wait3A_728 = arith.constant 0 : i32
      %dma_wait3A_729 = tpu.memref_slice %arg8[%dma_wait3A_727, %dma_wait3A_728] : memref<40x128xi32, #tpu.memory_space<vmem>> -> memref<1x128xi32, #tpu.memory_space<vmem>>
      %dma_wait3A_730 = tpu.memref_squeeze %dma_wait3A_729 : memref<1x128xi32, #tpu.memory_space<vmem>> -> memref<128xi32, #tpu.memory_space<vmem>>
      %dma_wait3A_731 = arith.constant 0 : i32
      %dma_wait3A_732 = arith.constant 0 : i32
      %dma_wait3A_733 = tpu.memref_slice %arg11[%dma_wait3A_731, %dma_wait3A_732] : memref<10240x128xf32, #tpu.memory_space<vmem_shared>> -> memref<10240x128xf32, #tpu.memory_space<vmem_shared>>
      tpu.wait_indirect_dma semaphore(%arg15 : memref<!tpu.dma_semaphore, #tpu.memory_space<semaphore_mem>>) src(%arg10 : memref<128x128xf32, #tpu.memory_space<vmem>>) dst(%dma_wait3A_733 : memref<10240x128xf32, #tpu.memory_space<vmem_shared>>)
      %dma_wait3A_734 = arith.constant 0 : i32
      %dma_wait3A_735 = arith.constant 0 : i32
      %dma_wait3A_736 = tpu.memref_slice %arg7[%dma_wait3A_734, %dma_wait3A_735] : memref<40x128xi32, #tpu.memory_space<vmem>> -> memref<1x128xi32, #tpu.memory_space<vmem>>
      %dma_wait3A_737 = tpu.memref_squeeze %dma_wait3A_736 : memref<1x128xi32, #tpu.memory_space<vmem>> -> memref<128xi32, #tpu.memory_space<vmem>>
      %dma_wait3A_738 = arith.constant 0 : i32
      %dma_wait3A_739 = arith.constant 0 : i32
      %dma_wait3A_740 = tpu.memref_slice %arg2[%dma_wait3A_738, %dma_wait3A_739] : memref<102400x128xf32, #tpu.memory_space<hbm>> -> memref<102400x128xf32, #tpu.memory_space<hbm>>
      tpu.wait_indirect_dma semaphore(%arg12 : memref<!tpu.dma_semaphore, #tpu.memory_space<semaphore_mem>>) src(%dma_wait3A_740 : memref<102400x128xf32, #tpu.memory_space<hbm>>) dst(%arg9 : memref<128x128xf32, #tpu.memory_space<vmem>>)
      %add3A_741 = arith.constant 2 : i32
      %add3A_742 = arith.addi %add3A_698, %add3A_741 : i32
      %dma_start3A_743 = arith.constant 0 : i32
      %dma_start3A_744 = tpu.memref_slice %arg7[%add3A_742, %dma_start3A_743] : memref<40x128xi32, #tpu.memory_space<vmem>> -> memref<1x128xi32, #tpu.memory_space<vmem>>
      %dma_start3A_745 = tpu.memref_squeeze %dma_start3A_744 : memref<1x128xi32, #tpu.memory_space<vmem>> -> memref<128xi32, #tpu.memory_space<vmem>>
      %dma_start3A_746 = arith.constant 0 : i32
      %dma_start3A_747 = arith.constant 0 : i32
      %dma_start3A_748 = tpu.memref_slice %arg2[%dma_start3A_746, %dma_start3A_747] : memref<102400x128xf32, #tpu.memory_space<hbm>> -> memref<102400x128xf32, #tpu.memory_space<hbm>>
      tpu.enqueue_indirect_dma source(%dma_start3A_748 : memref<102400x128xf32, #tpu.memory_space<hbm>>) target(%arg10 : memref<128x128xf32, #tpu.memory_space<vmem>>) offsets(%dma_start3A_745 : memref<128xi32, #tpu.memory_space<vmem>>) semaphore(%arg13 : memref<!tpu.dma_semaphore, #tpu.memory_space<semaphore_mem>>)
      %add3A_749 = arith.constant 1 : i32
      %add3A_750 = arith.addi %add3A_698, %add3A_749 : i32
      %dma_start3A_751 = arith.constant 0 : i32
      %dma_start3A_752 = tpu.memref_slice %arg8[%add3A_750, %dma_start3A_751] : memref<40x128xi32, #tpu.memory_space<vmem>> -> memref<1x128xi32, #tpu.memory_space<vmem>>
      %dma_start3A_753 = tpu.memref_squeeze %dma_start3A_752 : memref<1x128xi32, #tpu.memory_space<vmem>> -> memref<128xi32, #tpu.memory_space<vmem>>
      %dma_start3A_754 = arith.constant 0 : i32
      %dma_start3A_755 = arith.constant 0 : i32
      %dma_start3A_756 = tpu.memref_slice %arg11[%dma_start3A_754, %dma_start3A_755] : memref<10240x128xf32, #tpu.memory_space<vmem_shared>> -> memref<10240x128xf32, #tpu.memory_space<vmem_shared>>
      tpu.enqueue_indirect_dma source(%arg9 : memref<128x128xf32, #tpu.memory_space<vmem>>) target(%dma_start3A_756 : memref<10240x128xf32, #tpu.memory_space<vmem_shared>>) offsets(%dma_start3A_753 : memref<128xi32, #tpu.memory_space<vmem>>) semaphore(%arg14 : memref<!tpu.dma_semaphore, #tpu.memory_space<semaphore_mem>>) {add = true}
    }
    %scan3A_36 = arith.constant 19 : i32
    %dma_wait3A_37 = arith.constant 0 : i32
    %dma_wait3A_38 = arith.constant 0 : i32
    %dma_wait3A_39 = tpu.memref_slice %arg8[%dma_wait3A_37, %dma_wait3A_38] : memref<40x128xi32, #tpu.memory_space<vmem>> -> memref<1x128xi32, #tpu.memory_space<vmem>>
    %dma_wait3A_40 = tpu.memref_squeeze %dma_wait3A_39 : memref<1x128xi32, #tpu.memory_space<vmem>> -> memref<128xi32, #tpu.memory_space<vmem>>
    %dma_wait3A_41 = arith.constant 0 : i32
    %dma_wait3A_42 = arith.constant 0 : i32
    %dma_wait3A_43 = tpu.memref_slice %arg11[%dma_wait3A_41, %dma_wait3A_42] : memref<10240x128xf32, #tpu.memory_space<vmem_shared>> -> memref<10240x128xf32, #tpu.memory_space<vmem_shared>>
    tpu.wait_indirect_dma semaphore(%arg14 : memref<!tpu.dma_semaphore, #tpu.memory_space<semaphore_mem>>) src(%arg9 : memref<128x128xf32, #tpu.memory_space<vmem>>) dst(%dma_wait3A_43 : memref<10240x128xf32, #tpu.memory_space<vmem_shared>>)
    %dma_wait3A_44 = arith.constant 0 : i32
    %dma_wait3A_45 = arith.constant 0 : i32
    %dma_wait3A_46 = tpu.memref_slice %arg7[%dma_wait3A_44, %dma_wait3A_45] : memref<40x128xi32, #tpu.memory_space<vmem>> -> memref<1x128xi32, #tpu.memory_space<vmem>>
    %dma_wait3A_47 = tpu.memref_squeeze %dma_wait3A_46 : memref<1x128xi32, #tpu.memory_space<vmem>> -> memref<128xi32, #tpu.memory_space<vmem>>
    %dma_wait3A_48 = arith.constant 0 : i32
    %dma_wait3A_49 = arith.constant 0 : i32
    %dma_wait3A_50 = tpu.memref_slice %arg2[%dma_wait3A_48, %dma_wait3A_49] : memref<102400x128xf32, #tpu.memory_space<hbm>> -> memref<102400x128xf32, #tpu.memory_space<hbm>>
    tpu.wait_indirect_dma semaphore(%arg13 : memref<!tpu.dma_semaphore, #tpu.memory_space<semaphore_mem>>) src(%dma_wait3A_50 : memref<102400x128xf32, #tpu.memory_space<hbm>>) dst(%arg10 : memref<128x128xf32, #tpu.memory_space<vmem>>)
    %dma_start3A_51 = arith.constant 39 : i32
    %dma_start3A_52 = arith.constant 0 : i32
    %dma_start3A_53 = tpu.memref_slice %arg8[%dma_start3A_51, %dma_start3A_52] : memref<40x128xi32, #tpu.memory_space<vmem>> -> memref<1x128xi32, #tpu.memory_space<vmem>>
    %dma_start3A_54 = tpu.memref_squeeze %dma_start3A_53 : memref<1x128xi32, #tpu.memory_space<vmem>> -> memref<128xi32, #tpu.memory_space<vmem>>
    %dma_start3A_55 = arith.constant 0 : i32
    %dma_start3A_56 = arith.constant 0 : i32
    %dma_start3A_57 = tpu.memref_slice %arg11[%dma_start3A_55, %dma_start3A_56] : memref<10240x128xf32, #tpu.memory_space<vmem_shared>> -> memref<10240x128xf32, #tpu.memory_space<vmem_shared>>
    tpu.enqueue_indirect_dma source(%arg10 : memref<128x128xf32, #tpu.memory_space<vmem>>) target(%dma_start3A_57 : memref<10240x128xf32, #tpu.memory_space<vmem_shared>>) offsets(%dma_start3A_54 : memref<128xi32, #tpu.memory_space<vmem>>) semaphore(%arg15 : memref<!tpu.dma_semaphore, #tpu.memory_space<semaphore_mem>>) {add = true}
    %dma_wait3A_58 = arith.constant 0 : i32
    %dma_wait3A_59 = arith.constant 0 : i32
    %dma_wait3A_60 = tpu.memref_slice %arg8[%dma_wait3A_58, %dma_wait3A_59] : memref<40x128xi32, #tpu.memory_space<vmem>> -> memref<1x128xi32, #tpu.memory_space<vmem>>
    %dma_wait3A_61 = tpu.memref_squeeze %dma_wait3A_60 : memref<1x128xi32, #tpu.memory_space<vmem>> -> memref<128xi32, #tpu.memory_space<vmem>>
    %dma_wait3A_62 = arith.constant 0 : i32
    %dma_wait3A_63 = arith.constant 0 : i32
    %dma_wait3A_64 = tpu.memref_slice %arg11[%dma_wait3A_62, %dma_wait3A_63] : memref<10240x128xf32, #tpu.memory_space<vmem_shared>> -> memref<10240x128xf32, #tpu.memory_space<vmem_shared>>
    tpu.wait_indirect_dma semaphore(%arg15 : memref<!tpu.dma_semaphore, #tpu.memory_space<semaphore_mem>>) src(%arg10 : memref<128x128xf32, #tpu.memory_space<vmem>>) dst(%dma_wait3A_64 : memref<10240x128xf32, #tpu.memory_space<vmem_shared>>)
    %run_scoped3A_65 = arith.constant 0 : i32
    "tpu.region"() ({
      %run_scoped3A_690 = tpu.sem_alloc : memref<!tpu.dma_semaphore, #tpu.memory_space<semaphore_mem>>
      %dma_start3A_691 = arith.constant 40 : i32
      %dma_start3A_692 = arith.constant 0 : i32
      %dma_start3A_693 = tpu.memref_slice %arg3[%run_scoped3A_65, %arg0, %arg1, %dma_start3A_691, %dma_start3A_692] : memref<5x2x16x80x128xi32, #tpu.memory_space<hbm>> -> memref<1x1x1x40x128xi32, #tpu.memory_space<hbm>>
      %dma_start3A_694 = tpu.memref_squeeze %dma_start3A_693 : memref<1x1x1x40x128xi32, #tpu.memory_space<hbm>> -> memref<40x128xi32, #tpu.memory_space<hbm>>
      %dma_start3A_695 = arith.constant 40 : i32
      %dma_start3A_696 = arith.constant 0 : i32
      %dma_start3A_697 = tpu.memref_slice %arg3[%run_scoped3A_65, %arg0, %arg1, %dma_start3A_695, %dma_start3A_696] : memref<5x2x16x80x128xi32, #tpu.memory_space<hbm>> -> memref<1x1x1x40x128xi32, #tpu.memory_space<hbm>>
      %dma_start3A_698 = tpu.memref_squeeze %dma_start3A_697 : memref<1x1x1x40x128xi32, #tpu.memory_space<hbm>> -> memref<40x128xi32, #tpu.memory_space<hbm>>
      tpu.enqueue_dma source(%dma_start3A_698 : memref<40x128xi32, #tpu.memory_space<hbm>>) target(%arg7 : memref<40x128xi32, #tpu.memory_space<vmem>>) target_semaphore(%run_scoped3A_690 : memref<!tpu.dma_semaphore, #tpu.memory_space<semaphore_mem>>)
      %dma_wait3A_699 = arith.constant 40 : i32
      %dma_wait3A_700 = arith.constant 0 : i32
      %dma_wait3A_701 = tpu.memref_slice %arg3[%run_scoped3A_65, %arg0, %arg1, %dma_wait3A_699, %dma_wait3A_700] : memref<5x2x16x80x128xi32, #tpu.memory_space<hbm>> -> memref<1x1x1x40x128xi32, #tpu.memory_space<hbm>>
      %dma_wait3A_702 = tpu.memref_squeeze %dma_wait3A_701 : memref<1x1x1x40x128xi32, #tpu.memory_space<hbm>> -> memref<40x128xi32, #tpu.memory_space<hbm>>
      %dma_wait3A_703 = arith.constant 40 : i32
      %dma_wait3A_704 = arith.constant 0 : i32
      %dma_wait3A_705 = tpu.memref_slice %arg3[%run_scoped3A_65, %arg0, %arg1, %dma_wait3A_703, %dma_wait3A_704] : memref<5x2x16x80x128xi32, #tpu.memory_space<hbm>> -> memref<1x1x1x40x128xi32, #tpu.memory_space<hbm>>
      %dma_wait3A_706 = tpu.memref_squeeze %dma_wait3A_705 : memref<1x1x1x40x128xi32, #tpu.memory_space<hbm>> -> memref<40x128xi32, #tpu.memory_space<hbm>>
      tpu.wait_dma2 semaphore(%run_scoped3A_690 : memref<!tpu.dma_semaphore, #tpu.memory_space<semaphore_mem>>) src(%dma_wait3A_706 : memref<40x128xi32, #tpu.memory_space<hbm>>) dst(%arg7 : memref<40x128xi32, #tpu.memory_space<vmem>>)
      tpu.yield
    }) : () -> ()
    %run_scoped3A_66 = arith.constant 0 : i32
    "tpu.region"() ({
      %run_scoped3A_690 = tpu.sem_alloc : memref<!tpu.dma_semaphore, #tpu.memory_space<semaphore_mem>>
      %dma_start3A_691 = arith.constant 40 : i32
      %dma_start3A_692 = arith.constant 0 : i32
      %dma_start3A_693 = tpu.memref_slice %arg4[%run_scoped3A_66, %arg1, %dma_start3A_691, %dma_start3A_692] : memref<5x16x80x128xi32, #tpu.memory_space<hbm>> -> memref<1x1x40x128xi32, #tpu.memory_space<hbm>>
      %dma_start3A_694 = tpu.memref_squeeze %dma_start3A_693 : memref<1x1x40x128xi32, #tpu.memory_space<hbm>> -> memref<40x128xi32, #tpu.memory_space<hbm>>
      %dma_start3A_695 = arith.constant 40 : i32
      %dma_start3A_696 = arith.constant 0 : i32
      %dma_start3A_697 = tpu.memref_slice %arg4[%run_scoped3A_66, %arg1, %dma_start3A_695, %dma_start3A_696] : memref<5x16x80x128xi32, #tpu.memory_space<hbm>> -> memref<1x1x40x128xi32, #tpu.memory_space<hbm>>
      %dma_start3A_698 = tpu.memref_squeeze %dma_start3A_697 : memref<1x1x40x128xi32, #tpu.memory_space<hbm>> -> memref<40x128xi32, #tpu.memory_space<hbm>>
      tpu.enqueue_dma source(%dma_start3A_698 : memref<40x128xi32, #tpu.memory_space<hbm>>) target(%arg8 : memref<40x128xi32, #tpu.memory_space<vmem>>) target_semaphore(%run_scoped3A_690 : memref<!tpu.dma_semaphore, #tpu.memory_space<semaphore_mem>>)
      %dma_wait3A_699 = arith.constant 40 : i32
      %dma_wait3A_700 = arith.constant 0 : i32
      %dma_wait3A_701 = tpu.memref_slice %arg4[%run_scoped3A_66, %arg1, %dma_wait3A_699, %dma_wait3A_700] : memref<5x16x80x128xi32, #tpu.memory_space<hbm>> -> memref<1x1x40x128xi32, #tpu.memory_space<hbm>>
      %dma_wait3A_702 = tpu.memref_squeeze %dma_wait3A_701 : memref<1x1x40x128xi32, #tpu.memory_space<hbm>> -> memref<40x128xi32, #tpu.memory_space<hbm>>
      %dma_wait3A_703 = arith.constant 40 : i32
      %dma_wait3A_704 = arith.constant 0 : i32
      %dma_wait3A_705 = tpu.memref_slice %arg4[%run_scoped3A_66, %arg1, %dma_wait3A_703, %dma_wait3A_704] : memref<5x16x80x128xi32, #tpu.memory_space<hbm>> -> memref<1x1x40x128xi32, #tpu.memory_space<hbm>>
      %dma_wait3A_706 = tpu.memref_squeeze %dma_wait3A_705 : memref<1x1x40x128xi32, #tpu.memory_space<hbm>> -> memref<40x128xi32, #tpu.memory_space<hbm>>
      tpu.wait_dma2 semaphore(%run_scoped3A_690 : memref<!tpu.dma_semaphore, #tpu.memory_space<semaphore_mem>>) src(%dma_wait3A_706 : memref<40x128xi32, #tpu.memory_space<hbm>>) dst(%arg8 : memref<40x128xi32, #tpu.memory_space<vmem>>)
      tpu.yield
    }) : () -> ()
    %dma_start3A_67 = arith.constant 0 : i32
    %dma_start3A_68 = arith.constant 0 : i32
    %dma_start3A_69 = tpu.memref_slice %arg7[%dma_start3A_67, %dma_start3A_68] : memref<40x128xi32, #tpu.memory_space<vmem>> -> memref<1x128xi32, #tpu.memory_space<vmem>>
    %dma_start3A_70 = tpu.memref_squeeze %dma_start3A_69 : memref<1x128xi32, #tpu.memory_space<vmem>> -> memref<128xi32, #tpu.memory_space<vmem>>
    %dma_start3A_71 = arith.constant 0 : i32
    %dma_start3A_72 = arith.constant 0 : i32
    %dma_start3A_73 = tpu.memref_slice %arg2[%dma_start3A_71, %dma_start3A_72] : memref<102400x128xf32, #tpu.memory_space<hbm>> -> memref<102400x128xf32, #tpu.memory_space<hbm>>
    tpu.enqueue_indirect_dma source(%dma_start3A_73 : memref<102400x128xf32, #tpu.memory_space<hbm>>) target(%arg9 : memref<128x128xf32, #tpu.memory_space<vmem>>) offsets(%dma_start3A_70 : memref<128xi32, #tpu.memory_space<vmem>>) semaphore(%arg12 : memref<!tpu.dma_semaphore, #tpu.memory_space<semaphore_mem>>)
    %dma_wait3A_74 = arith.constant 0 : i32
    %dma_wait3A_75 = arith.constant 0 : i32
    %dma_wait3A_76 = tpu.memref_slice %arg7[%dma_wait3A_74, %dma_wait3A_75] : memref<40x128xi32, #tpu.memory_space<vmem>> -> memref<1x128xi32, #tpu.memory_space<vmem>>
    %dma_wait3A_77 = tpu.memref_squeeze %dma_wait3A_76 : memref<1x128xi32, #tpu.memory_space<vmem>> -> memref<128xi32, #tpu.memory_space<vmem>>
    %dma_wait3A_78 = arith.constant 0 : i32
    %dma_wait3A_79 = arith.constant 0 : i32
    %dma_wait3A_80 = tpu.memref_slice %arg2[%dma_wait3A_78, %dma_wait3A_79] : memref<102400x128xf32, #tpu.memory_space<hbm>> -> memref<102400x128xf32, #tpu.memory_space<hbm>>
    tpu.wait_indirect_dma semaphore(%arg12 : memref<!tpu.dma_semaphore, #tpu.memory_space<semaphore_mem>>) src(%dma_wait3A_80 : memref<102400x128xf32, #tpu.memory_space<hbm>>) dst(%arg9 : memref<128x128xf32, #tpu.memory_space<vmem>>)
    %dma_start3A_81 = arith.constant 1 : i32
    %dma_start3A_82 = arith.constant 0 : i32
    %dma_start3A_83 = tpu.memref_slice %arg7[%dma_start3A_81, %dma_start3A_82] : memref<40x128xi32, #tpu.memory_space<vmem>> -> memref<1x128xi32, #tpu.memory_space<vmem>>
    %dma_start3A_84 = tpu.memref_squeeze %dma_start3A_83 : memref<1x128xi32, #tpu.memory_space<vmem>> -> memref<128xi32, #tpu.memory_space<vmem>>
    %dma_start3A_85 = arith.constant 0 : i32
    %dma_start3A_86 = arith.constant 0 : i32
    %dma_start3A_87 = tpu.memref_slice %arg2[%dma_start3A_85, %dma_start3A_86] : memref<102400x128xf32, #tpu.memory_space<hbm>> -> memref<102400x128xf32, #tpu.memory_space<hbm>>
    tpu.enqueue_indirect_dma source(%dma_start3A_87 : memref<102400x128xf32, #tpu.memory_space<hbm>>) target(%arg10 : memref<128x128xf32, #tpu.memory_space<vmem>>) offsets(%dma_start3A_84 : memref<128xi32, #tpu.memory_space<vmem>>) semaphore(%arg13 : memref<!tpu.dma_semaphore, #tpu.memory_space<semaphore_mem>>)
    %dma_start3A_88 = arith.constant 0 : i32
    %dma_start3A_89 = arith.constant 0 : i32
    %dma_start3A_90 = tpu.memref_slice %arg8[%dma_start3A_88, %dma_start3A_89] : memref<40x128xi32, #tpu.memory_space<vmem>> -> memref<1x128xi32, #tpu.memory_space<vmem>>
    %dma_start3A_91 = tpu.memref_squeeze %dma_start3A_90 : memref<1x128xi32, #tpu.memory_space<vmem>> -> memref<128xi32, #tpu.memory_space<vmem>>
    %dma_start3A_92 = arith.constant 0 : i32
    %dma_start3A_93 = arith.constant 0 : i32
    %dma_start3A_94 = tpu.memref_slice %arg11[%dma_start3A_92, %dma_start3A_93] : memref<10240x128xf32, #tpu.memory_space<vmem_shared>> -> memref<10240x128xf32, #tpu.memory_space<vmem_shared>>
    tpu.enqueue_indirect_dma source(%arg9 : memref<128x128xf32, #tpu.memory_space<vmem>>) target(%dma_start3A_94 : memref<10240x128xf32, #tpu.memory_space<vmem_shared>>) offsets(%dma_start3A_91 : memref<128xi32, #tpu.memory_space<vmem>>) semaphore(%arg14 : memref<!tpu.dma_semaphore, #tpu.memory_space<semaphore_mem>>) {add = true}
    %scan3A_95 = arith.constant 0 : i32
    %scan3A_96 = arith.constant 19 : i32
    %scan3A_97 = arith.addi %scan3A_95, %scan3A_96 : i32
    %scan3A_98 = arith.constant 1 : i32
    scf.for %scan3A_690 = %scan3A_95 to %scan3A_97 step %scan3A_98  : i32 {
      %mul3A_691 = arith.constant 1 : i32
      %mul3A_692 = arith.muli %scan3A_690, %mul3A_691 : i32
      %add3A_693 = arith.constant 0 : i32
      %add3A_694 = arith.addi %add3A_693, %mul3A_692 : i32
      %mul3A_695 = arith.constant 2 : i32
      %mul3A_696 = arith.muli %mul3A_695, %add3A_694 : i32
      %add3A_697 = arith.constant 1 : i32
      %add3A_698 = arith.addi %add3A_697, %mul3A_696 : i32
      %dma_wait3A_699 = arith.constant 0 : i32
      %dma_wait3A_700 = arith.constant 0 : i32
      %dma_wait3A_701 = tpu.memref_slice %arg8[%dma_wait3A_699, %dma_wait3A_700] : memref<40x128xi32, #tpu.memory_space<vmem>> -> memref<1x128xi32, #tpu.memory_space<vmem>>
      %dma_wait3A_702 = tpu.memref_squeeze %dma_wait3A_701 : memref<1x128xi32, #tpu.memory_space<vmem>> -> memref<128xi32, #tpu.memory_space<vmem>>
      %dma_wait3A_703 = arith.constant 0 : i32
      %dma_wait3A_704 = arith.constant 0 : i32
      %dma_wait3A_705 = tpu.memref_slice %arg11[%dma_wait3A_703, %dma_wait3A_704] : memref<10240x128xf32, #tpu.memory_space<vmem_shared>> -> memref<10240x128xf32, #tpu.memory_space<vmem_shared>>
      tpu.wait_indirect_dma semaphore(%arg14 : memref<!tpu.dma_semaphore, #tpu.memory_space<semaphore_mem>>) src(%arg9 : memref<128x128xf32, #tpu.memory_space<vmem>>) dst(%dma_wait3A_705 : memref<10240x128xf32, #tpu.memory_space<vmem_shared>>)
      %dma_wait3A_706 = arith.constant 0 : i32
      %dma_wait3A_707 = arith.constant 0 : i32
      %dma_wait3A_708 = tpu.memref_slice %arg7[%dma_wait3A_706, %dma_wait3A_707] : memref<40x128xi32, #tpu.memory_space<vmem>> -> memref<1x128xi32, #tpu.memory_space<vmem>>
      %dma_wait3A_709 = tpu.memref_squeeze %dma_wait3A_708 : memref<1x128xi32, #tpu.memory_space<vmem>> -> memref<128xi32, #tpu.memory_space<vmem>>
      %dma_wait3A_710 = arith.constant 0 : i32
      %dma_wait3A_711 = arith.constant 0 : i32
      %dma_wait3A_712 = tpu.memref_slice %arg2[%dma_wait3A_710, %dma_wait3A_711] : memref<102400x128xf32, #tpu.memory_space<hbm>> -> memref<102400x128xf32, #tpu.memory_space<hbm>>
      tpu.wait_indirect_dma semaphore(%arg13 : memref<!tpu.dma_semaphore, #tpu.memory_space<semaphore_mem>>) src(%dma_wait3A_712 : memref<102400x128xf32, #tpu.memory_space<hbm>>) dst(%arg10 : memref<128x128xf32, #tpu.memory_space<vmem>>)
      %add3A_713 = arith.constant 1 : i32
      %add3A_714 = arith.addi %add3A_698, %add3A_713 : i32
      %dma_start3A_715 = arith.constant 0 : i32
      %dma_start3A_716 = tpu.memref_slice %arg7[%add3A_714, %dma_start3A_715] : memref<40x128xi32, #tpu.memory_space<vmem>> -> memref<1x128xi32, #tpu.memory_space<vmem>>
      %dma_start3A_717 = tpu.memref_squeeze %dma_start3A_716 : memref<1x128xi32, #tpu.memory_space<vmem>> -> memref<128xi32, #tpu.memory_space<vmem>>
      %dma_start3A_718 = arith.constant 0 : i32
      %dma_start3A_719 = arith.constant 0 : i32
      %dma_start3A_720 = tpu.memref_slice %arg2[%dma_start3A_718, %dma_start3A_719] : memref<102400x128xf32, #tpu.memory_space<hbm>> -> memref<102400x128xf32, #tpu.memory_space<hbm>>
      tpu.enqueue_indirect_dma source(%dma_start3A_720 : memref<102400x128xf32, #tpu.memory_space<hbm>>) target(%arg9 : memref<128x128xf32, #tpu.memory_space<vmem>>) offsets(%dma_start3A_717 : memref<128xi32, #tpu.memory_space<vmem>>) semaphore(%arg12 : memref<!tpu.dma_semaphore, #tpu.memory_space<semaphore_mem>>)
      %dma_start3A_721 = arith.constant 0 : i32
      %dma_start3A_722 = tpu.memref_slice %arg8[%add3A_698, %dma_start3A_721] : memref<40x128xi32, #tpu.memory_space<vmem>> -> memref<1x128xi32, #tpu.memory_space<vmem>>
      %dma_start3A_723 = tpu.memref_squeeze %dma_start3A_722 : memref<1x128xi32, #tpu.memory_space<vmem>> -> memref<128xi32, #tpu.memory_space<vmem>>
      %dma_start3A_724 = arith.constant 0 : i32
      %dma_start3A_725 = arith.constant 0 : i32
      %dma_start3A_726 = tpu.memref_slice %arg11[%dma_start3A_724, %dma_start3A_725] : memref<10240x128xf32, #tpu.memory_space<vmem_shared>> -> memref<10240x128xf32, #tpu.memory_space<vmem_shared>>
      tpu.enqueue_indirect_dma source(%arg10 : memref<128x128xf32, #tpu.memory_space<vmem>>) target(%dma_start3A_726 : memref<10240x128xf32, #tpu.memory_space<vmem_shared>>) offsets(%dma_start3A_723 : memref<128xi32, #tpu.memory_space<vmem>>) semaphore(%arg15 : memref<!tpu.dma_semaphore, #tpu.memory_space<semaphore_mem>>) {add = true}
      %dma_wait3A_727 = arith.constant 0 : i32
      %dma_wait3A_728 = arith.constant 0 : i32
      %dma_wait3A_729 = tpu.memref_slice %arg8[%dma_wait3A_727, %dma_wait3A_728] : memref<40x128xi32, #tpu.memory_space<vmem>> -> memref<1x128xi32, #tpu.memory_space<vmem>>
      %dma_wait3A_730 = tpu.memref_squeeze %dma_wait3A_729 : memref<1x128xi32, #tpu.memory_space<vmem>> -> memref<128xi32, #tpu.memory_space<vmem>>
      %dma_wait3A_731 = arith.constant 0 : i32
      %dma_wait3A_732 = arith.constant 0 : i32
      %dma_wait3A_733 = tpu.memref_slice %arg11[%dma_wait3A_731, %dma_wait3A_732] : memref<10240x128xf32, #tpu.memory_space<vmem_shared>> -> memref<10240x128xf32, #tpu.memory_space<vmem_shared>>
      tpu.wait_indirect_dma semaphore(%arg15 : memref<!tpu.dma_semaphore, #tpu.memory_space<semaphore_mem>>) src(%arg10 : memref<128x128xf32, #tpu.memory_space<vmem>>) dst(%dma_wait3A_733 : memref<10240x128xf32, #tpu.memory_space<vmem_shared>>)
      %dma_wait3A_734 = arith.constant 0 : i32
      %dma_wait3A_735 = arith.constant 0 : i32
      %dma_wait3A_736 = tpu.memref_slice %arg7[%dma_wait3A_734, %dma_wait3A_735] : memref<40x128xi32, #tpu.memory_space<vmem>> -> memref<1x128xi32, #tpu.memory_space<vmem>>
      %dma_wait3A_737 = tpu.memref_squeeze %dma_wait3A_736 : memref<1x128xi32, #tpu.memory_space<vmem>> -> memref<128xi32, #tpu.memory_space<vmem>>
      %dma_wait3A_738 = arith.constant 0 : i32
      %dma_wait3A_739 = arith.constant 0 : i32
      %dma_wait3A_740 = tpu.memref_slice %arg2[%dma_wait3A_738, %dma_wait3A_739] : memref<102400x128xf32, #tpu.memory_space<hbm>> -> memref<102400x128xf32, #tpu.memory_space<hbm>>
      tpu.wait_indirect_dma semaphore(%arg12 : memref<!tpu.dma_semaphore, #tpu.memory_space<semaphore_mem>>) src(%dma_wait3A_740 : memref<102400x128xf32, #tpu.memory_space<hbm>>) dst(%arg9 : memref<128x128xf32, #tpu.memory_space<vmem>>)
      %add3A_741 = arith.constant 2 : i32
      %add3A_742 = arith.addi %add3A_698, %add3A_741 : i32
      %dma_start3A_743 = arith.constant 0 : i32
      %dma_start3A_744 = tpu.memref_slice %arg7[%add3A_742, %dma_start3A_743] : memref<40x128xi32, #tpu.memory_space<vmem>> -> memref<1x128xi32, #tpu.memory_space<vmem>>
      %dma_start3A_745 = tpu.memref_squeeze %dma_start3A_744 : memref<1x128xi32, #tpu.memory_space<vmem>> -> memref<128xi32, #tpu.memory_space<vmem>>
      %dma_start3A_746 = arith.constant 0 : i32
      %dma_start3A_747 = arith.constant 0 : i32
      %dma_start3A_748 = tpu.memref_slice %arg2[%dma_start3A_746, %dma_start3A_747] : memref<102400x128xf32, #tpu.memory_space<hbm>> -> memref<102400x128xf32, #tpu.memory_space<hbm>>
      tpu.enqueue_indirect_dma source(%dma_start3A_748 : memref<102400x128xf32, #tpu.memory_space<hbm>>) target(%arg10 : memref<128x128xf32, #tpu.memory_space<vmem>>) offsets(%dma_start3A_745 : memref<128xi32, #tpu.memory_space<vmem>>) semaphore(%arg13 : memref<!tpu.dma_semaphore, #tpu.memory_space<semaphore_mem>>)
      %add3A_749 = arith.constant 1 : i32
      %add3A_750 = arith.addi %add3A_698, %add3A_749 : i32
      %dma_start3A_751 = arith.constant 0 : i32
      %dma_start3A_752 = tpu.memref_slice %arg8[%add3A_750, %dma_start3A_751] : memref<40x128xi32, #tpu.memory_space<vmem>> -> memref<1x128xi32, #tpu.memory_space<vmem>>
      %dma_start3A_753 = tpu.memref_squeeze %dma_start3A_752 : memref<1x128xi32, #tpu.memory_space<vmem>> -> memref<128xi32, #tpu.memory_space<vmem>>
      %dma_start3A_754 = arith.constant 0 : i32
      %dma_start3A_755 = arith.constant 0 : i32
      %dma_start3A_756 = tpu.memref_slice %arg11[%dma_start3A_754, %dma_start3A_755] : memref<10240x128xf32, #tpu.memory_space<vmem_shared>> -> memref<10240x128xf32, #tpu.memory_space<vmem_shared>>
      tpu.enqueue_indirect_dma source(%arg9 : memref<128x128xf32, #tpu.memory_space<vmem>>) target(%dma_start3A_756 : memref<10240x128xf32, #tpu.memory_space<vmem_shared>>) offsets(%dma_start3A_753 : memref<128xi32, #tpu.memory_space<vmem>>) semaphore(%arg14 : memref<!tpu.dma_semaphore, #tpu.memory_space<semaphore_mem>>) {add = true}
    }
    %scan3A_99 = arith.constant 19 : i32
    %dma_wait3A_100 = arith.constant 0 : i32
    %dma_wait3A_101 = arith.constant 0 : i32
    %dma_wait3A_102 = tpu.memref_slice %arg8[%dma_wait3A_100, %dma_wait3A_101] : memref<40x128xi32, #tpu.memory_space<vmem>> -> memref<1x128xi32, #tpu.memory_space<vmem>>
    %dma_wait3A_103 = tpu.memref_squeeze %dma_wait3A_102 : memref<1x128xi32, #tpu.memory_space<vmem>> -> memref<128xi32, #tpu.memory_space<vmem>>
    %dma_wait3A_104 = arith.constant 0 : i32
    %dma_wait3A_105 = arith.constant 0 : i32
    %dma_wait3A_106 = tpu.memref_slice %arg11[%dma_wait3A_104, %dma_wait3A_105] : memref<10240x128xf32, #tpu.memory_space<vmem_shared>> -> memref<10240x128xf32, #tpu.memory_space<vmem_shared>>
    tpu.wait_indirect_dma semaphore(%arg14 : memref<!tpu.dma_semaphore, #tpu.memory_space<semaphore_mem>>) src(%arg9 : memref<128x128xf32, #tpu.memory_space<vmem>>) dst(%dma_wait3A_106 : memref<10240x128xf32, #tpu.memory_space<vmem_shared>>)
    %dma_wait3A_107 = arith.constant 0 : i32
    %dma_wait3A_108 = arith.constant 0 : i32
    %dma_wait3A_109 = tpu.memref_slice %arg7[%dma_wait3A_107, %dma_wait3A_108] : memref<40x128xi32, #tpu.memory_space<vmem>> -> memref<1x128xi32, #tpu.memory_space<vmem>>
    %dma_wait3A_110 = tpu.memref_squeeze %dma_wait3A_109 : memref<1x128xi32, #tpu.memory_space<vmem>> -> memref<128xi32, #tpu.memory_space<vmem>>
    %dma_wait3A_111 = arith.constant 0 : i32
    %dma_wait3A_112 = arith.constant 0 : i32
    %dma_wait3A_113 = tpu.memref_slice %arg2[%dma_wait3A_111, %dma_wait3A_112] : memref<102400x128xf32, #tpu.memory_space<hbm>> -> memref<102400x128xf32, #tpu.memory_space<hbm>>
    tpu.wait_indirect_dma semaphore(%arg13 : memref<!tpu.dma_semaphore, #tpu.memory_space<semaphore_mem>>) src(%dma_wait3A_113 : memref<102400x128xf32, #tpu.memory_space<hbm>>) dst(%arg10 : memref<128x128xf32, #tpu.memory_space<vmem>>)
    %dma_start3A_114 = arith.constant 39 : i32
    %dma_start3A_115 = arith.constant 0 : i32
    %dma_start3A_116 = tpu.memref_slice %arg8[%dma_start3A_114, %dma_start3A_115] : memref<40x128xi32, #tpu.memory_space<vmem>> -> memref<1x128xi32, #tpu.memory_space<vmem>>
    %dma_start3A_117 = tpu.memref_squeeze %dma_start3A_116 : memref<1x128xi32, #tpu.memory_space<vmem>> -> memref<128xi32, #tpu.memory_space<vmem>>
    %dma_start3A_118 = arith.constant 0 : i32
    %dma_start3A_119 = arith.constant 0 : i32
    %dma_start3A_120 = tpu.memref_slice %arg11[%dma_start3A_118, %dma_start3A_119] : memref<10240x128xf32, #tpu.memory_space<vmem_shared>> -> memref<10240x128xf32, #tpu.memory_space<vmem_shared>>
    tpu.enqueue_indirect_dma source(%arg10 : memref<128x128xf32, #tpu.memory_space<vmem>>) target(%dma_start3A_120 : memref<10240x128xf32, #tpu.memory_space<vmem_shared>>) offsets(%dma_start3A_117 : memref<128xi32, #tpu.memory_space<vmem>>) semaphore(%arg15 : memref<!tpu.dma_semaphore, #tpu.memory_space<semaphore_mem>>) {add = true}
    %dma_wait3A_121 = arith.constant 0 : i32
    %dma_wait3A_122 = arith.constant 0 : i32
    %dma_wait3A_123 = tpu.memref_slice %arg8[%dma_wait3A_121, %dma_wait3A_122] : memref<40x128xi32, #tpu.memory_space<vmem>> -> memref<1x128xi32, #tpu.memory_space<vmem>>
    %dma_wait3A_124 = tpu.memref_squeeze %dma_wait3A_123 : memref<1x128xi32, #tpu.memory_space<vmem>> -> memref<128xi32, #tpu.memory_space<vmem>>
    %dma_wait3A_125 = arith.constant 0 : i32
    %dma_wait3A_126 = arith.constant 0 : i32
    %dma_wait3A_127 = tpu.memref_slice %arg11[%dma_wait3A_125, %dma_wait3A_126] : memref<10240x128xf32, #tpu.memory_space<vmem_shared>> -> memref<10240x128xf32, #tpu.memory_space<vmem_shared>>
    tpu.wait_indirect_dma semaphore(%arg15 : memref<!tpu.dma_semaphore, #tpu.memory_space<semaphore_mem>>) src(%arg10 : memref<128x128xf32, #tpu.memory_space<vmem>>) dst(%dma_wait3A_127 : memref<10240x128xf32, #tpu.memory_space<vmem_shared>>)
    %barrier3A_128 = arith.constant 0 : index
    tpu.barrier barrier_id(%barrier3A_128)
    %add3A = arith.constant 0 : i32
    %add3A_129 = arith.addi %add3A, %arg0 : i32
    %mul3A_130 = arith.constant 10240 : i32
    %mul3A_131 = arith.muli %add3A_129, %mul3A_130 : i32
    %add3A_132 = arith.addi %mul3A_131, %mul3A_0 : i32
    "tpu.region"() ({
      %run_scoped3A_690 = tpu.sem_alloc : memref<!tpu.dma_semaphore, #tpu.memory_space<semaphore_mem>>
      %dma_start3A_691 = arith.constant 0 : i32
      %dma_start3A_692 = tpu.memref_slice %arg6[%add3A_132, %dma_start3A_691] : memref<102400x128xf32, #tpu.memory_space<hbm>> -> memref<640x128xf32, #tpu.memory_space<hbm>>
      %dma_start3A_693 = arith.constant 0 : i32
      %dma_start3A_694 = tpu.memref_slice %arg11[%mul3A_0, %dma_start3A_693] : memref<10240x128xf32, #tpu.memory_space<vmem_shared>> -> memref<640x128xf32, #tpu.memory_space<vmem_shared>>
      tpu.enqueue_dma source(%dma_start3A_694 : memref<640x128xf32, #tpu.memory_space<vmem_shared>>) target(%dma_start3A_692 : memref<640x128xf32, #tpu.memory_space<hbm>>) target_semaphore(%run_scoped3A_690 : memref<!tpu.dma_semaphore, #tpu.memory_space<semaphore_mem>>)
      %dma_wait3A_695 = arith.constant 0 : i32
      %dma_wait3A_696 = tpu.memref_slice %arg6[%add3A_132, %dma_wait3A_695] : memref<102400x128xf32, #tpu.memory_space<hbm>> -> memref<640x128xf32, #tpu.memory_space<hbm>>
      %dma_wait3A_697 = arith.constant 0 : i32
      %dma_wait3A_698 = tpu.memref_slice %arg11[%mul3A_0, %dma_wait3A_697] : memref<10240x128xf32, #tpu.memory_space<vmem_shared>> -> memref<640x128xf32, #tpu.memory_space<vmem_shared>>
      tpu.wait_dma2 semaphore(%run_scoped3A_690 : memref<!tpu.dma_semaphore, #tpu.memory_space<semaphore_mem>>) src(%dma_wait3A_698 : memref<640x128xf32, #tpu.memory_space<vmem_shared>>) dst(%dma_wait3A_696 : memref<640x128xf32, #tpu.memory_space<hbm>>)
      tpu.yield
    }) : () -> ()
    %barrier3A_133 = arith.constant 0 : index
    tpu.barrier barrier_id(%barrier3A_133)
    "tpu.region"() ({
      %run_scoped3A_690 = tpu.sem_alloc : memref<!tpu.dma_semaphore, #tpu.memory_space<semaphore_mem>>
      tpu.enqueue_dma source(%arg5 : memref<128x128xf32, #tpu.memory_space<hbm>>) target(%arg9 : memref<128x128xf32, #tpu.memory_space<vmem>>) target_semaphore(%run_scoped3A_690 : memref<!tpu.dma_semaphore, #tpu.memory_space<semaphore_mem>>)
      tpu.wait_dma2 semaphore(%run_scoped3A_690 : memref<!tpu.dma_semaphore, #tpu.memory_space<semaphore_mem>>) src(%arg5 : memref<128x128xf32, #tpu.memory_space<hbm>>) dst(%arg9 : memref<128x128xf32, #tpu.memory_space<vmem>>)
      tpu.yield
    }) : () -> ()
    %scan3A_134 = arith.constant 0 : i32
    %scan3A_135 = arith.constant 5 : i32
    %scan3A_136 = arith.addi %scan3A_134, %scan3A_135 : i32
    %scan3A_137 = arith.constant 1 : i32
    scf.for %scan3A_690 = %scan3A_134 to %scan3A_136 step %scan3A_137  : i32 {
      %mul3A_691 = arith.constant 1 : i32
      %mul3A_692 = arith.muli %scan3A_690, %mul3A_691 : i32
      %add3A_693 = arith.constant 0 : i32
      %add3A_694 = arith.addi %add3A_693, %mul3A_692 : i32
      %mul3A_695 = arith.constant 128 : i32
      %mul3A_696 = arith.muli %add3A_694, %mul3A_695 : i32
      %add3A_697 = arith.addi %mul3A_0, %mul3A_696 : i32
      "tpu.region"() ({
        %run_scoped3A_698 = tpu.sem_alloc : memref<!tpu.dma_semaphore, #tpu.memory_space<semaphore_mem>>
        %dma_start3A_699 = arith.constant 0 : i32
        %dma_start3A_700 = tpu.memref_slice %arg11[%add3A_697, %dma_start3A_699] : memref<10240x128xf32, #tpu.memory_space<vmem_shared>> -> memref<128x128xf32, #tpu.memory_space<vmem_shared>>
        %dma_start3A_701 = arith.constant 0 : i32
        %dma_start3A_702 = tpu.memref_slice %arg11[%add3A_697, %dma_start3A_701] : memref<10240x128xf32, #tpu.memory_space<vmem_shared>> -> memref<128x128xf32, #tpu.memory_space<vmem_shared>>
        tpu.enqueue_dma source(%arg9 : memref<128x128xf32, #tpu.memory_space<vmem>>) target(%dma_start3A_702 : memref<128x128xf32, #tpu.memory_space<vmem_shared>>) target_semaphore(%run_scoped3A_698 : memref<!tpu.dma_semaphore, #tpu.memory_space<semaphore_mem>>)
        %dma_wait3A_703 = arith.constant 0 : i32
        %dma_wait3A_704 = tpu.memref_slice %arg11[%add3A_697, %dma_wait3A_703] : memref<10240x128xf32, #tpu.memory_space<vmem_shared>> -> memref<128x128xf32, #tpu.memory_space<vmem_shared>>
        %dma_wait3A_705 = arith.constant 0 : i32
        %dma_wait3A_706 = tpu.memref_slice %arg11[%add3A_697, %dma_wait3A_705] : memref<10240x128xf32, #tpu.memory_space<vmem_shared>> -> memref<128x128xf32, #tpu.memory_space<vmem_shared>>
        tpu.wait_dma2 semaphore(%run_scoped3A_698 : memref<!tpu.dma_semaphore, #tpu.memory_space<semaphore_mem>>) src(%arg9 : memref<128x128xf32, #tpu.memory_space<vmem>>) dst(%dma_wait3A_706 : memref<128x128xf32, #tpu.memory_space<vmem_shared>>)
        tpu.yield
      }) : () -> ()
    }
    %scan3A_138 = arith.constant 5 : i32
    %barrier3A_139 = arith.constant 0 : index
    tpu.barrier barrier_id(%barrier3A_139)
    %run_scoped3A_140 = arith.constant 1 : i32
    "tpu.region"() ({
      %run_scoped3A_690 = tpu.sem_alloc : memref<!tpu.dma_semaphore, #tpu.memory_space<semaphore_mem>>
      %dma_start3A_691 = arith.constant 0 : i32
      %dma_start3A_692 = arith.constant 0 : i32
      %dma_start3A_693 = tpu.memref_slice %arg3[%run_scoped3A_140, %arg0, %arg1, %dma_start3A_691, %dma_start3A_692] : memref<5x2x16x80x128xi32, #tpu.memory_space<hbm>> -> memref<1x1x1x40x128xi32, #tpu.memory_space<hbm>>
      %dma_start3A_694 = tpu.memref_squeeze %dma_start3A_693 : memref<1x1x1x40x128xi32, #tpu.memory_space<hbm>> -> memref<40x128xi32, #tpu.memory_space<hbm>>
      %dma_start3A_695 = arith.constant 0 : i32
      %dma_start3A_696 = arith.constant 0 : i32
      %dma_start3A_697 = tpu.memref_slice %arg3[%run_scoped3A_140, %arg0, %arg1, %dma_start3A_695, %dma_start3A_696] : memref<5x2x16x80x128xi32, #tpu.memory_space<hbm>> -> memref<1x1x1x40x128xi32, #tpu.memory_space<hbm>>
      %dma_start3A_698 = tpu.memref_squeeze %dma_start3A_697 : memref<1x1x1x40x128xi32, #tpu.memory_space<hbm>> -> memref<40x128xi32, #tpu.memory_space<hbm>>
      tpu.enqueue_dma source(%dma_start3A_698 : memref<40x128xi32, #tpu.memory_space<hbm>>) target(%arg7 : memref<40x128xi32, #tpu.memory_space<vmem>>) target_semaphore(%run_scoped3A_690 : memref<!tpu.dma_semaphore, #tpu.memory_space<semaphore_mem>>)
      %dma_wait3A_699 = arith.constant 0 : i32
      %dma_wait3A_700 = arith.constant 0 : i32
      %dma_wait3A_701 = tpu.memref_slice %arg3[%run_scoped3A_140, %arg0, %arg1, %dma_wait3A_699, %dma_wait3A_700] : memref<5x2x16x80x128xi32, #tpu.memory_space<hbm>> -> memref<1x1x1x40x128xi32, #tpu.memory_space<hbm>>
      %dma_wait3A_702 = tpu.memref_squeeze %dma_wait3A_701 : memref<1x1x1x40x128xi32, #tpu.memory_space<hbm>> -> memref<40x128xi32, #tpu.memory_space<hbm>>
      %dma_wait3A_703 = arith.constant 0 : i32
      %dma_wait3A_704 = arith.constant 0 : i32
      %dma_wait3A_705 = tpu.memref_slice %arg3[%run_scoped3A_140, %arg0, %arg1, %dma_wait3A_703, %dma_wait3A_704] : memref<5x2x16x80x128xi32, #tpu.memory_space<hbm>> -> memref<1x1x1x40x128xi32, #tpu.memory_space<hbm>>
      %dma_wait3A_706 = tpu.memref_squeeze %dma_wait3A_705 : memref<1x1x1x40x128xi32, #tpu.memory_space<hbm>> -> memref<40x128xi32, #tpu.memory_space<hbm>>
      tpu.wait_dma2 semaphore(%run_scoped3A_690 : memref<!tpu.dma_semaphore, #tpu.memory_space<semaphore_mem>>) src(%dma_wait3A_706 : memref<40x128xi32, #tpu.memory_space<hbm>>) dst(%arg7 : memref<40x128xi32, #tpu.memory_space<vmem>>)
      tpu.yield
    }) : () -> ()
    %run_scoped3A_141 = arith.constant 1 : i32
    "tpu.region"() ({
      %run_scoped3A_690 = tpu.sem_alloc : memref<!tpu.dma_semaphore, #tpu.memory_space<semaphore_mem>>
      %dma_start3A_691 = arith.constant 0 : i32
      %dma_start3A_692 = arith.constant 0 : i32
      %dma_start3A_693 = tpu.memref_slice %arg4[%run_scoped3A_141, %arg1, %dma_start3A_691, %dma_start3A_692] : memref<5x16x80x128xi32, #tpu.memory_space<hbm>> -> memref<1x1x40x128xi32, #tpu.memory_space<hbm>>
      %dma_start3A_694 = tpu.memref_squeeze %dma_start3A_693 : memref<1x1x40x128xi32, #tpu.memory_space<hbm>> -> memref<40x128xi32, #tpu.memory_space<hbm>>
      %dma_start3A_695 = arith.constant 0 : i32
      %dma_start3A_696 = arith.constant 0 : i32
      %dma_start3A_697 = tpu.memref_slice %arg4[%run_scoped3A_141, %arg1, %dma_start3A_695, %dma_start3A_696] : memref<5x16x80x128xi32, #tpu.memory_space<hbm>> -> memref<1x1x40x128xi32, #tpu.memory_space<hbm>>
      %dma_start3A_698 = tpu.memref_squeeze %dma_start3A_697 : memref<1x1x40x128xi32, #tpu.memory_space<hbm>> -> memref<40x128xi32, #tpu.memory_space<hbm>>
      tpu.enqueue_dma source(%dma_start3A_698 : memref<40x128xi32, #tpu.memory_space<hbm>>) target(%arg8 : memref<40x128xi32, #tpu.memory_space<vmem>>) target_semaphore(%run_scoped3A_690 : memref<!tpu.dma_semaphore, #tpu.memory_space<semaphore_mem>>)
      %dma_wait3A_699 = arith.constant 0 : i32
      %dma_wait3A_700 = arith.constant 0 : i32
      %dma_wait3A_701 = tpu.memref_slice %arg4[%run_scoped3A_141, %arg1, %dma_wait3A_699, %dma_wait3A_700] : memref<5x16x80x128xi32, #tpu.memory_space<hbm>> -> memref<1x1x40x128xi32, #tpu.memory_space<hbm>>
      %dma_wait3A_702 = tpu.memref_squeeze %dma_wait3A_701 : memref<1x1x40x128xi32, #tpu.memory_space<hbm>> -> memref<40x128xi32, #tpu.memory_space<hbm>>
      %dma_wait3A_703 = arith.constant 0 : i32
      %dma_wait3A_704 = arith.constant 0 : i32
      %dma_wait3A_705 = tpu.memref_slice %arg4[%run_scoped3A_141, %arg1, %dma_wait3A_703, %dma_wait3A_704] : memref<5x16x80x128xi32, #tpu.memory_space<hbm>> -> memref<1x1x40x128xi32, #tpu.memory_space<hbm>>
      %dma_wait3A_706 = tpu.memref_squeeze %dma_wait3A_705 : memref<1x1x40x128xi32, #tpu.memory_space<hbm>> -> memref<40x128xi32, #tpu.memory_space<hbm>>
      tpu.wait_dma2 semaphore(%run_scoped3A_690 : memref<!tpu.dma_semaphore, #tpu.memory_space<semaphore_mem>>) src(%dma_wait3A_706 : memref<40x128xi32, #tpu.memory_space<hbm>>) dst(%arg8 : memref<40x128xi32, #tpu.memory_space<vmem>>)
      tpu.yield
    }) : () -> ()
    %dma_start3A_142 = arith.constant 0 : i32
    %dma_start3A_143 = arith.constant 0 : i32
    %dma_start3A_144 = tpu.memref_slice %arg7[%dma_start3A_142, %dma_start3A_143] : memref<40x128xi32, #tpu.memory_space<vmem>> -> memref<1x128xi32, #tpu.memory_space<vmem>>
    %dma_start3A_145 = tpu.memref_squeeze %dma_start3A_144 : memref<1x128xi32, #tpu.memory_space<vmem>> -> memref<128xi32, #tpu.memory_space<vmem>>
    %dma_start3A_146 = arith.constant 0 : i32
    %dma_start3A_147 = arith.constant 0 : i32
    %dma_start3A_148 = tpu.memref_slice %arg2[%dma_start3A_146, %dma_start3A_147] : memref<102400x128xf32, #tpu.memory_space<hbm>> -> memref<102400x128xf32, #tpu.memory_space<hbm>>
    tpu.enqueue_indirect_dma source(%dma_start3A_148 : memref<102400x128xf32, #tpu.memory_space<hbm>>) target(%arg9 : memref<128x128xf32, #tpu.memory_space<vmem>>) offsets(%dma_start3A_145 : memref<128xi32, #tpu.memory_space<vmem>>) semaphore(%arg12 : memref<!tpu.dma_semaphore, #tpu.memory_space<semaphore_mem>>)
    %dma_wait3A_149 = arith.constant 0 : i32
    %dma_wait3A_150 = arith.constant 0 : i32
    %dma_wait3A_151 = tpu.memref_slice %arg7[%dma_wait3A_149, %dma_wait3A_150] : memref<40x128xi32, #tpu.memory_space<vmem>> -> memref<1x128xi32, #tpu.memory_space<vmem>>
    %dma_wait3A_152 = tpu.memref_squeeze %dma_wait3A_151 : memref<1x128xi32, #tpu.memory_space<vmem>> -> memref<128xi32, #tpu.memory_space<vmem>>
    %dma_wait3A_153 = arith.constant 0 : i32
    %dma_wait3A_154 = arith.constant 0 : i32
    %dma_wait3A_155 = tpu.memref_slice %arg2[%dma_wait3A_153, %dma_wait3A_154] : memref<102400x128xf32, #tpu.memory_space<hbm>> -> memref<102400x128xf32, #tpu.memory_space<hbm>>
    tpu.wait_indirect_dma semaphore(%arg12 : memref<!tpu.dma_semaphore, #tpu.memory_space<semaphore_mem>>) src(%dma_wait3A_155 : memref<102400x128xf32, #tpu.memory_space<hbm>>) dst(%arg9 : memref<128x128xf32, #tpu.memory_space<vmem>>)
    %dma_start3A_156 = arith.constant 1 : i32
    %dma_start3A_157 = arith.constant 0 : i32
    %dma_start3A_158 = tpu.memref_slice %arg7[%dma_start3A_156, %dma_start3A_157] : memref<40x128xi32, #tpu.memory_space<vmem>> -> memref<1x128xi32, #tpu.memory_space<vmem>>
    %dma_start3A_159 = tpu.memref_squeeze %dma_start3A_158 : memref<1x128xi32, #tpu.memory_space<vmem>> -> memref<128xi32, #tpu.memory_space<vmem>>
    %dma_start3A_160 = arith.constant 0 : i32
    %dma_start3A_161 = arith.constant 0 : i32
    %dma_start3A_162 = tpu.memref_slice %arg2[%dma_start3A_160, %dma_start3A_161] : memref<102400x128xf32, #tpu.memory_space<hbm>> -> memref<102400x128xf32, #tpu.memory_space<hbm>>
    tpu.enqueue_indirect_dma source(%dma_start3A_162 : memref<102400x128xf32, #tpu.memory_space<hbm>>) target(%arg10 : memref<128x128xf32, #tpu.memory_space<vmem>>) offsets(%dma_start3A_159 : memref<128xi32, #tpu.memory_space<vmem>>) semaphore(%arg13 : memref<!tpu.dma_semaphore, #tpu.memory_space<semaphore_mem>>)
    %dma_start3A_163 = arith.constant 0 : i32
    %dma_start3A_164 = arith.constant 0 : i32
    %dma_start3A_165 = tpu.memref_slice %arg8[%dma_start3A_163, %dma_start3A_164] : memref<40x128xi32, #tpu.memory_space<vmem>> -> memref<1x128xi32, #tpu.memory_space<vmem>>
    %dma_start3A_166 = tpu.memref_squeeze %dma_start3A_165 : memref<1x128xi32, #tpu.memory_space<vmem>> -> memref<128xi32, #tpu.memory_space<vmem>>
    %dma_start3A_167 = arith.constant 0 : i32
    %dma_start3A_168 = arith.constant 0 : i32
    %dma_start3A_169 = tpu.memref_slice %arg11[%dma_start3A_167, %dma_start3A_168] : memref<10240x128xf32, #tpu.memory_space<vmem_shared>> -> memref<10240x128xf32, #tpu.memory_space<vmem_shared>>
    tpu.enqueue_indirect_dma source(%arg9 : memref<128x128xf32, #tpu.memory_space<vmem>>) target(%dma_start3A_169 : memref<10240x128xf32, #tpu.memory_space<vmem_shared>>) offsets(%dma_start3A_166 : memref<128xi32, #tpu.memory_space<vmem>>) semaphore(%arg14 : memref<!tpu.dma_semaphore, #tpu.memory_space<semaphore_mem>>) {add = true}
    %scan3A_170 = arith.constant 0 : i32
    %scan3A_171 = arith.constant 19 : i32
    %scan3A_172 = arith.addi %scan3A_170, %scan3A_171 : i32
    %scan3A_173 = arith.constant 1 : i32
    scf.for %scan3A_690 = %scan3A_170 to %scan3A_172 step %scan3A_173  : i32 {
      %mul3A_691 = arith.constant 1 : i32
      %mul3A_692 = arith.muli %scan3A_690, %mul3A_691 : i32
      %add3A_693 = arith.constant 0 : i32
      %add3A_694 = arith.addi %add3A_693, %mul3A_692 : i32
      %mul3A_695 = arith.constant 2 : i32
      %mul3A_696 = arith.muli %mul3A_695, %add3A_694 : i32
      %add3A_697 = arith.constant 1 : i32
      %add3A_698 = arith.addi %add3A_697, %mul3A_696 : i32
      %dma_wait3A_699 = arith.constant 0 : i32
      %dma_wait3A_700 = arith.constant 0 : i32
      %dma_wait3A_701 = tpu.memref_slice %arg8[%dma_wait3A_699, %dma_wait3A_700] : memref<40x128xi32, #tpu.memory_space<vmem>> -> memref<1x128xi32, #tpu.memory_space<vmem>>
      %dma_wait3A_702 = tpu.memref_squeeze %dma_wait3A_701 : memref<1x128xi32, #tpu.memory_space<vmem>> -> memref<128xi32, #tpu.memory_space<vmem>>
      %dma_wait3A_703 = arith.constant 0 : i32
      %dma_wait3A_704 = arith.constant 0 : i32
      %dma_wait3A_705 = tpu.memref_slice %arg11[%dma_wait3A_703, %dma_wait3A_704] : memref<10240x128xf32, #tpu.memory_space<vmem_shared>> -> memref<10240x128xf32, #tpu.memory_space<vmem_shared>>
      tpu.wait_indirect_dma semaphore(%arg14 : memref<!tpu.dma_semaphore, #tpu.memory_space<semaphore_mem>>) src(%arg9 : memref<128x128xf32, #tpu.memory_space<vmem>>) dst(%dma_wait3A_705 : memref<10240x128xf32, #tpu.memory_space<vmem_shared>>)
      %dma_wait3A_706 = arith.constant 0 : i32
      %dma_wait3A_707 = arith.constant 0 : i32
      %dma_wait3A_708 = tpu.memref_slice %arg7[%dma_wait3A_706, %dma_wait3A_707] : memref<40x128xi32, #tpu.memory_space<vmem>> -> memref<1x128xi32, #tpu.memory_space<vmem>>
      %dma_wait3A_709 = tpu.memref_squeeze %dma_wait3A_708 : memref<1x128xi32, #tpu.memory_space<vmem>> -> memref<128xi32, #tpu.memory_space<vmem>>
      %dma_wait3A_710 = arith.constant 0 : i32
      %dma_wait3A_711 = arith.constant 0 : i32
      %dma_wait3A_712 = tpu.memref_slice %arg2[%dma_wait3A_710, %dma_wait3A_711] : memref<102400x128xf32, #tpu.memory_space<hbm>> -> memref<102400x128xf32, #tpu.memory_space<hbm>>
      tpu.wait_indirect_dma semaphore(%arg13 : memref<!tpu.dma_semaphore, #tpu.memory_space<semaphore_mem>>) src(%dma_wait3A_712 : memref<102400x128xf32, #tpu.memory_space<hbm>>) dst(%arg10 : memref<128x128xf32, #tpu.memory_space<vmem>>)
      %add3A_713 = arith.constant 1 : i32
      %add3A_714 = arith.addi %add3A_698, %add3A_713 : i32
      %dma_start3A_715 = arith.constant 0 : i32
      %dma_start3A_716 = tpu.memref_slice %arg7[%add3A_714, %dma_start3A_715] : memref<40x128xi32, #tpu.memory_space<vmem>> -> memref<1x128xi32, #tpu.memory_space<vmem>>
      %dma_start3A_717 = tpu.memref_squeeze %dma_start3A_716 : memref<1x128xi32, #tpu.memory_space<vmem>> -> memref<128xi32, #tpu.memory_space<vmem>>
      %dma_start3A_718 = arith.constant 0 : i32
      %dma_start3A_719 = arith.constant 0 : i32
      %dma_start3A_720 = tpu.memref_slice %arg2[%dma_start3A_718, %dma_start3A_719] : memref<102400x128xf32, #tpu.memory_space<hbm>> -> memref<102400x128xf32, #tpu.memory_space<hbm>>
      tpu.enqueue_indirect_dma source(%dma_start3A_720 : memref<102400x128xf32, #tpu.memory_space<hbm>>) target(%arg9 : memref<128x128xf32, #tpu.memory_space<vmem>>) offsets(%dma_start3A_717 : memref<128xi32, #tpu.memory_space<vmem>>) semaphore(%arg12 : memref<!tpu.dma_semaphore, #tpu.memory_space<semaphore_mem>>)
      %dma_start3A_721 = arith.constant 0 : i32
      %dma_start3A_722 = tpu.memref_slice %arg8[%add3A_698, %dma_start3A_721] : memref<40x128xi32, #tpu.memory_space<vmem>> -> memref<1x128xi32, #tpu.memory_space<vmem>>
      %dma_start3A_723 = tpu.memref_squeeze %dma_start3A_722 : memref<1x128xi32, #tpu.memory_space<vmem>> -> memref<128xi32, #tpu.memory_space<vmem>>
      %dma_start3A_724 = arith.constant 0 : i32
      %dma_start3A_725 = arith.constant 0 : i32
      %dma_start3A_726 = tpu.memref_slice %arg11[%dma_start3A_724, %dma_start3A_725] : memref<10240x128xf32, #tpu.memory_space<vmem_shared>> -> memref<10240x128xf32, #tpu.memory_space<vmem_shared>>
      tpu.enqueue_indirect_dma source(%arg10 : memref<128x128xf32, #tpu.memory_space<vmem>>) target(%dma_start3A_726 : memref<10240x128xf32, #tpu.memory_space<vmem_shared>>) offsets(%dma_start3A_723 : memref<128xi32, #tpu.memory_space<vmem>>) semaphore(%arg15 : memref<!tpu.dma_semaphore, #tpu.memory_space<semaphore_mem>>) {add = true}
      %dma_wait3A_727 = arith.constant 0 : i32
      %dma_wait3A_728 = arith.constant 0 : i32
      %dma_wait3A_729 = tpu.memref_slice %arg8[%dma_wait3A_727, %dma_wait3A_728] : memref<40x128xi32, #tpu.memory_space<vmem>> -> memref<1x128xi32, #tpu.memory_space<vmem>>
      %dma_wait3A_730 = tpu.memref_squeeze %dma_wait3A_729 : memref<1x128xi32, #tpu.memory_space<vmem>> -> memref<128xi32, #tpu.memory_space<vmem>>
      %dma_wait3A_731 = arith.constant 0 : i32
      %dma_wait3A_732 = arith.constant 0 : i32
      %dma_wait3A_733 = tpu.memref_slice %arg11[%dma_wait3A_731, %dma_wait3A_732] : memref<10240x128xf32, #tpu.memory_space<vmem_shared>> -> memref<10240x128xf32, #tpu.memory_space<vmem_shared>>
      tpu.wait_indirect_dma semaphore(%arg15 : memref<!tpu.dma_semaphore, #tpu.memory_space<semaphore_mem>>) src(%arg10 : memref<128x128xf32, #tpu.memory_space<vmem>>) dst(%dma_wait3A_733 : memref<10240x128xf32, #tpu.memory_space<vmem_shared>>)
      %dma_wait3A_734 = arith.constant 0 : i32
      %dma_wait3A_735 = arith.constant 0 : i32
      %dma_wait3A_736 = tpu.memref_slice %arg7[%dma_wait3A_734, %dma_wait3A_735] : memref<40x128xi32, #tpu.memory_space<vmem>> -> memref<1x128xi32, #tpu.memory_space<vmem>>
      %dma_wait3A_737 = tpu.memref_squeeze %dma_wait3A_736 : memref<1x128xi32, #tpu.memory_space<vmem>> -> memref<128xi32, #tpu.memory_space<vmem>>
      %dma_wait3A_738 = arith.constant 0 : i32
      %dma_wait3A_739 = arith.constant 0 : i32
      %dma_wait3A_740 = tpu.memref_slice %arg2[%dma_wait3A_738, %dma_wait3A_739] : memref<102400x128xf32, #tpu.memory_space<hbm>> -> memref<102400x128xf32, #tpu.memory_space<hbm>>
      tpu.wait_indirect_dma semaphore(%arg12 : memref<!tpu.dma_semaphore, #tpu.memory_space<semaphore_mem>>) src(%dma_wait3A_740 : memref<102400x128xf32, #tpu.memory_space<hbm>>) dst(%arg9 : memref<128x128xf32, #tpu.memory_space<vmem>>)
      %add3A_741 = arith.constant 2 : i32
      %add3A_742 = arith.addi %add3A_698, %add3A_741 : i32
      %dma_start3A_743 = arith.constant 0 : i32
      %dma_start3A_744 = tpu.memref_slice %arg7[%add3A_742, %dma_start3A_743] : memref<40x128xi32, #tpu.memory_space<vmem>> -> memref<1x128xi32, #tpu.memory_space<vmem>>
      %dma_start3A_745 = tpu.memref_squeeze %dma_start3A_744 : memref<1x128xi32, #tpu.memory_space<vmem>> -> memref<128xi32, #tpu.memory_space<vmem>>
      %dma_start3A_746 = arith.constant 0 : i32
      %dma_start3A_747 = arith.constant 0 : i32
      %dma_start3A_748 = tpu.memref_slice %arg2[%dma_start3A_746, %dma_start3A_747] : memref<102400x128xf32, #tpu.memory_space<hbm>> -> memref<102400x128xf32, #tpu.memory_space<hbm>>
      tpu.enqueue_indirect_dma source(%dma_start3A_748 : memref<102400x128xf32, #tpu.memory_space<hbm>>) target(%arg10 : memref<128x128xf32, #tpu.memory_space<vmem>>) offsets(%dma_start3A_745 : memref<128xi32, #tpu.memory_space<vmem>>) semaphore(%arg13 : memref<!tpu.dma_semaphore, #tpu.memory_space<semaphore_mem>>)
      %add3A_749 = arith.constant 1 : i32
      %add3A_750 = arith.addi %add3A_698, %add3A_749 : i32
      %dma_start3A_751 = arith.constant 0 : i32
      %dma_start3A_752 = tpu.memref_slice %arg8[%add3A_750, %dma_start3A_751] : memref<40x128xi32, #tpu.memory_space<vmem>> -> memref<1x128xi32, #tpu.memory_space<vmem>>
      %dma_start3A_753 = tpu.memref_squeeze %dma_start3A_752 : memref<1x128xi32, #tpu.memory_space<vmem>> -> memref<128xi32, #tpu.memory_space<vmem>>
      %dma_start3A_754 = arith.constant 0 : i32
      %dma_start3A_755 = arith.constant 0 : i32
      %dma_start3A_756 = tpu.memref_slice %arg11[%dma_start3A_754, %dma_start3A_755] : memref<10240x128xf32, #tpu.memory_space<vmem_shared>> -> memref<10240x128xf32, #tpu.memory_space<vmem_shared>>
      tpu.enqueue_indirect_dma source(%arg9 : memref<128x128xf32, #tpu.memory_space<vmem>>) target(%dma_start3A_756 : memref<10240x128xf32, #tpu.memory_space<vmem_shared>>) offsets(%dma_start3A_753 : memref<128xi32, #tpu.memory_space<vmem>>) semaphore(%arg14 : memref<!tpu.dma_semaphore, #tpu.memory_space<semaphore_mem>>) {add = true}
    }
    %scan3A_174 = arith.constant 19 : i32
    %dma_wait3A_175 = arith.constant 0 : i32
    %dma_wait3A_176 = arith.constant 0 : i32
    %dma_wait3A_177 = tpu.memref_slice %arg8[%dma_wait3A_175, %dma_wait3A_176] : memref<40x128xi32, #tpu.memory_space<vmem>> -> memref<1x128xi32, #tpu.memory_space<vmem>>
    %dma_wait3A_178 = tpu.memref_squeeze %dma_wait3A_177 : memref<1x128xi32, #tpu.memory_space<vmem>> -> memref<128xi32, #tpu.memory_space<vmem>>
    %dma_wait3A_179 = arith.constant 0 : i32
    %dma_wait3A_180 = arith.constant 0 : i32
    %dma_wait3A_181 = tpu.memref_slice %arg11[%dma_wait3A_179, %dma_wait3A_180] : memref<10240x128xf32, #tpu.memory_space<vmem_shared>> -> memref<10240x128xf32, #tpu.memory_space<vmem_shared>>
    tpu.wait_indirect_dma semaphore(%arg14 : memref<!tpu.dma_semaphore, #tpu.memory_space<semaphore_mem>>) src(%arg9 : memref<128x128xf32, #tpu.memory_space<vmem>>) dst(%dma_wait3A_181 : memref<10240x128xf32, #tpu.memory_space<vmem_shared>>)
    %dma_wait3A_182 = arith.constant 0 : i32
    %dma_wait3A_183 = arith.constant 0 : i32
    %dma_wait3A_184 = tpu.memref_slice %arg7[%dma_wait3A_182, %dma_wait3A_183] : memref<40x128xi32, #tpu.memory_space<vmem>> -> memref<1x128xi32, #tpu.memory_space<vmem>>
    %dma_wait3A_185 = tpu.memref_squeeze %dma_wait3A_184 : memref<1x128xi32, #tpu.memory_space<vmem>> -> memref<128xi32, #tpu.memory_space<vmem>>
    %dma_wait3A_186 = arith.constant 0 : i32
    %dma_wait3A_187 = arith.constant 0 : i32
    %dma_wait3A_188 = tpu.memref_slice %arg2[%dma_wait3A_186, %dma_wait3A_187] : memref<102400x128xf32, #tpu.memory_space<hbm>> -> memref<102400x128xf32, #tpu.memory_space<hbm>>
    tpu.wait_indirect_dma semaphore(%arg13 : memref<!tpu.dma_semaphore, #tpu.memory_space<semaphore_mem>>) src(%dma_wait3A_188 : memref<102400x128xf32, #tpu.memory_space<hbm>>) dst(%arg10 : memref<128x128xf32, #tpu.memory_space<vmem>>)
    %dma_start3A_189 = arith.constant 39 : i32
    %dma_start3A_190 = arith.constant 0 : i32
    %dma_start3A_191 = tpu.memref_slice %arg8[%dma_start3A_189, %dma_start3A_190] : memref<40x128xi32, #tpu.memory_space<vmem>> -> memref<1x128xi32, #tpu.memory_space<vmem>>
    %dma_start3A_192 = tpu.memref_squeeze %dma_start3A_191 : memref<1x128xi32, #tpu.memory_space<vmem>> -> memref<128xi32, #tpu.memory_space<vmem>>
    %dma_start3A_193 = arith.constant 0 : i32
    %dma_start3A_194 = arith.constant 0 : i32
    %dma_start3A_195 = tpu.memref_slice %arg11[%dma_start3A_193, %dma_start3A_194] : memref<10240x128xf32, #tpu.memory_space<vmem_shared>> -> memref<10240x128xf32, #tpu.memory_space<vmem_shared>>
    tpu.enqueue_indirect_dma source(%arg10 : memref<128x128xf32, #tpu.memory_space<vmem>>) target(%dma_start3A_195 : memref<10240x128xf32, #tpu.memory_space<vmem_shared>>) offsets(%dma_start3A_192 : memref<128xi32, #tpu.memory_space<vmem>>) semaphore(%arg15 : memref<!tpu.dma_semaphore, #tpu.memory_space<semaphore_mem>>) {add = true}
    %dma_wait3A_196 = arith.constant 0 : i32
    %dma_wait3A_197 = arith.constant 0 : i32
    %dma_wait3A_198 = tpu.memref_slice %arg8[%dma_wait3A_196, %dma_wait3A_197] : memref<40x128xi32, #tpu.memory_space<vmem>> -> memref<1x128xi32, #tpu.memory_space<vmem>>
    %dma_wait3A_199 = tpu.memref_squeeze %dma_wait3A_198 : memref<1x128xi32, #tpu.memory_space<vmem>> -> memref<128xi32, #tpu.memory_space<vmem>>
    %dma_wait3A_200 = arith.constant 0 : i32
    %dma_wait3A_201 = arith.constant 0 : i32
    %dma_wait3A_202 = tpu.memref_slice %arg11[%dma_wait3A_200, %dma_wait3A_201] : memref<10240x128xf32, #tpu.memory_space<vmem_shared>> -> memref<10240x128xf32, #tpu.memory_space<vmem_shared>>
    tpu.wait_indirect_dma semaphore(%arg15 : memref<!tpu.dma_semaphore, #tpu.memory_space<semaphore_mem>>) src(%arg10 : memref<128x128xf32, #tpu.memory_space<vmem>>) dst(%dma_wait3A_202 : memref<10240x128xf32, #tpu.memory_space<vmem_shared>>)
    %run_scoped3A_203 = arith.constant 1 : i32
    "tpu.region"() ({
      %run_scoped3A_690 = tpu.sem_alloc : memref<!tpu.dma_semaphore, #tpu.memory_space<semaphore_mem>>
      %dma_start3A_691 = arith.constant 40 : i32
      %dma_start3A_692 = arith.constant 0 : i32
      %dma_start3A_693 = tpu.memref_slice %arg3[%run_scoped3A_203, %arg0, %arg1, %dma_start3A_691, %dma_start3A_692] : memref<5x2x16x80x128xi32, #tpu.memory_space<hbm>> -> memref<1x1x1x40x128xi32, #tpu.memory_space<hbm>>
      %dma_start3A_694 = tpu.memref_squeeze %dma_start3A_693 : memref<1x1x1x40x128xi32, #tpu.memory_space<hbm>> -> memref<40x128xi32, #tpu.memory_space<hbm>>
      %dma_start3A_695 = arith.constant 40 : i32
      %dma_start3A_696 = arith.constant 0 : i32
      %dma_start3A_697 = tpu.memref_slice %arg3[%run_scoped3A_203, %arg0, %arg1, %dma_start3A_695, %dma_start3A_696] : memref<5x2x16x80x128xi32, #tpu.memory_space<hbm>> -> memref<1x1x1x40x128xi32, #tpu.memory_space<hbm>>
      %dma_start3A_698 = tpu.memref_squeeze %dma_start3A_697 : memref<1x1x1x40x128xi32, #tpu.memory_space<hbm>> -> memref<40x128xi32, #tpu.memory_space<hbm>>
      tpu.enqueue_dma source(%dma_start3A_698 : memref<40x128xi32, #tpu.memory_space<hbm>>) target(%arg7 : memref<40x128xi32, #tpu.memory_space<vmem>>) target_semaphore(%run_scoped3A_690 : memref<!tpu.dma_semaphore, #tpu.memory_space<semaphore_mem>>)
      %dma_wait3A_699 = arith.constant 40 : i32
      %dma_wait3A_700 = arith.constant 0 : i32
      %dma_wait3A_701 = tpu.memref_slice %arg3[%run_scoped3A_203, %arg0, %arg1, %dma_wait3A_699, %dma_wait3A_700] : memref<5x2x16x80x128xi32, #tpu.memory_space<hbm>> -> memref<1x1x1x40x128xi32, #tpu.memory_space<hbm>>
      %dma_wait3A_702 = tpu.memref_squeeze %dma_wait3A_701 : memref<1x1x1x40x128xi32, #tpu.memory_space<hbm>> -> memref<40x128xi32, #tpu.memory_space<hbm>>
      %dma_wait3A_703 = arith.constant 40 : i32
      %dma_wait3A_704 = arith.constant 0 : i32
      %dma_wait3A_705 = tpu.memref_slice %arg3[%run_scoped3A_203, %arg0, %arg1, %dma_wait3A_703, %dma_wait3A_704] : memref<5x2x16x80x128xi32, #tpu.memory_space<hbm>> -> memref<1x1x1x40x128xi32, #tpu.memory_space<hbm>>
      %dma_wait3A_706 = tpu.memref_squeeze %dma_wait3A_705 : memref<1x1x1x40x128xi32, #tpu.memory_space<hbm>> -> memref<40x128xi32, #tpu.memory_space<hbm>>
      tpu.wait_dma2 semaphore(%run_scoped3A_690 : memref<!tpu.dma_semaphore, #tpu.memory_space<semaphore_mem>>) src(%dma_wait3A_706 : memref<40x128xi32, #tpu.memory_space<hbm>>) dst(%arg7 : memref<40x128xi32, #tpu.memory_space<vmem>>)
      tpu.yield
    }) : () -> ()
    %run_scoped3A_204 = arith.constant 1 : i32
    "tpu.region"() ({
      %run_scoped3A_690 = tpu.sem_alloc : memref<!tpu.dma_semaphore, #tpu.memory_space<semaphore_mem>>
      %dma_start3A_691 = arith.constant 40 : i32
      %dma_start3A_692 = arith.constant 0 : i32
      %dma_start3A_693 = tpu.memref_slice %arg4[%run_scoped3A_204, %arg1, %dma_start3A_691, %dma_start3A_692] : memref<5x16x80x128xi32, #tpu.memory_space<hbm>> -> memref<1x1x40x128xi32, #tpu.memory_space<hbm>>
      %dma_start3A_694 = tpu.memref_squeeze %dma_start3A_693 : memref<1x1x40x128xi32, #tpu.memory_space<hbm>> -> memref<40x128xi32, #tpu.memory_space<hbm>>
      %dma_start3A_695 = arith.constant 40 : i32
      %dma_start3A_696 = arith.constant 0 : i32
      %dma_start3A_697 = tpu.memref_slice %arg4[%run_scoped3A_204, %arg1, %dma_start3A_695, %dma_start3A_696] : memref<5x16x80x128xi32, #tpu.memory_space<hbm>> -> memref<1x1x40x128xi32, #tpu.memory_space<hbm>>
      %dma_start3A_698 = tpu.memref_squeeze %dma_start3A_697 : memref<1x1x40x128xi32, #tpu.memory_space<hbm>> -> memref<40x128xi32, #tpu.memory_space<hbm>>
      tpu.enqueue_dma source(%dma_start3A_698 : memref<40x128xi32, #tpu.memory_space<hbm>>) target(%arg8 : memref<40x128xi32, #tpu.memory_space<vmem>>) target_semaphore(%run_scoped3A_690 : memref<!tpu.dma_semaphore, #tpu.memory_space<semaphore_mem>>)
      %dma_wait3A_699 = arith.constant 40 : i32
      %dma_wait3A_700 = arith.constant 0 : i32
      %dma_wait3A_701 = tpu.memref_slice %arg4[%run_scoped3A_204, %arg1, %dma_wait3A_699, %dma_wait3A_700] : memref<5x16x80x128xi32, #tpu.memory_space<hbm>> -> memref<1x1x40x128xi32, #tpu.memory_space<hbm>>
      %dma_wait3A_702 = tpu.memref_squeeze %dma_wait3A_701 : memref<1x1x40x128xi32, #tpu.memory_space<hbm>> -> memref<40x128xi32, #tpu.memory_space<hbm>>
      %dma_wait3A_703 = arith.constant 40 : i32
      %dma_wait3A_704 = arith.constant 0 : i32
      %dma_wait3A_705 = tpu.memref_slice %arg4[%run_scoped3A_204, %arg1, %dma_wait3A_703, %dma_wait3A_704] : memref<5x16x80x128xi32, #tpu.memory_space<hbm>> -> memref<1x1x40x128xi32, #tpu.memory_space<hbm>>
      %dma_wait3A_706 = tpu.memref_squeeze %dma_wait3A_705 : memref<1x1x40x128xi32, #tpu.memory_space<hbm>> -> memref<40x128xi32, #tpu.memory_space<hbm>>
      tpu.wait_dma2 semaphore(%run_scoped3A_690 : memref<!tpu.dma_semaphore, #tpu.memory_space<semaphore_mem>>) src(%dma_wait3A_706 : memref<40x128xi32, #tpu.memory_space<hbm>>) dst(%arg8 : memref<40x128xi32, #tpu.memory_space<vmem>>)
      tpu.yield
    }) : () -> ()
    %dma_start3A_205 = arith.constant 0 : i32
    %dma_start3A_206 = arith.constant 0 : i32
    %dma_start3A_207 = tpu.memref_slice %arg7[%dma_start3A_205, %dma_start3A_206] : memref<40x128xi32, #tpu.memory_space<vmem>> -> memref<1x128xi32, #tpu.memory_space<vmem>>
    %dma_start3A_208 = tpu.memref_squeeze %dma_start3A_207 : memref<1x128xi32, #tpu.memory_space<vmem>> -> memref<128xi32, #tpu.memory_space<vmem>>
    %dma_start3A_209 = arith.constant 0 : i32
    %dma_start3A_210 = arith.constant 0 : i32
    %dma_start3A_211 = tpu.memref_slice %arg2[%dma_start3A_209, %dma_start3A_210] : memref<102400x128xf32, #tpu.memory_space<hbm>> -> memref<102400x128xf32, #tpu.memory_space<hbm>>
    tpu.enqueue_indirect_dma source(%dma_start3A_211 : memref<102400x128xf32, #tpu.memory_space<hbm>>) target(%arg9 : memref<128x128xf32, #tpu.memory_space<vmem>>) offsets(%dma_start3A_208 : memref<128xi32, #tpu.memory_space<vmem>>) semaphore(%arg12 : memref<!tpu.dma_semaphore, #tpu.memory_space<semaphore_mem>>)
    %dma_wait3A_212 = arith.constant 0 : i32
    %dma_wait3A_213 = arith.constant 0 : i32
    %dma_wait3A_214 = tpu.memref_slice %arg7[%dma_wait3A_212, %dma_wait3A_213] : memref<40x128xi32, #tpu.memory_space<vmem>> -> memref<1x128xi32, #tpu.memory_space<vmem>>
    %dma_wait3A_215 = tpu.memref_squeeze %dma_wait3A_214 : memref<1x128xi32, #tpu.memory_space<vmem>> -> memref<128xi32, #tpu.memory_space<vmem>>
    %dma_wait3A_216 = arith.constant 0 : i32
    %dma_wait3A_217 = arith.constant 0 : i32
    %dma_wait3A_218 = tpu.memref_slice %arg2[%dma_wait3A_216, %dma_wait3A_217] : memref<102400x128xf32, #tpu.memory_space<hbm>> -> memref<102400x128xf32, #tpu.memory_space<hbm>>
    tpu.wait_indirect_dma semaphore(%arg12 : memref<!tpu.dma_semaphore, #tpu.memory_space<semaphore_mem>>) src(%dma_wait3A_218 : memref<102400x128xf32, #tpu.memory_space<hbm>>) dst(%arg9 : memref<128x128xf32, #tpu.memory_space<vmem>>)
    %dma_start3A_219 = arith.constant 1 : i32
    %dma_start3A_220 = arith.constant 0 : i32
    %dma_start3A_221 = tpu.memref_slice %arg7[%dma_start3A_219, %dma_start3A_220] : memref<40x128xi32, #tpu.memory_space<vmem>> -> memref<1x128xi32, #tpu.memory_space<vmem>>
    %dma_start3A_222 = tpu.memref_squeeze %dma_start3A_221 : memref<1x128xi32, #tpu.memory_space<vmem>> -> memref<128xi32, #tpu.memory_space<vmem>>
    %dma_start3A_223 = arith.constant 0 : i32
    %dma_start3A_224 = arith.constant 0 : i32
    %dma_start3A_225 = tpu.memref_slice %arg2[%dma_start3A_223, %dma_start3A_224] : memref<102400x128xf32, #tpu.memory_space<hbm>> -> memref<102400x128xf32, #tpu.memory_space<hbm>>
    tpu.enqueue_indirect_dma source(%dma_start3A_225 : memref<102400x128xf32, #tpu.memory_space<hbm>>) target(%arg10 : memref<128x128xf32, #tpu.memory_space<vmem>>) offsets(%dma_start3A_222 : memref<128xi32, #tpu.memory_space<vmem>>) semaphore(%arg13 : memref<!tpu.dma_semaphore, #tpu.memory_space<semaphore_mem>>)
    %dma_start3A_226 = arith.constant 0 : i32
    %dma_start3A_227 = arith.constant 0 : i32
    %dma_start3A_228 = tpu.memref_slice %arg8[%dma_start3A_226, %dma_start3A_227] : memref<40x128xi32, #tpu.memory_space<vmem>> -> memref<1x128xi32, #tpu.memory_space<vmem>>
    %dma_start3A_229 = tpu.memref_squeeze %dma_start3A_228 : memref<1x128xi32, #tpu.memory_space<vmem>> -> memref<128xi32, #tpu.memory_space<vmem>>
    %dma_start3A_230 = arith.constant 0 : i32
    %dma_start3A_231 = arith.constant 0 : i32
    %dma_start3A_232 = tpu.memref_slice %arg11[%dma_start3A_230, %dma_start3A_231] : memref<10240x128xf32, #tpu.memory_space<vmem_shared>> -> memref<10240x128xf32, #tpu.memory_space<vmem_shared>>
    tpu.enqueue_indirect_dma source(%arg9 : memref<128x128xf32, #tpu.memory_space<vmem>>) target(%dma_start3A_232 : memref<10240x128xf32, #tpu.memory_space<vmem_shared>>) offsets(%dma_start3A_229 : memref<128xi32, #tpu.memory_space<vmem>>) semaphore(%arg14 : memref<!tpu.dma_semaphore, #tpu.memory_space<semaphore_mem>>) {add = true}
    %scan3A_233 = arith.constant 0 : i32
    %scan3A_234 = arith.constant 19 : i32
    %scan3A_235 = arith.addi %scan3A_233, %scan3A_234 : i32
    %scan3A_236 = arith.constant 1 : i32
    scf.for %scan3A_690 = %scan3A_233 to %scan3A_235 step %scan3A_236  : i32 {
      %mul3A_691 = arith.constant 1 : i32
      %mul3A_692 = arith.muli %scan3A_690, %mul3A_691 : i32
      %add3A_693 = arith.constant 0 : i32
      %add3A_694 = arith.addi %add3A_693, %mul3A_692 : i32
      %mul3A_695 = arith.constant 2 : i32
      %mul3A_696 = arith.muli %mul3A_695, %add3A_694 : i32
      %add3A_697 = arith.constant 1 : i32
      %add3A_698 = arith.addi %add3A_697, %mul3A_696 : i32
      %dma_wait3A_699 = arith.constant 0 : i32
      %dma_wait3A_700 = arith.constant 0 : i32
      %dma_wait3A_701 = tpu.memref_slice %arg8[%dma_wait3A_699, %dma_wait3A_700] : memref<40x128xi32, #tpu.memory_space<vmem>> -> memref<1x128xi32, #tpu.memory_space<vmem>>
      %dma_wait3A_702 = tpu.memref_squeeze %dma_wait3A_701 : memref<1x128xi32, #tpu.memory_space<vmem>> -> memref<128xi32, #tpu.memory_space<vmem>>
      %dma_wait3A_703 = arith.constant 0 : i32
      %dma_wait3A_704 = arith.constant 0 : i32
      %dma_wait3A_705 = tpu.memref_slice %arg11[%dma_wait3A_703, %dma_wait3A_704] : memref<10240x128xf32, #tpu.memory_space<vmem_shared>> -> memref<10240x128xf32, #tpu.memory_space<vmem_shared>>
      tpu.wait_indirect_dma semaphore(%arg14 : memref<!tpu.dma_semaphore, #tpu.memory_space<semaphore_mem>>) src(%arg9 : memref<128x128xf32, #tpu.memory_space<vmem>>) dst(%dma_wait3A_705 : memref<10240x128xf32, #tpu.memory_space<vmem_shared>>)
      %dma_wait3A_706 = arith.constant 0 : i32
      %dma_wait3A_707 = arith.constant 0 : i32
      %dma_wait3A_708 = tpu.memref_slice %arg7[%dma_wait3A_706, %dma_wait3A_707] : memref<40x128xi32, #tpu.memory_space<vmem>> -> memref<1x128xi32, #tpu.memory_space<vmem>>
      %dma_wait3A_709 = tpu.memref_squeeze %dma_wait3A_708 : memref<1x128xi32, #tpu.memory_space<vmem>> -> memref<128xi32, #tpu.memory_space<vmem>>
      %dma_wait3A_710 = arith.constant 0 : i32
      %dma_wait3A_711 = arith.constant 0 : i32
      %dma_wait3A_712 = tpu.memref_slice %arg2[%dma_wait3A_710, %dma_wait3A_711] : memref<102400x128xf32, #tpu.memory_space<hbm>> -> memref<102400x128xf32, #tpu.memory_space<hbm>>
      tpu.wait_indirect_dma semaphore(%arg13 : memref<!tpu.dma_semaphore, #tpu.memory_space<semaphore_mem>>) src(%dma_wait3A_712 : memref<102400x128xf32, #tpu.memory_space<hbm>>) dst(%arg10 : memref<128x128xf32, #tpu.memory_space<vmem>>)
      %add3A_713 = arith.constant 1 : i32
      %add3A_714 = arith.addi %add3A_698, %add3A_713 : i32
      %dma_start3A_715 = arith.constant 0 : i32
      %dma_start3A_716 = tpu.memref_slice %arg7[%add3A_714, %dma_start3A_715] : memref<40x128xi32, #tpu.memory_space<vmem>> -> memref<1x128xi32, #tpu.memory_space<vmem>>
      %dma_start3A_717 = tpu.memref_squeeze %dma_start3A_716 : memref<1x128xi32, #tpu.memory_space<vmem>> -> memref<128xi32, #tpu.memory_space<vmem>>
      %dma_start3A_718 = arith.constant 0 : i32
      %dma_start3A_719 = arith.constant 0 : i32
      %dma_start3A_720 = tpu.memref_slice %arg2[%dma_start3A_718, %dma_start3A_719] : memref<102400x128xf32, #tpu.memory_space<hbm>> -> memref<102400x128xf32, #tpu.memory_space<hbm>>
      tpu.enqueue_indirect_dma source(%dma_start3A_720 : memref<102400x128xf32, #tpu.memory_space<hbm>>) target(%arg9 : memref<128x128xf32, #tpu.memory_space<vmem>>) offsets(%dma_start3A_717 : memref<128xi32, #tpu.memory_space<vmem>>) semaphore(%arg12 : memref<!tpu.dma_semaphore, #tpu.memory_space<semaphore_mem>>)
      %dma_start3A_721 = arith.constant 0 : i32
      %dma_start3A_722 = tpu.memref_slice %arg8[%add3A_698, %dma_start3A_721] : memref<40x128xi32, #tpu.memory_space<vmem>> -> memref<1x128xi32, #tpu.memory_space<vmem>>
      %dma_start3A_723 = tpu.memref_squeeze %dma_start3A_722 : memref<1x128xi32, #tpu.memory_space<vmem>> -> memref<128xi32, #tpu.memory_space<vmem>>
      %dma_start3A_724 = arith.constant 0 : i32
      %dma_start3A_725 = arith.constant 0 : i32
      %dma_start3A_726 = tpu.memref_slice %arg11[%dma_start3A_724, %dma_start3A_725] : memref<10240x128xf32, #tpu.memory_space<vmem_shared>> -> memref<10240x128xf32, #tpu.memory_space<vmem_shared>>
      tpu.enqueue_indirect_dma source(%arg10 : memref<128x128xf32, #tpu.memory_space<vmem>>) target(%dma_start3A_726 : memref<10240x128xf32, #tpu.memory_space<vmem_shared>>) offsets(%dma_start3A_723 : memref<128xi32, #tpu.memory_space<vmem>>) semaphore(%arg15 : memref<!tpu.dma_semaphore, #tpu.memory_space<semaphore_mem>>) {add = true}
      %dma_wait3A_727 = arith.constant 0 : i32
      %dma_wait3A_728 = arith.constant 0 : i32
      %dma_wait3A_729 = tpu.memref_slice %arg8[%dma_wait3A_727, %dma_wait3A_728] : memref<40x128xi32, #tpu.memory_space<vmem>> -> memref<1x128xi32, #tpu.memory_space<vmem>>
      %dma_wait3A_730 = tpu.memref_squeeze %dma_wait3A_729 : memref<1x128xi32, #tpu.memory_space<vmem>> -> memref<128xi32, #tpu.memory_space<vmem>>
      %dma_wait3A_731 = arith.constant 0 : i32
      %dma_wait3A_732 = arith.constant 0 : i32
      %dma_wait3A_733 = tpu.memref_slice %arg11[%dma_wait3A_731, %dma_wait3A_732] : memref<10240x128xf32, #tpu.memory_space<vmem_shared>> -> memref<10240x128xf32, #tpu.memory_space<vmem_shared>>
      tpu.wait_indirect_dma semaphore(%arg15 : memref<!tpu.dma_semaphore, #tpu.memory_space<semaphore_mem>>) src(%arg10 : memref<128x128xf32, #tpu.memory_space<vmem>>) dst(%dma_wait3A_733 : memref<10240x128xf32, #tpu.memory_space<vmem_shared>>)
      %dma_wait3A_734 = arith.constant 0 : i32
      %dma_wait3A_735 = arith.constant 0 : i32
      %dma_wait3A_736 = tpu.memref_slice %arg7[%dma_wait3A_734, %dma_wait3A_735] : memref<40x128xi32, #tpu.memory_space<vmem>> -> memref<1x128xi32, #tpu.memory_space<vmem>>
      %dma_wait3A_737 = tpu.memref_squeeze %dma_wait3A_736 : memref<1x128xi32, #tpu.memory_space<vmem>> -> memref<128xi32, #tpu.memory_space<vmem>>
      %dma_wait3A_738 = arith.constant 0 : i32
      %dma_wait3A_739 = arith.constant 0 : i32
      %dma_wait3A_740 = tpu.memref_slice %arg2[%dma_wait3A_738, %dma_wait3A_739] : memref<102400x128xf32, #tpu.memory_space<hbm>> -> memref<102400x128xf32, #tpu.memory_space<hbm>>
      tpu.wait_indirect_dma semaphore(%arg12 : memref<!tpu.dma_semaphore, #tpu.memory_space<semaphore_mem>>) src(%dma_wait3A_740 : memref<102400x128xf32, #tpu.memory_space<hbm>>) dst(%arg9 : memref<128x128xf32, #tpu.memory_space<vmem>>)
      %add3A_741 = arith.constant 2 : i32
      %add3A_742 = arith.addi %add3A_698, %add3A_741 : i32
      %dma_start3A_743 = arith.constant 0 : i32
      %dma_start3A_744 = tpu.memref_slice %arg7[%add3A_742, %dma_start3A_743] : memref<40x128xi32, #tpu.memory_space<vmem>> -> memref<1x128xi32, #tpu.memory_space<vmem>>
      %dma_start3A_745 = tpu.memref_squeeze %dma_start3A_744 : memref<1x128xi32, #tpu.memory_space<vmem>> -> memref<128xi32, #tpu.memory_space<vmem>>
      %dma_start3A_746 = arith.constant 0 : i32
      %dma_start3A_747 = arith.constant 0 : i32
      %dma_start3A_748 = tpu.memref_slice %arg2[%dma_start3A_746, %dma_start3A_747] : memref<102400x128xf32, #tpu.memory_space<hbm>> -> memref<102400x128xf32, #tpu.memory_space<hbm>>
      tpu.enqueue_indirect_dma source(%dma_start3A_748 : memref<102400x128xf32, #tpu.memory_space<hbm>>) target(%arg10 : memref<128x128xf32, #tpu.memory_space<vmem>>) offsets(%dma_start3A_745 : memref<128xi32, #tpu.memory_space<vmem>>) semaphore(%arg13 : memref<!tpu.dma_semaphore, #tpu.memory_space<semaphore_mem>>)
      %add3A_749 = arith.constant 1 : i32
      %add3A_750 = arith.addi %add3A_698, %add3A_749 : i32
      %dma_start3A_751 = arith.constant 0 : i32
      %dma_start3A_752 = tpu.memref_slice %arg8[%add3A_750, %dma_start3A_751] : memref<40x128xi32, #tpu.memory_space<vmem>> -> memref<1x128xi32, #tpu.memory_space<vmem>>
      %dma_start3A_753 = tpu.memref_squeeze %dma_start3A_752 : memref<1x128xi32, #tpu.memory_space<vmem>> -> memref<128xi32, #tpu.memory_space<vmem>>
      %dma_start3A_754 = arith.constant 0 : i32
      %dma_start3A_755 = arith.constant 0 : i32
      %dma_start3A_756 = tpu.memref_slice %arg11[%dma_start3A_754, %dma_start3A_755] : memref<10240x128xf32, #tpu.memory_space<vmem_shared>> -> memref<10240x128xf32, #tpu.memory_space<vmem_shared>>
      tpu.enqueue_indirect_dma source(%arg9 : memref<128x128xf32, #tpu.memory_space<vmem>>) target(%dma_start3A_756 : memref<10240x128xf32, #tpu.memory_space<vmem_shared>>) offsets(%dma_start3A_753 : memref<128xi32, #tpu.memory_space<vmem>>) semaphore(%arg14 : memref<!tpu.dma_semaphore, #tpu.memory_space<semaphore_mem>>) {add = true}
    }
    %scan3A_237 = arith.constant 19 : i32
    %dma_wait3A_238 = arith.constant 0 : i32
    %dma_wait3A_239 = arith.constant 0 : i32
    %dma_wait3A_240 = tpu.memref_slice %arg8[%dma_wait3A_238, %dma_wait3A_239] : memref<40x128xi32, #tpu.memory_space<vmem>> -> memref<1x128xi32, #tpu.memory_space<vmem>>
    %dma_wait3A_241 = tpu.memref_squeeze %dma_wait3A_240 : memref<1x128xi32, #tpu.memory_space<vmem>> -> memref<128xi32, #tpu.memory_space<vmem>>
    %dma_wait3A_242 = arith.constant 0 : i32
    %dma_wait3A_243 = arith.constant 0 : i32
    %dma_wait3A_244 = tpu.memref_slice %arg11[%dma_wait3A_242, %dma_wait3A_243] : memref<10240x128xf32, #tpu.memory_space<vmem_shared>> -> memref<10240x128xf32, #tpu.memory_space<vmem_shared>>
    tpu.wait_indirect_dma semaphore(%arg14 : memref<!tpu.dma_semaphore, #tpu.memory_space<semaphore_mem>>) src(%arg9 : memref<128x128xf32, #tpu.memory_space<vmem>>) dst(%dma_wait3A_244 : memref<10240x128xf32, #tpu.memory_space<vmem_shared>>)
    %dma_wait3A_245 = arith.constant 0 : i32
    %dma_wait3A_246 = arith.constant 0 : i32
    %dma_wait3A_247 = tpu.memref_slice %arg7[%dma_wait3A_245, %dma_wait3A_246] : memref<40x128xi32, #tpu.memory_space<vmem>> -> memref<1x128xi32, #tpu.memory_space<vmem>>
    %dma_wait3A_248 = tpu.memref_squeeze %dma_wait3A_247 : memref<1x128xi32, #tpu.memory_space<vmem>> -> memref<128xi32, #tpu.memory_space<vmem>>
    %dma_wait3A_249 = arith.constant 0 : i32
    %dma_wait3A_250 = arith.constant 0 : i32
    %dma_wait3A_251 = tpu.memref_slice %arg2[%dma_wait3A_249, %dma_wait3A_250] : memref<102400x128xf32, #tpu.memory_space<hbm>> -> memref<102400x128xf32, #tpu.memory_space<hbm>>
    tpu.wait_indirect_dma semaphore(%arg13 : memref<!tpu.dma_semaphore, #tpu.memory_space<semaphore_mem>>) src(%dma_wait3A_251 : memref<102400x128xf32, #tpu.memory_space<hbm>>) dst(%arg10 : memref<128x128xf32, #tpu.memory_space<vmem>>)
    %dma_start3A_252 = arith.constant 39 : i32
    %dma_start3A_253 = arith.constant 0 : i32
    %dma_start3A_254 = tpu.memref_slice %arg8[%dma_start3A_252, %dma_start3A_253] : memref<40x128xi32, #tpu.memory_space<vmem>> -> memref<1x128xi32, #tpu.memory_space<vmem>>
    %dma_start3A_255 = tpu.memref_squeeze %dma_start3A_254 : memref<1x128xi32, #tpu.memory_space<vmem>> -> memref<128xi32, #tpu.memory_space<vmem>>
    %dma_start3A_256 = arith.constant 0 : i32
    %dma_start3A_257 = arith.constant 0 : i32
    %dma_start3A_258 = tpu.memref_slice %arg11[%dma_start3A_256, %dma_start3A_257] : memref<10240x128xf32, #tpu.memory_space<vmem_shared>> -> memref<10240x128xf32, #tpu.memory_space<vmem_shared>>
    tpu.enqueue_indirect_dma source(%arg10 : memref<128x128xf32, #tpu.memory_space<vmem>>) target(%dma_start3A_258 : memref<10240x128xf32, #tpu.memory_space<vmem_shared>>) offsets(%dma_start3A_255 : memref<128xi32, #tpu.memory_space<vmem>>) semaphore(%arg15 : memref<!tpu.dma_semaphore, #tpu.memory_space<semaphore_mem>>) {add = true}
    %dma_wait3A_259 = arith.constant 0 : i32
    %dma_wait3A_260 = arith.constant 0 : i32
    %dma_wait3A_261 = tpu.memref_slice %arg8[%dma_wait3A_259, %dma_wait3A_260] : memref<40x128xi32, #tpu.memory_space<vmem>> -> memref<1x128xi32, #tpu.memory_space<vmem>>
    %dma_wait3A_262 = tpu.memref_squeeze %dma_wait3A_261 : memref<1x128xi32, #tpu.memory_space<vmem>> -> memref<128xi32, #tpu.memory_space<vmem>>
    %dma_wait3A_263 = arith.constant 0 : i32
    %dma_wait3A_264 = arith.constant 0 : i32
    %dma_wait3A_265 = tpu.memref_slice %arg11[%dma_wait3A_263, %dma_wait3A_264] : memref<10240x128xf32, #tpu.memory_space<vmem_shared>> -> memref<10240x128xf32, #tpu.memory_space<vmem_shared>>
    tpu.wait_indirect_dma semaphore(%arg15 : memref<!tpu.dma_semaphore, #tpu.memory_space<semaphore_mem>>) src(%arg10 : memref<128x128xf32, #tpu.memory_space<vmem>>) dst(%dma_wait3A_265 : memref<10240x128xf32, #tpu.memory_space<vmem_shared>>)
    %barrier3A_266 = arith.constant 0 : index
    tpu.barrier barrier_id(%barrier3A_266)
    %add3A_267 = arith.constant 2 : i32
    %add3A_268 = arith.addi %add3A_267, %arg0 : i32
    %mul3A_269 = arith.constant 10240 : i32
    %mul3A_270 = arith.muli %add3A_268, %mul3A_269 : i32
    %add3A_271 = arith.addi %mul3A_270, %mul3A_0 : i32
    "tpu.region"() ({
      %run_scoped3A_690 = tpu.sem_alloc : memref<!tpu.dma_semaphore, #tpu.memory_space<semaphore_mem>>
      %dma_start3A_691 = arith.constant 0 : i32
      %dma_start3A_692 = tpu.memref_slice %arg6[%add3A_271, %dma_start3A_691] : memref<102400x128xf32, #tpu.memory_space<hbm>> -> memref<640x128xf32, #tpu.memory_space<hbm>>
      %dma_start3A_693 = arith.constant 0 : i32
      %dma_start3A_694 = tpu.memref_slice %arg11[%mul3A_0, %dma_start3A_693] : memref<10240x128xf32, #tpu.memory_space<vmem_shared>> -> memref<640x128xf32, #tpu.memory_space<vmem_shared>>
      tpu.enqueue_dma source(%dma_start3A_694 : memref<640x128xf32, #tpu.memory_space<vmem_shared>>) target(%dma_start3A_692 : memref<640x128xf32, #tpu.memory_space<hbm>>) target_semaphore(%run_scoped3A_690 : memref<!tpu.dma_semaphore, #tpu.memory_space<semaphore_mem>>)
      %dma_wait3A_695 = arith.constant 0 : i32
      %dma_wait3A_696 = tpu.memref_slice %arg6[%add3A_271, %dma_wait3A_695] : memref<102400x128xf32, #tpu.memory_space<hbm>> -> memref<640x128xf32, #tpu.memory_space<hbm>>
      %dma_wait3A_697 = arith.constant 0 : i32
      %dma_wait3A_698 = tpu.memref_slice %arg11[%mul3A_0, %dma_wait3A_697] : memref<10240x128xf32, #tpu.memory_space<vmem_shared>> -> memref<640x128xf32, #tpu.memory_space<vmem_shared>>
      tpu.wait_dma2 semaphore(%run_scoped3A_690 : memref<!tpu.dma_semaphore, #tpu.memory_space<semaphore_mem>>) src(%dma_wait3A_698 : memref<640x128xf32, #tpu.memory_space<vmem_shared>>) dst(%dma_wait3A_696 : memref<640x128xf32, #tpu.memory_space<hbm>>)
      tpu.yield
    }) : () -> ()
    %barrier3A_272 = arith.constant 0 : index
    tpu.barrier barrier_id(%barrier3A_272)
    "tpu.region"() ({
      %run_scoped3A_690 = tpu.sem_alloc : memref<!tpu.dma_semaphore, #tpu.memory_space<semaphore_mem>>
      tpu.enqueue_dma source(%arg5 : memref<128x128xf32, #tpu.memory_space<hbm>>) target(%arg9 : memref<128x128xf32, #tpu.memory_space<vmem>>) target_semaphore(%run_scoped3A_690 : memref<!tpu.dma_semaphore, #tpu.memory_space<semaphore_mem>>)
      tpu.wait_dma2 semaphore(%run_scoped3A_690 : memref<!tpu.dma_semaphore, #tpu.memory_space<semaphore_mem>>) src(%arg5 : memref<128x128xf32, #tpu.memory_space<hbm>>) dst(%arg9 : memref<128x128xf32, #tpu.memory_space<vmem>>)
      tpu.yield
    }) : () -> ()
    %scan3A_273 = arith.constant 0 : i32
    %scan3A_274 = arith.constant 5 : i32
    %scan3A_275 = arith.addi %scan3A_273, %scan3A_274 : i32
    %scan3A_276 = arith.constant 1 : i32
    scf.for %scan3A_690 = %scan3A_273 to %scan3A_275 step %scan3A_276  : i32 {
      %mul3A_691 = arith.constant 1 : i32
      %mul3A_692 = arith.muli %scan3A_690, %mul3A_691 : i32
      %add3A_693 = arith.constant 0 : i32
      %add3A_694 = arith.addi %add3A_693, %mul3A_692 : i32
      %mul3A_695 = arith.constant 128 : i32
      %mul3A_696 = arith.muli %add3A_694, %mul3A_695 : i32
      %add3A_697 = arith.addi %mul3A_0, %mul3A_696 : i32
      "tpu.region"() ({
        %run_scoped3A_698 = tpu.sem_alloc : memref<!tpu.dma_semaphore, #tpu.memory_space<semaphore_mem>>
        %dma_start3A_699 = arith.constant 0 : i32
        %dma_start3A_700 = tpu.memref_slice %arg11[%add3A_697, %dma_start3A_699] : memref<10240x128xf32, #tpu.memory_space<vmem_shared>> -> memref<128x128xf32, #tpu.memory_space<vmem_shared>>
        %dma_start3A_701 = arith.constant 0 : i32
        %dma_start3A_702 = tpu.memref_slice %arg11[%add3A_697, %dma_start3A_701] : memref<10240x128xf32, #tpu.memory_space<vmem_shared>> -> memref<128x128xf32, #tpu.memory_space<vmem_shared>>
        tpu.enqueue_dma source(%arg9 : memref<128x128xf32, #tpu.memory_space<vmem>>) target(%dma_start3A_702 : memref<128x128xf32, #tpu.memory_space<vmem_shared>>) target_semaphore(%run_scoped3A_698 : memref<!tpu.dma_semaphore, #tpu.memory_space<semaphore_mem>>)
        %dma_wait3A_703 = arith.constant 0 : i32
        %dma_wait3A_704 = tpu.memref_slice %arg11[%add3A_697, %dma_wait3A_703] : memref<10240x128xf32, #tpu.memory_space<vmem_shared>> -> memref<128x128xf32, #tpu.memory_space<vmem_shared>>
        %dma_wait3A_705 = arith.constant 0 : i32
        %dma_wait3A_706 = tpu.memref_slice %arg11[%add3A_697, %dma_wait3A_705] : memref<10240x128xf32, #tpu.memory_space<vmem_shared>> -> memref<128x128xf32, #tpu.memory_space<vmem_shared>>
        tpu.wait_dma2 semaphore(%run_scoped3A_698 : memref<!tpu.dma_semaphore, #tpu.memory_space<semaphore_mem>>) src(%arg9 : memref<128x128xf32, #tpu.memory_space<vmem>>) dst(%dma_wait3A_706 : memref<128x128xf32, #tpu.memory_space<vmem_shared>>)
        tpu.yield
      }) : () -> ()
    }
    %scan3A_277 = arith.constant 5 : i32
    %barrier3A_278 = arith.constant 0 : index
    tpu.barrier barrier_id(%barrier3A_278)
    %run_scoped3A_279 = arith.constant 2 : i32
    "tpu.region"() ({
      %run_scoped3A_690 = tpu.sem_alloc : memref<!tpu.dma_semaphore, #tpu.memory_space<semaphore_mem>>
      %dma_start3A_691 = arith.constant 0 : i32
      %dma_start3A_692 = arith.constant 0 : i32
      %dma_start3A_693 = tpu.memref_slice %arg3[%run_scoped3A_279, %arg0, %arg1, %dma_start3A_691, %dma_start3A_692] : memref<5x2x16x80x128xi32, #tpu.memory_space<hbm>> -> memref<1x1x1x40x128xi32, #tpu.memory_space<hbm>>
      %dma_start3A_694 = tpu.memref_squeeze %dma_start3A_693 : memref<1x1x1x40x128xi32, #tpu.memory_space<hbm>> -> memref<40x128xi32, #tpu.memory_space<hbm>>
      %dma_start3A_695 = arith.constant 0 : i32
      %dma_start3A_696 = arith.constant 0 : i32
      %dma_start3A_697 = tpu.memref_slice %arg3[%run_scoped3A_279, %arg0, %arg1, %dma_start3A_695, %dma_start3A_696] : memref<5x2x16x80x128xi32, #tpu.memory_space<hbm>> -> memref<1x1x1x40x128xi32, #tpu.memory_space<hbm>>
      %dma_start3A_698 = tpu.memref_squeeze %dma_start3A_697 : memref<1x1x1x40x128xi32, #tpu.memory_space<hbm>> -> memref<40x128xi32, #tpu.memory_space<hbm>>
      tpu.enqueue_dma source(%dma_start3A_698 : memref<40x128xi32, #tpu.memory_space<hbm>>) target(%arg7 : memref<40x128xi32, #tpu.memory_space<vmem>>) target_semaphore(%run_scoped3A_690 : memref<!tpu.dma_semaphore, #tpu.memory_space<semaphore_mem>>)
      %dma_wait3A_699 = arith.constant 0 : i32
      %dma_wait3A_700 = arith.constant 0 : i32
      %dma_wait3A_701 = tpu.memref_slice %arg3[%run_scoped3A_279, %arg0, %arg1, %dma_wait3A_699, %dma_wait3A_700] : memref<5x2x16x80x128xi32, #tpu.memory_space<hbm>> -> memref<1x1x1x40x128xi32, #tpu.memory_space<hbm>>
      %dma_wait3A_702 = tpu.memref_squeeze %dma_wait3A_701 : memref<1x1x1x40x128xi32, #tpu.memory_space<hbm>> -> memref<40x128xi32, #tpu.memory_space<hbm>>
      %dma_wait3A_703 = arith.constant 0 : i32
      %dma_wait3A_704 = arith.constant 0 : i32
      %dma_wait3A_705 = tpu.memref_slice %arg3[%run_scoped3A_279, %arg0, %arg1, %dma_wait3A_703, %dma_wait3A_704] : memref<5x2x16x80x128xi32, #tpu.memory_space<hbm>> -> memref<1x1x1x40x128xi32, #tpu.memory_space<hbm>>
      %dma_wait3A_706 = tpu.memref_squeeze %dma_wait3A_705 : memref<1x1x1x40x128xi32, #tpu.memory_space<hbm>> -> memref<40x128xi32, #tpu.memory_space<hbm>>
      tpu.wait_dma2 semaphore(%run_scoped3A_690 : memref<!tpu.dma_semaphore, #tpu.memory_space<semaphore_mem>>) src(%dma_wait3A_706 : memref<40x128xi32, #tpu.memory_space<hbm>>) dst(%arg7 : memref<40x128xi32, #tpu.memory_space<vmem>>)
      tpu.yield
    }) : () -> ()
    %run_scoped3A_280 = arith.constant 2 : i32
    "tpu.region"() ({
      %run_scoped3A_690 = tpu.sem_alloc : memref<!tpu.dma_semaphore, #tpu.memory_space<semaphore_mem>>
      %dma_start3A_691 = arith.constant 0 : i32
      %dma_start3A_692 = arith.constant 0 : i32
      %dma_start3A_693 = tpu.memref_slice %arg4[%run_scoped3A_280, %arg1, %dma_start3A_691, %dma_start3A_692] : memref<5x16x80x128xi32, #tpu.memory_space<hbm>> -> memref<1x1x40x128xi32, #tpu.memory_space<hbm>>
      %dma_start3A_694 = tpu.memref_squeeze %dma_start3A_693 : memref<1x1x40x128xi32, #tpu.memory_space<hbm>> -> memref<40x128xi32, #tpu.memory_space<hbm>>
      %dma_start3A_695 = arith.constant 0 : i32
      %dma_start3A_696 = arith.constant 0 : i32
      %dma_start3A_697 = tpu.memref_slice %arg4[%run_scoped3A_280, %arg1, %dma_start3A_695, %dma_start3A_696] : memref<5x16x80x128xi32, #tpu.memory_space<hbm>> -> memref<1x1x40x128xi32, #tpu.memory_space<hbm>>
      %dma_start3A_698 = tpu.memref_squeeze %dma_start3A_697 : memref<1x1x40x128xi32, #tpu.memory_space<hbm>> -> memref<40x128xi32, #tpu.memory_space<hbm>>
      tpu.enqueue_dma source(%dma_start3A_698 : memref<40x128xi32, #tpu.memory_space<hbm>>) target(%arg8 : memref<40x128xi32, #tpu.memory_space<vmem>>) target_semaphore(%run_scoped3A_690 : memref<!tpu.dma_semaphore, #tpu.memory_space<semaphore_mem>>)
      %dma_wait3A_699 = arith.constant 0 : i32
      %dma_wait3A_700 = arith.constant 0 : i32
      %dma_wait3A_701 = tpu.memref_slice %arg4[%run_scoped3A_280, %arg1, %dma_wait3A_699, %dma_wait3A_700] : memref<5x16x80x128xi32, #tpu.memory_space<hbm>> -> memref<1x1x40x128xi32, #tpu.memory_space<hbm>>
      %dma_wait3A_702 = tpu.memref_squeeze %dma_wait3A_701 : memref<1x1x40x128xi32, #tpu.memory_space<hbm>> -> memref<40x128xi32, #tpu.memory_space<hbm>>
      %dma_wait3A_703 = arith.constant 0 : i32
      %dma_wait3A_704 = arith.constant 0 : i32
      %dma_wait3A_705 = tpu.memref_slice %arg4[%run_scoped3A_280, %arg1, %dma_wait3A_703, %dma_wait3A_704] : memref<5x16x80x128xi32, #tpu.memory_space<hbm>> -> memref<1x1x40x128xi32, #tpu.memory_space<hbm>>
      %dma_wait3A_706 = tpu.memref_squeeze %dma_wait3A_705 : memref<1x1x40x128xi32, #tpu.memory_space<hbm>> -> memref<40x128xi32, #tpu.memory_space<hbm>>
      tpu.wait_dma2 semaphore(%run_scoped3A_690 : memref<!tpu.dma_semaphore, #tpu.memory_space<semaphore_mem>>) src(%dma_wait3A_706 : memref<40x128xi32, #tpu.memory_space<hbm>>) dst(%arg8 : memref<40x128xi32, #tpu.memory_space<vmem>>)
      tpu.yield
    }) : () -> ()
    %dma_start3A_281 = arith.constant 0 : i32
    %dma_start3A_282 = arith.constant 0 : i32
    %dma_start3A_283 = tpu.memref_slice %arg7[%dma_start3A_281, %dma_start3A_282] : memref<40x128xi32, #tpu.memory_space<vmem>> -> memref<1x128xi32, #tpu.memory_space<vmem>>
    %dma_start3A_284 = tpu.memref_squeeze %dma_start3A_283 : memref<1x128xi32, #tpu.memory_space<vmem>> -> memref<128xi32, #tpu.memory_space<vmem>>
    %dma_start3A_285 = arith.constant 0 : i32
    %dma_start3A_286 = arith.constant 0 : i32
    %dma_start3A_287 = tpu.memref_slice %arg2[%dma_start3A_285, %dma_start3A_286] : memref<102400x128xf32, #tpu.memory_space<hbm>> -> memref<102400x128xf32, #tpu.memory_space<hbm>>
    tpu.enqueue_indirect_dma source(%dma_start3A_287 : memref<102400x128xf32, #tpu.memory_space<hbm>>) target(%arg9 : memref<128x128xf32, #tpu.memory_space<vmem>>) offsets(%dma_start3A_284 : memref<128xi32, #tpu.memory_space<vmem>>) semaphore(%arg12 : memref<!tpu.dma_semaphore, #tpu.memory_space<semaphore_mem>>)
    %dma_wait3A_288 = arith.constant 0 : i32
    %dma_wait3A_289 = arith.constant 0 : i32
    %dma_wait3A_290 = tpu.memref_slice %arg7[%dma_wait3A_288, %dma_wait3A_289] : memref<40x128xi32, #tpu.memory_space<vmem>> -> memref<1x128xi32, #tpu.memory_space<vmem>>
    %dma_wait3A_291 = tpu.memref_squeeze %dma_wait3A_290 : memref<1x128xi32, #tpu.memory_space<vmem>> -> memref<128xi32, #tpu.memory_space<vmem>>
    %dma_wait3A_292 = arith.constant 0 : i32
    %dma_wait3A_293 = arith.constant 0 : i32
    %dma_wait3A_294 = tpu.memref_slice %arg2[%dma_wait3A_292, %dma_wait3A_293] : memref<102400x128xf32, #tpu.memory_space<hbm>> -> memref<102400x128xf32, #tpu.memory_space<hbm>>
    tpu.wait_indirect_dma semaphore(%arg12 : memref<!tpu.dma_semaphore, #tpu.memory_space<semaphore_mem>>) src(%dma_wait3A_294 : memref<102400x128xf32, #tpu.memory_space<hbm>>) dst(%arg9 : memref<128x128xf32, #tpu.memory_space<vmem>>)
    %dma_start3A_295 = arith.constant 1 : i32
    %dma_start3A_296 = arith.constant 0 : i32
    %dma_start3A_297 = tpu.memref_slice %arg7[%dma_start3A_295, %dma_start3A_296] : memref<40x128xi32, #tpu.memory_space<vmem>> -> memref<1x128xi32, #tpu.memory_space<vmem>>
    %dma_start3A_298 = tpu.memref_squeeze %dma_start3A_297 : memref<1x128xi32, #tpu.memory_space<vmem>> -> memref<128xi32, #tpu.memory_space<vmem>>
    %dma_start3A_299 = arith.constant 0 : i32
    %dma_start3A_300 = arith.constant 0 : i32
    %dma_start3A_301 = tpu.memref_slice %arg2[%dma_start3A_299, %dma_start3A_300] : memref<102400x128xf32, #tpu.memory_space<hbm>> -> memref<102400x128xf32, #tpu.memory_space<hbm>>
    tpu.enqueue_indirect_dma source(%dma_start3A_301 : memref<102400x128xf32, #tpu.memory_space<hbm>>) target(%arg10 : memref<128x128xf32, #tpu.memory_space<vmem>>) offsets(%dma_start3A_298 : memref<128xi32, #tpu.memory_space<vmem>>) semaphore(%arg13 : memref<!tpu.dma_semaphore, #tpu.memory_space<semaphore_mem>>)
    %dma_start3A_302 = arith.constant 0 : i32
    %dma_start3A_303 = arith.constant 0 : i32
    %dma_start3A_304 = tpu.memref_slice %arg8[%dma_start3A_302, %dma_start3A_303] : memref<40x128xi32, #tpu.memory_space<vmem>> -> memref<1x128xi32, #tpu.memory_space<vmem>>
    %dma_start3A_305 = tpu.memref_squeeze %dma_start3A_304 : memref<1x128xi32, #tpu.memory_space<vmem>> -> memref<128xi32, #tpu.memory_space<vmem>>
    %dma_start3A_306 = arith.constant 0 : i32
    %dma_start3A_307 = arith.constant 0 : i32
    %dma_start3A_308 = tpu.memref_slice %arg11[%dma_start3A_306, %dma_start3A_307] : memref<10240x128xf32, #tpu.memory_space<vmem_shared>> -> memref<10240x128xf32, #tpu.memory_space<vmem_shared>>
    tpu.enqueue_indirect_dma source(%arg9 : memref<128x128xf32, #tpu.memory_space<vmem>>) target(%dma_start3A_308 : memref<10240x128xf32, #tpu.memory_space<vmem_shared>>) offsets(%dma_start3A_305 : memref<128xi32, #tpu.memory_space<vmem>>) semaphore(%arg14 : memref<!tpu.dma_semaphore, #tpu.memory_space<semaphore_mem>>) {add = true}
    %scan3A_309 = arith.constant 0 : i32
    %scan3A_310 = arith.constant 19 : i32
    %scan3A_311 = arith.addi %scan3A_309, %scan3A_310 : i32
    %scan3A_312 = arith.constant 1 : i32
    scf.for %scan3A_690 = %scan3A_309 to %scan3A_311 step %scan3A_312  : i32 {
      %mul3A_691 = arith.constant 1 : i32
      %mul3A_692 = arith.muli %scan3A_690, %mul3A_691 : i32
      %add3A_693 = arith.constant 0 : i32
      %add3A_694 = arith.addi %add3A_693, %mul3A_692 : i32
      %mul3A_695 = arith.constant 2 : i32
      %mul3A_696 = arith.muli %mul3A_695, %add3A_694 : i32
      %add3A_697 = arith.constant 1 : i32
      %add3A_698 = arith.addi %add3A_697, %mul3A_696 : i32
      %dma_wait3A_699 = arith.constant 0 : i32
      %dma_wait3A_700 = arith.constant 0 : i32
      %dma_wait3A_701 = tpu.memref_slice %arg8[%dma_wait3A_699, %dma_wait3A_700] : memref<40x128xi32, #tpu.memory_space<vmem>> -> memref<1x128xi32, #tpu.memory_space<vmem>>
      %dma_wait3A_702 = tpu.memref_squeeze %dma_wait3A_701 : memref<1x128xi32, #tpu.memory_space<vmem>> -> memref<128xi32, #tpu.memory_space<vmem>>
      %dma_wait3A_703 = arith.constant 0 : i32
      %dma_wait3A_704 = arith.constant 0 : i32
      %dma_wait3A_705 = tpu.memref_slice %arg11[%dma_wait3A_703, %dma_wait3A_704] : memref<10240x128xf32, #tpu.memory_space<vmem_shared>> -> memref<10240x128xf32, #tpu.memory_space<vmem_shared>>
      tpu.wait_indirect_dma semaphore(%arg14 : memref<!tpu.dma_semaphore, #tpu.memory_space<semaphore_mem>>) src(%arg9 : memref<128x128xf32, #tpu.memory_space<vmem>>) dst(%dma_wait3A_705 : memref<10240x128xf32, #tpu.memory_space<vmem_shared>>)
      %dma_wait3A_706 = arith.constant 0 : i32
      %dma_wait3A_707 = arith.constant 0 : i32
      %dma_wait3A_708 = tpu.memref_slice %arg7[%dma_wait3A_706, %dma_wait3A_707] : memref<40x128xi32, #tpu.memory_space<vmem>> -> memref<1x128xi32, #tpu.memory_space<vmem>>
      %dma_wait3A_709 = tpu.memref_squeeze %dma_wait3A_708 : memref<1x128xi32, #tpu.memory_space<vmem>> -> memref<128xi32, #tpu.memory_space<vmem>>
      %dma_wait3A_710 = arith.constant 0 : i32
      %dma_wait3A_711 = arith.constant 0 : i32
      %dma_wait3A_712 = tpu.memref_slice %arg2[%dma_wait3A_710, %dma_wait3A_711] : memref<102400x128xf32, #tpu.memory_space<hbm>> -> memref<102400x128xf32, #tpu.memory_space<hbm>>
      tpu.wait_indirect_dma semaphore(%arg13 : memref<!tpu.dma_semaphore, #tpu.memory_space<semaphore_mem>>) src(%dma_wait3A_712 : memref<102400x128xf32, #tpu.memory_space<hbm>>) dst(%arg10 : memref<128x128xf32, #tpu.memory_space<vmem>>)
      %add3A_713 = arith.constant 1 : i32
      %add3A_714 = arith.addi %add3A_698, %add3A_713 : i32
      %dma_start3A_715 = arith.constant 0 : i32
      %dma_start3A_716 = tpu.memref_slice %arg7[%add3A_714, %dma_start3A_715] : memref<40x128xi32, #tpu.memory_space<vmem>> -> memref<1x128xi32, #tpu.memory_space<vmem>>
      %dma_start3A_717 = tpu.memref_squeeze %dma_start3A_716 : memref<1x128xi32, #tpu.memory_space<vmem>> -> memref<128xi32, #tpu.memory_space<vmem>>
      %dma_start3A_718 = arith.constant 0 : i32
      %dma_start3A_719 = arith.constant 0 : i32
      %dma_start3A_720 = tpu.memref_slice %arg2[%dma_start3A_718, %dma_start3A_719] : memref<102400x128xf32, #tpu.memory_space<hbm>> -> memref<102400x128xf32, #tpu.memory_space<hbm>>
      tpu.enqueue_indirect_dma source(%dma_start3A_720 : memref<102400x128xf32, #tpu.memory_space<hbm>>) target(%arg9 : memref<128x128xf32, #tpu.memory_space<vmem>>) offsets(%dma_start3A_717 : memref<128xi32, #tpu.memory_space<vmem>>) semaphore(%arg12 : memref<!tpu.dma_semaphore, #tpu.memory_space<semaphore_mem>>)
      %dma_start3A_721 = arith.constant 0 : i32
      %dma_start3A_722 = tpu.memref_slice %arg8[%add3A_698, %dma_start3A_721] : memref<40x128xi32, #tpu.memory_space<vmem>> -> memref<1x128xi32, #tpu.memory_space<vmem>>
      %dma_start3A_723 = tpu.memref_squeeze %dma_start3A_722 : memref<1x128xi32, #tpu.memory_space<vmem>> -> memref<128xi32, #tpu.memory_space<vmem>>
      %dma_start3A_724 = arith.constant 0 : i32
      %dma_start3A_725 = arith.constant 0 : i32
      %dma_start3A_726 = tpu.memref_slice %arg11[%dma_start3A_724, %dma_start3A_725] : memref<10240x128xf32, #tpu.memory_space<vmem_shared>> -> memref<10240x128xf32, #tpu.memory_space<vmem_shared>>
      tpu.enqueue_indirect_dma source(%arg10 : memref<128x128xf32, #tpu.memory_space<vmem>>) target(%dma_start3A_726 : memref<10240x128xf32, #tpu.memory_space<vmem_shared>>) offsets(%dma_start3A_723 : memref<128xi32, #tpu.memory_space<vmem>>) semaphore(%arg15 : memref<!tpu.dma_semaphore, #tpu.memory_space<semaphore_mem>>) {add = true}
      %dma_wait3A_727 = arith.constant 0 : i32
      %dma_wait3A_728 = arith.constant 0 : i32
      %dma_wait3A_729 = tpu.memref_slice %arg8[%dma_wait3A_727, %dma_wait3A_728] : memref<40x128xi32, #tpu.memory_space<vmem>> -> memref<1x128xi32, #tpu.memory_space<vmem>>
      %dma_wait3A_730 = tpu.memref_squeeze %dma_wait3A_729 : memref<1x128xi32, #tpu.memory_space<vmem>> -> memref<128xi32, #tpu.memory_space<vmem>>
      %dma_wait3A_731 = arith.constant 0 : i32
      %dma_wait3A_732 = arith.constant 0 : i32
      %dma_wait3A_733 = tpu.memref_slice %arg11[%dma_wait3A_731, %dma_wait3A_732] : memref<10240x128xf32, #tpu.memory_space<vmem_shared>> -> memref<10240x128xf32, #tpu.memory_space<vmem_shared>>
      tpu.wait_indirect_dma semaphore(%arg15 : memref<!tpu.dma_semaphore, #tpu.memory_space<semaphore_mem>>) src(%arg10 : memref<128x128xf32, #tpu.memory_space<vmem>>) dst(%dma_wait3A_733 : memref<10240x128xf32, #tpu.memory_space<vmem_shared>>)
      %dma_wait3A_734 = arith.constant 0 : i32
      %dma_wait3A_735 = arith.constant 0 : i32
      %dma_wait3A_736 = tpu.memref_slice %arg7[%dma_wait3A_734, %dma_wait3A_735] : memref<40x128xi32, #tpu.memory_space<vmem>> -> memref<1x128xi32, #tpu.memory_space<vmem>>
      %dma_wait3A_737 = tpu.memref_squeeze %dma_wait3A_736 : memref<1x128xi32, #tpu.memory_space<vmem>> -> memref<128xi32, #tpu.memory_space<vmem>>
      %dma_wait3A_738 = arith.constant 0 : i32
      %dma_wait3A_739 = arith.constant 0 : i32
      %dma_wait3A_740 = tpu.memref_slice %arg2[%dma_wait3A_738, %dma_wait3A_739] : memref<102400x128xf32, #tpu.memory_space<hbm>> -> memref<102400x128xf32, #tpu.memory_space<hbm>>
      tpu.wait_indirect_dma semaphore(%arg12 : memref<!tpu.dma_semaphore, #tpu.memory_space<semaphore_mem>>) src(%dma_wait3A_740 : memref<102400x128xf32, #tpu.memory_space<hbm>>) dst(%arg9 : memref<128x128xf32, #tpu.memory_space<vmem>>)
      %add3A_741 = arith.constant 2 : i32
      %add3A_742 = arith.addi %add3A_698, %add3A_741 : i32
      %dma_start3A_743 = arith.constant 0 : i32
      %dma_start3A_744 = tpu.memref_slice %arg7[%add3A_742, %dma_start3A_743] : memref<40x128xi32, #tpu.memory_space<vmem>> -> memref<1x128xi32, #tpu.memory_space<vmem>>
      %dma_start3A_745 = tpu.memref_squeeze %dma_start3A_744 : memref<1x128xi32, #tpu.memory_space<vmem>> -> memref<128xi32, #tpu.memory_space<vmem>>
      %dma_start3A_746 = arith.constant 0 : i32
      %dma_start3A_747 = arith.constant 0 : i32
      %dma_start3A_748 = tpu.memref_slice %arg2[%dma_start3A_746, %dma_start3A_747] : memref<102400x128xf32, #tpu.memory_space<hbm>> -> memref<102400x128xf32, #tpu.memory_space<hbm>>
      tpu.enqueue_indirect_dma source(%dma_start3A_748 : memref<102400x128xf32, #tpu.memory_space<hbm>>) target(%arg10 : memref<128x128xf32, #tpu.memory_space<vmem>>) offsets(%dma_start3A_745 : memref<128xi32, #tpu.memory_space<vmem>>) semaphore(%arg13 : memref<!tpu.dma_semaphore, #tpu.memory_space<semaphore_mem>>)
      %add3A_749 = arith.constant 1 : i32
      %add3A_750 = arith.addi %add3A_698, %add3A_749 : i32
      %dma_start3A_751 = arith.constant 0 : i32
      %dma_start3A_752 = tpu.memref_slice %arg8[%add3A_750, %dma_start3A_751] : memref<40x128xi32, #tpu.memory_space<vmem>> -> memref<1x128xi32, #tpu.memory_space<vmem>>
      %dma_start3A_753 = tpu.memref_squeeze %dma_start3A_752 : memref<1x128xi32, #tpu.memory_space<vmem>> -> memref<128xi32, #tpu.memory_space<vmem>>
      %dma_start3A_754 = arith.constant 0 : i32
      %dma_start3A_755 = arith.constant 0 : i32
      %dma_start3A_756 = tpu.memref_slice %arg11[%dma_start3A_754, %dma_start3A_755] : memref<10240x128xf32, #tpu.memory_space<vmem_shared>> -> memref<10240x128xf32, #tpu.memory_space<vmem_shared>>
      tpu.enqueue_indirect_dma source(%arg9 : memref<128x128xf32, #tpu.memory_space<vmem>>) target(%dma_start3A_756 : memref<10240x128xf32, #tpu.memory_space<vmem_shared>>) offsets(%dma_start3A_753 : memref<128xi32, #tpu.memory_space<vmem>>) semaphore(%arg14 : memref<!tpu.dma_semaphore, #tpu.memory_space<semaphore_mem>>) {add = true}
    }
    %scan3A_313 = arith.constant 19 : i32
    %dma_wait3A_314 = arith.constant 0 : i32
    %dma_wait3A_315 = arith.constant 0 : i32
    %dma_wait3A_316 = tpu.memref_slice %arg8[%dma_wait3A_314, %dma_wait3A_315] : memref<40x128xi32, #tpu.memory_space<vmem>> -> memref<1x128xi32, #tpu.memory_space<vmem>>
    %dma_wait3A_317 = tpu.memref_squeeze %dma_wait3A_316 : memref<1x128xi32, #tpu.memory_space<vmem>> -> memref<128xi32, #tpu.memory_space<vmem>>
    %dma_wait3A_318 = arith.constant 0 : i32
    %dma_wait3A_319 = arith.constant 0 : i32
    %dma_wait3A_320 = tpu.memref_slice %arg11[%dma_wait3A_318, %dma_wait3A_319] : memref<10240x128xf32, #tpu.memory_space<vmem_shared>> -> memref<10240x128xf32, #tpu.memory_space<vmem_shared>>
    tpu.wait_indirect_dma semaphore(%arg14 : memref<!tpu.dma_semaphore, #tpu.memory_space<semaphore_mem>>) src(%arg9 : memref<128x128xf32, #tpu.memory_space<vmem>>) dst(%dma_wait3A_320 : memref<10240x128xf32, #tpu.memory_space<vmem_shared>>)
    %dma_wait3A_321 = arith.constant 0 : i32
    %dma_wait3A_322 = arith.constant 0 : i32
    %dma_wait3A_323 = tpu.memref_slice %arg7[%dma_wait3A_321, %dma_wait3A_322] : memref<40x128xi32, #tpu.memory_space<vmem>> -> memref<1x128xi32, #tpu.memory_space<vmem>>
    %dma_wait3A_324 = tpu.memref_squeeze %dma_wait3A_323 : memref<1x128xi32, #tpu.memory_space<vmem>> -> memref<128xi32, #tpu.memory_space<vmem>>
    %dma_wait3A_325 = arith.constant 0 : i32
    %dma_wait3A_326 = arith.constant 0 : i32
    %dma_wait3A_327 = tpu.memref_slice %arg2[%dma_wait3A_325, %dma_wait3A_326] : memref<102400x128xf32, #tpu.memory_space<hbm>> -> memref<102400x128xf32, #tpu.memory_space<hbm>>
    tpu.wait_indirect_dma semaphore(%arg13 : memref<!tpu.dma_semaphore, #tpu.memory_space<semaphore_mem>>) src(%dma_wait3A_327 : memref<102400x128xf32, #tpu.memory_space<hbm>>) dst(%arg10 : memref<128x128xf32, #tpu.memory_space<vmem>>)
    %dma_start3A_328 = arith.constant 39 : i32
    %dma_start3A_329 = arith.constant 0 : i32
    %dma_start3A_330 = tpu.memref_slice %arg8[%dma_start3A_328, %dma_start3A_329] : memref<40x128xi32, #tpu.memory_space<vmem>> -> memref<1x128xi32, #tpu.memory_space<vmem>>
    %dma_start3A_331 = tpu.memref_squeeze %dma_start3A_330 : memref<1x128xi32, #tpu.memory_space<vmem>> -> memref<128xi32, #tpu.memory_space<vmem>>
    %dma_start3A_332 = arith.constant 0 : i32
    %dma_start3A_333 = arith.constant 0 : i32
    %dma_start3A_334 = tpu.memref_slice %arg11[%dma_start3A_332, %dma_start3A_333] : memref<10240x128xf32, #tpu.memory_space<vmem_shared>> -> memref<10240x128xf32, #tpu.memory_space<vmem_shared>>
    tpu.enqueue_indirect_dma source(%arg10 : memref<128x128xf32, #tpu.memory_space<vmem>>) target(%dma_start3A_334 : memref<10240x128xf32, #tpu.memory_space<vmem_shared>>) offsets(%dma_start3A_331 : memref<128xi32, #tpu.memory_space<vmem>>) semaphore(%arg15 : memref<!tpu.dma_semaphore, #tpu.memory_space<semaphore_mem>>) {add = true}
    %dma_wait3A_335 = arith.constant 0 : i32
    %dma_wait3A_336 = arith.constant 0 : i32
    %dma_wait3A_337 = tpu.memref_slice %arg8[%dma_wait3A_335, %dma_wait3A_336] : memref<40x128xi32, #tpu.memory_space<vmem>> -> memref<1x128xi32, #tpu.memory_space<vmem>>
    %dma_wait3A_338 = tpu.memref_squeeze %dma_wait3A_337 : memref<1x128xi32, #tpu.memory_space<vmem>> -> memref<128xi32, #tpu.memory_space<vmem>>
    %dma_wait3A_339 = arith.constant 0 : i32
    %dma_wait3A_340 = arith.constant 0 : i32
    %dma_wait3A_341 = tpu.memref_slice %arg11[%dma_wait3A_339, %dma_wait3A_340] : memref<10240x128xf32, #tpu.memory_space<vmem_shared>> -> memref<10240x128xf32, #tpu.memory_space<vmem_shared>>
    tpu.wait_indirect_dma semaphore(%arg15 : memref<!tpu.dma_semaphore, #tpu.memory_space<semaphore_mem>>) src(%arg10 : memref<128x128xf32, #tpu.memory_space<vmem>>) dst(%dma_wait3A_341 : memref<10240x128xf32, #tpu.memory_space<vmem_shared>>)
    %run_scoped3A_342 = arith.constant 2 : i32
    "tpu.region"() ({
      %run_scoped3A_690 = tpu.sem_alloc : memref<!tpu.dma_semaphore, #tpu.memory_space<semaphore_mem>>
      %dma_start3A_691 = arith.constant 40 : i32
      %dma_start3A_692 = arith.constant 0 : i32
      %dma_start3A_693 = tpu.memref_slice %arg3[%run_scoped3A_342, %arg0, %arg1, %dma_start3A_691, %dma_start3A_692] : memref<5x2x16x80x128xi32, #tpu.memory_space<hbm>> -> memref<1x1x1x40x128xi32, #tpu.memory_space<hbm>>
      %dma_start3A_694 = tpu.memref_squeeze %dma_start3A_693 : memref<1x1x1x40x128xi32, #tpu.memory_space<hbm>> -> memref<40x128xi32, #tpu.memory_space<hbm>>
      %dma_start3A_695 = arith.constant 40 : i32
      %dma_start3A_696 = arith.constant 0 : i32
      %dma_start3A_697 = tpu.memref_slice %arg3[%run_scoped3A_342, %arg0, %arg1, %dma_start3A_695, %dma_start3A_696] : memref<5x2x16x80x128xi32, #tpu.memory_space<hbm>> -> memref<1x1x1x40x128xi32, #tpu.memory_space<hbm>>
      %dma_start3A_698 = tpu.memref_squeeze %dma_start3A_697 : memref<1x1x1x40x128xi32, #tpu.memory_space<hbm>> -> memref<40x128xi32, #tpu.memory_space<hbm>>
      tpu.enqueue_dma source(%dma_start3A_698 : memref<40x128xi32, #tpu.memory_space<hbm>>) target(%arg7 : memref<40x128xi32, #tpu.memory_space<vmem>>) target_semaphore(%run_scoped3A_690 : memref<!tpu.dma_semaphore, #tpu.memory_space<semaphore_mem>>)
      %dma_wait3A_699 = arith.constant 40 : i32
      %dma_wait3A_700 = arith.constant 0 : i32
      %dma_wait3A_701 = tpu.memref_slice %arg3[%run_scoped3A_342, %arg0, %arg1, %dma_wait3A_699, %dma_wait3A_700] : memref<5x2x16x80x128xi32, #tpu.memory_space<hbm>> -> memref<1x1x1x40x128xi32, #tpu.memory_space<hbm>>
      %dma_wait3A_702 = tpu.memref_squeeze %dma_wait3A_701 : memref<1x1x1x40x128xi32, #tpu.memory_space<hbm>> -> memref<40x128xi32, #tpu.memory_space<hbm>>
      %dma_wait3A_703 = arith.constant 40 : i32
      %dma_wait3A_704 = arith.constant 0 : i32
      %dma_wait3A_705 = tpu.memref_slice %arg3[%run_scoped3A_342, %arg0, %arg1, %dma_wait3A_703, %dma_wait3A_704] : memref<5x2x16x80x128xi32, #tpu.memory_space<hbm>> -> memref<1x1x1x40x128xi32, #tpu.memory_space<hbm>>
      %dma_wait3A_706 = tpu.memref_squeeze %dma_wait3A_705 : memref<1x1x1x40x128xi32, #tpu.memory_space<hbm>> -> memref<40x128xi32, #tpu.memory_space<hbm>>
      tpu.wait_dma2 semaphore(%run_scoped3A_690 : memref<!tpu.dma_semaphore, #tpu.memory_space<semaphore_mem>>) src(%dma_wait3A_706 : memref<40x128xi32, #tpu.memory_space<hbm>>) dst(%arg7 : memref<40x128xi32, #tpu.memory_space<vmem>>)
      tpu.yield
    }) : () -> ()
    %run_scoped3A_343 = arith.constant 2 : i32
    "tpu.region"() ({
      %run_scoped3A_690 = tpu.sem_alloc : memref<!tpu.dma_semaphore, #tpu.memory_space<semaphore_mem>>
      %dma_start3A_691 = arith.constant 40 : i32
      %dma_start3A_692 = arith.constant 0 : i32
      %dma_start3A_693 = tpu.memref_slice %arg4[%run_scoped3A_343, %arg1, %dma_start3A_691, %dma_start3A_692] : memref<5x16x80x128xi32, #tpu.memory_space<hbm>> -> memref<1x1x40x128xi32, #tpu.memory_space<hbm>>
      %dma_start3A_694 = tpu.memref_squeeze %dma_start3A_693 : memref<1x1x40x128xi32, #tpu.memory_space<hbm>> -> memref<40x128xi32, #tpu.memory_space<hbm>>
      %dma_start3A_695 = arith.constant 40 : i32
      %dma_start3A_696 = arith.constant 0 : i32
      %dma_start3A_697 = tpu.memref_slice %arg4[%run_scoped3A_343, %arg1, %dma_start3A_695, %dma_start3A_696] : memref<5x16x80x128xi32, #tpu.memory_space<hbm>> -> memref<1x1x40x128xi32, #tpu.memory_space<hbm>>
      %dma_start3A_698 = tpu.memref_squeeze %dma_start3A_697 : memref<1x1x40x128xi32, #tpu.memory_space<hbm>> -> memref<40x128xi32, #tpu.memory_space<hbm>>
      tpu.enqueue_dma source(%dma_start3A_698 : memref<40x128xi32, #tpu.memory_space<hbm>>) target(%arg8 : memref<40x128xi32, #tpu.memory_space<vmem>>) target_semaphore(%run_scoped3A_690 : memref<!tpu.dma_semaphore, #tpu.memory_space<semaphore_mem>>)
      %dma_wait3A_699 = arith.constant 40 : i32
      %dma_wait3A_700 = arith.constant 0 : i32
      %dma_wait3A_701 = tpu.memref_slice %arg4[%run_scoped3A_343, %arg1, %dma_wait3A_699, %dma_wait3A_700] : memref<5x16x80x128xi32, #tpu.memory_space<hbm>> -> memref<1x1x40x128xi32, #tpu.memory_space<hbm>>
      %dma_wait3A_702 = tpu.memref_squeeze %dma_wait3A_701 : memref<1x1x40x128xi32, #tpu.memory_space<hbm>> -> memref<40x128xi32, #tpu.memory_space<hbm>>
      %dma_wait3A_703 = arith.constant 40 : i32
      %dma_wait3A_704 = arith.constant 0 : i32
      %dma_wait3A_705 = tpu.memref_slice %arg4[%run_scoped3A_343, %arg1, %dma_wait3A_703, %dma_wait3A_704] : memref<5x16x80x128xi32, #tpu.memory_space<hbm>> -> memref<1x1x40x128xi32, #tpu.memory_space<hbm>>
      %dma_wait3A_706 = tpu.memref_squeeze %dma_wait3A_705 : memref<1x1x40x128xi32, #tpu.memory_space<hbm>> -> memref<40x128xi32, #tpu.memory_space<hbm>>
      tpu.wait_dma2 semaphore(%run_scoped3A_690 : memref<!tpu.dma_semaphore, #tpu.memory_space<semaphore_mem>>) src(%dma_wait3A_706 : memref<40x128xi32, #tpu.memory_space<hbm>>) dst(%arg8 : memref<40x128xi32, #tpu.memory_space<vmem>>)
      tpu.yield
    }) : () -> ()
    %dma_start3A_344 = arith.constant 0 : i32
    %dma_start3A_345 = arith.constant 0 : i32
    %dma_start3A_346 = tpu.memref_slice %arg7[%dma_start3A_344, %dma_start3A_345] : memref<40x128xi32, #tpu.memory_space<vmem>> -> memref<1x128xi32, #tpu.memory_space<vmem>>
    %dma_start3A_347 = tpu.memref_squeeze %dma_start3A_346 : memref<1x128xi32, #tpu.memory_space<vmem>> -> memref<128xi32, #tpu.memory_space<vmem>>
    %dma_start3A_348 = arith.constant 0 : i32
    %dma_start3A_349 = arith.constant 0 : i32
    %dma_start3A_350 = tpu.memref_slice %arg2[%dma_start3A_348, %dma_start3A_349] : memref<102400x128xf32, #tpu.memory_space<hbm>> -> memref<102400x128xf32, #tpu.memory_space<hbm>>
    tpu.enqueue_indirect_dma source(%dma_start3A_350 : memref<102400x128xf32, #tpu.memory_space<hbm>>) target(%arg9 : memref<128x128xf32, #tpu.memory_space<vmem>>) offsets(%dma_start3A_347 : memref<128xi32, #tpu.memory_space<vmem>>) semaphore(%arg12 : memref<!tpu.dma_semaphore, #tpu.memory_space<semaphore_mem>>)
    %dma_wait3A_351 = arith.constant 0 : i32
    %dma_wait3A_352 = arith.constant 0 : i32
    %dma_wait3A_353 = tpu.memref_slice %arg7[%dma_wait3A_351, %dma_wait3A_352] : memref<40x128xi32, #tpu.memory_space<vmem>> -> memref<1x128xi32, #tpu.memory_space<vmem>>
    %dma_wait3A_354 = tpu.memref_squeeze %dma_wait3A_353 : memref<1x128xi32, #tpu.memory_space<vmem>> -> memref<128xi32, #tpu.memory_space<vmem>>
    %dma_wait3A_355 = arith.constant 0 : i32
    %dma_wait3A_356 = arith.constant 0 : i32
    %dma_wait3A_357 = tpu.memref_slice %arg2[%dma_wait3A_355, %dma_wait3A_356] : memref<102400x128xf32, #tpu.memory_space<hbm>> -> memref<102400x128xf32, #tpu.memory_space<hbm>>
    tpu.wait_indirect_dma semaphore(%arg12 : memref<!tpu.dma_semaphore, #tpu.memory_space<semaphore_mem>>) src(%dma_wait3A_357 : memref<102400x128xf32, #tpu.memory_space<hbm>>) dst(%arg9 : memref<128x128xf32, #tpu.memory_space<vmem>>)
    %dma_start3A_358 = arith.constant 1 : i32
    %dma_start3A_359 = arith.constant 0 : i32
    %dma_start3A_360 = tpu.memref_slice %arg7[%dma_start3A_358, %dma_start3A_359] : memref<40x128xi32, #tpu.memory_space<vmem>> -> memref<1x128xi32, #tpu.memory_space<vmem>>
    %dma_start3A_361 = tpu.memref_squeeze %dma_start3A_360 : memref<1x128xi32, #tpu.memory_space<vmem>> -> memref<128xi32, #tpu.memory_space<vmem>>
    %dma_start3A_362 = arith.constant 0 : i32
    %dma_start3A_363 = arith.constant 0 : i32
    %dma_start3A_364 = tpu.memref_slice %arg2[%dma_start3A_362, %dma_start3A_363] : memref<102400x128xf32, #tpu.memory_space<hbm>> -> memref<102400x128xf32, #tpu.memory_space<hbm>>
    tpu.enqueue_indirect_dma source(%dma_start3A_364 : memref<102400x128xf32, #tpu.memory_space<hbm>>) target(%arg10 : memref<128x128xf32, #tpu.memory_space<vmem>>) offsets(%dma_start3A_361 : memref<128xi32, #tpu.memory_space<vmem>>) semaphore(%arg13 : memref<!tpu.dma_semaphore, #tpu.memory_space<semaphore_mem>>)
    %dma_start3A_365 = arith.constant 0 : i32
    %dma_start3A_366 = arith.constant 0 : i32
    %dma_start3A_367 = tpu.memref_slice %arg8[%dma_start3A_365, %dma_start3A_366] : memref<40x128xi32, #tpu.memory_space<vmem>> -> memref<1x128xi32, #tpu.memory_space<vmem>>
    %dma_start3A_368 = tpu.memref_squeeze %dma_start3A_367 : memref<1x128xi32, #tpu.memory_space<vmem>> -> memref<128xi32, #tpu.memory_space<vmem>>
    %dma_start3A_369 = arith.constant 0 : i32
    %dma_start3A_370 = arith.constant 0 : i32
    %dma_start3A_371 = tpu.memref_slice %arg11[%dma_start3A_369, %dma_start3A_370] : memref<10240x128xf32, #tpu.memory_space<vmem_shared>> -> memref<10240x128xf32, #tpu.memory_space<vmem_shared>>
    tpu.enqueue_indirect_dma source(%arg9 : memref<128x128xf32, #tpu.memory_space<vmem>>) target(%dma_start3A_371 : memref<10240x128xf32, #tpu.memory_space<vmem_shared>>) offsets(%dma_start3A_368 : memref<128xi32, #tpu.memory_space<vmem>>) semaphore(%arg14 : memref<!tpu.dma_semaphore, #tpu.memory_space<semaphore_mem>>) {add = true}
    %scan3A_372 = arith.constant 0 : i32
    %scan3A_373 = arith.constant 19 : i32
    %scan3A_374 = arith.addi %scan3A_372, %scan3A_373 : i32
    %scan3A_375 = arith.constant 1 : i32
    scf.for %scan3A_690 = %scan3A_372 to %scan3A_374 step %scan3A_375  : i32 {
      %mul3A_691 = arith.constant 1 : i32
      %mul3A_692 = arith.muli %scan3A_690, %mul3A_691 : i32
      %add3A_693 = arith.constant 0 : i32
      %add3A_694 = arith.addi %add3A_693, %mul3A_692 : i32
      %mul3A_695 = arith.constant 2 : i32
      %mul3A_696 = arith.muli %mul3A_695, %add3A_694 : i32
      %add3A_697 = arith.constant 1 : i32
      %add3A_698 = arith.addi %add3A_697, %mul3A_696 : i32
      %dma_wait3A_699 = arith.constant 0 : i32
      %dma_wait3A_700 = arith.constant 0 : i32
      %dma_wait3A_701 = tpu.memref_slice %arg8[%dma_wait3A_699, %dma_wait3A_700] : memref<40x128xi32, #tpu.memory_space<vmem>> -> memref<1x128xi32, #tpu.memory_space<vmem>>
      %dma_wait3A_702 = tpu.memref_squeeze %dma_wait3A_701 : memref<1x128xi32, #tpu.memory_space<vmem>> -> memref<128xi32, #tpu.memory_space<vmem>>
      %dma_wait3A_703 = arith.constant 0 : i32
      %dma_wait3A_704 = arith.constant 0 : i32
      %dma_wait3A_705 = tpu.memref_slice %arg11[%dma_wait3A_703, %dma_wait3A_704] : memref<10240x128xf32, #tpu.memory_space<vmem_shared>> -> memref<10240x128xf32, #tpu.memory_space<vmem_shared>>
      tpu.wait_indirect_dma semaphore(%arg14 : memref<!tpu.dma_semaphore, #tpu.memory_space<semaphore_mem>>) src(%arg9 : memref<128x128xf32, #tpu.memory_space<vmem>>) dst(%dma_wait3A_705 : memref<10240x128xf32, #tpu.memory_space<vmem_shared>>)
      %dma_wait3A_706 = arith.constant 0 : i32
      %dma_wait3A_707 = arith.constant 0 : i32
      %dma_wait3A_708 = tpu.memref_slice %arg7[%dma_wait3A_706, %dma_wait3A_707] : memref<40x128xi32, #tpu.memory_space<vmem>> -> memref<1x128xi32, #tpu.memory_space<vmem>>
      %dma_wait3A_709 = tpu.memref_squeeze %dma_wait3A_708 : memref<1x128xi32, #tpu.memory_space<vmem>> -> memref<128xi32, #tpu.memory_space<vmem>>
      %dma_wait3A_710 = arith.constant 0 : i32
      %dma_wait3A_711 = arith.constant 0 : i32
      %dma_wait3A_712 = tpu.memref_slice %arg2[%dma_wait3A_710, %dma_wait3A_711] : memref<102400x128xf32, #tpu.memory_space<hbm>> -> memref<102400x128xf32, #tpu.memory_space<hbm>>
      tpu.wait_indirect_dma semaphore(%arg13 : memref<!tpu.dma_semaphore, #tpu.memory_space<semaphore_mem>>) src(%dma_wait3A_712 : memref<102400x128xf32, #tpu.memory_space<hbm>>) dst(%arg10 : memref<128x128xf32, #tpu.memory_space<vmem>>)
      %add3A_713 = arith.constant 1 : i32
      %add3A_714 = arith.addi %add3A_698, %add3A_713 : i32
      %dma_start3A_715 = arith.constant 0 : i32
      %dma_start3A_716 = tpu.memref_slice %arg7[%add3A_714, %dma_start3A_715] : memref<40x128xi32, #tpu.memory_space<vmem>> -> memref<1x128xi32, #tpu.memory_space<vmem>>
      %dma_start3A_717 = tpu.memref_squeeze %dma_start3A_716 : memref<1x128xi32, #tpu.memory_space<vmem>> -> memref<128xi32, #tpu.memory_space<vmem>>
      %dma_start3A_718 = arith.constant 0 : i32
      %dma_start3A_719 = arith.constant 0 : i32
      %dma_start3A_720 = tpu.memref_slice %arg2[%dma_start3A_718, %dma_start3A_719] : memref<102400x128xf32, #tpu.memory_space<hbm>> -> memref<102400x128xf32, #tpu.memory_space<hbm>>
      tpu.enqueue_indirect_dma source(%dma_start3A_720 : memref<102400x128xf32, #tpu.memory_space<hbm>>) target(%arg9 : memref<128x128xf32, #tpu.memory_space<vmem>>) offsets(%dma_start3A_717 : memref<128xi32, #tpu.memory_space<vmem>>) semaphore(%arg12 : memref<!tpu.dma_semaphore, #tpu.memory_space<semaphore_mem>>)
      %dma_start3A_721 = arith.constant 0 : i32
      %dma_start3A_722 = tpu.memref_slice %arg8[%add3A_698, %dma_start3A_721] : memref<40x128xi32, #tpu.memory_space<vmem>> -> memref<1x128xi32, #tpu.memory_space<vmem>>
      %dma_start3A_723 = tpu.memref_squeeze %dma_start3A_722 : memref<1x128xi32, #tpu.memory_space<vmem>> -> memref<128xi32, #tpu.memory_space<vmem>>
      %dma_start3A_724 = arith.constant 0 : i32
      %dma_start3A_725 = arith.constant 0 : i32
      %dma_start3A_726 = tpu.memref_slice %arg11[%dma_start3A_724, %dma_start3A_725] : memref<10240x128xf32, #tpu.memory_space<vmem_shared>> -> memref<10240x128xf32, #tpu.memory_space<vmem_shared>>
      tpu.enqueue_indirect_dma source(%arg10 : memref<128x128xf32, #tpu.memory_space<vmem>>) target(%dma_start3A_726 : memref<10240x128xf32, #tpu.memory_space<vmem_shared>>) offsets(%dma_start3A_723 : memref<128xi32, #tpu.memory_space<vmem>>) semaphore(%arg15 : memref<!tpu.dma_semaphore, #tpu.memory_space<semaphore_mem>>) {add = true}
      %dma_wait3A_727 = arith.constant 0 : i32
      %dma_wait3A_728 = arith.constant 0 : i32
      %dma_wait3A_729 = tpu.memref_slice %arg8[%dma_wait3A_727, %dma_wait3A_728] : memref<40x128xi32, #tpu.memory_space<vmem>> -> memref<1x128xi32, #tpu.memory_space<vmem>>
      %dma_wait3A_730 = tpu.memref_squeeze %dma_wait3A_729 : memref<1x128xi32, #tpu.memory_space<vmem>> -> memref<128xi32, #tpu.memory_space<vmem>>
      %dma_wait3A_731 = arith.constant 0 : i32
      %dma_wait3A_732 = arith.constant 0 : i32
      %dma_wait3A_733 = tpu.memref_slice %arg11[%dma_wait3A_731, %dma_wait3A_732] : memref<10240x128xf32, #tpu.memory_space<vmem_shared>> -> memref<10240x128xf32, #tpu.memory_space<vmem_shared>>
      tpu.wait_indirect_dma semaphore(%arg15 : memref<!tpu.dma_semaphore, #tpu.memory_space<semaphore_mem>>) src(%arg10 : memref<128x128xf32, #tpu.memory_space<vmem>>) dst(%dma_wait3A_733 : memref<10240x128xf32, #tpu.memory_space<vmem_shared>>)
      %dma_wait3A_734 = arith.constant 0 : i32
      %dma_wait3A_735 = arith.constant 0 : i32
      %dma_wait3A_736 = tpu.memref_slice %arg7[%dma_wait3A_734, %dma_wait3A_735] : memref<40x128xi32, #tpu.memory_space<vmem>> -> memref<1x128xi32, #tpu.memory_space<vmem>>
      %dma_wait3A_737 = tpu.memref_squeeze %dma_wait3A_736 : memref<1x128xi32, #tpu.memory_space<vmem>> -> memref<128xi32, #tpu.memory_space<vmem>>
      %dma_wait3A_738 = arith.constant 0 : i32
      %dma_wait3A_739 = arith.constant 0 : i32
      %dma_wait3A_740 = tpu.memref_slice %arg2[%dma_wait3A_738, %dma_wait3A_739] : memref<102400x128xf32, #tpu.memory_space<hbm>> -> memref<102400x128xf32, #tpu.memory_space<hbm>>
      tpu.wait_indirect_dma semaphore(%arg12 : memref<!tpu.dma_semaphore, #tpu.memory_space<semaphore_mem>>) src(%dma_wait3A_740 : memref<102400x128xf32, #tpu.memory_space<hbm>>) dst(%arg9 : memref<128x128xf32, #tpu.memory_space<vmem>>)
      %add3A_741 = arith.constant 2 : i32
      %add3A_742 = arith.addi %add3A_698, %add3A_741 : i32
      %dma_start3A_743 = arith.constant 0 : i32
      %dma_start3A_744 = tpu.memref_slice %arg7[%add3A_742, %dma_start3A_743] : memref<40x128xi32, #tpu.memory_space<vmem>> -> memref<1x128xi32, #tpu.memory_space<vmem>>
      %dma_start3A_745 = tpu.memref_squeeze %dma_start3A_744 : memref<1x128xi32, #tpu.memory_space<vmem>> -> memref<128xi32, #tpu.memory_space<vmem>>
      %dma_start3A_746 = arith.constant 0 : i32
      %dma_start3A_747 = arith.constant 0 : i32
      %dma_start3A_748 = tpu.memref_slice %arg2[%dma_start3A_746, %dma_start3A_747] : memref<102400x128xf32, #tpu.memory_space<hbm>> -> memref<102400x128xf32, #tpu.memory_space<hbm>>
      tpu.enqueue_indirect_dma source(%dma_start3A_748 : memref<102400x128xf32, #tpu.memory_space<hbm>>) target(%arg10 : memref<128x128xf32, #tpu.memory_space<vmem>>) offsets(%dma_start3A_745 : memref<128xi32, #tpu.memory_space<vmem>>) semaphore(%arg13 : memref<!tpu.dma_semaphore, #tpu.memory_space<semaphore_mem>>)
      %add3A_749 = arith.constant 1 : i32
      %add3A_750 = arith.addi %add3A_698, %add3A_749 : i32
      %dma_start3A_751 = arith.constant 0 : i32
      %dma_start3A_752 = tpu.memref_slice %arg8[%add3A_750, %dma_start3A_751] : memref<40x128xi32, #tpu.memory_space<vmem>> -> memref<1x128xi32, #tpu.memory_space<vmem>>
      %dma_start3A_753 = tpu.memref_squeeze %dma_start3A_752 : memref<1x128xi32, #tpu.memory_space<vmem>> -> memref<128xi32, #tpu.memory_space<vmem>>
      %dma_start3A_754 = arith.constant 0 : i32
      %dma_start3A_755 = arith.constant 0 : i32
      %dma_start3A_756 = tpu.memref_slice %arg11[%dma_start3A_754, %dma_start3A_755] : memref<10240x128xf32, #tpu.memory_space<vmem_shared>> -> memref<10240x128xf32, #tpu.memory_space<vmem_shared>>
      tpu.enqueue_indirect_dma source(%arg9 : memref<128x128xf32, #tpu.memory_space<vmem>>) target(%dma_start3A_756 : memref<10240x128xf32, #tpu.memory_space<vmem_shared>>) offsets(%dma_start3A_753 : memref<128xi32, #tpu.memory_space<vmem>>) semaphore(%arg14 : memref<!tpu.dma_semaphore, #tpu.memory_space<semaphore_mem>>) {add = true}
    }
    %scan3A_376 = arith.constant 19 : i32
    %dma_wait3A_377 = arith.constant 0 : i32
    %dma_wait3A_378 = arith.constant 0 : i32
    %dma_wait3A_379 = tpu.memref_slice %arg8[%dma_wait3A_377, %dma_wait3A_378] : memref<40x128xi32, #tpu.memory_space<vmem>> -> memref<1x128xi32, #tpu.memory_space<vmem>>
    %dma_wait3A_380 = tpu.memref_squeeze %dma_wait3A_379 : memref<1x128xi32, #tpu.memory_space<vmem>> -> memref<128xi32, #tpu.memory_space<vmem>>
    %dma_wait3A_381 = arith.constant 0 : i32
    %dma_wait3A_382 = arith.constant 0 : i32
    %dma_wait3A_383 = tpu.memref_slice %arg11[%dma_wait3A_381, %dma_wait3A_382] : memref<10240x128xf32, #tpu.memory_space<vmem_shared>> -> memref<10240x128xf32, #tpu.memory_space<vmem_shared>>
    tpu.wait_indirect_dma semaphore(%arg14 : memref<!tpu.dma_semaphore, #tpu.memory_space<semaphore_mem>>) src(%arg9 : memref<128x128xf32, #tpu.memory_space<vmem>>) dst(%dma_wait3A_383 : memref<10240x128xf32, #tpu.memory_space<vmem_shared>>)
    %dma_wait3A_384 = arith.constant 0 : i32
    %dma_wait3A_385 = arith.constant 0 : i32
    %dma_wait3A_386 = tpu.memref_slice %arg7[%dma_wait3A_384, %dma_wait3A_385] : memref<40x128xi32, #tpu.memory_space<vmem>> -> memref<1x128xi32, #tpu.memory_space<vmem>>
    %dma_wait3A_387 = tpu.memref_squeeze %dma_wait3A_386 : memref<1x128xi32, #tpu.memory_space<vmem>> -> memref<128xi32, #tpu.memory_space<vmem>>
    %dma_wait3A_388 = arith.constant 0 : i32
    %dma_wait3A_389 = arith.constant 0 : i32
    %dma_wait3A_390 = tpu.memref_slice %arg2[%dma_wait3A_388, %dma_wait3A_389] : memref<102400x128xf32, #tpu.memory_space<hbm>> -> memref<102400x128xf32, #tpu.memory_space<hbm>>
    tpu.wait_indirect_dma semaphore(%arg13 : memref<!tpu.dma_semaphore, #tpu.memory_space<semaphore_mem>>) src(%dma_wait3A_390 : memref<102400x128xf32, #tpu.memory_space<hbm>>) dst(%arg10 : memref<128x128xf32, #tpu.memory_space<vmem>>)
    %dma_start3A_391 = arith.constant 39 : i32
    %dma_start3A_392 = arith.constant 0 : i32
    %dma_start3A_393 = tpu.memref_slice %arg8[%dma_start3A_391, %dma_start3A_392] : memref<40x128xi32, #tpu.memory_space<vmem>> -> memref<1x128xi32, #tpu.memory_space<vmem>>
    %dma_start3A_394 = tpu.memref_squeeze %dma_start3A_393 : memref<1x128xi32, #tpu.memory_space<vmem>> -> memref<128xi32, #tpu.memory_space<vmem>>
    %dma_start3A_395 = arith.constant 0 : i32
    %dma_start3A_396 = arith.constant 0 : i32
    %dma_start3A_397 = tpu.memref_slice %arg11[%dma_start3A_395, %dma_start3A_396] : memref<10240x128xf32, #tpu.memory_space<vmem_shared>> -> memref<10240x128xf32, #tpu.memory_space<vmem_shared>>
    tpu.enqueue_indirect_dma source(%arg10 : memref<128x128xf32, #tpu.memory_space<vmem>>) target(%dma_start3A_397 : memref<10240x128xf32, #tpu.memory_space<vmem_shared>>) offsets(%dma_start3A_394 : memref<128xi32, #tpu.memory_space<vmem>>) semaphore(%arg15 : memref<!tpu.dma_semaphore, #tpu.memory_space<semaphore_mem>>) {add = true}
    %dma_wait3A_398 = arith.constant 0 : i32
    %dma_wait3A_399 = arith.constant 0 : i32
    %dma_wait3A_400 = tpu.memref_slice %arg8[%dma_wait3A_398, %dma_wait3A_399] : memref<40x128xi32, #tpu.memory_space<vmem>> -> memref<1x128xi32, #tpu.memory_space<vmem>>
    %dma_wait3A_401 = tpu.memref_squeeze %dma_wait3A_400 : memref<1x128xi32, #tpu.memory_space<vmem>> -> memref<128xi32, #tpu.memory_space<vmem>>
    %dma_wait3A_402 = arith.constant 0 : i32
    %dma_wait3A_403 = arith.constant 0 : i32
    %dma_wait3A_404 = tpu.memref_slice %arg11[%dma_wait3A_402, %dma_wait3A_403] : memref<10240x128xf32, #tpu.memory_space<vmem_shared>> -> memref<10240x128xf32, #tpu.memory_space<vmem_shared>>
    tpu.wait_indirect_dma semaphore(%arg15 : memref<!tpu.dma_semaphore, #tpu.memory_space<semaphore_mem>>) src(%arg10 : memref<128x128xf32, #tpu.memory_space<vmem>>) dst(%dma_wait3A_404 : memref<10240x128xf32, #tpu.memory_space<vmem_shared>>)
    %barrier3A_405 = arith.constant 0 : index
    tpu.barrier barrier_id(%barrier3A_405)
    %add3A_406 = arith.constant 4 : i32
    %add3A_407 = arith.addi %add3A_406, %arg0 : i32
    %mul3A_408 = arith.constant 10240 : i32
    %mul3A_409 = arith.muli %add3A_407, %mul3A_408 : i32
    %add3A_410 = arith.addi %mul3A_409, %mul3A_0 : i32
    "tpu.region"() ({
      %run_scoped3A_690 = tpu.sem_alloc : memref<!tpu.dma_semaphore, #tpu.memory_space<semaphore_mem>>
      %dma_start3A_691 = arith.constant 0 : i32
      %dma_start3A_692 = tpu.memref_slice %arg6[%add3A_410, %dma_start3A_691] : memref<102400x128xf32, #tpu.memory_space<hbm>> -> memref<640x128xf32, #tpu.memory_space<hbm>>
      %dma_start3A_693 = arith.constant 0 : i32
      %dma_start3A_694 = tpu.memref_slice %arg11[%mul3A_0, %dma_start3A_693] : memref<10240x128xf32, #tpu.memory_space<vmem_shared>> -> memref<640x128xf32, #tpu.memory_space<vmem_shared>>
      tpu.enqueue_dma source(%dma_start3A_694 : memref<640x128xf32, #tpu.memory_space<vmem_shared>>) target(%dma_start3A_692 : memref<640x128xf32, #tpu.memory_space<hbm>>) target_semaphore(%run_scoped3A_690 : memref<!tpu.dma_semaphore, #tpu.memory_space<semaphore_mem>>)
      %dma_wait3A_695 = arith.constant 0 : i32
      %dma_wait3A_696 = tpu.memref_slice %arg6[%add3A_410, %dma_wait3A_695] : memref<102400x128xf32, #tpu.memory_space<hbm>> -> memref<640x128xf32, #tpu.memory_space<hbm>>
      %dma_wait3A_697 = arith.constant 0 : i32
      %dma_wait3A_698 = tpu.memref_slice %arg11[%mul3A_0, %dma_wait3A_697] : memref<10240x128xf32, #tpu.memory_space<vmem_shared>> -> memref<640x128xf32, #tpu.memory_space<vmem_shared>>
      tpu.wait_dma2 semaphore(%run_scoped3A_690 : memref<!tpu.dma_semaphore, #tpu.memory_space<semaphore_mem>>) src(%dma_wait3A_698 : memref<640x128xf32, #tpu.memory_space<vmem_shared>>) dst(%dma_wait3A_696 : memref<640x128xf32, #tpu.memory_space<hbm>>)
      tpu.yield
    }) : () -> ()
    %barrier3A_411 = arith.constant 0 : index
    tpu.barrier barrier_id(%barrier3A_411)
    "tpu.region"() ({
      %run_scoped3A_690 = tpu.sem_alloc : memref<!tpu.dma_semaphore, #tpu.memory_space<semaphore_mem>>
      tpu.enqueue_dma source(%arg5 : memref<128x128xf32, #tpu.memory_space<hbm>>) target(%arg9 : memref<128x128xf32, #tpu.memory_space<vmem>>) target_semaphore(%run_scoped3A_690 : memref<!tpu.dma_semaphore, #tpu.memory_space<semaphore_mem>>)
      tpu.wait_dma2 semaphore(%run_scoped3A_690 : memref<!tpu.dma_semaphore, #tpu.memory_space<semaphore_mem>>) src(%arg5 : memref<128x128xf32, #tpu.memory_space<hbm>>) dst(%arg9 : memref<128x128xf32, #tpu.memory_space<vmem>>)
      tpu.yield
    }) : () -> ()
    %scan3A_412 = arith.constant 0 : i32
    %scan3A_413 = arith.constant 5 : i32
    %scan3A_414 = arith.addi %scan3A_412, %scan3A_413 : i32
    %scan3A_415 = arith.constant 1 : i32
    scf.for %scan3A_690 = %scan3A_412 to %scan3A_414 step %scan3A_415  : i32 {
      %mul3A_691 = arith.constant 1 : i32
      %mul3A_692 = arith.muli %scan3A_690, %mul3A_691 : i32
      %add3A_693 = arith.constant 0 : i32
      %add3A_694 = arith.addi %add3A_693, %mul3A_692 : i32
      %mul3A_695 = arith.constant 128 : i32
      %mul3A_696 = arith.muli %add3A_694, %mul3A_695 : i32
      %add3A_697 = arith.addi %mul3A_0, %mul3A_696 : i32
      "tpu.region"() ({
        %run_scoped3A_698 = tpu.sem_alloc : memref<!tpu.dma_semaphore, #tpu.memory_space<semaphore_mem>>
        %dma_start3A_699 = arith.constant 0 : i32
        %dma_start3A_700 = tpu.memref_slice %arg11[%add3A_697, %dma_start3A_699] : memref<10240x128xf32, #tpu.memory_space<vmem_shared>> -> memref<128x128xf32, #tpu.memory_space<vmem_shared>>
        %dma_start3A_701 = arith.constant 0 : i32
        %dma_start3A_702 = tpu.memref_slice %arg11[%add3A_697, %dma_start3A_701] : memref<10240x128xf32, #tpu.memory_space<vmem_shared>> -> memref<128x128xf32, #tpu.memory_space<vmem_shared>>
        tpu.enqueue_dma source(%arg9 : memref<128x128xf32, #tpu.memory_space<vmem>>) target(%dma_start3A_702 : memref<128x128xf32, #tpu.memory_space<vmem_shared>>) target_semaphore(%run_scoped3A_698 : memref<!tpu.dma_semaphore, #tpu.memory_space<semaphore_mem>>)
        %dma_wait3A_703 = arith.constant 0 : i32
        %dma_wait3A_704 = tpu.memref_slice %arg11[%add3A_697, %dma_wait3A_703] : memref<10240x128xf32, #tpu.memory_space<vmem_shared>> -> memref<128x128xf32, #tpu.memory_space<vmem_shared>>
        %dma_wait3A_705 = arith.constant 0 : i32
        %dma_wait3A_706 = tpu.memref_slice %arg11[%add3A_697, %dma_wait3A_705] : memref<10240x128xf32, #tpu.memory_space<vmem_shared>> -> memref<128x128xf32, #tpu.memory_space<vmem_shared>>
        tpu.wait_dma2 semaphore(%run_scoped3A_698 : memref<!tpu.dma_semaphore, #tpu.memory_space<semaphore_mem>>) src(%arg9 : memref<128x128xf32, #tpu.memory_space<vmem>>) dst(%dma_wait3A_706 : memref<128x128xf32, #tpu.memory_space<vmem_shared>>)
        tpu.yield
      }) : () -> ()
    }
    %scan3A_416 = arith.constant 5 : i32
    %barrier3A_417 = arith.constant 0 : index
    tpu.barrier barrier_id(%barrier3A_417)
    %run_scoped3A_418 = arith.constant 3 : i32
    "tpu.region"() ({
      %run_scoped3A_690 = tpu.sem_alloc : memref<!tpu.dma_semaphore, #tpu.memory_space<semaphore_mem>>
      %dma_start3A_691 = arith.constant 0 : i32
      %dma_start3A_692 = arith.constant 0 : i32
      %dma_start3A_693 = tpu.memref_slice %arg3[%run_scoped3A_418, %arg0, %arg1, %dma_start3A_691, %dma_start3A_692] : memref<5x2x16x80x128xi32, #tpu.memory_space<hbm>> -> memref<1x1x1x40x128xi32, #tpu.memory_space<hbm>>
      %dma_start3A_694 = tpu.memref_squeeze %dma_start3A_693 : memref<1x1x1x40x128xi32, #tpu.memory_space<hbm>> -> memref<40x128xi32, #tpu.memory_space<hbm>>
      %dma_start3A_695 = arith.constant 0 : i32
      %dma_start3A_696 = arith.constant 0 : i32
      %dma_start3A_697 = tpu.memref_slice %arg3[%run_scoped3A_418, %arg0, %arg1, %dma_start3A_695, %dma_start3A_696] : memref<5x2x16x80x128xi32, #tpu.memory_space<hbm>> -> memref<1x1x1x40x128xi32, #tpu.memory_space<hbm>>
      %dma_start3A_698 = tpu.memref_squeeze %dma_start3A_697 : memref<1x1x1x40x128xi32, #tpu.memory_space<hbm>> -> memref<40x128xi32, #tpu.memory_space<hbm>>
      tpu.enqueue_dma source(%dma_start3A_698 : memref<40x128xi32, #tpu.memory_space<hbm>>) target(%arg7 : memref<40x128xi32, #tpu.memory_space<vmem>>) target_semaphore(%run_scoped3A_690 : memref<!tpu.dma_semaphore, #tpu.memory_space<semaphore_mem>>)
      %dma_wait3A_699 = arith.constant 0 : i32
      %dma_wait3A_700 = arith.constant 0 : i32
      %dma_wait3A_701 = tpu.memref_slice %arg3[%run_scoped3A_418, %arg0, %arg1, %dma_wait3A_699, %dma_wait3A_700] : memref<5x2x16x80x128xi32, #tpu.memory_space<hbm>> -> memref<1x1x1x40x128xi32, #tpu.memory_space<hbm>>
      %dma_wait3A_702 = tpu.memref_squeeze %dma_wait3A_701 : memref<1x1x1x40x128xi32, #tpu.memory_space<hbm>> -> memref<40x128xi32, #tpu.memory_space<hbm>>
      %dma_wait3A_703 = arith.constant 0 : i32
      %dma_wait3A_704 = arith.constant 0 : i32
      %dma_wait3A_705 = tpu.memref_slice %arg3[%run_scoped3A_418, %arg0, %arg1, %dma_wait3A_703, %dma_wait3A_704] : memref<5x2x16x80x128xi32, #tpu.memory_space<hbm>> -> memref<1x1x1x40x128xi32, #tpu.memory_space<hbm>>
      %dma_wait3A_706 = tpu.memref_squeeze %dma_wait3A_705 : memref<1x1x1x40x128xi32, #tpu.memory_space<hbm>> -> memref<40x128xi32, #tpu.memory_space<hbm>>
      tpu.wait_dma2 semaphore(%run_scoped3A_690 : memref<!tpu.dma_semaphore, #tpu.memory_space<semaphore_mem>>) src(%dma_wait3A_706 : memref<40x128xi32, #tpu.memory_space<hbm>>) dst(%arg7 : memref<40x128xi32, #tpu.memory_space<vmem>>)
      tpu.yield
    }) : () -> ()
    %run_scoped3A_419 = arith.constant 3 : i32
    "tpu.region"() ({
      %run_scoped3A_690 = tpu.sem_alloc : memref<!tpu.dma_semaphore, #tpu.memory_space<semaphore_mem>>
      %dma_start3A_691 = arith.constant 0 : i32
      %dma_start3A_692 = arith.constant 0 : i32
      %dma_start3A_693 = tpu.memref_slice %arg4[%run_scoped3A_419, %arg1, %dma_start3A_691, %dma_start3A_692] : memref<5x16x80x128xi32, #tpu.memory_space<hbm>> -> memref<1x1x40x128xi32, #tpu.memory_space<hbm>>
      %dma_start3A_694 = tpu.memref_squeeze %dma_start3A_693 : memref<1x1x40x128xi32, #tpu.memory_space<hbm>> -> memref<40x128xi32, #tpu.memory_space<hbm>>
      %dma_start3A_695 = arith.constant 0 : i32
      %dma_start3A_696 = arith.constant 0 : i32
      %dma_start3A_697 = tpu.memref_slice %arg4[%run_scoped3A_419, %arg1, %dma_start3A_695, %dma_start3A_696] : memref<5x16x80x128xi32, #tpu.memory_space<hbm>> -> memref<1x1x40x128xi32, #tpu.memory_space<hbm>>
      %dma_start3A_698 = tpu.memref_squeeze %dma_start3A_697 : memref<1x1x40x128xi32, #tpu.memory_space<hbm>> -> memref<40x128xi32, #tpu.memory_space<hbm>>
      tpu.enqueue_dma source(%dma_start3A_698 : memref<40x128xi32, #tpu.memory_space<hbm>>) target(%arg8 : memref<40x128xi32, #tpu.memory_space<vmem>>) target_semaphore(%run_scoped3A_690 : memref<!tpu.dma_semaphore, #tpu.memory_space<semaphore_mem>>)
      %dma_wait3A_699 = arith.constant 0 : i32
      %dma_wait3A_700 = arith.constant 0 : i32
      %dma_wait3A_701 = tpu.memref_slice %arg4[%run_scoped3A_419, %arg1, %dma_wait3A_699, %dma_wait3A_700] : memref<5x16x80x128xi32, #tpu.memory_space<hbm>> -> memref<1x1x40x128xi32, #tpu.memory_space<hbm>>
      %dma_wait3A_702 = tpu.memref_squeeze %dma_wait3A_701 : memref<1x1x40x128xi32, #tpu.memory_space<hbm>> -> memref<40x128xi32, #tpu.memory_space<hbm>>
      %dma_wait3A_703 = arith.constant 0 : i32
      %dma_wait3A_704 = arith.constant 0 : i32
      %dma_wait3A_705 = tpu.memref_slice %arg4[%run_scoped3A_419, %arg1, %dma_wait3A_703, %dma_wait3A_704] : memref<5x16x80x128xi32, #tpu.memory_space<hbm>> -> memref<1x1x40x128xi32, #tpu.memory_space<hbm>>
      %dma_wait3A_706 = tpu.memref_squeeze %dma_wait3A_705 : memref<1x1x40x128xi32, #tpu.memory_space<hbm>> -> memref<40x128xi32, #tpu.memory_space<hbm>>
      tpu.wait_dma2 semaphore(%run_scoped3A_690 : memref<!tpu.dma_semaphore, #tpu.memory_space<semaphore_mem>>) src(%dma_wait3A_706 : memref<40x128xi32, #tpu.memory_space<hbm>>) dst(%arg8 : memref<40x128xi32, #tpu.memory_space<vmem>>)
      tpu.yield
    }) : () -> ()
    %dma_start3A_420 = arith.constant 0 : i32
    %dma_start3A_421 = arith.constant 0 : i32
    %dma_start3A_422 = tpu.memref_slice %arg7[%dma_start3A_420, %dma_start3A_421] : memref<40x128xi32, #tpu.memory_space<vmem>> -> memref<1x128xi32, #tpu.memory_space<vmem>>
    %dma_start3A_423 = tpu.memref_squeeze %dma_start3A_422 : memref<1x128xi32, #tpu.memory_space<vmem>> -> memref<128xi32, #tpu.memory_space<vmem>>
    %dma_start3A_424 = arith.constant 0 : i32
    %dma_start3A_425 = arith.constant 0 : i32
    %dma_start3A_426 = tpu.memref_slice %arg2[%dma_start3A_424, %dma_start3A_425] : memref<102400x128xf32, #tpu.memory_space<hbm>> -> memref<102400x128xf32, #tpu.memory_space<hbm>>
    tpu.enqueue_indirect_dma source(%dma_start3A_426 : memref<102400x128xf32, #tpu.memory_space<hbm>>) target(%arg9 : memref<128x128xf32, #tpu.memory_space<vmem>>) offsets(%dma_start3A_423 : memref<128xi32, #tpu.memory_space<vmem>>) semaphore(%arg12 : memref<!tpu.dma_semaphore, #tpu.memory_space<semaphore_mem>>)
    %dma_wait3A_427 = arith.constant 0 : i32
    %dma_wait3A_428 = arith.constant 0 : i32
    %dma_wait3A_429 = tpu.memref_slice %arg7[%dma_wait3A_427, %dma_wait3A_428] : memref<40x128xi32, #tpu.memory_space<vmem>> -> memref<1x128xi32, #tpu.memory_space<vmem>>
    %dma_wait3A_430 = tpu.memref_squeeze %dma_wait3A_429 : memref<1x128xi32, #tpu.memory_space<vmem>> -> memref<128xi32, #tpu.memory_space<vmem>>
    %dma_wait3A_431 = arith.constant 0 : i32
    %dma_wait3A_432 = arith.constant 0 : i32
    %dma_wait3A_433 = tpu.memref_slice %arg2[%dma_wait3A_431, %dma_wait3A_432] : memref<102400x128xf32, #tpu.memory_space<hbm>> -> memref<102400x128xf32, #tpu.memory_space<hbm>>
    tpu.wait_indirect_dma semaphore(%arg12 : memref<!tpu.dma_semaphore, #tpu.memory_space<semaphore_mem>>) src(%dma_wait3A_433 : memref<102400x128xf32, #tpu.memory_space<hbm>>) dst(%arg9 : memref<128x128xf32, #tpu.memory_space<vmem>>)
    %dma_start3A_434 = arith.constant 1 : i32
    %dma_start3A_435 = arith.constant 0 : i32
    %dma_start3A_436 = tpu.memref_slice %arg7[%dma_start3A_434, %dma_start3A_435] : memref<40x128xi32, #tpu.memory_space<vmem>> -> memref<1x128xi32, #tpu.memory_space<vmem>>
    %dma_start3A_437 = tpu.memref_squeeze %dma_start3A_436 : memref<1x128xi32, #tpu.memory_space<vmem>> -> memref<128xi32, #tpu.memory_space<vmem>>
    %dma_start3A_438 = arith.constant 0 : i32
    %dma_start3A_439 = arith.constant 0 : i32
    %dma_start3A_440 = tpu.memref_slice %arg2[%dma_start3A_438, %dma_start3A_439] : memref<102400x128xf32, #tpu.memory_space<hbm>> -> memref<102400x128xf32, #tpu.memory_space<hbm>>
    tpu.enqueue_indirect_dma source(%dma_start3A_440 : memref<102400x128xf32, #tpu.memory_space<hbm>>) target(%arg10 : memref<128x128xf32, #tpu.memory_space<vmem>>) offsets(%dma_start3A_437 : memref<128xi32, #tpu.memory_space<vmem>>) semaphore(%arg13 : memref<!tpu.dma_semaphore, #tpu.memory_space<semaphore_mem>>)
    %dma_start3A_441 = arith.constant 0 : i32
    %dma_start3A_442 = arith.constant 0 : i32
    %dma_start3A_443 = tpu.memref_slice %arg8[%dma_start3A_441, %dma_start3A_442] : memref<40x128xi32, #tpu.memory_space<vmem>> -> memref<1x128xi32, #tpu.memory_space<vmem>>
    %dma_start3A_444 = tpu.memref_squeeze %dma_start3A_443 : memref<1x128xi32, #tpu.memory_space<vmem>> -> memref<128xi32, #tpu.memory_space<vmem>>
    %dma_start3A_445 = arith.constant 0 : i32
    %dma_start3A_446 = arith.constant 0 : i32
    %dma_start3A_447 = tpu.memref_slice %arg11[%dma_start3A_445, %dma_start3A_446] : memref<10240x128xf32, #tpu.memory_space<vmem_shared>> -> memref<10240x128xf32, #tpu.memory_space<vmem_shared>>
    tpu.enqueue_indirect_dma source(%arg9 : memref<128x128xf32, #tpu.memory_space<vmem>>) target(%dma_start3A_447 : memref<10240x128xf32, #tpu.memory_space<vmem_shared>>) offsets(%dma_start3A_444 : memref<128xi32, #tpu.memory_space<vmem>>) semaphore(%arg14 : memref<!tpu.dma_semaphore, #tpu.memory_space<semaphore_mem>>) {add = true}
    %scan3A_448 = arith.constant 0 : i32
    %scan3A_449 = arith.constant 19 : i32
    %scan3A_450 = arith.addi %scan3A_448, %scan3A_449 : i32
    %scan3A_451 = arith.constant 1 : i32
    scf.for %scan3A_690 = %scan3A_448 to %scan3A_450 step %scan3A_451  : i32 {
      %mul3A_691 = arith.constant 1 : i32
      %mul3A_692 = arith.muli %scan3A_690, %mul3A_691 : i32
      %add3A_693 = arith.constant 0 : i32
      %add3A_694 = arith.addi %add3A_693, %mul3A_692 : i32
      %mul3A_695 = arith.constant 2 : i32
      %mul3A_696 = arith.muli %mul3A_695, %add3A_694 : i32
      %add3A_697 = arith.constant 1 : i32
      %add3A_698 = arith.addi %add3A_697, %mul3A_696 : i32
      %dma_wait3A_699 = arith.constant 0 : i32
      %dma_wait3A_700 = arith.constant 0 : i32
      %dma_wait3A_701 = tpu.memref_slice %arg8[%dma_wait3A_699, %dma_wait3A_700] : memref<40x128xi32, #tpu.memory_space<vmem>> -> memref<1x128xi32, #tpu.memory_space<vmem>>
      %dma_wait3A_702 = tpu.memref_squeeze %dma_wait3A_701 : memref<1x128xi32, #tpu.memory_space<vmem>> -> memref<128xi32, #tpu.memory_space<vmem>>
      %dma_wait3A_703 = arith.constant 0 : i32
      %dma_wait3A_704 = arith.constant 0 : i32
      %dma_wait3A_705 = tpu.memref_slice %arg11[%dma_wait3A_703, %dma_wait3A_704] : memref<10240x128xf32, #tpu.memory_space<vmem_shared>> -> memref<10240x128xf32, #tpu.memory_space<vmem_shared>>
      tpu.wait_indirect_dma semaphore(%arg14 : memref<!tpu.dma_semaphore, #tpu.memory_space<semaphore_mem>>) src(%arg9 : memref<128x128xf32, #tpu.memory_space<vmem>>) dst(%dma_wait3A_705 : memref<10240x128xf32, #tpu.memory_space<vmem_shared>>)
      %dma_wait3A_706 = arith.constant 0 : i32
      %dma_wait3A_707 = arith.constant 0 : i32
      %dma_wait3A_708 = tpu.memref_slice %arg7[%dma_wait3A_706, %dma_wait3A_707] : memref<40x128xi32, #tpu.memory_space<vmem>> -> memref<1x128xi32, #tpu.memory_space<vmem>>
      %dma_wait3A_709 = tpu.memref_squeeze %dma_wait3A_708 : memref<1x128xi32, #tpu.memory_space<vmem>> -> memref<128xi32, #tpu.memory_space<vmem>>
      %dma_wait3A_710 = arith.constant 0 : i32
      %dma_wait3A_711 = arith.constant 0 : i32
      %dma_wait3A_712 = tpu.memref_slice %arg2[%dma_wait3A_710, %dma_wait3A_711] : memref<102400x128xf32, #tpu.memory_space<hbm>> -> memref<102400x128xf32, #tpu.memory_space<hbm>>
      tpu.wait_indirect_dma semaphore(%arg13 : memref<!tpu.dma_semaphore, #tpu.memory_space<semaphore_mem>>) src(%dma_wait3A_712 : memref<102400x128xf32, #tpu.memory_space<hbm>>) dst(%arg10 : memref<128x128xf32, #tpu.memory_space<vmem>>)
      %add3A_713 = arith.constant 1 : i32
      %add3A_714 = arith.addi %add3A_698, %add3A_713 : i32
      %dma_start3A_715 = arith.constant 0 : i32
      %dma_start3A_716 = tpu.memref_slice %arg7[%add3A_714, %dma_start3A_715] : memref<40x128xi32, #tpu.memory_space<vmem>> -> memref<1x128xi32, #tpu.memory_space<vmem>>
      %dma_start3A_717 = tpu.memref_squeeze %dma_start3A_716 : memref<1x128xi32, #tpu.memory_space<vmem>> -> memref<128xi32, #tpu.memory_space<vmem>>
      %dma_start3A_718 = arith.constant 0 : i32
      %dma_start3A_719 = arith.constant 0 : i32
      %dma_start3A_720 = tpu.memref_slice %arg2[%dma_start3A_718, %dma_start3A_719] : memref<102400x128xf32, #tpu.memory_space<hbm>> -> memref<102400x128xf32, #tpu.memory_space<hbm>>
      tpu.enqueue_indirect_dma source(%dma_start3A_720 : memref<102400x128xf32, #tpu.memory_space<hbm>>) target(%arg9 : memref<128x128xf32, #tpu.memory_space<vmem>>) offsets(%dma_start3A_717 : memref<128xi32, #tpu.memory_space<vmem>>) semaphore(%arg12 : memref<!tpu.dma_semaphore, #tpu.memory_space<semaphore_mem>>)
      %dma_start3A_721 = arith.constant 0 : i32
      %dma_start3A_722 = tpu.memref_slice %arg8[%add3A_698, %dma_start3A_721] : memref<40x128xi32, #tpu.memory_space<vmem>> -> memref<1x128xi32, #tpu.memory_space<vmem>>
      %dma_start3A_723 = tpu.memref_squeeze %dma_start3A_722 : memref<1x128xi32, #tpu.memory_space<vmem>> -> memref<128xi32, #tpu.memory_space<vmem>>
      %dma_start3A_724 = arith.constant 0 : i32
      %dma_start3A_725 = arith.constant 0 : i32
      %dma_start3A_726 = tpu.memref_slice %arg11[%dma_start3A_724, %dma_start3A_725] : memref<10240x128xf32, #tpu.memory_space<vmem_shared>> -> memref<10240x128xf32, #tpu.memory_space<vmem_shared>>
      tpu.enqueue_indirect_dma source(%arg10 : memref<128x128xf32, #tpu.memory_space<vmem>>) target(%dma_start3A_726 : memref<10240x128xf32, #tpu.memory_space<vmem_shared>>) offsets(%dma_start3A_723 : memref<128xi32, #tpu.memory_space<vmem>>) semaphore(%arg15 : memref<!tpu.dma_semaphore, #tpu.memory_space<semaphore_mem>>) {add = true}
      %dma_wait3A_727 = arith.constant 0 : i32
      %dma_wait3A_728 = arith.constant 0 : i32
      %dma_wait3A_729 = tpu.memref_slice %arg8[%dma_wait3A_727, %dma_wait3A_728] : memref<40x128xi32, #tpu.memory_space<vmem>> -> memref<1x128xi32, #tpu.memory_space<vmem>>
      %dma_wait3A_730 = tpu.memref_squeeze %dma_wait3A_729 : memref<1x128xi32, #tpu.memory_space<vmem>> -> memref<128xi32, #tpu.memory_space<vmem>>
      %dma_wait3A_731 = arith.constant 0 : i32
      %dma_wait3A_732 = arith.constant 0 : i32
      %dma_wait3A_733 = tpu.memref_slice %arg11[%dma_wait3A_731, %dma_wait3A_732] : memref<10240x128xf32, #tpu.memory_space<vmem_shared>> -> memref<10240x128xf32, #tpu.memory_space<vmem_shared>>
      tpu.wait_indirect_dma semaphore(%arg15 : memref<!tpu.dma_semaphore, #tpu.memory_space<semaphore_mem>>) src(%arg10 : memref<128x128xf32, #tpu.memory_space<vmem>>) dst(%dma_wait3A_733 : memref<10240x128xf32, #tpu.memory_space<vmem_shared>>)
      %dma_wait3A_734 = arith.constant 0 : i32
      %dma_wait3A_735 = arith.constant 0 : i32
      %dma_wait3A_736 = tpu.memref_slice %arg7[%dma_wait3A_734, %dma_wait3A_735] : memref<40x128xi32, #tpu.memory_space<vmem>> -> memref<1x128xi32, #tpu.memory_space<vmem>>
      %dma_wait3A_737 = tpu.memref_squeeze %dma_wait3A_736 : memref<1x128xi32, #tpu.memory_space<vmem>> -> memref<128xi32, #tpu.memory_space<vmem>>
      %dma_wait3A_738 = arith.constant 0 : i32
      %dma_wait3A_739 = arith.constant 0 : i32
      %dma_wait3A_740 = tpu.memref_slice %arg2[%dma_wait3A_738, %dma_wait3A_739] : memref<102400x128xf32, #tpu.memory_space<hbm>> -> memref<102400x128xf32, #tpu.memory_space<hbm>>
      tpu.wait_indirect_dma semaphore(%arg12 : memref<!tpu.dma_semaphore, #tpu.memory_space<semaphore_mem>>) src(%dma_wait3A_740 : memref<102400x128xf32, #tpu.memory_space<hbm>>) dst(%arg9 : memref<128x128xf32, #tpu.memory_space<vmem>>)
      %add3A_741 = arith.constant 2 : i32
      %add3A_742 = arith.addi %add3A_698, %add3A_741 : i32
      %dma_start3A_743 = arith.constant 0 : i32
      %dma_start3A_744 = tpu.memref_slice %arg7[%add3A_742, %dma_start3A_743] : memref<40x128xi32, #tpu.memory_space<vmem>> -> memref<1x128xi32, #tpu.memory_space<vmem>>
      %dma_start3A_745 = tpu.memref_squeeze %dma_start3A_744 : memref<1x128xi32, #tpu.memory_space<vmem>> -> memref<128xi32, #tpu.memory_space<vmem>>
      %dma_start3A_746 = arith.constant 0 : i32
      %dma_start3A_747 = arith.constant 0 : i32
      %dma_start3A_748 = tpu.memref_slice %arg2[%dma_start3A_746, %dma_start3A_747] : memref<102400x128xf32, #tpu.memory_space<hbm>> -> memref<102400x128xf32, #tpu.memory_space<hbm>>
      tpu.enqueue_indirect_dma source(%dma_start3A_748 : memref<102400x128xf32, #tpu.memory_space<hbm>>) target(%arg10 : memref<128x128xf32, #tpu.memory_space<vmem>>) offsets(%dma_start3A_745 : memref<128xi32, #tpu.memory_space<vmem>>) semaphore(%arg13 : memref<!tpu.dma_semaphore, #tpu.memory_space<semaphore_mem>>)
      %add3A_749 = arith.constant 1 : i32
      %add3A_750 = arith.addi %add3A_698, %add3A_749 : i32
      %dma_start3A_751 = arith.constant 0 : i32
      %dma_start3A_752 = tpu.memref_slice %arg8[%add3A_750, %dma_start3A_751] : memref<40x128xi32, #tpu.memory_space<vmem>> -> memref<1x128xi32, #tpu.memory_space<vmem>>
      %dma_start3A_753 = tpu.memref_squeeze %dma_start3A_752 : memref<1x128xi32, #tpu.memory_space<vmem>> -> memref<128xi32, #tpu.memory_space<vmem>>
      %dma_start3A_754 = arith.constant 0 : i32
      %dma_start3A_755 = arith.constant 0 : i32
      %dma_start3A_756 = tpu.memref_slice %arg11[%dma_start3A_754, %dma_start3A_755] : memref<10240x128xf32, #tpu.memory_space<vmem_shared>> -> memref<10240x128xf32, #tpu.memory_space<vmem_shared>>
      tpu.enqueue_indirect_dma source(%arg9 : memref<128x128xf32, #tpu.memory_space<vmem>>) target(%dma_start3A_756 : memref<10240x128xf32, #tpu.memory_space<vmem_shared>>) offsets(%dma_start3A_753 : memref<128xi32, #tpu.memory_space<vmem>>) semaphore(%arg14 : memref<!tpu.dma_semaphore, #tpu.memory_space<semaphore_mem>>) {add = true}
    }
    %scan3A_452 = arith.constant 19 : i32
    %dma_wait3A_453 = arith.constant 0 : i32
    %dma_wait3A_454 = arith.constant 0 : i32
    %dma_wait3A_455 = tpu.memref_slice %arg8[%dma_wait3A_453, %dma_wait3A_454] : memref<40x128xi32, #tpu.memory_space<vmem>> -> memref<1x128xi32, #tpu.memory_space<vmem>>
    %dma_wait3A_456 = tpu.memref_squeeze %dma_wait3A_455 : memref<1x128xi32, #tpu.memory_space<vmem>> -> memref<128xi32, #tpu.memory_space<vmem>>
    %dma_wait3A_457 = arith.constant 0 : i32
    %dma_wait3A_458 = arith.constant 0 : i32
    %dma_wait3A_459 = tpu.memref_slice %arg11[%dma_wait3A_457, %dma_wait3A_458] : memref<10240x128xf32, #tpu.memory_space<vmem_shared>> -> memref<10240x128xf32, #tpu.memory_space<vmem_shared>>
    tpu.wait_indirect_dma semaphore(%arg14 : memref<!tpu.dma_semaphore, #tpu.memory_space<semaphore_mem>>) src(%arg9 : memref<128x128xf32, #tpu.memory_space<vmem>>) dst(%dma_wait3A_459 : memref<10240x128xf32, #tpu.memory_space<vmem_shared>>)
    %dma_wait3A_460 = arith.constant 0 : i32
    %dma_wait3A_461 = arith.constant 0 : i32
    %dma_wait3A_462 = tpu.memref_slice %arg7[%dma_wait3A_460, %dma_wait3A_461] : memref<40x128xi32, #tpu.memory_space<vmem>> -> memref<1x128xi32, #tpu.memory_space<vmem>>
    %dma_wait3A_463 = tpu.memref_squeeze %dma_wait3A_462 : memref<1x128xi32, #tpu.memory_space<vmem>> -> memref<128xi32, #tpu.memory_space<vmem>>
    %dma_wait3A_464 = arith.constant 0 : i32
    %dma_wait3A_465 = arith.constant 0 : i32
    %dma_wait3A_466 = tpu.memref_slice %arg2[%dma_wait3A_464, %dma_wait3A_465] : memref<102400x128xf32, #tpu.memory_space<hbm>> -> memref<102400x128xf32, #tpu.memory_space<hbm>>
    tpu.wait_indirect_dma semaphore(%arg13 : memref<!tpu.dma_semaphore, #tpu.memory_space<semaphore_mem>>) src(%dma_wait3A_466 : memref<102400x128xf32, #tpu.memory_space<hbm>>) dst(%arg10 : memref<128x128xf32, #tpu.memory_space<vmem>>)
    %dma_start3A_467 = arith.constant 39 : i32
    %dma_start3A_468 = arith.constant 0 : i32
    %dma_start3A_469 = tpu.memref_slice %arg8[%dma_start3A_467, %dma_start3A_468] : memref<40x128xi32, #tpu.memory_space<vmem>> -> memref<1x128xi32, #tpu.memory_space<vmem>>
    %dma_start3A_470 = tpu.memref_squeeze %dma_start3A_469 : memref<1x128xi32, #tpu.memory_space<vmem>> -> memref<128xi32, #tpu.memory_space<vmem>>
    %dma_start3A_471 = arith.constant 0 : i32
    %dma_start3A_472 = arith.constant 0 : i32
    %dma_start3A_473 = tpu.memref_slice %arg11[%dma_start3A_471, %dma_start3A_472] : memref<10240x128xf32, #tpu.memory_space<vmem_shared>> -> memref<10240x128xf32, #tpu.memory_space<vmem_shared>>
    tpu.enqueue_indirect_dma source(%arg10 : memref<128x128xf32, #tpu.memory_space<vmem>>) target(%dma_start3A_473 : memref<10240x128xf32, #tpu.memory_space<vmem_shared>>) offsets(%dma_start3A_470 : memref<128xi32, #tpu.memory_space<vmem>>) semaphore(%arg15 : memref<!tpu.dma_semaphore, #tpu.memory_space<semaphore_mem>>) {add = true}
    %dma_wait3A_474 = arith.constant 0 : i32
    %dma_wait3A_475 = arith.constant 0 : i32
    %dma_wait3A_476 = tpu.memref_slice %arg8[%dma_wait3A_474, %dma_wait3A_475] : memref<40x128xi32, #tpu.memory_space<vmem>> -> memref<1x128xi32, #tpu.memory_space<vmem>>
    %dma_wait3A_477 = tpu.memref_squeeze %dma_wait3A_476 : memref<1x128xi32, #tpu.memory_space<vmem>> -> memref<128xi32, #tpu.memory_space<vmem>>
    %dma_wait3A_478 = arith.constant 0 : i32
    %dma_wait3A_479 = arith.constant 0 : i32
    %dma_wait3A_480 = tpu.memref_slice %arg11[%dma_wait3A_478, %dma_wait3A_479] : memref<10240x128xf32, #tpu.memory_space<vmem_shared>> -> memref<10240x128xf32, #tpu.memory_space<vmem_shared>>
    tpu.wait_indirect_dma semaphore(%arg15 : memref<!tpu.dma_semaphore, #tpu.memory_space<semaphore_mem>>) src(%arg10 : memref<128x128xf32, #tpu.memory_space<vmem>>) dst(%dma_wait3A_480 : memref<10240x128xf32, #tpu.memory_space<vmem_shared>>)
    %run_scoped3A_481 = arith.constant 3 : i32
    "tpu.region"() ({
      %run_scoped3A_690 = tpu.sem_alloc : memref<!tpu.dma_semaphore, #tpu.memory_space<semaphore_mem>>
      %dma_start3A_691 = arith.constant 40 : i32
      %dma_start3A_692 = arith.constant 0 : i32
      %dma_start3A_693 = tpu.memref_slice %arg3[%run_scoped3A_481, %arg0, %arg1, %dma_start3A_691, %dma_start3A_692] : memref<5x2x16x80x128xi32, #tpu.memory_space<hbm>> -> memref<1x1x1x40x128xi32, #tpu.memory_space<hbm>>
      %dma_start3A_694 = tpu.memref_squeeze %dma_start3A_693 : memref<1x1x1x40x128xi32, #tpu.memory_space<hbm>> -> memref<40x128xi32, #tpu.memory_space<hbm>>
      %dma_start3A_695 = arith.constant 40 : i32
      %dma_start3A_696 = arith.constant 0 : i32
      %dma_start3A_697 = tpu.memref_slice %arg3[%run_scoped3A_481, %arg0, %arg1, %dma_start3A_695, %dma_start3A_696] : memref<5x2x16x80x128xi32, #tpu.memory_space<hbm>> -> memref<1x1x1x40x128xi32, #tpu.memory_space<hbm>>
      %dma_start3A_698 = tpu.memref_squeeze %dma_start3A_697 : memref<1x1x1x40x128xi32, #tpu.memory_space<hbm>> -> memref<40x128xi32, #tpu.memory_space<hbm>>
      tpu.enqueue_dma source(%dma_start3A_698 : memref<40x128xi32, #tpu.memory_space<hbm>>) target(%arg7 : memref<40x128xi32, #tpu.memory_space<vmem>>) target_semaphore(%run_scoped3A_690 : memref<!tpu.dma_semaphore, #tpu.memory_space<semaphore_mem>>)
      %dma_wait3A_699 = arith.constant 40 : i32
      %dma_wait3A_700 = arith.constant 0 : i32
      %dma_wait3A_701 = tpu.memref_slice %arg3[%run_scoped3A_481, %arg0, %arg1, %dma_wait3A_699, %dma_wait3A_700] : memref<5x2x16x80x128xi32, #tpu.memory_space<hbm>> -> memref<1x1x1x40x128xi32, #tpu.memory_space<hbm>>
      %dma_wait3A_702 = tpu.memref_squeeze %dma_wait3A_701 : memref<1x1x1x40x128xi32, #tpu.memory_space<hbm>> -> memref<40x128xi32, #tpu.memory_space<hbm>>
      %dma_wait3A_703 = arith.constant 40 : i32
      %dma_wait3A_704 = arith.constant 0 : i32
      %dma_wait3A_705 = tpu.memref_slice %arg3[%run_scoped3A_481, %arg0, %arg1, %dma_wait3A_703, %dma_wait3A_704] : memref<5x2x16x80x128xi32, #tpu.memory_space<hbm>> -> memref<1x1x1x40x128xi32, #tpu.memory_space<hbm>>
      %dma_wait3A_706 = tpu.memref_squeeze %dma_wait3A_705 : memref<1x1x1x40x128xi32, #tpu.memory_space<hbm>> -> memref<40x128xi32, #tpu.memory_space<hbm>>
      tpu.wait_dma2 semaphore(%run_scoped3A_690 : memref<!tpu.dma_semaphore, #tpu.memory_space<semaphore_mem>>) src(%dma_wait3A_706 : memref<40x128xi32, #tpu.memory_space<hbm>>) dst(%arg7 : memref<40x128xi32, #tpu.memory_space<vmem>>)
      tpu.yield
    }) : () -> ()
    %run_scoped3A_482 = arith.constant 3 : i32
    "tpu.region"() ({
      %run_scoped3A_690 = tpu.sem_alloc : memref<!tpu.dma_semaphore, #tpu.memory_space<semaphore_mem>>
      %dma_start3A_691 = arith.constant 40 : i32
      %dma_start3A_692 = arith.constant 0 : i32
      %dma_start3A_693 = tpu.memref_slice %arg4[%run_scoped3A_482, %arg1, %dma_start3A_691, %dma_start3A_692] : memref<5x16x80x128xi32, #tpu.memory_space<hbm>> -> memref<1x1x40x128xi32, #tpu.memory_space<hbm>>
      %dma_start3A_694 = tpu.memref_squeeze %dma_start3A_693 : memref<1x1x40x128xi32, #tpu.memory_space<hbm>> -> memref<40x128xi32, #tpu.memory_space<hbm>>
      %dma_start3A_695 = arith.constant 40 : i32
      %dma_start3A_696 = arith.constant 0 : i32
      %dma_start3A_697 = tpu.memref_slice %arg4[%run_scoped3A_482, %arg1, %dma_start3A_695, %dma_start3A_696] : memref<5x16x80x128xi32, #tpu.memory_space<hbm>> -> memref<1x1x40x128xi32, #tpu.memory_space<hbm>>
      %dma_start3A_698 = tpu.memref_squeeze %dma_start3A_697 : memref<1x1x40x128xi32, #tpu.memory_space<hbm>> -> memref<40x128xi32, #tpu.memory_space<hbm>>
      tpu.enqueue_dma source(%dma_start3A_698 : memref<40x128xi32, #tpu.memory_space<hbm>>) target(%arg8 : memref<40x128xi32, #tpu.memory_space<vmem>>) target_semaphore(%run_scoped3A_690 : memref<!tpu.dma_semaphore, #tpu.memory_space<semaphore_mem>>)
      %dma_wait3A_699 = arith.constant 40 : i32
      %dma_wait3A_700 = arith.constant 0 : i32
      %dma_wait3A_701 = tpu.memref_slice %arg4[%run_scoped3A_482, %arg1, %dma_wait3A_699, %dma_wait3A_700] : memref<5x16x80x128xi32, #tpu.memory_space<hbm>> -> memref<1x1x40x128xi32, #tpu.memory_space<hbm>>
      %dma_wait3A_702 = tpu.memref_squeeze %dma_wait3A_701 : memref<1x1x40x128xi32, #tpu.memory_space<hbm>> -> memref<40x128xi32, #tpu.memory_space<hbm>>
      %dma_wait3A_703 = arith.constant 40 : i32
      %dma_wait3A_704 = arith.constant 0 : i32
      %dma_wait3A_705 = tpu.memref_slice %arg4[%run_scoped3A_482, %arg1, %dma_wait3A_703, %dma_wait3A_704] : memref<5x16x80x128xi32, #tpu.memory_space<hbm>> -> memref<1x1x40x128xi32, #tpu.memory_space<hbm>>
      %dma_wait3A_706 = tpu.memref_squeeze %dma_wait3A_705 : memref<1x1x40x128xi32, #tpu.memory_space<hbm>> -> memref<40x128xi32, #tpu.memory_space<hbm>>
      tpu.wait_dma2 semaphore(%run_scoped3A_690 : memref<!tpu.dma_semaphore, #tpu.memory_space<semaphore_mem>>) src(%dma_wait3A_706 : memref<40x128xi32, #tpu.memory_space<hbm>>) dst(%arg8 : memref<40x128xi32, #tpu.memory_space<vmem>>)
      tpu.yield
    }) : () -> ()
    %dma_start3A_483 = arith.constant 0 : i32
    %dma_start3A_484 = arith.constant 0 : i32
    %dma_start3A_485 = tpu.memref_slice %arg7[%dma_start3A_483, %dma_start3A_484] : memref<40x128xi32, #tpu.memory_space<vmem>> -> memref<1x128xi32, #tpu.memory_space<vmem>>
    %dma_start3A_486 = tpu.memref_squeeze %dma_start3A_485 : memref<1x128xi32, #tpu.memory_space<vmem>> -> memref<128xi32, #tpu.memory_space<vmem>>
    %dma_start3A_487 = arith.constant 0 : i32
    %dma_start3A_488 = arith.constant 0 : i32
    %dma_start3A_489 = tpu.memref_slice %arg2[%dma_start3A_487, %dma_start3A_488] : memref<102400x128xf32, #tpu.memory_space<hbm>> -> memref<102400x128xf32, #tpu.memory_space<hbm>>
    tpu.enqueue_indirect_dma source(%dma_start3A_489 : memref<102400x128xf32, #tpu.memory_space<hbm>>) target(%arg9 : memref<128x128xf32, #tpu.memory_space<vmem>>) offsets(%dma_start3A_486 : memref<128xi32, #tpu.memory_space<vmem>>) semaphore(%arg12 : memref<!tpu.dma_semaphore, #tpu.memory_space<semaphore_mem>>)
    %dma_wait3A_490 = arith.constant 0 : i32
    %dma_wait3A_491 = arith.constant 0 : i32
    %dma_wait3A_492 = tpu.memref_slice %arg7[%dma_wait3A_490, %dma_wait3A_491] : memref<40x128xi32, #tpu.memory_space<vmem>> -> memref<1x128xi32, #tpu.memory_space<vmem>>
    %dma_wait3A_493 = tpu.memref_squeeze %dma_wait3A_492 : memref<1x128xi32, #tpu.memory_space<vmem>> -> memref<128xi32, #tpu.memory_space<vmem>>
    %dma_wait3A_494 = arith.constant 0 : i32
    %dma_wait3A_495 = arith.constant 0 : i32
    %dma_wait3A_496 = tpu.memref_slice %arg2[%dma_wait3A_494, %dma_wait3A_495] : memref<102400x128xf32, #tpu.memory_space<hbm>> -> memref<102400x128xf32, #tpu.memory_space<hbm>>
    tpu.wait_indirect_dma semaphore(%arg12 : memref<!tpu.dma_semaphore, #tpu.memory_space<semaphore_mem>>) src(%dma_wait3A_496 : memref<102400x128xf32, #tpu.memory_space<hbm>>) dst(%arg9 : memref<128x128xf32, #tpu.memory_space<vmem>>)
    %dma_start3A_497 = arith.constant 1 : i32
    %dma_start3A_498 = arith.constant 0 : i32
    %dma_start3A_499 = tpu.memref_slice %arg7[%dma_start3A_497, %dma_start3A_498] : memref<40x128xi32, #tpu.memory_space<vmem>> -> memref<1x128xi32, #tpu.memory_space<vmem>>
    %dma_start3A_500 = tpu.memref_squeeze %dma_start3A_499 : memref<1x128xi32, #tpu.memory_space<vmem>> -> memref<128xi32, #tpu.memory_space<vmem>>
    %dma_start3A_501 = arith.constant 0 : i32
    %dma_start3A_502 = arith.constant 0 : i32
    %dma_start3A_503 = tpu.memref_slice %arg2[%dma_start3A_501, %dma_start3A_502] : memref<102400x128xf32, #tpu.memory_space<hbm>> -> memref<102400x128xf32, #tpu.memory_space<hbm>>
    tpu.enqueue_indirect_dma source(%dma_start3A_503 : memref<102400x128xf32, #tpu.memory_space<hbm>>) target(%arg10 : memref<128x128xf32, #tpu.memory_space<vmem>>) offsets(%dma_start3A_500 : memref<128xi32, #tpu.memory_space<vmem>>) semaphore(%arg13 : memref<!tpu.dma_semaphore, #tpu.memory_space<semaphore_mem>>)
    %dma_start3A_504 = arith.constant 0 : i32
    %dma_start3A_505 = arith.constant 0 : i32
    %dma_start3A_506 = tpu.memref_slice %arg8[%dma_start3A_504, %dma_start3A_505] : memref<40x128xi32, #tpu.memory_space<vmem>> -> memref<1x128xi32, #tpu.memory_space<vmem>>
    %dma_start3A_507 = tpu.memref_squeeze %dma_start3A_506 : memref<1x128xi32, #tpu.memory_space<vmem>> -> memref<128xi32, #tpu.memory_space<vmem>>
    %dma_start3A_508 = arith.constant 0 : i32
    %dma_start3A_509 = arith.constant 0 : i32
    %dma_start3A_510 = tpu.memref_slice %arg11[%dma_start3A_508, %dma_start3A_509] : memref<10240x128xf32, #tpu.memory_space<vmem_shared>> -> memref<10240x128xf32, #tpu.memory_space<vmem_shared>>
    tpu.enqueue_indirect_dma source(%arg9 : memref<128x128xf32, #tpu.memory_space<vmem>>) target(%dma_start3A_510 : memref<10240x128xf32, #tpu.memory_space<vmem_shared>>) offsets(%dma_start3A_507 : memref<128xi32, #tpu.memory_space<vmem>>) semaphore(%arg14 : memref<!tpu.dma_semaphore, #tpu.memory_space<semaphore_mem>>) {add = true}
    %scan3A_511 = arith.constant 0 : i32
    %scan3A_512 = arith.constant 19 : i32
    %scan3A_513 = arith.addi %scan3A_511, %scan3A_512 : i32
    %scan3A_514 = arith.constant 1 : i32
    scf.for %scan3A_690 = %scan3A_511 to %scan3A_513 step %scan3A_514  : i32 {
      %mul3A_691 = arith.constant 1 : i32
      %mul3A_692 = arith.muli %scan3A_690, %mul3A_691 : i32
      %add3A_693 = arith.constant 0 : i32
      %add3A_694 = arith.addi %add3A_693, %mul3A_692 : i32
      %mul3A_695 = arith.constant 2 : i32
      %mul3A_696 = arith.muli %mul3A_695, %add3A_694 : i32
      %add3A_697 = arith.constant 1 : i32
      %add3A_698 = arith.addi %add3A_697, %mul3A_696 : i32
      %dma_wait3A_699 = arith.constant 0 : i32
      %dma_wait3A_700 = arith.constant 0 : i32
      %dma_wait3A_701 = tpu.memref_slice %arg8[%dma_wait3A_699, %dma_wait3A_700] : memref<40x128xi32, #tpu.memory_space<vmem>> -> memref<1x128xi32, #tpu.memory_space<vmem>>
      %dma_wait3A_702 = tpu.memref_squeeze %dma_wait3A_701 : memref<1x128xi32, #tpu.memory_space<vmem>> -> memref<128xi32, #tpu.memory_space<vmem>>
      %dma_wait3A_703 = arith.constant 0 : i32
      %dma_wait3A_704 = arith.constant 0 : i32
      %dma_wait3A_705 = tpu.memref_slice %arg11[%dma_wait3A_703, %dma_wait3A_704] : memref<10240x128xf32, #tpu.memory_space<vmem_shared>> -> memref<10240x128xf32, #tpu.memory_space<vmem_shared>>
      tpu.wait_indirect_dma semaphore(%arg14 : memref<!tpu.dma_semaphore, #tpu.memory_space<semaphore_mem>>) src(%arg9 : memref<128x128xf32, #tpu.memory_space<vmem>>) dst(%dma_wait3A_705 : memref<10240x128xf32, #tpu.memory_space<vmem_shared>>)
      %dma_wait3A_706 = arith.constant 0 : i32
      %dma_wait3A_707 = arith.constant 0 : i32
      %dma_wait3A_708 = tpu.memref_slice %arg7[%dma_wait3A_706, %dma_wait3A_707] : memref<40x128xi32, #tpu.memory_space<vmem>> -> memref<1x128xi32, #tpu.memory_space<vmem>>
      %dma_wait3A_709 = tpu.memref_squeeze %dma_wait3A_708 : memref<1x128xi32, #tpu.memory_space<vmem>> -> memref<128xi32, #tpu.memory_space<vmem>>
      %dma_wait3A_710 = arith.constant 0 : i32
      %dma_wait3A_711 = arith.constant 0 : i32
      %dma_wait3A_712 = tpu.memref_slice %arg2[%dma_wait3A_710, %dma_wait3A_711] : memref<102400x128xf32, #tpu.memory_space<hbm>> -> memref<102400x128xf32, #tpu.memory_space<hbm>>
      tpu.wait_indirect_dma semaphore(%arg13 : memref<!tpu.dma_semaphore, #tpu.memory_space<semaphore_mem>>) src(%dma_wait3A_712 : memref<102400x128xf32, #tpu.memory_space<hbm>>) dst(%arg10 : memref<128x128xf32, #tpu.memory_space<vmem>>)
      %add3A_713 = arith.constant 1 : i32
      %add3A_714 = arith.addi %add3A_698, %add3A_713 : i32
      %dma_start3A_715 = arith.constant 0 : i32
      %dma_start3A_716 = tpu.memref_slice %arg7[%add3A_714, %dma_start3A_715] : memref<40x128xi32, #tpu.memory_space<vmem>> -> memref<1x128xi32, #tpu.memory_space<vmem>>
      %dma_start3A_717 = tpu.memref_squeeze %dma_start3A_716 : memref<1x128xi32, #tpu.memory_space<vmem>> -> memref<128xi32, #tpu.memory_space<vmem>>
      %dma_start3A_718 = arith.constant 0 : i32
      %dma_start3A_719 = arith.constant 0 : i32
      %dma_start3A_720 = tpu.memref_slice %arg2[%dma_start3A_718, %dma_start3A_719] : memref<102400x128xf32, #tpu.memory_space<hbm>> -> memref<102400x128xf32, #tpu.memory_space<hbm>>
      tpu.enqueue_indirect_dma source(%dma_start3A_720 : memref<102400x128xf32, #tpu.memory_space<hbm>>) target(%arg9 : memref<128x128xf32, #tpu.memory_space<vmem>>) offsets(%dma_start3A_717 : memref<128xi32, #tpu.memory_space<vmem>>) semaphore(%arg12 : memref<!tpu.dma_semaphore, #tpu.memory_space<semaphore_mem>>)
      %dma_start3A_721 = arith.constant 0 : i32
      %dma_start3A_722 = tpu.memref_slice %arg8[%add3A_698, %dma_start3A_721] : memref<40x128xi32, #tpu.memory_space<vmem>> -> memref<1x128xi32, #tpu.memory_space<vmem>>
      %dma_start3A_723 = tpu.memref_squeeze %dma_start3A_722 : memref<1x128xi32, #tpu.memory_space<vmem>> -> memref<128xi32, #tpu.memory_space<vmem>>
      %dma_start3A_724 = arith.constant 0 : i32
      %dma_start3A_725 = arith.constant 0 : i32
      %dma_start3A_726 = tpu.memref_slice %arg11[%dma_start3A_724, %dma_start3A_725] : memref<10240x128xf32, #tpu.memory_space<vmem_shared>> -> memref<10240x128xf32, #tpu.memory_space<vmem_shared>>
      tpu.enqueue_indirect_dma source(%arg10 : memref<128x128xf32, #tpu.memory_space<vmem>>) target(%dma_start3A_726 : memref<10240x128xf32, #tpu.memory_space<vmem_shared>>) offsets(%dma_start3A_723 : memref<128xi32, #tpu.memory_space<vmem>>) semaphore(%arg15 : memref<!tpu.dma_semaphore, #tpu.memory_space<semaphore_mem>>) {add = true}
      %dma_wait3A_727 = arith.constant 0 : i32
      %dma_wait3A_728 = arith.constant 0 : i32
      %dma_wait3A_729 = tpu.memref_slice %arg8[%dma_wait3A_727, %dma_wait3A_728] : memref<40x128xi32, #tpu.memory_space<vmem>> -> memref<1x128xi32, #tpu.memory_space<vmem>>
      %dma_wait3A_730 = tpu.memref_squeeze %dma_wait3A_729 : memref<1x128xi32, #tpu.memory_space<vmem>> -> memref<128xi32, #tpu.memory_space<vmem>>
      %dma_wait3A_731 = arith.constant 0 : i32
      %dma_wait3A_732 = arith.constant 0 : i32
      %dma_wait3A_733 = tpu.memref_slice %arg11[%dma_wait3A_731, %dma_wait3A_732] : memref<10240x128xf32, #tpu.memory_space<vmem_shared>> -> memref<10240x128xf32, #tpu.memory_space<vmem_shared>>
      tpu.wait_indirect_dma semaphore(%arg15 : memref<!tpu.dma_semaphore, #tpu.memory_space<semaphore_mem>>) src(%arg10 : memref<128x128xf32, #tpu.memory_space<vmem>>) dst(%dma_wait3A_733 : memref<10240x128xf32, #tpu.memory_space<vmem_shared>>)
      %dma_wait3A_734 = arith.constant 0 : i32
      %dma_wait3A_735 = arith.constant 0 : i32
      %dma_wait3A_736 = tpu.memref_slice %arg7[%dma_wait3A_734, %dma_wait3A_735] : memref<40x128xi32, #tpu.memory_space<vmem>> -> memref<1x128xi32, #tpu.memory_space<vmem>>
      %dma_wait3A_737 = tpu.memref_squeeze %dma_wait3A_736 : memref<1x128xi32, #tpu.memory_space<vmem>> -> memref<128xi32, #tpu.memory_space<vmem>>
      %dma_wait3A_738 = arith.constant 0 : i32
      %dma_wait3A_739 = arith.constant 0 : i32
      %dma_wait3A_740 = tpu.memref_slice %arg2[%dma_wait3A_738, %dma_wait3A_739] : memref<102400x128xf32, #tpu.memory_space<hbm>> -> memref<102400x128xf32, #tpu.memory_space<hbm>>
      tpu.wait_indirect_dma semaphore(%arg12 : memref<!tpu.dma_semaphore, #tpu.memory_space<semaphore_mem>>) src(%dma_wait3A_740 : memref<102400x128xf32, #tpu.memory_space<hbm>>) dst(%arg9 : memref<128x128xf32, #tpu.memory_space<vmem>>)
      %add3A_741 = arith.constant 2 : i32
      %add3A_742 = arith.addi %add3A_698, %add3A_741 : i32
      %dma_start3A_743 = arith.constant 0 : i32
      %dma_start3A_744 = tpu.memref_slice %arg7[%add3A_742, %dma_start3A_743] : memref<40x128xi32, #tpu.memory_space<vmem>> -> memref<1x128xi32, #tpu.memory_space<vmem>>
      %dma_start3A_745 = tpu.memref_squeeze %dma_start3A_744 : memref<1x128xi32, #tpu.memory_space<vmem>> -> memref<128xi32, #tpu.memory_space<vmem>>
      %dma_start3A_746 = arith.constant 0 : i32
      %dma_start3A_747 = arith.constant 0 : i32
      %dma_start3A_748 = tpu.memref_slice %arg2[%dma_start3A_746, %dma_start3A_747] : memref<102400x128xf32, #tpu.memory_space<hbm>> -> memref<102400x128xf32, #tpu.memory_space<hbm>>
      tpu.enqueue_indirect_dma source(%dma_start3A_748 : memref<102400x128xf32, #tpu.memory_space<hbm>>) target(%arg10 : memref<128x128xf32, #tpu.memory_space<vmem>>) offsets(%dma_start3A_745 : memref<128xi32, #tpu.memory_space<vmem>>) semaphore(%arg13 : memref<!tpu.dma_semaphore, #tpu.memory_space<semaphore_mem>>)
      %add3A_749 = arith.constant 1 : i32
      %add3A_750 = arith.addi %add3A_698, %add3A_749 : i32
      %dma_start3A_751 = arith.constant 0 : i32
      %dma_start3A_752 = tpu.memref_slice %arg8[%add3A_750, %dma_start3A_751] : memref<40x128xi32, #tpu.memory_space<vmem>> -> memref<1x128xi32, #tpu.memory_space<vmem>>
      %dma_start3A_753 = tpu.memref_squeeze %dma_start3A_752 : memref<1x128xi32, #tpu.memory_space<vmem>> -> memref<128xi32, #tpu.memory_space<vmem>>
      %dma_start3A_754 = arith.constant 0 : i32
      %dma_start3A_755 = arith.constant 0 : i32
      %dma_start3A_756 = tpu.memref_slice %arg11[%dma_start3A_754, %dma_start3A_755] : memref<10240x128xf32, #tpu.memory_space<vmem_shared>> -> memref<10240x128xf32, #tpu.memory_space<vmem_shared>>
      tpu.enqueue_indirect_dma source(%arg9 : memref<128x128xf32, #tpu.memory_space<vmem>>) target(%dma_start3A_756 : memref<10240x128xf32, #tpu.memory_space<vmem_shared>>) offsets(%dma_start3A_753 : memref<128xi32, #tpu.memory_space<vmem>>) semaphore(%arg14 : memref<!tpu.dma_semaphore, #tpu.memory_space<semaphore_mem>>) {add = true}
    }
    %scan3A_515 = arith.constant 19 : i32
    %dma_wait3A_516 = arith.constant 0 : i32
    %dma_wait3A_517 = arith.constant 0 : i32
    %dma_wait3A_518 = tpu.memref_slice %arg8[%dma_wait3A_516, %dma_wait3A_517] : memref<40x128xi32, #tpu.memory_space<vmem>> -> memref<1x128xi32, #tpu.memory_space<vmem>>
    %dma_wait3A_519 = tpu.memref_squeeze %dma_wait3A_518 : memref<1x128xi32, #tpu.memory_space<vmem>> -> memref<128xi32, #tpu.memory_space<vmem>>
    %dma_wait3A_520 = arith.constant 0 : i32
    %dma_wait3A_521 = arith.constant 0 : i32
    %dma_wait3A_522 = tpu.memref_slice %arg11[%dma_wait3A_520, %dma_wait3A_521] : memref<10240x128xf32, #tpu.memory_space<vmem_shared>> -> memref<10240x128xf32, #tpu.memory_space<vmem_shared>>
    tpu.wait_indirect_dma semaphore(%arg14 : memref<!tpu.dma_semaphore, #tpu.memory_space<semaphore_mem>>) src(%arg9 : memref<128x128xf32, #tpu.memory_space<vmem>>) dst(%dma_wait3A_522 : memref<10240x128xf32, #tpu.memory_space<vmem_shared>>)
    %dma_wait3A_523 = arith.constant 0 : i32
    %dma_wait3A_524 = arith.constant 0 : i32
    %dma_wait3A_525 = tpu.memref_slice %arg7[%dma_wait3A_523, %dma_wait3A_524] : memref<40x128xi32, #tpu.memory_space<vmem>> -> memref<1x128xi32, #tpu.memory_space<vmem>>
    %dma_wait3A_526 = tpu.memref_squeeze %dma_wait3A_525 : memref<1x128xi32, #tpu.memory_space<vmem>> -> memref<128xi32, #tpu.memory_space<vmem>>
    %dma_wait3A_527 = arith.constant 0 : i32
    %dma_wait3A_528 = arith.constant 0 : i32
    %dma_wait3A_529 = tpu.memref_slice %arg2[%dma_wait3A_527, %dma_wait3A_528] : memref<102400x128xf32, #tpu.memory_space<hbm>> -> memref<102400x128xf32, #tpu.memory_space<hbm>>
    tpu.wait_indirect_dma semaphore(%arg13 : memref<!tpu.dma_semaphore, #tpu.memory_space<semaphore_mem>>) src(%dma_wait3A_529 : memref<102400x128xf32, #tpu.memory_space<hbm>>) dst(%arg10 : memref<128x128xf32, #tpu.memory_space<vmem>>)
    %dma_start3A_530 = arith.constant 39 : i32
    %dma_start3A_531 = arith.constant 0 : i32
    %dma_start3A_532 = tpu.memref_slice %arg8[%dma_start3A_530, %dma_start3A_531] : memref<40x128xi32, #tpu.memory_space<vmem>> -> memref<1x128xi32, #tpu.memory_space<vmem>>
    %dma_start3A_533 = tpu.memref_squeeze %dma_start3A_532 : memref<1x128xi32, #tpu.memory_space<vmem>> -> memref<128xi32, #tpu.memory_space<vmem>>
    %dma_start3A_534 = arith.constant 0 : i32
    %dma_start3A_535 = arith.constant 0 : i32
    %dma_start3A_536 = tpu.memref_slice %arg11[%dma_start3A_534, %dma_start3A_535] : memref<10240x128xf32, #tpu.memory_space<vmem_shared>> -> memref<10240x128xf32, #tpu.memory_space<vmem_shared>>
    tpu.enqueue_indirect_dma source(%arg10 : memref<128x128xf32, #tpu.memory_space<vmem>>) target(%dma_start3A_536 : memref<10240x128xf32, #tpu.memory_space<vmem_shared>>) offsets(%dma_start3A_533 : memref<128xi32, #tpu.memory_space<vmem>>) semaphore(%arg15 : memref<!tpu.dma_semaphore, #tpu.memory_space<semaphore_mem>>) {add = true}
    %dma_wait3A_537 = arith.constant 0 : i32
    %dma_wait3A_538 = arith.constant 0 : i32
    %dma_wait3A_539 = tpu.memref_slice %arg8[%dma_wait3A_537, %dma_wait3A_538] : memref<40x128xi32, #tpu.memory_space<vmem>> -> memref<1x128xi32, #tpu.memory_space<vmem>>
    %dma_wait3A_540 = tpu.memref_squeeze %dma_wait3A_539 : memref<1x128xi32, #tpu.memory_space<vmem>> -> memref<128xi32, #tpu.memory_space<vmem>>
    %dma_wait3A_541 = arith.constant 0 : i32
    %dma_wait3A_542 = arith.constant 0 : i32
    %dma_wait3A_543 = tpu.memref_slice %arg11[%dma_wait3A_541, %dma_wait3A_542] : memref<10240x128xf32, #tpu.memory_space<vmem_shared>> -> memref<10240x128xf32, #tpu.memory_space<vmem_shared>>
    tpu.wait_indirect_dma semaphore(%arg15 : memref<!tpu.dma_semaphore, #tpu.memory_space<semaphore_mem>>) src(%arg10 : memref<128x128xf32, #tpu.memory_space<vmem>>) dst(%dma_wait3A_543 : memref<10240x128xf32, #tpu.memory_space<vmem_shared>>)
    %barrier3A_544 = arith.constant 0 : index
    tpu.barrier barrier_id(%barrier3A_544)
    %add3A_545 = arith.constant 6 : i32
    %add3A_546 = arith.addi %add3A_545, %arg0 : i32
    %mul3A_547 = arith.constant 10240 : i32
    %mul3A_548 = arith.muli %add3A_546, %mul3A_547 : i32
    %add3A_549 = arith.addi %mul3A_548, %mul3A_0 : i32
    "tpu.region"() ({
      %run_scoped3A_690 = tpu.sem_alloc : memref<!tpu.dma_semaphore, #tpu.memory_space<semaphore_mem>>
      %dma_start3A_691 = arith.constant 0 : i32
      %dma_start3A_692 = tpu.memref_slice %arg6[%add3A_549, %dma_start3A_691] : memref<102400x128xf32, #tpu.memory_space<hbm>> -> memref<640x128xf32, #tpu.memory_space<hbm>>
      %dma_start3A_693 = arith.constant 0 : i32
      %dma_start3A_694 = tpu.memref_slice %arg11[%mul3A_0, %dma_start3A_693] : memref<10240x128xf32, #tpu.memory_space<vmem_shared>> -> memref<640x128xf32, #tpu.memory_space<vmem_shared>>
      tpu.enqueue_dma source(%dma_start3A_694 : memref<640x128xf32, #tpu.memory_space<vmem_shared>>) target(%dma_start3A_692 : memref<640x128xf32, #tpu.memory_space<hbm>>) target_semaphore(%run_scoped3A_690 : memref<!tpu.dma_semaphore, #tpu.memory_space<semaphore_mem>>)
      %dma_wait3A_695 = arith.constant 0 : i32
      %dma_wait3A_696 = tpu.memref_slice %arg6[%add3A_549, %dma_wait3A_695] : memref<102400x128xf32, #tpu.memory_space<hbm>> -> memref<640x128xf32, #tpu.memory_space<hbm>>
      %dma_wait3A_697 = arith.constant 0 : i32
      %dma_wait3A_698 = tpu.memref_slice %arg11[%mul3A_0, %dma_wait3A_697] : memref<10240x128xf32, #tpu.memory_space<vmem_shared>> -> memref<640x128xf32, #tpu.memory_space<vmem_shared>>
      tpu.wait_dma2 semaphore(%run_scoped3A_690 : memref<!tpu.dma_semaphore, #tpu.memory_space<semaphore_mem>>) src(%dma_wait3A_698 : memref<640x128xf32, #tpu.memory_space<vmem_shared>>) dst(%dma_wait3A_696 : memref<640x128xf32, #tpu.memory_space<hbm>>)
      tpu.yield
    }) : () -> ()
    %barrier3A_550 = arith.constant 0 : index
    tpu.barrier barrier_id(%barrier3A_550)
    "tpu.region"() ({
      %run_scoped3A_690 = tpu.sem_alloc : memref<!tpu.dma_semaphore, #tpu.memory_space<semaphore_mem>>
      tpu.enqueue_dma source(%arg5 : memref<128x128xf32, #tpu.memory_space<hbm>>) target(%arg9 : memref<128x128xf32, #tpu.memory_space<vmem>>) target_semaphore(%run_scoped3A_690 : memref<!tpu.dma_semaphore, #tpu.memory_space<semaphore_mem>>)
      tpu.wait_dma2 semaphore(%run_scoped3A_690 : memref<!tpu.dma_semaphore, #tpu.memory_space<semaphore_mem>>) src(%arg5 : memref<128x128xf32, #tpu.memory_space<hbm>>) dst(%arg9 : memref<128x128xf32, #tpu.memory_space<vmem>>)
      tpu.yield
    }) : () -> ()
    %scan3A_551 = arith.constant 0 : i32
    %scan3A_552 = arith.constant 5 : i32
    %scan3A_553 = arith.addi %scan3A_551, %scan3A_552 : i32
    %scan3A_554 = arith.constant 1 : i32
    scf.for %scan3A_690 = %scan3A_551 to %scan3A_553 step %scan3A_554  : i32 {
      %mul3A_691 = arith.constant 1 : i32
      %mul3A_692 = arith.muli %scan3A_690, %mul3A_691 : i32
      %add3A_693 = arith.constant 0 : i32
      %add3A_694 = arith.addi %add3A_693, %mul3A_692 : i32
      %mul3A_695 = arith.constant 128 : i32
      %mul3A_696 = arith.muli %add3A_694, %mul3A_695 : i32
      %add3A_697 = arith.addi %mul3A_0, %mul3A_696 : i32
      "tpu.region"() ({
        %run_scoped3A_698 = tpu.sem_alloc : memref<!tpu.dma_semaphore, #tpu.memory_space<semaphore_mem>>
        %dma_start3A_699 = arith.constant 0 : i32
        %dma_start3A_700 = tpu.memref_slice %arg11[%add3A_697, %dma_start3A_699] : memref<10240x128xf32, #tpu.memory_space<vmem_shared>> -> memref<128x128xf32, #tpu.memory_space<vmem_shared>>
        %dma_start3A_701 = arith.constant 0 : i32
        %dma_start3A_702 = tpu.memref_slice %arg11[%add3A_697, %dma_start3A_701] : memref<10240x128xf32, #tpu.memory_space<vmem_shared>> -> memref<128x128xf32, #tpu.memory_space<vmem_shared>>
        tpu.enqueue_dma source(%arg9 : memref<128x128xf32, #tpu.memory_space<vmem>>) target(%dma_start3A_702 : memref<128x128xf32, #tpu.memory_space<vmem_shared>>) target_semaphore(%run_scoped3A_698 : memref<!tpu.dma_semaphore, #tpu.memory_space<semaphore_mem>>)
        %dma_wait3A_703 = arith.constant 0 : i32
        %dma_wait3A_704 = tpu.memref_slice %arg11[%add3A_697, %dma_wait3A_703] : memref<10240x128xf32, #tpu.memory_space<vmem_shared>> -> memref<128x128xf32, #tpu.memory_space<vmem_shared>>
        %dma_wait3A_705 = arith.constant 0 : i32
        %dma_wait3A_706 = tpu.memref_slice %arg11[%add3A_697, %dma_wait3A_705] : memref<10240x128xf32, #tpu.memory_space<vmem_shared>> -> memref<128x128xf32, #tpu.memory_space<vmem_shared>>
        tpu.wait_dma2 semaphore(%run_scoped3A_698 : memref<!tpu.dma_semaphore, #tpu.memory_space<semaphore_mem>>) src(%arg9 : memref<128x128xf32, #tpu.memory_space<vmem>>) dst(%dma_wait3A_706 : memref<128x128xf32, #tpu.memory_space<vmem_shared>>)
        tpu.yield
      }) : () -> ()
    }
    %scan3A_555 = arith.constant 5 : i32
    %barrier3A_556 = arith.constant 0 : index
    tpu.barrier barrier_id(%barrier3A_556)
    %run_scoped3A_557 = arith.constant 4 : i32
    "tpu.region"() ({
      %run_scoped3A_690 = tpu.sem_alloc : memref<!tpu.dma_semaphore, #tpu.memory_space<semaphore_mem>>
      %dma_start3A_691 = arith.constant 0 : i32
      %dma_start3A_692 = arith.constant 0 : i32
      %dma_start3A_693 = tpu.memref_slice %arg3[%run_scoped3A_557, %arg0, %arg1, %dma_start3A_691, %dma_start3A_692] : memref<5x2x16x80x128xi32, #tpu.memory_space<hbm>> -> memref<1x1x1x40x128xi32, #tpu.memory_space<hbm>>
      %dma_start3A_694 = tpu.memref_squeeze %dma_start3A_693 : memref<1x1x1x40x128xi32, #tpu.memory_space<hbm>> -> memref<40x128xi32, #tpu.memory_space<hbm>>
      %dma_start3A_695 = arith.constant 0 : i32
      %dma_start3A_696 = arith.constant 0 : i32
      %dma_start3A_697 = tpu.memref_slice %arg3[%run_scoped3A_557, %arg0, %arg1, %dma_start3A_695, %dma_start3A_696] : memref<5x2x16x80x128xi32, #tpu.memory_space<hbm>> -> memref<1x1x1x40x128xi32, #tpu.memory_space<hbm>>
      %dma_start3A_698 = tpu.memref_squeeze %dma_start3A_697 : memref<1x1x1x40x128xi32, #tpu.memory_space<hbm>> -> memref<40x128xi32, #tpu.memory_space<hbm>>
      tpu.enqueue_dma source(%dma_start3A_698 : memref<40x128xi32, #tpu.memory_space<hbm>>) target(%arg7 : memref<40x128xi32, #tpu.memory_space<vmem>>) target_semaphore(%run_scoped3A_690 : memref<!tpu.dma_semaphore, #tpu.memory_space<semaphore_mem>>)
      %dma_wait3A_699 = arith.constant 0 : i32
      %dma_wait3A_700 = arith.constant 0 : i32
      %dma_wait3A_701 = tpu.memref_slice %arg3[%run_scoped3A_557, %arg0, %arg1, %dma_wait3A_699, %dma_wait3A_700] : memref<5x2x16x80x128xi32, #tpu.memory_space<hbm>> -> memref<1x1x1x40x128xi32, #tpu.memory_space<hbm>>
      %dma_wait3A_702 = tpu.memref_squeeze %dma_wait3A_701 : memref<1x1x1x40x128xi32, #tpu.memory_space<hbm>> -> memref<40x128xi32, #tpu.memory_space<hbm>>
      %dma_wait3A_703 = arith.constant 0 : i32
      %dma_wait3A_704 = arith.constant 0 : i32
      %dma_wait3A_705 = tpu.memref_slice %arg3[%run_scoped3A_557, %arg0, %arg1, %dma_wait3A_703, %dma_wait3A_704] : memref<5x2x16x80x128xi32, #tpu.memory_space<hbm>> -> memref<1x1x1x40x128xi32, #tpu.memory_space<hbm>>
      %dma_wait3A_706 = tpu.memref_squeeze %dma_wait3A_705 : memref<1x1x1x40x128xi32, #tpu.memory_space<hbm>> -> memref<40x128xi32, #tpu.memory_space<hbm>>
      tpu.wait_dma2 semaphore(%run_scoped3A_690 : memref<!tpu.dma_semaphore, #tpu.memory_space<semaphore_mem>>) src(%dma_wait3A_706 : memref<40x128xi32, #tpu.memory_space<hbm>>) dst(%arg7 : memref<40x128xi32, #tpu.memory_space<vmem>>)
      tpu.yield
    }) : () -> ()
    %run_scoped3A_558 = arith.constant 4 : i32
    "tpu.region"() ({
      %run_scoped3A_690 = tpu.sem_alloc : memref<!tpu.dma_semaphore, #tpu.memory_space<semaphore_mem>>
      %dma_start3A_691 = arith.constant 0 : i32
      %dma_start3A_692 = arith.constant 0 : i32
      %dma_start3A_693 = tpu.memref_slice %arg4[%run_scoped3A_558, %arg1, %dma_start3A_691, %dma_start3A_692] : memref<5x16x80x128xi32, #tpu.memory_space<hbm>> -> memref<1x1x40x128xi32, #tpu.memory_space<hbm>>
      %dma_start3A_694 = tpu.memref_squeeze %dma_start3A_693 : memref<1x1x40x128xi32, #tpu.memory_space<hbm>> -> memref<40x128xi32, #tpu.memory_space<hbm>>
      %dma_start3A_695 = arith.constant 0 : i32
      %dma_start3A_696 = arith.constant 0 : i32
      %dma_start3A_697 = tpu.memref_slice %arg4[%run_scoped3A_558, %arg1, %dma_start3A_695, %dma_start3A_696] : memref<5x16x80x128xi32, #tpu.memory_space<hbm>> -> memref<1x1x40x128xi32, #tpu.memory_space<hbm>>
      %dma_start3A_698 = tpu.memref_squeeze %dma_start3A_697 : memref<1x1x40x128xi32, #tpu.memory_space<hbm>> -> memref<40x128xi32, #tpu.memory_space<hbm>>
      tpu.enqueue_dma source(%dma_start3A_698 : memref<40x128xi32, #tpu.memory_space<hbm>>) target(%arg8 : memref<40x128xi32, #tpu.memory_space<vmem>>) target_semaphore(%run_scoped3A_690 : memref<!tpu.dma_semaphore, #tpu.memory_space<semaphore_mem>>)
      %dma_wait3A_699 = arith.constant 0 : i32
      %dma_wait3A_700 = arith.constant 0 : i32
      %dma_wait3A_701 = tpu.memref_slice %arg4[%run_scoped3A_558, %arg1, %dma_wait3A_699, %dma_wait3A_700] : memref<5x16x80x128xi32, #tpu.memory_space<hbm>> -> memref<1x1x40x128xi32, #tpu.memory_space<hbm>>
      %dma_wait3A_702 = tpu.memref_squeeze %dma_wait3A_701 : memref<1x1x40x128xi32, #tpu.memory_space<hbm>> -> memref<40x128xi32, #tpu.memory_space<hbm>>
      %dma_wait3A_703 = arith.constant 0 : i32
      %dma_wait3A_704 = arith.constant 0 : i32
      %dma_wait3A_705 = tpu.memref_slice %arg4[%run_scoped3A_558, %arg1, %dma_wait3A_703, %dma_wait3A_704] : memref<5x16x80x128xi32, #tpu.memory_space<hbm>> -> memref<1x1x40x128xi32, #tpu.memory_space<hbm>>
      %dma_wait3A_706 = tpu.memref_squeeze %dma_wait3A_705 : memref<1x1x40x128xi32, #tpu.memory_space<hbm>> -> memref<40x128xi32, #tpu.memory_space<hbm>>
      tpu.wait_dma2 semaphore(%run_scoped3A_690 : memref<!tpu.dma_semaphore, #tpu.memory_space<semaphore_mem>>) src(%dma_wait3A_706 : memref<40x128xi32, #tpu.memory_space<hbm>>) dst(%arg8 : memref<40x128xi32, #tpu.memory_space<vmem>>)
      tpu.yield
    }) : () -> ()
    %dma_start3A_559 = arith.constant 0 : i32
    %dma_start3A_560 = arith.constant 0 : i32
    %dma_start3A_561 = tpu.memref_slice %arg7[%dma_start3A_559, %dma_start3A_560] : memref<40x128xi32, #tpu.memory_space<vmem>> -> memref<1x128xi32, #tpu.memory_space<vmem>>
    %dma_start3A_562 = tpu.memref_squeeze %dma_start3A_561 : memref<1x128xi32, #tpu.memory_space<vmem>> -> memref<128xi32, #tpu.memory_space<vmem>>
    %dma_start3A_563 = arith.constant 0 : i32
    %dma_start3A_564 = arith.constant 0 : i32
    %dma_start3A_565 = tpu.memref_slice %arg2[%dma_start3A_563, %dma_start3A_564] : memref<102400x128xf32, #tpu.memory_space<hbm>> -> memref<102400x128xf32, #tpu.memory_space<hbm>>
    tpu.enqueue_indirect_dma source(%dma_start3A_565 : memref<102400x128xf32, #tpu.memory_space<hbm>>) target(%arg9 : memref<128x128xf32, #tpu.memory_space<vmem>>) offsets(%dma_start3A_562 : memref<128xi32, #tpu.memory_space<vmem>>) semaphore(%arg12 : memref<!tpu.dma_semaphore, #tpu.memory_space<semaphore_mem>>)
    %dma_wait3A_566 = arith.constant 0 : i32
    %dma_wait3A_567 = arith.constant 0 : i32
    %dma_wait3A_568 = tpu.memref_slice %arg7[%dma_wait3A_566, %dma_wait3A_567] : memref<40x128xi32, #tpu.memory_space<vmem>> -> memref<1x128xi32, #tpu.memory_space<vmem>>
    %dma_wait3A_569 = tpu.memref_squeeze %dma_wait3A_568 : memref<1x128xi32, #tpu.memory_space<vmem>> -> memref<128xi32, #tpu.memory_space<vmem>>
    %dma_wait3A_570 = arith.constant 0 : i32
    %dma_wait3A_571 = arith.constant 0 : i32
    %dma_wait3A_572 = tpu.memref_slice %arg2[%dma_wait3A_570, %dma_wait3A_571] : memref<102400x128xf32, #tpu.memory_space<hbm>> -> memref<102400x128xf32, #tpu.memory_space<hbm>>
    tpu.wait_indirect_dma semaphore(%arg12 : memref<!tpu.dma_semaphore, #tpu.memory_space<semaphore_mem>>) src(%dma_wait3A_572 : memref<102400x128xf32, #tpu.memory_space<hbm>>) dst(%arg9 : memref<128x128xf32, #tpu.memory_space<vmem>>)
    %dma_start3A_573 = arith.constant 1 : i32
    %dma_start3A_574 = arith.constant 0 : i32
    %dma_start3A_575 = tpu.memref_slice %arg7[%dma_start3A_573, %dma_start3A_574] : memref<40x128xi32, #tpu.memory_space<vmem>> -> memref<1x128xi32, #tpu.memory_space<vmem>>
    %dma_start3A_576 = tpu.memref_squeeze %dma_start3A_575 : memref<1x128xi32, #tpu.memory_space<vmem>> -> memref<128xi32, #tpu.memory_space<vmem>>
    %dma_start3A_577 = arith.constant 0 : i32
    %dma_start3A_578 = arith.constant 0 : i32
    %dma_start3A_579 = tpu.memref_slice %arg2[%dma_start3A_577, %dma_start3A_578] : memref<102400x128xf32, #tpu.memory_space<hbm>> -> memref<102400x128xf32, #tpu.memory_space<hbm>>
    tpu.enqueue_indirect_dma source(%dma_start3A_579 : memref<102400x128xf32, #tpu.memory_space<hbm>>) target(%arg10 : memref<128x128xf32, #tpu.memory_space<vmem>>) offsets(%dma_start3A_576 : memref<128xi32, #tpu.memory_space<vmem>>) semaphore(%arg13 : memref<!tpu.dma_semaphore, #tpu.memory_space<semaphore_mem>>)
    %dma_start3A_580 = arith.constant 0 : i32
    %dma_start3A_581 = arith.constant 0 : i32
    %dma_start3A_582 = tpu.memref_slice %arg8[%dma_start3A_580, %dma_start3A_581] : memref<40x128xi32, #tpu.memory_space<vmem>> -> memref<1x128xi32, #tpu.memory_space<vmem>>
    %dma_start3A_583 = tpu.memref_squeeze %dma_start3A_582 : memref<1x128xi32, #tpu.memory_space<vmem>> -> memref<128xi32, #tpu.memory_space<vmem>>
    %dma_start3A_584 = arith.constant 0 : i32
    %dma_start3A_585 = arith.constant 0 : i32
    %dma_start3A_586 = tpu.memref_slice %arg11[%dma_start3A_584, %dma_start3A_585] : memref<10240x128xf32, #tpu.memory_space<vmem_shared>> -> memref<10240x128xf32, #tpu.memory_space<vmem_shared>>
    tpu.enqueue_indirect_dma source(%arg9 : memref<128x128xf32, #tpu.memory_space<vmem>>) target(%dma_start3A_586 : memref<10240x128xf32, #tpu.memory_space<vmem_shared>>) offsets(%dma_start3A_583 : memref<128xi32, #tpu.memory_space<vmem>>) semaphore(%arg14 : memref<!tpu.dma_semaphore, #tpu.memory_space<semaphore_mem>>) {add = true}
    %scan3A_587 = arith.constant 0 : i32
    %scan3A_588 = arith.constant 19 : i32
    %scan3A_589 = arith.addi %scan3A_587, %scan3A_588 : i32
    %scan3A_590 = arith.constant 1 : i32
    scf.for %scan3A_690 = %scan3A_587 to %scan3A_589 step %scan3A_590  : i32 {
      %mul3A_691 = arith.constant 1 : i32
      %mul3A_692 = arith.muli %scan3A_690, %mul3A_691 : i32
      %add3A_693 = arith.constant 0 : i32
      %add3A_694 = arith.addi %add3A_693, %mul3A_692 : i32
      %mul3A_695 = arith.constant 2 : i32
      %mul3A_696 = arith.muli %mul3A_695, %add3A_694 : i32
      %add3A_697 = arith.constant 1 : i32
      %add3A_698 = arith.addi %add3A_697, %mul3A_696 : i32
      %dma_wait3A_699 = arith.constant 0 : i32
      %dma_wait3A_700 = arith.constant 0 : i32
      %dma_wait3A_701 = tpu.memref_slice %arg8[%dma_wait3A_699, %dma_wait3A_700] : memref<40x128xi32, #tpu.memory_space<vmem>> -> memref<1x128xi32, #tpu.memory_space<vmem>>
      %dma_wait3A_702 = tpu.memref_squeeze %dma_wait3A_701 : memref<1x128xi32, #tpu.memory_space<vmem>> -> memref<128xi32, #tpu.memory_space<vmem>>
      %dma_wait3A_703 = arith.constant 0 : i32
      %dma_wait3A_704 = arith.constant 0 : i32
      %dma_wait3A_705 = tpu.memref_slice %arg11[%dma_wait3A_703, %dma_wait3A_704] : memref<10240x128xf32, #tpu.memory_space<vmem_shared>> -> memref<10240x128xf32, #tpu.memory_space<vmem_shared>>
      tpu.wait_indirect_dma semaphore(%arg14 : memref<!tpu.dma_semaphore, #tpu.memory_space<semaphore_mem>>) src(%arg9 : memref<128x128xf32, #tpu.memory_space<vmem>>) dst(%dma_wait3A_705 : memref<10240x128xf32, #tpu.memory_space<vmem_shared>>)
      %dma_wait3A_706 = arith.constant 0 : i32
      %dma_wait3A_707 = arith.constant 0 : i32
      %dma_wait3A_708 = tpu.memref_slice %arg7[%dma_wait3A_706, %dma_wait3A_707] : memref<40x128xi32, #tpu.memory_space<vmem>> -> memref<1x128xi32, #tpu.memory_space<vmem>>
      %dma_wait3A_709 = tpu.memref_squeeze %dma_wait3A_708 : memref<1x128xi32, #tpu.memory_space<vmem>> -> memref<128xi32, #tpu.memory_space<vmem>>
      %dma_wait3A_710 = arith.constant 0 : i32
      %dma_wait3A_711 = arith.constant 0 : i32
      %dma_wait3A_712 = tpu.memref_slice %arg2[%dma_wait3A_710, %dma_wait3A_711] : memref<102400x128xf32, #tpu.memory_space<hbm>> -> memref<102400x128xf32, #tpu.memory_space<hbm>>
      tpu.wait_indirect_dma semaphore(%arg13 : memref<!tpu.dma_semaphore, #tpu.memory_space<semaphore_mem>>) src(%dma_wait3A_712 : memref<102400x128xf32, #tpu.memory_space<hbm>>) dst(%arg10 : memref<128x128xf32, #tpu.memory_space<vmem>>)
      %add3A_713 = arith.constant 1 : i32
      %add3A_714 = arith.addi %add3A_698, %add3A_713 : i32
      %dma_start3A_715 = arith.constant 0 : i32
      %dma_start3A_716 = tpu.memref_slice %arg7[%add3A_714, %dma_start3A_715] : memref<40x128xi32, #tpu.memory_space<vmem>> -> memref<1x128xi32, #tpu.memory_space<vmem>>
      %dma_start3A_717 = tpu.memref_squeeze %dma_start3A_716 : memref<1x128xi32, #tpu.memory_space<vmem>> -> memref<128xi32, #tpu.memory_space<vmem>>
      %dma_start3A_718 = arith.constant 0 : i32
      %dma_start3A_719 = arith.constant 0 : i32
      %dma_start3A_720 = tpu.memref_slice %arg2[%dma_start3A_718, %dma_start3A_719] : memref<102400x128xf32, #tpu.memory_space<hbm>> -> memref<102400x128xf32, #tpu.memory_space<hbm>>
      tpu.enqueue_indirect_dma source(%dma_start3A_720 : memref<102400x128xf32, #tpu.memory_space<hbm>>) target(%arg9 : memref<128x128xf32, #tpu.memory_space<vmem>>) offsets(%dma_start3A_717 : memref<128xi32, #tpu.memory_space<vmem>>) semaphore(%arg12 : memref<!tpu.dma_semaphore, #tpu.memory_space<semaphore_mem>>)
      %dma_start3A_721 = arith.constant 0 : i32
      %dma_start3A_722 = tpu.memref_slice %arg8[%add3A_698, %dma_start3A_721] : memref<40x128xi32, #tpu.memory_space<vmem>> -> memref<1x128xi32, #tpu.memory_space<vmem>>
      %dma_start3A_723 = tpu.memref_squeeze %dma_start3A_722 : memref<1x128xi32, #tpu.memory_space<vmem>> -> memref<128xi32, #tpu.memory_space<vmem>>
      %dma_start3A_724 = arith.constant 0 : i32
      %dma_start3A_725 = arith.constant 0 : i32
      %dma_start3A_726 = tpu.memref_slice %arg11[%dma_start3A_724, %dma_start3A_725] : memref<10240x128xf32, #tpu.memory_space<vmem_shared>> -> memref<10240x128xf32, #tpu.memory_space<vmem_shared>>
      tpu.enqueue_indirect_dma source(%arg10 : memref<128x128xf32, #tpu.memory_space<vmem>>) target(%dma_start3A_726 : memref<10240x128xf32, #tpu.memory_space<vmem_shared>>) offsets(%dma_start3A_723 : memref<128xi32, #tpu.memory_space<vmem>>) semaphore(%arg15 : memref<!tpu.dma_semaphore, #tpu.memory_space<semaphore_mem>>) {add = true}
      %dma_wait3A_727 = arith.constant 0 : i32
      %dma_wait3A_728 = arith.constant 0 : i32
      %dma_wait3A_729 = tpu.memref_slice %arg8[%dma_wait3A_727, %dma_wait3A_728] : memref<40x128xi32, #tpu.memory_space<vmem>> -> memref<1x128xi32, #tpu.memory_space<vmem>>
      %dma_wait3A_730 = tpu.memref_squeeze %dma_wait3A_729 : memref<1x128xi32, #tpu.memory_space<vmem>> -> memref<128xi32, #tpu.memory_space<vmem>>
      %dma_wait3A_731 = arith.constant 0 : i32
      %dma_wait3A_732 = arith.constant 0 : i32
      %dma_wait3A_733 = tpu.memref_slice %arg11[%dma_wait3A_731, %dma_wait3A_732] : memref<10240x128xf32, #tpu.memory_space<vmem_shared>> -> memref<10240x128xf32, #tpu.memory_space<vmem_shared>>
      tpu.wait_indirect_dma semaphore(%arg15 : memref<!tpu.dma_semaphore, #tpu.memory_space<semaphore_mem>>) src(%arg10 : memref<128x128xf32, #tpu.memory_space<vmem>>) dst(%dma_wait3A_733 : memref<10240x128xf32, #tpu.memory_space<vmem_shared>>)
      %dma_wait3A_734 = arith.constant 0 : i32
      %dma_wait3A_735 = arith.constant 0 : i32
      %dma_wait3A_736 = tpu.memref_slice %arg7[%dma_wait3A_734, %dma_wait3A_735] : memref<40x128xi32, #tpu.memory_space<vmem>> -> memref<1x128xi32, #tpu.memory_space<vmem>>
      %dma_wait3A_737 = tpu.memref_squeeze %dma_wait3A_736 : memref<1x128xi32, #tpu.memory_space<vmem>> -> memref<128xi32, #tpu.memory_space<vmem>>
      %dma_wait3A_738 = arith.constant 0 : i32
      %dma_wait3A_739 = arith.constant 0 : i32
      %dma_wait3A_740 = tpu.memref_slice %arg2[%dma_wait3A_738, %dma_wait3A_739] : memref<102400x128xf32, #tpu.memory_space<hbm>> -> memref<102400x128xf32, #tpu.memory_space<hbm>>
      tpu.wait_indirect_dma semaphore(%arg12 : memref<!tpu.dma_semaphore, #tpu.memory_space<semaphore_mem>>) src(%dma_wait3A_740 : memref<102400x128xf32, #tpu.memory_space<hbm>>) dst(%arg9 : memref<128x128xf32, #tpu.memory_space<vmem>>)
      %add3A_741 = arith.constant 2 : i32
      %add3A_742 = arith.addi %add3A_698, %add3A_741 : i32
      %dma_start3A_743 = arith.constant 0 : i32
      %dma_start3A_744 = tpu.memref_slice %arg7[%add3A_742, %dma_start3A_743] : memref<40x128xi32, #tpu.memory_space<vmem>> -> memref<1x128xi32, #tpu.memory_space<vmem>>
      %dma_start3A_745 = tpu.memref_squeeze %dma_start3A_744 : memref<1x128xi32, #tpu.memory_space<vmem>> -> memref<128xi32, #tpu.memory_space<vmem>>
      %dma_start3A_746 = arith.constant 0 : i32
      %dma_start3A_747 = arith.constant 0 : i32
      %dma_start3A_748 = tpu.memref_slice %arg2[%dma_start3A_746, %dma_start3A_747] : memref<102400x128xf32, #tpu.memory_space<hbm>> -> memref<102400x128xf32, #tpu.memory_space<hbm>>
      tpu.enqueue_indirect_dma source(%dma_start3A_748 : memref<102400x128xf32, #tpu.memory_space<hbm>>) target(%arg10 : memref<128x128xf32, #tpu.memory_space<vmem>>) offsets(%dma_start3A_745 : memref<128xi32, #tpu.memory_space<vmem>>) semaphore(%arg13 : memref<!tpu.dma_semaphore, #tpu.memory_space<semaphore_mem>>)
      %add3A_749 = arith.constant 1 : i32
      %add3A_750 = arith.addi %add3A_698, %add3A_749 : i32
      %dma_start3A_751 = arith.constant 0 : i32
      %dma_start3A_752 = tpu.memref_slice %arg8[%add3A_750, %dma_start3A_751] : memref<40x128xi32, #tpu.memory_space<vmem>> -> memref<1x128xi32, #tpu.memory_space<vmem>>
      %dma_start3A_753 = tpu.memref_squeeze %dma_start3A_752 : memref<1x128xi32, #tpu.memory_space<vmem>> -> memref<128xi32, #tpu.memory_space<vmem>>
      %dma_start3A_754 = arith.constant 0 : i32
      %dma_start3A_755 = arith.constant 0 : i32
      %dma_start3A_756 = tpu.memref_slice %arg11[%dma_start3A_754, %dma_start3A_755] : memref<10240x128xf32, #tpu.memory_space<vmem_shared>> -> memref<10240x128xf32, #tpu.memory_space<vmem_shared>>
      tpu.enqueue_indirect_dma source(%arg9 : memref<128x128xf32, #tpu.memory_space<vmem>>) target(%dma_start3A_756 : memref<10240x128xf32, #tpu.memory_space<vmem_shared>>) offsets(%dma_start3A_753 : memref<128xi32, #tpu.memory_space<vmem>>) semaphore(%arg14 : memref<!tpu.dma_semaphore, #tpu.memory_space<semaphore_mem>>) {add = true}
    }
    %scan3A_591 = arith.constant 19 : i32
    %dma_wait3A_592 = arith.constant 0 : i32
    %dma_wait3A_593 = arith.constant 0 : i32
    %dma_wait3A_594 = tpu.memref_slice %arg8[%dma_wait3A_592, %dma_wait3A_593] : memref<40x128xi32, #tpu.memory_space<vmem>> -> memref<1x128xi32, #tpu.memory_space<vmem>>
    %dma_wait3A_595 = tpu.memref_squeeze %dma_wait3A_594 : memref<1x128xi32, #tpu.memory_space<vmem>> -> memref<128xi32, #tpu.memory_space<vmem>>
    %dma_wait3A_596 = arith.constant 0 : i32
    %dma_wait3A_597 = arith.constant 0 : i32
    %dma_wait3A_598 = tpu.memref_slice %arg11[%dma_wait3A_596, %dma_wait3A_597] : memref<10240x128xf32, #tpu.memory_space<vmem_shared>> -> memref<10240x128xf32, #tpu.memory_space<vmem_shared>>
    tpu.wait_indirect_dma semaphore(%arg14 : memref<!tpu.dma_semaphore, #tpu.memory_space<semaphore_mem>>) src(%arg9 : memref<128x128xf32, #tpu.memory_space<vmem>>) dst(%dma_wait3A_598 : memref<10240x128xf32, #tpu.memory_space<vmem_shared>>)
    %dma_wait3A_599 = arith.constant 0 : i32
    %dma_wait3A_600 = arith.constant 0 : i32
    %dma_wait3A_601 = tpu.memref_slice %arg7[%dma_wait3A_599, %dma_wait3A_600] : memref<40x128xi32, #tpu.memory_space<vmem>> -> memref<1x128xi32, #tpu.memory_space<vmem>>
    %dma_wait3A_602 = tpu.memref_squeeze %dma_wait3A_601 : memref<1x128xi32, #tpu.memory_space<vmem>> -> memref<128xi32, #tpu.memory_space<vmem>>
    %dma_wait3A_603 = arith.constant 0 : i32
    %dma_wait3A_604 = arith.constant 0 : i32
    %dma_wait3A_605 = tpu.memref_slice %arg2[%dma_wait3A_603, %dma_wait3A_604] : memref<102400x128xf32, #tpu.memory_space<hbm>> -> memref<102400x128xf32, #tpu.memory_space<hbm>>
    tpu.wait_indirect_dma semaphore(%arg13 : memref<!tpu.dma_semaphore, #tpu.memory_space<semaphore_mem>>) src(%dma_wait3A_605 : memref<102400x128xf32, #tpu.memory_space<hbm>>) dst(%arg10 : memref<128x128xf32, #tpu.memory_space<vmem>>)
    %dma_start3A_606 = arith.constant 39 : i32
    %dma_start3A_607 = arith.constant 0 : i32
    %dma_start3A_608 = tpu.memref_slice %arg8[%dma_start3A_606, %dma_start3A_607] : memref<40x128xi32, #tpu.memory_space<vmem>> -> memref<1x128xi32, #tpu.memory_space<vmem>>
    %dma_start3A_609 = tpu.memref_squeeze %dma_start3A_608 : memref<1x128xi32, #tpu.memory_space<vmem>> -> memref<128xi32, #tpu.memory_space<vmem>>
    %dma_start3A_610 = arith.constant 0 : i32
    %dma_start3A_611 = arith.constant 0 : i32
    %dma_start3A_612 = tpu.memref_slice %arg11[%dma_start3A_610, %dma_start3A_611] : memref<10240x128xf32, #tpu.memory_space<vmem_shared>> -> memref<10240x128xf32, #tpu.memory_space<vmem_shared>>
    tpu.enqueue_indirect_dma source(%arg10 : memref<128x128xf32, #tpu.memory_space<vmem>>) target(%dma_start3A_612 : memref<10240x128xf32, #tpu.memory_space<vmem_shared>>) offsets(%dma_start3A_609 : memref<128xi32, #tpu.memory_space<vmem>>) semaphore(%arg15 : memref<!tpu.dma_semaphore, #tpu.memory_space<semaphore_mem>>) {add = true}
    %dma_wait3A_613 = arith.constant 0 : i32
    %dma_wait3A_614 = arith.constant 0 : i32
    %dma_wait3A_615 = tpu.memref_slice %arg8[%dma_wait3A_613, %dma_wait3A_614] : memref<40x128xi32, #tpu.memory_space<vmem>> -> memref<1x128xi32, #tpu.memory_space<vmem>>
    %dma_wait3A_616 = tpu.memref_squeeze %dma_wait3A_615 : memref<1x128xi32, #tpu.memory_space<vmem>> -> memref<128xi32, #tpu.memory_space<vmem>>
    %dma_wait3A_617 = arith.constant 0 : i32
    %dma_wait3A_618 = arith.constant 0 : i32
    %dma_wait3A_619 = tpu.memref_slice %arg11[%dma_wait3A_617, %dma_wait3A_618] : memref<10240x128xf32, #tpu.memory_space<vmem_shared>> -> memref<10240x128xf32, #tpu.memory_space<vmem_shared>>
    tpu.wait_indirect_dma semaphore(%arg15 : memref<!tpu.dma_semaphore, #tpu.memory_space<semaphore_mem>>) src(%arg10 : memref<128x128xf32, #tpu.memory_space<vmem>>) dst(%dma_wait3A_619 : memref<10240x128xf32, #tpu.memory_space<vmem_shared>>)
    %run_scoped3A_620 = arith.constant 4 : i32
    "tpu.region"() ({
      %run_scoped3A_690 = tpu.sem_alloc : memref<!tpu.dma_semaphore, #tpu.memory_space<semaphore_mem>>
      %dma_start3A_691 = arith.constant 40 : i32
      %dma_start3A_692 = arith.constant 0 : i32
      %dma_start3A_693 = tpu.memref_slice %arg3[%run_scoped3A_620, %arg0, %arg1, %dma_start3A_691, %dma_start3A_692] : memref<5x2x16x80x128xi32, #tpu.memory_space<hbm>> -> memref<1x1x1x40x128xi32, #tpu.memory_space<hbm>>
      %dma_start3A_694 = tpu.memref_squeeze %dma_start3A_693 : memref<1x1x1x40x128xi32, #tpu.memory_space<hbm>> -> memref<40x128xi32, #tpu.memory_space<hbm>>
      %dma_start3A_695 = arith.constant 40 : i32
      %dma_start3A_696 = arith.constant 0 : i32
      %dma_start3A_697 = tpu.memref_slice %arg3[%run_scoped3A_620, %arg0, %arg1, %dma_start3A_695, %dma_start3A_696] : memref<5x2x16x80x128xi32, #tpu.memory_space<hbm>> -> memref<1x1x1x40x128xi32, #tpu.memory_space<hbm>>
      %dma_start3A_698 = tpu.memref_squeeze %dma_start3A_697 : memref<1x1x1x40x128xi32, #tpu.memory_space<hbm>> -> memref<40x128xi32, #tpu.memory_space<hbm>>
      tpu.enqueue_dma source(%dma_start3A_698 : memref<40x128xi32, #tpu.memory_space<hbm>>) target(%arg7 : memref<40x128xi32, #tpu.memory_space<vmem>>) target_semaphore(%run_scoped3A_690 : memref<!tpu.dma_semaphore, #tpu.memory_space<semaphore_mem>>)
      %dma_wait3A_699 = arith.constant 40 : i32
      %dma_wait3A_700 = arith.constant 0 : i32
      %dma_wait3A_701 = tpu.memref_slice %arg3[%run_scoped3A_620, %arg0, %arg1, %dma_wait3A_699, %dma_wait3A_700] : memref<5x2x16x80x128xi32, #tpu.memory_space<hbm>> -> memref<1x1x1x40x128xi32, #tpu.memory_space<hbm>>
      %dma_wait3A_702 = tpu.memref_squeeze %dma_wait3A_701 : memref<1x1x1x40x128xi32, #tpu.memory_space<hbm>> -> memref<40x128xi32, #tpu.memory_space<hbm>>
      %dma_wait3A_703 = arith.constant 40 : i32
      %dma_wait3A_704 = arith.constant 0 : i32
      %dma_wait3A_705 = tpu.memref_slice %arg3[%run_scoped3A_620, %arg0, %arg1, %dma_wait3A_703, %dma_wait3A_704] : memref<5x2x16x80x128xi32, #tpu.memory_space<hbm>> -> memref<1x1x1x40x128xi32, #tpu.memory_space<hbm>>
      %dma_wait3A_706 = tpu.memref_squeeze %dma_wait3A_705 : memref<1x1x1x40x128xi32, #tpu.memory_space<hbm>> -> memref<40x128xi32, #tpu.memory_space<hbm>>
      tpu.wait_dma2 semaphore(%run_scoped3A_690 : memref<!tpu.dma_semaphore, #tpu.memory_space<semaphore_mem>>) src(%dma_wait3A_706 : memref<40x128xi32, #tpu.memory_space<hbm>>) dst(%arg7 : memref<40x128xi32, #tpu.memory_space<vmem>>)
      tpu.yield
    }) : () -> ()
    %run_scoped3A_621 = arith.constant 4 : i32
    "tpu.region"() ({
      %run_scoped3A_690 = tpu.sem_alloc : memref<!tpu.dma_semaphore, #tpu.memory_space<semaphore_mem>>
      %dma_start3A_691 = arith.constant 40 : i32
      %dma_start3A_692 = arith.constant 0 : i32
      %dma_start3A_693 = tpu.memref_slice %arg4[%run_scoped3A_621, %arg1, %dma_start3A_691, %dma_start3A_692] : memref<5x16x80x128xi32, #tpu.memory_space<hbm>> -> memref<1x1x40x128xi32, #tpu.memory_space<hbm>>
      %dma_start3A_694 = tpu.memref_squeeze %dma_start3A_693 : memref<1x1x40x128xi32, #tpu.memory_space<hbm>> -> memref<40x128xi32, #tpu.memory_space<hbm>>
      %dma_start3A_695 = arith.constant 40 : i32
      %dma_start3A_696 = arith.constant 0 : i32
      %dma_start3A_697 = tpu.memref_slice %arg4[%run_scoped3A_621, %arg1, %dma_start3A_695, %dma_start3A_696] : memref<5x16x80x128xi32, #tpu.memory_space<hbm>> -> memref<1x1x40x128xi32, #tpu.memory_space<hbm>>
      %dma_start3A_698 = tpu.memref_squeeze %dma_start3A_697 : memref<1x1x40x128xi32, #tpu.memory_space<hbm>> -> memref<40x128xi32, #tpu.memory_space<hbm>>
      tpu.enqueue_dma source(%dma_start3A_698 : memref<40x128xi32, #tpu.memory_space<hbm>>) target(%arg8 : memref<40x128xi32, #tpu.memory_space<vmem>>) target_semaphore(%run_scoped3A_690 : memref<!tpu.dma_semaphore, #tpu.memory_space<semaphore_mem>>)
      %dma_wait3A_699 = arith.constant 40 : i32
      %dma_wait3A_700 = arith.constant 0 : i32
      %dma_wait3A_701 = tpu.memref_slice %arg4[%run_scoped3A_621, %arg1, %dma_wait3A_699, %dma_wait3A_700] : memref<5x16x80x128xi32, #tpu.memory_space<hbm>> -> memref<1x1x40x128xi32, #tpu.memory_space<hbm>>
      %dma_wait3A_702 = tpu.memref_squeeze %dma_wait3A_701 : memref<1x1x40x128xi32, #tpu.memory_space<hbm>> -> memref<40x128xi32, #tpu.memory_space<hbm>>
      %dma_wait3A_703 = arith.constant 40 : i32
      %dma_wait3A_704 = arith.constant 0 : i32
      %dma_wait3A_705 = tpu.memref_slice %arg4[%run_scoped3A_621, %arg1, %dma_wait3A_703, %dma_wait3A_704] : memref<5x16x80x128xi32, #tpu.memory_space<hbm>> -> memref<1x1x40x128xi32, #tpu.memory_space<hbm>>
      %dma_wait3A_706 = tpu.memref_squeeze %dma_wait3A_705 : memref<1x1x40x128xi32, #tpu.memory_space<hbm>> -> memref<40x128xi32, #tpu.memory_space<hbm>>
      tpu.wait_dma2 semaphore(%run_scoped3A_690 : memref<!tpu.dma_semaphore, #tpu.memory_space<semaphore_mem>>) src(%dma_wait3A_706 : memref<40x128xi32, #tpu.memory_space<hbm>>) dst(%arg8 : memref<40x128xi32, #tpu.memory_space<vmem>>)
      tpu.yield
    }) : () -> ()
    %dma_start3A_622 = arith.constant 0 : i32
    %dma_start3A_623 = arith.constant 0 : i32
    %dma_start3A_624 = tpu.memref_slice %arg7[%dma_start3A_622, %dma_start3A_623] : memref<40x128xi32, #tpu.memory_space<vmem>> -> memref<1x128xi32, #tpu.memory_space<vmem>>
    %dma_start3A_625 = tpu.memref_squeeze %dma_start3A_624 : memref<1x128xi32, #tpu.memory_space<vmem>> -> memref<128xi32, #tpu.memory_space<vmem>>
    %dma_start3A_626 = arith.constant 0 : i32
    %dma_start3A_627 = arith.constant 0 : i32
    %dma_start3A_628 = tpu.memref_slice %arg2[%dma_start3A_626, %dma_start3A_627] : memref<102400x128xf32, #tpu.memory_space<hbm>> -> memref<102400x128xf32, #tpu.memory_space<hbm>>
    tpu.enqueue_indirect_dma source(%dma_start3A_628 : memref<102400x128xf32, #tpu.memory_space<hbm>>) target(%arg9 : memref<128x128xf32, #tpu.memory_space<vmem>>) offsets(%dma_start3A_625 : memref<128xi32, #tpu.memory_space<vmem>>) semaphore(%arg12 : memref<!tpu.dma_semaphore, #tpu.memory_space<semaphore_mem>>)
    %dma_wait3A_629 = arith.constant 0 : i32
    %dma_wait3A_630 = arith.constant 0 : i32
    %dma_wait3A_631 = tpu.memref_slice %arg7[%dma_wait3A_629, %dma_wait3A_630] : memref<40x128xi32, #tpu.memory_space<vmem>> -> memref<1x128xi32, #tpu.memory_space<vmem>>
    %dma_wait3A_632 = tpu.memref_squeeze %dma_wait3A_631 : memref<1x128xi32, #tpu.memory_space<vmem>> -> memref<128xi32, #tpu.memory_space<vmem>>
    %dma_wait3A_633 = arith.constant 0 : i32
    %dma_wait3A_634 = arith.constant 0 : i32
    %dma_wait3A_635 = tpu.memref_slice %arg2[%dma_wait3A_633, %dma_wait3A_634] : memref<102400x128xf32, #tpu.memory_space<hbm>> -> memref<102400x128xf32, #tpu.memory_space<hbm>>
    tpu.wait_indirect_dma semaphore(%arg12 : memref<!tpu.dma_semaphore, #tpu.memory_space<semaphore_mem>>) src(%dma_wait3A_635 : memref<102400x128xf32, #tpu.memory_space<hbm>>) dst(%arg9 : memref<128x128xf32, #tpu.memory_space<vmem>>)
    %dma_start3A_636 = arith.constant 1 : i32
    %dma_start3A_637 = arith.constant 0 : i32
    %dma_start3A_638 = tpu.memref_slice %arg7[%dma_start3A_636, %dma_start3A_637] : memref<40x128xi32, #tpu.memory_space<vmem>> -> memref<1x128xi32, #tpu.memory_space<vmem>>
    %dma_start3A_639 = tpu.memref_squeeze %dma_start3A_638 : memref<1x128xi32, #tpu.memory_space<vmem>> -> memref<128xi32, #tpu.memory_space<vmem>>
    %dma_start3A_640 = arith.constant 0 : i32
    %dma_start3A_641 = arith.constant 0 : i32
    %dma_start3A_642 = tpu.memref_slice %arg2[%dma_start3A_640, %dma_start3A_641] : memref<102400x128xf32, #tpu.memory_space<hbm>> -> memref<102400x128xf32, #tpu.memory_space<hbm>>
    tpu.enqueue_indirect_dma source(%dma_start3A_642 : memref<102400x128xf32, #tpu.memory_space<hbm>>) target(%arg10 : memref<128x128xf32, #tpu.memory_space<vmem>>) offsets(%dma_start3A_639 : memref<128xi32, #tpu.memory_space<vmem>>) semaphore(%arg13 : memref<!tpu.dma_semaphore, #tpu.memory_space<semaphore_mem>>)
    %dma_start3A_643 = arith.constant 0 : i32
    %dma_start3A_644 = arith.constant 0 : i32
    %dma_start3A_645 = tpu.memref_slice %arg8[%dma_start3A_643, %dma_start3A_644] : memref<40x128xi32, #tpu.memory_space<vmem>> -> memref<1x128xi32, #tpu.memory_space<vmem>>
    %dma_start3A_646 = tpu.memref_squeeze %dma_start3A_645 : memref<1x128xi32, #tpu.memory_space<vmem>> -> memref<128xi32, #tpu.memory_space<vmem>>
    %dma_start3A_647 = arith.constant 0 : i32
    %dma_start3A_648 = arith.constant 0 : i32
    %dma_start3A_649 = tpu.memref_slice %arg11[%dma_start3A_647, %dma_start3A_648] : memref<10240x128xf32, #tpu.memory_space<vmem_shared>> -> memref<10240x128xf32, #tpu.memory_space<vmem_shared>>
    tpu.enqueue_indirect_dma source(%arg9 : memref<128x128xf32, #tpu.memory_space<vmem>>) target(%dma_start3A_649 : memref<10240x128xf32, #tpu.memory_space<vmem_shared>>) offsets(%dma_start3A_646 : memref<128xi32, #tpu.memory_space<vmem>>) semaphore(%arg14 : memref<!tpu.dma_semaphore, #tpu.memory_space<semaphore_mem>>) {add = true}
    %scan3A_650 = arith.constant 0 : i32
    %scan3A_651 = arith.constant 19 : i32
    %scan3A_652 = arith.addi %scan3A_650, %scan3A_651 : i32
    %scan3A_653 = arith.constant 1 : i32
    scf.for %scan3A_690 = %scan3A_650 to %scan3A_652 step %scan3A_653  : i32 {
      %mul3A_691 = arith.constant 1 : i32
      %mul3A_692 = arith.muli %scan3A_690, %mul3A_691 : i32
      %add3A_693 = arith.constant 0 : i32
      %add3A_694 = arith.addi %add3A_693, %mul3A_692 : i32
      %mul3A_695 = arith.constant 2 : i32
      %mul3A_696 = arith.muli %mul3A_695, %add3A_694 : i32
      %add3A_697 = arith.constant 1 : i32
      %add3A_698 = arith.addi %add3A_697, %mul3A_696 : i32
      %dma_wait3A_699 = arith.constant 0 : i32
      %dma_wait3A_700 = arith.constant 0 : i32
      %dma_wait3A_701 = tpu.memref_slice %arg8[%dma_wait3A_699, %dma_wait3A_700] : memref<40x128xi32, #tpu.memory_space<vmem>> -> memref<1x128xi32, #tpu.memory_space<vmem>>
      %dma_wait3A_702 = tpu.memref_squeeze %dma_wait3A_701 : memref<1x128xi32, #tpu.memory_space<vmem>> -> memref<128xi32, #tpu.memory_space<vmem>>
      %dma_wait3A_703 = arith.constant 0 : i32
      %dma_wait3A_704 = arith.constant 0 : i32
      %dma_wait3A_705 = tpu.memref_slice %arg11[%dma_wait3A_703, %dma_wait3A_704] : memref<10240x128xf32, #tpu.memory_space<vmem_shared>> -> memref<10240x128xf32, #tpu.memory_space<vmem_shared>>
      tpu.wait_indirect_dma semaphore(%arg14 : memref<!tpu.dma_semaphore, #tpu.memory_space<semaphore_mem>>) src(%arg9 : memref<128x128xf32, #tpu.memory_space<vmem>>) dst(%dma_wait3A_705 : memref<10240x128xf32, #tpu.memory_space<vmem_shared>>)
      %dma_wait3A_706 = arith.constant 0 : i32
      %dma_wait3A_707 = arith.constant 0 : i32
      %dma_wait3A_708 = tpu.memref_slice %arg7[%dma_wait3A_706, %dma_wait3A_707] : memref<40x128xi32, #tpu.memory_space<vmem>> -> memref<1x128xi32, #tpu.memory_space<vmem>>
      %dma_wait3A_709 = tpu.memref_squeeze %dma_wait3A_708 : memref<1x128xi32, #tpu.memory_space<vmem>> -> memref<128xi32, #tpu.memory_space<vmem>>
      %dma_wait3A_710 = arith.constant 0 : i32
      %dma_wait3A_711 = arith.constant 0 : i32
      %dma_wait3A_712 = tpu.memref_slice %arg2[%dma_wait3A_710, %dma_wait3A_711] : memref<102400x128xf32, #tpu.memory_space<hbm>> -> memref<102400x128xf32, #tpu.memory_space<hbm>>
      tpu.wait_indirect_dma semaphore(%arg13 : memref<!tpu.dma_semaphore, #tpu.memory_space<semaphore_mem>>) src(%dma_wait3A_712 : memref<102400x128xf32, #tpu.memory_space<hbm>>) dst(%arg10 : memref<128x128xf32, #tpu.memory_space<vmem>>)
      %add3A_713 = arith.constant 1 : i32
      %add3A_714 = arith.addi %add3A_698, %add3A_713 : i32
      %dma_start3A_715 = arith.constant 0 : i32
      %dma_start3A_716 = tpu.memref_slice %arg7[%add3A_714, %dma_start3A_715] : memref<40x128xi32, #tpu.memory_space<vmem>> -> memref<1x128xi32, #tpu.memory_space<vmem>>
      %dma_start3A_717 = tpu.memref_squeeze %dma_start3A_716 : memref<1x128xi32, #tpu.memory_space<vmem>> -> memref<128xi32, #tpu.memory_space<vmem>>
      %dma_start3A_718 = arith.constant 0 : i32
      %dma_start3A_719 = arith.constant 0 : i32
      %dma_start3A_720 = tpu.memref_slice %arg2[%dma_start3A_718, %dma_start3A_719] : memref<102400x128xf32, #tpu.memory_space<hbm>> -> memref<102400x128xf32, #tpu.memory_space<hbm>>
      tpu.enqueue_indirect_dma source(%dma_start3A_720 : memref<102400x128xf32, #tpu.memory_space<hbm>>) target(%arg9 : memref<128x128xf32, #tpu.memory_space<vmem>>) offsets(%dma_start3A_717 : memref<128xi32, #tpu.memory_space<vmem>>) semaphore(%arg12 : memref<!tpu.dma_semaphore, #tpu.memory_space<semaphore_mem>>)
      %dma_start3A_721 = arith.constant 0 : i32
      %dma_start3A_722 = tpu.memref_slice %arg8[%add3A_698, %dma_start3A_721] : memref<40x128xi32, #tpu.memory_space<vmem>> -> memref<1x128xi32, #tpu.memory_space<vmem>>
      %dma_start3A_723 = tpu.memref_squeeze %dma_start3A_722 : memref<1x128xi32, #tpu.memory_space<vmem>> -> memref<128xi32, #tpu.memory_space<vmem>>
      %dma_start3A_724 = arith.constant 0 : i32
      %dma_start3A_725 = arith.constant 0 : i32
      %dma_start3A_726 = tpu.memref_slice %arg11[%dma_start3A_724, %dma_start3A_725] : memref<10240x128xf32, #tpu.memory_space<vmem_shared>> -> memref<10240x128xf32, #tpu.memory_space<vmem_shared>>
      tpu.enqueue_indirect_dma source(%arg10 : memref<128x128xf32, #tpu.memory_space<vmem>>) target(%dma_start3A_726 : memref<10240x128xf32, #tpu.memory_space<vmem_shared>>) offsets(%dma_start3A_723 : memref<128xi32, #tpu.memory_space<vmem>>) semaphore(%arg15 : memref<!tpu.dma_semaphore, #tpu.memory_space<semaphore_mem>>) {add = true}
      %dma_wait3A_727 = arith.constant 0 : i32
      %dma_wait3A_728 = arith.constant 0 : i32
      %dma_wait3A_729 = tpu.memref_slice %arg8[%dma_wait3A_727, %dma_wait3A_728] : memref<40x128xi32, #tpu.memory_space<vmem>> -> memref<1x128xi32, #tpu.memory_space<vmem>>
      %dma_wait3A_730 = tpu.memref_squeeze %dma_wait3A_729 : memref<1x128xi32, #tpu.memory_space<vmem>> -> memref<128xi32, #tpu.memory_space<vmem>>
      %dma_wait3A_731 = arith.constant 0 : i32
      %dma_wait3A_732 = arith.constant 0 : i32
      %dma_wait3A_733 = tpu.memref_slice %arg11[%dma_wait3A_731, %dma_wait3A_732] : memref<10240x128xf32, #tpu.memory_space<vmem_shared>> -> memref<10240x128xf32, #tpu.memory_space<vmem_shared>>
      tpu.wait_indirect_dma semaphore(%arg15 : memref<!tpu.dma_semaphore, #tpu.memory_space<semaphore_mem>>) src(%arg10 : memref<128x128xf32, #tpu.memory_space<vmem>>) dst(%dma_wait3A_733 : memref<10240x128xf32, #tpu.memory_space<vmem_shared>>)
      %dma_wait3A_734 = arith.constant 0 : i32
      %dma_wait3A_735 = arith.constant 0 : i32
      %dma_wait3A_736 = tpu.memref_slice %arg7[%dma_wait3A_734, %dma_wait3A_735] : memref<40x128xi32, #tpu.memory_space<vmem>> -> memref<1x128xi32, #tpu.memory_space<vmem>>
      %dma_wait3A_737 = tpu.memref_squeeze %dma_wait3A_736 : memref<1x128xi32, #tpu.memory_space<vmem>> -> memref<128xi32, #tpu.memory_space<vmem>>
      %dma_wait3A_738 = arith.constant 0 : i32
      %dma_wait3A_739 = arith.constant 0 : i32
      %dma_wait3A_740 = tpu.memref_slice %arg2[%dma_wait3A_738, %dma_wait3A_739] : memref<102400x128xf32, #tpu.memory_space<hbm>> -> memref<102400x128xf32, #tpu.memory_space<hbm>>
      tpu.wait_indirect_dma semaphore(%arg12 : memref<!tpu.dma_semaphore, #tpu.memory_space<semaphore_mem>>) src(%dma_wait3A_740 : memref<102400x128xf32, #tpu.memory_space<hbm>>) dst(%arg9 : memref<128x128xf32, #tpu.memory_space<vmem>>)
      %add3A_741 = arith.constant 2 : i32
      %add3A_742 = arith.addi %add3A_698, %add3A_741 : i32
      %dma_start3A_743 = arith.constant 0 : i32
      %dma_start3A_744 = tpu.memref_slice %arg7[%add3A_742, %dma_start3A_743] : memref<40x128xi32, #tpu.memory_space<vmem>> -> memref<1x128xi32, #tpu.memory_space<vmem>>
      %dma_start3A_745 = tpu.memref_squeeze %dma_start3A_744 : memref<1x128xi32, #tpu.memory_space<vmem>> -> memref<128xi32, #tpu.memory_space<vmem>>
      %dma_start3A_746 = arith.constant 0 : i32
      %dma_start3A_747 = arith.constant 0 : i32
      %dma_start3A_748 = tpu.memref_slice %arg2[%dma_start3A_746, %dma_start3A_747] : memref<102400x128xf32, #tpu.memory_space<hbm>> -> memref<102400x128xf32, #tpu.memory_space<hbm>>
      tpu.enqueue_indirect_dma source(%dma_start3A_748 : memref<102400x128xf32, #tpu.memory_space<hbm>>) target(%arg10 : memref<128x128xf32, #tpu.memory_space<vmem>>) offsets(%dma_start3A_745 : memref<128xi32, #tpu.memory_space<vmem>>) semaphore(%arg13 : memref<!tpu.dma_semaphore, #tpu.memory_space<semaphore_mem>>)
      %add3A_749 = arith.constant 1 : i32
      %add3A_750 = arith.addi %add3A_698, %add3A_749 : i32
      %dma_start3A_751 = arith.constant 0 : i32
      %dma_start3A_752 = tpu.memref_slice %arg8[%add3A_750, %dma_start3A_751] : memref<40x128xi32, #tpu.memory_space<vmem>> -> memref<1x128xi32, #tpu.memory_space<vmem>>
      %dma_start3A_753 = tpu.memref_squeeze %dma_start3A_752 : memref<1x128xi32, #tpu.memory_space<vmem>> -> memref<128xi32, #tpu.memory_space<vmem>>
      %dma_start3A_754 = arith.constant 0 : i32
      %dma_start3A_755 = arith.constant 0 : i32
      %dma_start3A_756 = tpu.memref_slice %arg11[%dma_start3A_754, %dma_start3A_755] : memref<10240x128xf32, #tpu.memory_space<vmem_shared>> -> memref<10240x128xf32, #tpu.memory_space<vmem_shared>>
      tpu.enqueue_indirect_dma source(%arg9 : memref<128x128xf32, #tpu.memory_space<vmem>>) target(%dma_start3A_756 : memref<10240x128xf32, #tpu.memory_space<vmem_shared>>) offsets(%dma_start3A_753 : memref<128xi32, #tpu.memory_space<vmem>>) semaphore(%arg14 : memref<!tpu.dma_semaphore, #tpu.memory_space<semaphore_mem>>) {add = true}
    }
    %scan3A_654 = arith.constant 19 : i32
    %dma_wait3A_655 = arith.constant 0 : i32
    %dma_wait3A_656 = arith.constant 0 : i32
    %dma_wait3A_657 = tpu.memref_slice %arg8[%dma_wait3A_655, %dma_wait3A_656] : memref<40x128xi32, #tpu.memory_space<vmem>> -> memref<1x128xi32, #tpu.memory_space<vmem>>
    %dma_wait3A_658 = tpu.memref_squeeze %dma_wait3A_657 : memref<1x128xi32, #tpu.memory_space<vmem>> -> memref<128xi32, #tpu.memory_space<vmem>>
    %dma_wait3A_659 = arith.constant 0 : i32
    %dma_wait3A_660 = arith.constant 0 : i32
    %dma_wait3A_661 = tpu.memref_slice %arg11[%dma_wait3A_659, %dma_wait3A_660] : memref<10240x128xf32, #tpu.memory_space<vmem_shared>> -> memref<10240x128xf32, #tpu.memory_space<vmem_shared>>
    tpu.wait_indirect_dma semaphore(%arg14 : memref<!tpu.dma_semaphore, #tpu.memory_space<semaphore_mem>>) src(%arg9 : memref<128x128xf32, #tpu.memory_space<vmem>>) dst(%dma_wait3A_661 : memref<10240x128xf32, #tpu.memory_space<vmem_shared>>)
    %dma_wait3A_662 = arith.constant 0 : i32
    %dma_wait3A_663 = arith.constant 0 : i32
    %dma_wait3A_664 = tpu.memref_slice %arg7[%dma_wait3A_662, %dma_wait3A_663] : memref<40x128xi32, #tpu.memory_space<vmem>> -> memref<1x128xi32, #tpu.memory_space<vmem>>
    %dma_wait3A_665 = tpu.memref_squeeze %dma_wait3A_664 : memref<1x128xi32, #tpu.memory_space<vmem>> -> memref<128xi32, #tpu.memory_space<vmem>>
    %dma_wait3A_666 = arith.constant 0 : i32
    %dma_wait3A_667 = arith.constant 0 : i32
    %dma_wait3A_668 = tpu.memref_slice %arg2[%dma_wait3A_666, %dma_wait3A_667] : memref<102400x128xf32, #tpu.memory_space<hbm>> -> memref<102400x128xf32, #tpu.memory_space<hbm>>
    tpu.wait_indirect_dma semaphore(%arg13 : memref<!tpu.dma_semaphore, #tpu.memory_space<semaphore_mem>>) src(%dma_wait3A_668 : memref<102400x128xf32, #tpu.memory_space<hbm>>) dst(%arg10 : memref<128x128xf32, #tpu.memory_space<vmem>>)
    %dma_start3A_669 = arith.constant 39 : i32
    %dma_start3A_670 = arith.constant 0 : i32
    %dma_start3A_671 = tpu.memref_slice %arg8[%dma_start3A_669, %dma_start3A_670] : memref<40x128xi32, #tpu.memory_space<vmem>> -> memref<1x128xi32, #tpu.memory_space<vmem>>
    %dma_start3A_672 = tpu.memref_squeeze %dma_start3A_671 : memref<1x128xi32, #tpu.memory_space<vmem>> -> memref<128xi32, #tpu.memory_space<vmem>>
    %dma_start3A_673 = arith.constant 0 : i32
    %dma_start3A_674 = arith.constant 0 : i32
    %dma_start3A_675 = tpu.memref_slice %arg11[%dma_start3A_673, %dma_start3A_674] : memref<10240x128xf32, #tpu.memory_space<vmem_shared>> -> memref<10240x128xf32, #tpu.memory_space<vmem_shared>>
    tpu.enqueue_indirect_dma source(%arg10 : memref<128x128xf32, #tpu.memory_space<vmem>>) target(%dma_start3A_675 : memref<10240x128xf32, #tpu.memory_space<vmem_shared>>) offsets(%dma_start3A_672 : memref<128xi32, #tpu.memory_space<vmem>>) semaphore(%arg15 : memref<!tpu.dma_semaphore, #tpu.memory_space<semaphore_mem>>) {add = true}
    %dma_wait3A_676 = arith.constant 0 : i32
    %dma_wait3A_677 = arith.constant 0 : i32
    %dma_wait3A_678 = tpu.memref_slice %arg8[%dma_wait3A_676, %dma_wait3A_677] : memref<40x128xi32, #tpu.memory_space<vmem>> -> memref<1x128xi32, #tpu.memory_space<vmem>>
    %dma_wait3A_679 = tpu.memref_squeeze %dma_wait3A_678 : memref<1x128xi32, #tpu.memory_space<vmem>> -> memref<128xi32, #tpu.memory_space<vmem>>
    %dma_wait3A_680 = arith.constant 0 : i32
    %dma_wait3A_681 = arith.constant 0 : i32
    %dma_wait3A_682 = tpu.memref_slice %arg11[%dma_wait3A_680, %dma_wait3A_681] : memref<10240x128xf32, #tpu.memory_space<vmem_shared>> -> memref<10240x128xf32, #tpu.memory_space<vmem_shared>>
    tpu.wait_indirect_dma semaphore(%arg15 : memref<!tpu.dma_semaphore, #tpu.memory_space<semaphore_mem>>) src(%arg10 : memref<128x128xf32, #tpu.memory_space<vmem>>) dst(%dma_wait3A_682 : memref<10240x128xf32, #tpu.memory_space<vmem_shared>>)
    %barrier3A_683 = arith.constant 0 : index
    tpu.barrier barrier_id(%barrier3A_683)
    %add3A_684 = arith.constant 8 : i32
    %add3A_685 = arith.addi %add3A_684, %arg0 : i32
    %mul3A_686 = arith.constant 10240 : i32
    %mul3A_687 = arith.muli %add3A_685, %mul3A_686 : i32
    %add3A_688 = arith.addi %mul3A_687, %mul3A_0 : i32
    "tpu.region"() ({
      %run_scoped3A_690 = tpu.sem_alloc : memref<!tpu.dma_semaphore, #tpu.memory_space<semaphore_mem>>
      %dma_start3A_691 = arith.constant 0 : i32
      %dma_start3A_692 = tpu.memref_slice %arg6[%add3A_688, %dma_start3A_691] : memref<102400x128xf32, #tpu.memory_space<hbm>> -> memref<640x128xf32, #tpu.memory_space<hbm>>
      %dma_start3A_693 = arith.constant 0 : i32
      %dma_start3A_694 = tpu.memref_slice %arg11[%mul3A_0, %dma_start3A_693] : memref<10240x128xf32, #tpu.memory_space<vmem_shared>> -> memref<640x128xf32, #tpu.memory_space<vmem_shared>>
      tpu.enqueue_dma source(%dma_start3A_694 : memref<640x128xf32, #tpu.memory_space<vmem_shared>>) target(%dma_start3A_692 : memref<640x128xf32, #tpu.memory_space<hbm>>) target_semaphore(%run_scoped3A_690 : memref<!tpu.dma_semaphore, #tpu.memory_space<semaphore_mem>>)
      %dma_wait3A_695 = arith.constant 0 : i32
      %dma_wait3A_696 = tpu.memref_slice %arg6[%add3A_688, %dma_wait3A_695] : memref<102400x128xf32, #tpu.memory_space<hbm>> -> memref<640x128xf32, #tpu.memory_space<hbm>>
      %dma_wait3A_697 = arith.constant 0 : i32
      %dma_wait3A_698 = tpu.memref_slice %arg11[%mul3A_0, %dma_wait3A_697] : memref<10240x128xf32, #tpu.memory_space<vmem_shared>> -> memref<640x128xf32, #tpu.memory_space<vmem_shared>>
      tpu.wait_dma2 semaphore(%run_scoped3A_690 : memref<!tpu.dma_semaphore, #tpu.memory_space<semaphore_mem>>) src(%dma_wait3A_698 : memref<640x128xf32, #tpu.memory_space<vmem_shared>>) dst(%dma_wait3A_696 : memref<640x128xf32, #tpu.memory_space<hbm>>)
      tpu.yield
    }) : () -> ()
    %barrier3A_689 = arith.constant 0 : index
    tpu.barrier barrier_id(%barrier3A_689)
    return
  }
}

#map = affine_map<(d0, d1) -> (0)>
#map1 = affine_map<(d0, d1) -> (0, 0, 0)>
#map2 = affine_map<(d0, d1) -> (0, 0)>
module attributes {stable_mosaic.version = 14 : i64} {
  func.func @_t_scatter_kernel(%arg0: i32, %arg1: i32, %arg2: memref<51200xf32, #tpu.memory_space<hbm>>, %arg3: memref<32x200x128xi32, #tpu.memory_space<hbm>>, %arg4: memref<32x200x128xi32, #tpu.memory_space<hbm>>, %arg5: memref<128x16xf32, #tpu.memory_space<hbm>>, %arg6: memref<2x10240x16xf32, #tpu.memory_space<hbm>>, %arg7: memref<51200xf32, #tpu.memory_space<vmem>>, %arg8: memref<40x128xi32, #tpu.memory_space<vmem>>, %arg9: memref<40x128xi32, #tpu.memory_space<vmem>>, %arg10: memref<128x16xf32, #tpu.memory_space<vmem>>, %arg11: memref<10240x16xf32, #tpu.memory_space<vmem_shared>>) attributes {dimension_semantics = [#tpu.dimension_semantics<core_parallel>, #tpu.dimension_semantics<subcore_parallel>], iteration_bounds = array<i64: 2, 16>, scalar_prefetch = 0 : i64, scratch_operands = 5 : i64, tpu.core_type = #tpu.core_type<sc_vector_subcore>, window_params = [{transform_indices = #map}, {transform_indices = #map1}, {transform_indices = #map1}, {transform_indices = #map2}, {transform_indices = #map1}]} {
    %mul3A = arith.constant 2 : i32
    %mul3A_0 = arith.muli %arg1, %mul3A : i32
    %add3A = arith.addi %mul3A_0, %arg0 : i32
    "tpu.region"() ({
      %run_scoped3A = tpu.sem_alloc : memref<!tpu.dma_semaphore, #tpu.memory_space<semaphore_mem>>
      tpu.enqueue_dma source(%arg2 : memref<51200xf32, #tpu.memory_space<hbm>>) target(%arg7 : memref<51200xf32, #tpu.memory_space<vmem>>) target_semaphore(%run_scoped3A : memref<!tpu.dma_semaphore, #tpu.memory_space<semaphore_mem>>)
      tpu.wait_dma2 semaphore(%run_scoped3A : memref<!tpu.dma_semaphore, #tpu.memory_space<semaphore_mem>>) src(%arg2 : memref<51200xf32, #tpu.memory_space<hbm>>) dst(%arg7 : memref<51200xf32, #tpu.memory_space<vmem>>)
      tpu.yield
    }) : () -> ()
    "tpu.region"() ({
      %run_scoped3A = tpu.sem_alloc : memref<!tpu.dma_semaphore, #tpu.memory_space<semaphore_mem>>
      tpu.enqueue_dma source(%arg5 : memref<128x16xf32, #tpu.memory_space<hbm>>) target(%arg10 : memref<128x16xf32, #tpu.memory_space<vmem>>) target_semaphore(%run_scoped3A : memref<!tpu.dma_semaphore, #tpu.memory_space<semaphore_mem>>)
      tpu.wait_dma2 semaphore(%run_scoped3A : memref<!tpu.dma_semaphore, #tpu.memory_space<semaphore_mem>>) src(%arg5 : memref<128x16xf32, #tpu.memory_space<hbm>>) dst(%arg10 : memref<128x16xf32, #tpu.memory_space<vmem>>)
      tpu.yield
    }) : () -> ()
    %mul3A_1 = arith.constant 640 : i32
    %mul3A_2 = arith.muli %arg1, %mul3A_1 : i32
    %scan3A = arith.constant 0 : i32
    %scan3A_3 = arith.constant 5 : i32
    %scan3A_4 = arith.addi %scan3A, %scan3A_3 : i32
    %scan3A_5 = arith.constant 1 : i32
    scf.for %scan3A_69 = %scan3A to %scan3A_4 step %scan3A_5  : i32 {
      %mul3A_70 = arith.constant 1 : i32
      %mul3A_71 = arith.muli %scan3A_69, %mul3A_70 : i32
      %add3A_72 = arith.constant 0 : i32
      %add3A_73 = arith.addi %add3A_72, %mul3A_71 : i32
      %mul3A_74 = arith.constant 128 : i32
      %mul3A_75 = arith.muli %add3A_73, %mul3A_74 : i32
      %add3A_76 = arith.addi %mul3A_2, %mul3A_75 : i32
      "tpu.region"() ({
        %run_scoped3A = tpu.sem_alloc : memref<!tpu.dma_semaphore, #tpu.memory_space<semaphore_mem>>
        %dma_start3A = arith.constant 0 : i32
        %dma_start3A_77 = tpu.memref_slice %arg11[%add3A_76, %dma_start3A] : memref<10240x16xf32, #tpu.memory_space<vmem_shared>> -> memref<128x16xf32, #tpu.memory_space<vmem_shared>>
        %dma_start3A_78 = arith.constant 0 : i32
        %dma_start3A_79 = tpu.memref_slice %arg11[%add3A_76, %dma_start3A_78] : memref<10240x16xf32, #tpu.memory_space<vmem_shared>> -> memref<128x16xf32, #tpu.memory_space<vmem_shared>>
        tpu.enqueue_dma source(%arg10 : memref<128x16xf32, #tpu.memory_space<vmem>>) target(%dma_start3A_79 : memref<128x16xf32, #tpu.memory_space<vmem_shared>>) target_semaphore(%run_scoped3A : memref<!tpu.dma_semaphore, #tpu.memory_space<semaphore_mem>>)
        %dma_wait3A = arith.constant 0 : i32
        %dma_wait3A_80 = tpu.memref_slice %arg11[%add3A_76, %dma_wait3A] : memref<10240x16xf32, #tpu.memory_space<vmem_shared>> -> memref<128x16xf32, #tpu.memory_space<vmem_shared>>
        %dma_wait3A_81 = arith.constant 0 : i32
        %dma_wait3A_82 = tpu.memref_slice %arg11[%add3A_76, %dma_wait3A_81] : memref<10240x16xf32, #tpu.memory_space<vmem_shared>> -> memref<128x16xf32, #tpu.memory_space<vmem_shared>>
        tpu.wait_dma2 semaphore(%run_scoped3A : memref<!tpu.dma_semaphore, #tpu.memory_space<semaphore_mem>>) src(%arg10 : memref<128x16xf32, #tpu.memory_space<vmem>>) dst(%dma_wait3A_82 : memref<128x16xf32, #tpu.memory_space<vmem_shared>>)
        tpu.yield
      }) : () -> ()
    }
    %scan3A_6 = arith.constant 5 : i32
    %barrier3A = arith.constant 0 : index
    tpu.barrier barrier_id(%barrier3A)
    %iota3A = tpu.iota {dimensions = array<i32: 0>} : vector<16xi32>
    %broadcast_in_dim3A = arith.constant 0.000000e+00 : f32
    %broadcast_in_dim3A_7 = vector.broadcast %broadcast_in_dim3A : f32 to vector<16xf32>
    %broadcast_in_dim3A_8 = arith.constant 0 : i32
    %broadcast_in_dim3A_9 = vector.broadcast %broadcast_in_dim3A_8 : i32 to vector<16xi32>
    "tpu.region"() ({
      %run_scoped3A = tpu.sem_alloc : memref<!tpu.dma_semaphore, #tpu.memory_space<semaphore_mem>>
      %dma_start3A = arith.constant 0 : i32
      %dma_start3A_69 = arith.constant 0 : i32
      %dma_start3A_70 = tpu.memref_slice %arg3[%add3A, %dma_start3A, %dma_start3A_69] : memref<32x200x128xi32, #tpu.memory_space<hbm>> -> memref<1x40x128xi32, #tpu.memory_space<hbm>>
      %dma_start3A_71 = tpu.memref_squeeze %dma_start3A_70 : memref<1x40x128xi32, #tpu.memory_space<hbm>> -> memref<40x128xi32, #tpu.memory_space<hbm>>
      %dma_start3A_72 = arith.constant 0 : i32
      %dma_start3A_73 = arith.constant 0 : i32
      %dma_start3A_74 = tpu.memref_slice %arg3[%add3A, %dma_start3A_72, %dma_start3A_73] : memref<32x200x128xi32, #tpu.memory_space<hbm>> -> memref<1x40x128xi32, #tpu.memory_space<hbm>>
      %dma_start3A_75 = tpu.memref_squeeze %dma_start3A_74 : memref<1x40x128xi32, #tpu.memory_space<hbm>> -> memref<40x128xi32, #tpu.memory_space<hbm>>
      tpu.enqueue_dma source(%dma_start3A_75 : memref<40x128xi32, #tpu.memory_space<hbm>>) target(%arg8 : memref<40x128xi32, #tpu.memory_space<vmem>>) target_semaphore(%run_scoped3A : memref<!tpu.dma_semaphore, #tpu.memory_space<semaphore_mem>>)
      %dma_wait3A = arith.constant 0 : i32
      %dma_wait3A_76 = arith.constant 0 : i32
      %dma_wait3A_77 = tpu.memref_slice %arg3[%add3A, %dma_wait3A, %dma_wait3A_76] : memref<32x200x128xi32, #tpu.memory_space<hbm>> -> memref<1x40x128xi32, #tpu.memory_space<hbm>>
      %dma_wait3A_78 = tpu.memref_squeeze %dma_wait3A_77 : memref<1x40x128xi32, #tpu.memory_space<hbm>> -> memref<40x128xi32, #tpu.memory_space<hbm>>
      %dma_wait3A_79 = arith.constant 0 : i32
      %dma_wait3A_80 = arith.constant 0 : i32
      %dma_wait3A_81 = tpu.memref_slice %arg3[%add3A, %dma_wait3A_79, %dma_wait3A_80] : memref<32x200x128xi32, #tpu.memory_space<hbm>> -> memref<1x40x128xi32, #tpu.memory_space<hbm>>
      %dma_wait3A_82 = tpu.memref_squeeze %dma_wait3A_81 : memref<1x40x128xi32, #tpu.memory_space<hbm>> -> memref<40x128xi32, #tpu.memory_space<hbm>>
      tpu.wait_dma2 semaphore(%run_scoped3A : memref<!tpu.dma_semaphore, #tpu.memory_space<semaphore_mem>>) src(%dma_wait3A_82 : memref<40x128xi32, #tpu.memory_space<hbm>>) dst(%arg8 : memref<40x128xi32, #tpu.memory_space<vmem>>)
      tpu.yield
    }) : () -> ()
    "tpu.region"() ({
      %run_scoped3A = tpu.sem_alloc : memref<!tpu.dma_semaphore, #tpu.memory_space<semaphore_mem>>
      %dma_start3A = arith.constant 0 : i32
      %dma_start3A_69 = arith.constant 0 : i32
      %dma_start3A_70 = tpu.memref_slice %arg4[%add3A, %dma_start3A, %dma_start3A_69] : memref<32x200x128xi32, #tpu.memory_space<hbm>> -> memref<1x40x128xi32, #tpu.memory_space<hbm>>
      %dma_start3A_71 = tpu.memref_squeeze %dma_start3A_70 : memref<1x40x128xi32, #tpu.memory_space<hbm>> -> memref<40x128xi32, #tpu.memory_space<hbm>>
      %dma_start3A_72 = arith.constant 0 : i32
      %dma_start3A_73 = arith.constant 0 : i32
      %dma_start3A_74 = tpu.memref_slice %arg4[%add3A, %dma_start3A_72, %dma_start3A_73] : memref<32x200x128xi32, #tpu.memory_space<hbm>> -> memref<1x40x128xi32, #tpu.memory_space<hbm>>
      %dma_start3A_75 = tpu.memref_squeeze %dma_start3A_74 : memref<1x40x128xi32, #tpu.memory_space<hbm>> -> memref<40x128xi32, #tpu.memory_space<hbm>>
      tpu.enqueue_dma source(%dma_start3A_75 : memref<40x128xi32, #tpu.memory_space<hbm>>) target(%arg9 : memref<40x128xi32, #tpu.memory_space<vmem>>) target_semaphore(%run_scoped3A : memref<!tpu.dma_semaphore, #tpu.memory_space<semaphore_mem>>)
      %dma_wait3A = arith.constant 0 : i32
      %dma_wait3A_76 = arith.constant 0 : i32
      %dma_wait3A_77 = tpu.memref_slice %arg4[%add3A, %dma_wait3A, %dma_wait3A_76] : memref<32x200x128xi32, #tpu.memory_space<hbm>> -> memref<1x40x128xi32, #tpu.memory_space<hbm>>
      %dma_wait3A_78 = tpu.memref_squeeze %dma_wait3A_77 : memref<1x40x128xi32, #tpu.memory_space<hbm>> -> memref<40x128xi32, #tpu.memory_space<hbm>>
      %dma_wait3A_79 = arith.constant 0 : i32
      %dma_wait3A_80 = arith.constant 0 : i32
      %dma_wait3A_81 = tpu.memref_slice %arg4[%add3A, %dma_wait3A_79, %dma_wait3A_80] : memref<32x200x128xi32, #tpu.memory_space<hbm>> -> memref<1x40x128xi32, #tpu.memory_space<hbm>>
      %dma_wait3A_82 = tpu.memref_squeeze %dma_wait3A_81 : memref<1x40x128xi32, #tpu.memory_space<hbm>> -> memref<40x128xi32, #tpu.memory_space<hbm>>
      tpu.wait_dma2 semaphore(%run_scoped3A : memref<!tpu.dma_semaphore, #tpu.memory_space<semaphore_mem>>) src(%dma_wait3A_82 : memref<40x128xi32, #tpu.memory_space<hbm>>) dst(%arg9 : memref<40x128xi32, #tpu.memory_space<vmem>>)
      tpu.yield
    }) : () -> ()
    %scan3A_10 = arith.constant 0 : i32
    %scan3A_11 = arith.constant 128 : i32
    %scan3A_12 = arith.addi %scan3A_10, %scan3A_11 : i32
    %scan3A_13 = arith.constant 1 : i32
    scf.for %scan3A_69 = %scan3A_10 to %scan3A_12 step %scan3A_13  : i32 {
      %mul3A_70 = arith.constant 1 : i32
      %mul3A_71 = arith.muli %scan3A_69, %mul3A_70 : i32
      %add3A_72 = arith.constant 0 : i32
      %add3A_73 = arith.addi %add3A_72, %mul3A_71 : i32
      %swap3A = arith.index_cast %add3A_73 : i32 to index
      %swap3A_74 = arith.constant 0 : index
      %swap3A_75 = tpu.vector_load %arg10[%swap3A, %swap3A_74] {strides = array<i32>} : memref<128x16xf32, #tpu.memory_space<vmem>>, vector<16xf32>,
      tpu.vector_store %arg10[%swap3A, %swap3A_74], %broadcast_in_dim3A_7 {strides = array<i32>} : memref<128x16xf32, #tpu.memory_space<vmem>>, vector<16xf32>,
    }
    %scan3A_14 = arith.constant 128 : i32
    %scan3A_15 = arith.constant 0 : i32
    %scan3A_16 = arith.constant 40 : i32
    %scan3A_17 = arith.addi %scan3A_15, %scan3A_16 : i32
    %scan3A_18 = arith.constant 1 : i32
    scf.for %scan3A_69 = %scan3A_15 to %scan3A_17 step %scan3A_18  : i32 {
      %mul3A_70 = arith.constant 1 : i32
      %mul3A_71 = arith.muli %scan3A_69, %mul3A_70 : i32
      %add3A_72 = arith.constant 0 : i32
      %add3A_73 = arith.addi %add3A_72, %mul3A_71 : i32
      %scan3A_74 = arith.constant 0 : i32
      %scan3A_75 = arith.constant 8 : i32
      %scan3A_76 = arith.addi %scan3A_74, %scan3A_75 : i32
      %scan3A_77 = arith.constant 1 : i32
      scf.for %scan3A_79 = %scan3A_74 to %scan3A_76 step %scan3A_77  : i32 {
        %mul3A_80 = arith.constant 1 : i32
        %mul3A_81 = arith.muli %scan3A_79, %mul3A_80 : i32
        %add3A_82 = arith.constant 0 : i32
        %add3A_83 = arith.addi %add3A_82, %mul3A_81 : i32
        %mul3A_84 = arith.constant 16 : i32
        %mul3A_85 = arith.muli %add3A_83, %mul3A_84 : i32
        %get3A = arith.index_cast %add3A_73 : i32 to index
        %get3A_86 = arith.index_cast %mul3A_85 : i32 to index
        %get3A_87 = tpu.vector_load %arg8[%get3A, %get3A_86] {strides = array<i32>} : memref<40x128xi32, #tpu.memory_space<vmem>>, vector<16xi32>,
        %add3A_88 = arith.constant 0 : i32
        %add3A_89 = vector.broadcast %add3A_88 : i32 to vector<16xi32>
        %add3A_90 = arith.addi %add3A_89, %get3A_87 : vector<16xi32>
        %gather3A = tpu.vector_load_idx %arg7[%add3A_90] : memref<51200xf32, #tpu.memory_space<vmem>>[vector<16xi32>], vector<16xf32>,
        %mul3A_91 = arith.constant 16 : i32
        %mul3A_92 = arith.muli %add3A_83, %mul3A_91 : i32
        %add3A_93 = vector.broadcast %mul3A_92 : i32 to vector<16xi32>
        %add3A_94 = arith.addi %add3A_93, %iota3A : vector<16xi32>
        tpu.vector_store_idx %arg10[%add3A_94, %broadcast_in_dim3A_9], %gather3A : memref<128x16xf32, #tpu.memory_space<vmem>>[vector<16xi32>, vector<16xi32>], vector<16xf32>,
      }
      %scan3A_78 = arith.constant 8 : i32
      "tpu.region"() ({
        %run_scoped3A = tpu.sem_alloc : memref<!tpu.dma_semaphore, #tpu.memory_space<semaphore_mem>>
        %dma_start3A = arith.constant 0 : i32
        %dma_start3A_79 = tpu.memref_slice %arg9[%add3A_73, %dma_start3A] : memref<40x128xi32, #tpu.memory_space<vmem>> -> memref<1x128xi32, #tpu.memory_space<vmem>>
        %dma_start3A_80 = tpu.memref_squeeze %dma_start3A_79 : memref<1x128xi32, #tpu.memory_space<vmem>> -> memref<128xi32, #tpu.memory_space<vmem>>
        %dma_start3A_81 = arith.constant 0 : i32
        %dma_start3A_82 = arith.constant 0 : i32
        %dma_start3A_83 = tpu.memref_slice %arg11[%dma_start3A_81, %dma_start3A_82] : memref<10240x16xf32, #tpu.memory_space<vmem_shared>> -> memref<10240x16xf32, #tpu.memory_space<vmem_shared>>
        tpu.enqueue_indirect_dma source(%arg10 : memref<128x16xf32, #tpu.memory_space<vmem>>) target(%dma_start3A_83 : memref<10240x16xf32, #tpu.memory_space<vmem_shared>>) offsets(%dma_start3A_80 : memref<128xi32, #tpu.memory_space<vmem>>) semaphore(%run_scoped3A : memref<!tpu.dma_semaphore, #tpu.memory_space<semaphore_mem>>) {add = true}
        %dma_wait3A = arith.constant 0 : i32
        %dma_wait3A_84 = tpu.memref_slice %arg9[%add3A_73, %dma_wait3A] : memref<40x128xi32, #tpu.memory_space<vmem>> -> memref<1x128xi32, #tpu.memory_space<vmem>>
        %dma_wait3A_85 = tpu.memref_squeeze %dma_wait3A_84 : memref<1x128xi32, #tpu.memory_space<vmem>> -> memref<128xi32, #tpu.memory_space<vmem>>
        %dma_wait3A_86 = arith.constant 0 : i32
        %dma_wait3A_87 = arith.constant 0 : i32
        %dma_wait3A_88 = tpu.memref_slice %arg11[%dma_wait3A_86, %dma_wait3A_87] : memref<10240x16xf32, #tpu.memory_space<vmem_shared>> -> memref<10240x16xf32, #tpu.memory_space<vmem_shared>>
        tpu.wait_indirect_dma semaphore(%run_scoped3A : memref<!tpu.dma_semaphore, #tpu.memory_space<semaphore_mem>>) src(%arg10 : memref<128x16xf32, #tpu.memory_space<vmem>>) dst(%dma_wait3A_88 : memref<10240x16xf32, #tpu.memory_space<vmem_shared>>)
        tpu.yield
      }) : () -> ()
    }
    %scan3A_19 = arith.constant 40 : i32
    %broadcast_in_dim3A_20 = arith.constant 1 : i32
    %broadcast_in_dim3A_21 = vector.broadcast %broadcast_in_dim3A_20 : i32 to vector<16xi32>
    "tpu.region"() ({
      %run_scoped3A = tpu.sem_alloc : memref<!tpu.dma_semaphore, #tpu.memory_space<semaphore_mem>>
      %dma_start3A = arith.constant 40 : i32
      %dma_start3A_69 = arith.constant 0 : i32
      %dma_start3A_70 = tpu.memref_slice %arg3[%add3A, %dma_start3A, %dma_start3A_69] : memref<32x200x128xi32, #tpu.memory_space<hbm>> -> memref<1x40x128xi32, #tpu.memory_space<hbm>>
      %dma_start3A_71 = tpu.memref_squeeze %dma_start3A_70 : memref<1x40x128xi32, #tpu.memory_space<hbm>> -> memref<40x128xi32, #tpu.memory_space<hbm>>
      %dma_start3A_72 = arith.constant 40 : i32
      %dma_start3A_73 = arith.constant 0 : i32
      %dma_start3A_74 = tpu.memref_slice %arg3[%add3A, %dma_start3A_72, %dma_start3A_73] : memref<32x200x128xi32, #tpu.memory_space<hbm>> -> memref<1x40x128xi32, #tpu.memory_space<hbm>>
      %dma_start3A_75 = tpu.memref_squeeze %dma_start3A_74 : memref<1x40x128xi32, #tpu.memory_space<hbm>> -> memref<40x128xi32, #tpu.memory_space<hbm>>
      tpu.enqueue_dma source(%dma_start3A_75 : memref<40x128xi32, #tpu.memory_space<hbm>>) target(%arg8 : memref<40x128xi32, #tpu.memory_space<vmem>>) target_semaphore(%run_scoped3A : memref<!tpu.dma_semaphore, #tpu.memory_space<semaphore_mem>>)
      %dma_wait3A = arith.constant 40 : i32
      %dma_wait3A_76 = arith.constant 0 : i32
      %dma_wait3A_77 = tpu.memref_slice %arg3[%add3A, %dma_wait3A, %dma_wait3A_76] : memref<32x200x128xi32, #tpu.memory_space<hbm>> -> memref<1x40x128xi32, #tpu.memory_space<hbm>>
      %dma_wait3A_78 = tpu.memref_squeeze %dma_wait3A_77 : memref<1x40x128xi32, #tpu.memory_space<hbm>> -> memref<40x128xi32, #tpu.memory_space<hbm>>
      %dma_wait3A_79 = arith.constant 40 : i32
      %dma_wait3A_80 = arith.constant 0 : i32
      %dma_wait3A_81 = tpu.memref_slice %arg3[%add3A, %dma_wait3A_79, %dma_wait3A_80] : memref<32x200x128xi32, #tpu.memory_space<hbm>> -> memref<1x40x128xi32, #tpu.memory_space<hbm>>
      %dma_wait3A_82 = tpu.memref_squeeze %dma_wait3A_81 : memref<1x40x128xi32, #tpu.memory_space<hbm>> -> memref<40x128xi32, #tpu.memory_space<hbm>>
      tpu.wait_dma2 semaphore(%run_scoped3A : memref<!tpu.dma_semaphore, #tpu.memory_space<semaphore_mem>>) src(%dma_wait3A_82 : memref<40x128xi32, #tpu.memory_space<hbm>>) dst(%arg8 : memref<40x128xi32, #tpu.memory_space<vmem>>)
      tpu.yield
    }) : () -> ()
    "tpu.region"() ({
      %run_scoped3A = tpu.sem_alloc : memref<!tpu.dma_semaphore, #tpu.memory_space<semaphore_mem>>
      %dma_start3A = arith.constant 40 : i32
      %dma_start3A_69 = arith.constant 0 : i32
      %dma_start3A_70 = tpu.memref_slice %arg4[%add3A, %dma_start3A, %dma_start3A_69] : memref<32x200x128xi32, #tpu.memory_space<hbm>> -> memref<1x40x128xi32, #tpu.memory_space<hbm>>
      %dma_start3A_71 = tpu.memref_squeeze %dma_start3A_70 : memref<1x40x128xi32, #tpu.memory_space<hbm>> -> memref<40x128xi32, #tpu.memory_space<hbm>>
      %dma_start3A_72 = arith.constant 40 : i32
      %dma_start3A_73 = arith.constant 0 : i32
      %dma_start3A_74 = tpu.memref_slice %arg4[%add3A, %dma_start3A_72, %dma_start3A_73] : memref<32x200x128xi32, #tpu.memory_space<hbm>> -> memref<1x40x128xi32, #tpu.memory_space<hbm>>
      %dma_start3A_75 = tpu.memref_squeeze %dma_start3A_74 : memref<1x40x128xi32, #tpu.memory_space<hbm>> -> memref<40x128xi32, #tpu.memory_space<hbm>>
      tpu.enqueue_dma source(%dma_start3A_75 : memref<40x128xi32, #tpu.memory_space<hbm>>) target(%arg9 : memref<40x128xi32, #tpu.memory_space<vmem>>) target_semaphore(%run_scoped3A : memref<!tpu.dma_semaphore, #tpu.memory_space<semaphore_mem>>)
      %dma_wait3A = arith.constant 40 : i32
      %dma_wait3A_76 = arith.constant 0 : i32
      %dma_wait3A_77 = tpu.memref_slice %arg4[%add3A, %dma_wait3A, %dma_wait3A_76] : memref<32x200x128xi32, #tpu.memory_space<hbm>> -> memref<1x40x128xi32, #tpu.memory_space<hbm>>
      %dma_wait3A_78 = tpu.memref_squeeze %dma_wait3A_77 : memref<1x40x128xi32, #tpu.memory_space<hbm>> -> memref<40x128xi32, #tpu.memory_space<hbm>>
      %dma_wait3A_79 = arith.constant 40 : i32
      %dma_wait3A_80 = arith.constant 0 : i32
      %dma_wait3A_81 = tpu.memref_slice %arg4[%add3A, %dma_wait3A_79, %dma_wait3A_80] : memref<32x200x128xi32, #tpu.memory_space<hbm>> -> memref<1x40x128xi32, #tpu.memory_space<hbm>>
      %dma_wait3A_82 = tpu.memref_squeeze %dma_wait3A_81 : memref<1x40x128xi32, #tpu.memory_space<hbm>> -> memref<40x128xi32, #tpu.memory_space<hbm>>
      tpu.wait_dma2 semaphore(%run_scoped3A : memref<!tpu.dma_semaphore, #tpu.memory_space<semaphore_mem>>) src(%dma_wait3A_82 : memref<40x128xi32, #tpu.memory_space<hbm>>) dst(%arg9 : memref<40x128xi32, #tpu.memory_space<vmem>>)
      tpu.yield
    }) : () -> ()
    %scan3A_22 = arith.constant 0 : i32
    %scan3A_23 = arith.constant 128 : i32
    %scan3A_24 = arith.addi %scan3A_22, %scan3A_23 : i32
    %scan3A_25 = arith.constant 1 : i32
    scf.for %scan3A_69 = %scan3A_22 to %scan3A_24 step %scan3A_25  : i32 {
      %mul3A_70 = arith.constant 1 : i32
      %mul3A_71 = arith.muli %scan3A_69, %mul3A_70 : i32
      %add3A_72 = arith.constant 0 : i32
      %add3A_73 = arith.addi %add3A_72, %mul3A_71 : i32
      %swap3A = arith.index_cast %add3A_73 : i32 to index
      %swap3A_74 = arith.constant 0 : index
      %swap3A_75 = tpu.vector_load %arg10[%swap3A, %swap3A_74] {strides = array<i32>} : memref<128x16xf32, #tpu.memory_space<vmem>>, vector<16xf32>,
      tpu.vector_store %arg10[%swap3A, %swap3A_74], %broadcast_in_dim3A_7 {strides = array<i32>} : memref<128x16xf32, #tpu.memory_space<vmem>>, vector<16xf32>,
    }
    %scan3A_26 = arith.constant 128 : i32
    %scan3A_27 = arith.constant 0 : i32
    %scan3A_28 = arith.constant 40 : i32
    %scan3A_29 = arith.addi %scan3A_27, %scan3A_28 : i32
    %scan3A_30 = arith.constant 1 : i32
    scf.for %scan3A_69 = %scan3A_27 to %scan3A_29 step %scan3A_30  : i32 {
      %mul3A_70 = arith.constant 1 : i32
      %mul3A_71 = arith.muli %scan3A_69, %mul3A_70 : i32
      %add3A_72 = arith.constant 0 : i32
      %add3A_73 = arith.addi %add3A_72, %mul3A_71 : i32
      %scan3A_74 = arith.constant 0 : i32
      %scan3A_75 = arith.constant 8 : i32
      %scan3A_76 = arith.addi %scan3A_74, %scan3A_75 : i32
      %scan3A_77 = arith.constant 1 : i32
      scf.for %scan3A_79 = %scan3A_74 to %scan3A_76 step %scan3A_77  : i32 {
        %mul3A_80 = arith.constant 1 : i32
        %mul3A_81 = arith.muli %scan3A_79, %mul3A_80 : i32
        %add3A_82 = arith.constant 0 : i32
        %add3A_83 = arith.addi %add3A_82, %mul3A_81 : i32
        %mul3A_84 = arith.constant 16 : i32
        %mul3A_85 = arith.muli %add3A_83, %mul3A_84 : i32
        %get3A = arith.index_cast %add3A_73 : i32 to index
        %get3A_86 = arith.index_cast %mul3A_85 : i32 to index
        %get3A_87 = tpu.vector_load %arg8[%get3A, %get3A_86] {strides = array<i32>} : memref<40x128xi32, #tpu.memory_space<vmem>>, vector<16xi32>,
        %add3A_88 = arith.constant 10240 : i32
        %add3A_89 = vector.broadcast %add3A_88 : i32 to vector<16xi32>
        %add3A_90 = arith.addi %add3A_89, %get3A_87 : vector<16xi32>
        %gather3A = tpu.vector_load_idx %arg7[%add3A_90] : memref<51200xf32, #tpu.memory_space<vmem>>[vector<16xi32>], vector<16xf32>,
        %mul3A_91 = arith.constant 16 : i32
        %mul3A_92 = arith.muli %add3A_83, %mul3A_91 : i32
        %add3A_93 = vector.broadcast %mul3A_92 : i32 to vector<16xi32>
        %add3A_94 = arith.addi %add3A_93, %iota3A : vector<16xi32>
        tpu.vector_store_idx %arg10[%add3A_94, %broadcast_in_dim3A_21], %gather3A : memref<128x16xf32, #tpu.memory_space<vmem>>[vector<16xi32>, vector<16xi32>], vector<16xf32>,
      }
      %scan3A_78 = arith.constant 8 : i32
      "tpu.region"() ({
        %run_scoped3A = tpu.sem_alloc : memref<!tpu.dma_semaphore, #tpu.memory_space<semaphore_mem>>
        %dma_start3A = arith.constant 0 : i32
        %dma_start3A_79 = tpu.memref_slice %arg9[%add3A_73, %dma_start3A] : memref<40x128xi32, #tpu.memory_space<vmem>> -> memref<1x128xi32, #tpu.memory_space<vmem>>
        %dma_start3A_80 = tpu.memref_squeeze %dma_start3A_79 : memref<1x128xi32, #tpu.memory_space<vmem>> -> memref<128xi32, #tpu.memory_space<vmem>>
        %dma_start3A_81 = arith.constant 0 : i32
        %dma_start3A_82 = arith.constant 0 : i32
        %dma_start3A_83 = tpu.memref_slice %arg11[%dma_start3A_81, %dma_start3A_82] : memref<10240x16xf32, #tpu.memory_space<vmem_shared>> -> memref<10240x16xf32, #tpu.memory_space<vmem_shared>>
        tpu.enqueue_indirect_dma source(%arg10 : memref<128x16xf32, #tpu.memory_space<vmem>>) target(%dma_start3A_83 : memref<10240x16xf32, #tpu.memory_space<vmem_shared>>) offsets(%dma_start3A_80 : memref<128xi32, #tpu.memory_space<vmem>>) semaphore(%run_scoped3A : memref<!tpu.dma_semaphore, #tpu.memory_space<semaphore_mem>>) {add = true}
        %dma_wait3A = arith.constant 0 : i32
        %dma_wait3A_84 = tpu.memref_slice %arg9[%add3A_73, %dma_wait3A] : memref<40x128xi32, #tpu.memory_space<vmem>> -> memref<1x128xi32, #tpu.memory_space<vmem>>
        %dma_wait3A_85 = tpu.memref_squeeze %dma_wait3A_84 : memref<1x128xi32, #tpu.memory_space<vmem>> -> memref<128xi32, #tpu.memory_space<vmem>>
        %dma_wait3A_86 = arith.constant 0 : i32
        %dma_wait3A_87 = arith.constant 0 : i32
        %dma_wait3A_88 = tpu.memref_slice %arg11[%dma_wait3A_86, %dma_wait3A_87] : memref<10240x16xf32, #tpu.memory_space<vmem_shared>> -> memref<10240x16xf32, #tpu.memory_space<vmem_shared>>
        tpu.wait_indirect_dma semaphore(%run_scoped3A : memref<!tpu.dma_semaphore, #tpu.memory_space<semaphore_mem>>) src(%arg10 : memref<128x16xf32, #tpu.memory_space<vmem>>) dst(%dma_wait3A_88 : memref<10240x16xf32, #tpu.memory_space<vmem_shared>>)
        tpu.yield
      }) : () -> ()
    }
    %scan3A_31 = arith.constant 40 : i32
    %broadcast_in_dim3A_32 = arith.constant 2 : i32
    %broadcast_in_dim3A_33 = vector.broadcast %broadcast_in_dim3A_32 : i32 to vector<16xi32>
    "tpu.region"() ({
      %run_scoped3A = tpu.sem_alloc : memref<!tpu.dma_semaphore, #tpu.memory_space<semaphore_mem>>
      %dma_start3A = arith.constant 80 : i32
      %dma_start3A_69 = arith.constant 0 : i32
      %dma_start3A_70 = tpu.memref_slice %arg3[%add3A, %dma_start3A, %dma_start3A_69] : memref<32x200x128xi32, #tpu.memory_space<hbm>> -> memref<1x40x128xi32, #tpu.memory_space<hbm>>
      %dma_start3A_71 = tpu.memref_squeeze %dma_start3A_70 : memref<1x40x128xi32, #tpu.memory_space<hbm>> -> memref<40x128xi32, #tpu.memory_space<hbm>>
      %dma_start3A_72 = arith.constant 80 : i32
      %dma_start3A_73 = arith.constant 0 : i32
      %dma_start3A_74 = tpu.memref_slice %arg3[%add3A, %dma_start3A_72, %dma_start3A_73] : memref<32x200x128xi32, #tpu.memory_space<hbm>> -> memref<1x40x128xi32, #tpu.memory_space<hbm>>
      %dma_start3A_75 = tpu.memref_squeeze %dma_start3A_74 : memref<1x40x128xi32, #tpu.memory_space<hbm>> -> memref<40x128xi32, #tpu.memory_space<hbm>>
      tpu.enqueue_dma source(%dma_start3A_75 : memref<40x128xi32, #tpu.memory_space<hbm>>) target(%arg8 : memref<40x128xi32, #tpu.memory_space<vmem>>) target_semaphore(%run_scoped3A : memref<!tpu.dma_semaphore, #tpu.memory_space<semaphore_mem>>)
      %dma_wait3A = arith.constant 80 : i32
      %dma_wait3A_76 = arith.constant 0 : i32
      %dma_wait3A_77 = tpu.memref_slice %arg3[%add3A, %dma_wait3A, %dma_wait3A_76] : memref<32x200x128xi32, #tpu.memory_space<hbm>> -> memref<1x40x128xi32, #tpu.memory_space<hbm>>
      %dma_wait3A_78 = tpu.memref_squeeze %dma_wait3A_77 : memref<1x40x128xi32, #tpu.memory_space<hbm>> -> memref<40x128xi32, #tpu.memory_space<hbm>>
      %dma_wait3A_79 = arith.constant 80 : i32
      %dma_wait3A_80 = arith.constant 0 : i32
      %dma_wait3A_81 = tpu.memref_slice %arg3[%add3A, %dma_wait3A_79, %dma_wait3A_80] : memref<32x200x128xi32, #tpu.memory_space<hbm>> -> memref<1x40x128xi32, #tpu.memory_space<hbm>>
      %dma_wait3A_82 = tpu.memref_squeeze %dma_wait3A_81 : memref<1x40x128xi32, #tpu.memory_space<hbm>> -> memref<40x128xi32, #tpu.memory_space<hbm>>
      tpu.wait_dma2 semaphore(%run_scoped3A : memref<!tpu.dma_semaphore, #tpu.memory_space<semaphore_mem>>) src(%dma_wait3A_82 : memref<40x128xi32, #tpu.memory_space<hbm>>) dst(%arg8 : memref<40x128xi32, #tpu.memory_space<vmem>>)
      tpu.yield
    }) : () -> ()
    "tpu.region"() ({
      %run_scoped3A = tpu.sem_alloc : memref<!tpu.dma_semaphore, #tpu.memory_space<semaphore_mem>>
      %dma_start3A = arith.constant 80 : i32
      %dma_start3A_69 = arith.constant 0 : i32
      %dma_start3A_70 = tpu.memref_slice %arg4[%add3A, %dma_start3A, %dma_start3A_69] : memref<32x200x128xi32, #tpu.memory_space<hbm>> -> memref<1x40x128xi32, #tpu.memory_space<hbm>>
      %dma_start3A_71 = tpu.memref_squeeze %dma_start3A_70 : memref<1x40x128xi32, #tpu.memory_space<hbm>> -> memref<40x128xi32, #tpu.memory_space<hbm>>
      %dma_start3A_72 = arith.constant 80 : i32
      %dma_start3A_73 = arith.constant 0 : i32
      %dma_start3A_74 = tpu.memref_slice %arg4[%add3A, %dma_start3A_72, %dma_start3A_73] : memref<32x200x128xi32, #tpu.memory_space<hbm>> -> memref<1x40x128xi32, #tpu.memory_space<hbm>>
      %dma_start3A_75 = tpu.memref_squeeze %dma_start3A_74 : memref<1x40x128xi32, #tpu.memory_space<hbm>> -> memref<40x128xi32, #tpu.memory_space<hbm>>
      tpu.enqueue_dma source(%dma_start3A_75 : memref<40x128xi32, #tpu.memory_space<hbm>>) target(%arg9 : memref<40x128xi32, #tpu.memory_space<vmem>>) target_semaphore(%run_scoped3A : memref<!tpu.dma_semaphore, #tpu.memory_space<semaphore_mem>>)
      %dma_wait3A = arith.constant 80 : i32
      %dma_wait3A_76 = arith.constant 0 : i32
      %dma_wait3A_77 = tpu.memref_slice %arg4[%add3A, %dma_wait3A, %dma_wait3A_76] : memref<32x200x128xi32, #tpu.memory_space<hbm>> -> memref<1x40x128xi32, #tpu.memory_space<hbm>>
      %dma_wait3A_78 = tpu.memref_squeeze %dma_wait3A_77 : memref<1x40x128xi32, #tpu.memory_space<hbm>> -> memref<40x128xi32, #tpu.memory_space<hbm>>
      %dma_wait3A_79 = arith.constant 80 : i32
      %dma_wait3A_80 = arith.constant 0 : i32
      %dma_wait3A_81 = tpu.memref_slice %arg4[%add3A, %dma_wait3A_79, %dma_wait3A_80] : memref<32x200x128xi32, #tpu.memory_space<hbm>> -> memref<1x40x128xi32, #tpu.memory_space<hbm>>
      %dma_wait3A_82 = tpu.memref_squeeze %dma_wait3A_81 : memref<1x40x128xi32, #tpu.memory_space<hbm>> -> memref<40x128xi32, #tpu.memory_space<hbm>>
      tpu.wait_dma2 semaphore(%run_scoped3A : memref<!tpu.dma_semaphore, #tpu.memory_space<semaphore_mem>>) src(%dma_wait3A_82 : memref<40x128xi32, #tpu.memory_space<hbm>>) dst(%arg9 : memref<40x128xi32, #tpu.memory_space<vmem>>)
      tpu.yield
    }) : () -> ()
    %scan3A_34 = arith.constant 0 : i32
    %scan3A_35 = arith.constant 128 : i32
    %scan3A_36 = arith.addi %scan3A_34, %scan3A_35 : i32
    %scan3A_37 = arith.constant 1 : i32
    scf.for %scan3A_69 = %scan3A_34 to %scan3A_36 step %scan3A_37  : i32 {
      %mul3A_70 = arith.constant 1 : i32
      %mul3A_71 = arith.muli %scan3A_69, %mul3A_70 : i32
      %add3A_72 = arith.constant 0 : i32
      %add3A_73 = arith.addi %add3A_72, %mul3A_71 : i32
      %swap3A = arith.index_cast %add3A_73 : i32 to index
      %swap3A_74 = arith.constant 0 : index
      %swap3A_75 = tpu.vector_load %arg10[%swap3A, %swap3A_74] {strides = array<i32>} : memref<128x16xf32, #tpu.memory_space<vmem>>, vector<16xf32>,
      tpu.vector_store %arg10[%swap3A, %swap3A_74], %broadcast_in_dim3A_7 {strides = array<i32>} : memref<128x16xf32, #tpu.memory_space<vmem>>, vector<16xf32>,
    }
    %scan3A_38 = arith.constant 128 : i32
    %scan3A_39 = arith.constant 0 : i32
    %scan3A_40 = arith.constant 40 : i32
    %scan3A_41 = arith.addi %scan3A_39, %scan3A_40 : i32
    %scan3A_42 = arith.constant 1 : i32
    scf.for %scan3A_69 = %scan3A_39 to %scan3A_41 step %scan3A_42  : i32 {
      %mul3A_70 = arith.constant 1 : i32
      %mul3A_71 = arith.muli %scan3A_69, %mul3A_70 : i32
      %add3A_72 = arith.constant 0 : i32
      %add3A_73 = arith.addi %add3A_72, %mul3A_71 : i32
      %scan3A_74 = arith.constant 0 : i32
      %scan3A_75 = arith.constant 8 : i32
      %scan3A_76 = arith.addi %scan3A_74, %scan3A_75 : i32
      %scan3A_77 = arith.constant 1 : i32
      scf.for %scan3A_79 = %scan3A_74 to %scan3A_76 step %scan3A_77  : i32 {
        %mul3A_80 = arith.constant 1 : i32
        %mul3A_81 = arith.muli %scan3A_79, %mul3A_80 : i32
        %add3A_82 = arith.constant 0 : i32
        %add3A_83 = arith.addi %add3A_82, %mul3A_81 : i32
        %mul3A_84 = arith.constant 16 : i32
        %mul3A_85 = arith.muli %add3A_83, %mul3A_84 : i32
        %get3A = arith.index_cast %add3A_73 : i32 to index
        %get3A_86 = arith.index_cast %mul3A_85 : i32 to index
        %get3A_87 = tpu.vector_load %arg8[%get3A, %get3A_86] {strides = array<i32>} : memref<40x128xi32, #tpu.memory_space<vmem>>, vector<16xi32>,
        %add3A_88 = arith.constant 20480 : i32
        %add3A_89 = vector.broadcast %add3A_88 : i32 to vector<16xi32>
        %add3A_90 = arith.addi %add3A_89, %get3A_87 : vector<16xi32>
        %gather3A = tpu.vector_load_idx %arg7[%add3A_90] : memref<51200xf32, #tpu.memory_space<vmem>>[vector<16xi32>], vector<16xf32>,
        %mul3A_91 = arith.constant 16 : i32
        %mul3A_92 = arith.muli %add3A_83, %mul3A_91 : i32
        %add3A_93 = vector.broadcast %mul3A_92 : i32 to vector<16xi32>
        %add3A_94 = arith.addi %add3A_93, %iota3A : vector<16xi32>
        tpu.vector_store_idx %arg10[%add3A_94, %broadcast_in_dim3A_33], %gather3A : memref<128x16xf32, #tpu.memory_space<vmem>>[vector<16xi32>, vector<16xi32>], vector<16xf32>,
      }
      %scan3A_78 = arith.constant 8 : i32
      "tpu.region"() ({
        %run_scoped3A = tpu.sem_alloc : memref<!tpu.dma_semaphore, #tpu.memory_space<semaphore_mem>>
        %dma_start3A = arith.constant 0 : i32
        %dma_start3A_79 = tpu.memref_slice %arg9[%add3A_73, %dma_start3A] : memref<40x128xi32, #tpu.memory_space<vmem>> -> memref<1x128xi32, #tpu.memory_space<vmem>>
        %dma_start3A_80 = tpu.memref_squeeze %dma_start3A_79 : memref<1x128xi32, #tpu.memory_space<vmem>> -> memref<128xi32, #tpu.memory_space<vmem>>
        %dma_start3A_81 = arith.constant 0 : i32
        %dma_start3A_82 = arith.constant 0 : i32
        %dma_start3A_83 = tpu.memref_slice %arg11[%dma_start3A_81, %dma_start3A_82] : memref<10240x16xf32, #tpu.memory_space<vmem_shared>> -> memref<10240x16xf32, #tpu.memory_space<vmem_shared>>
        tpu.enqueue_indirect_dma source(%arg10 : memref<128x16xf32, #tpu.memory_space<vmem>>) target(%dma_start3A_83 : memref<10240x16xf32, #tpu.memory_space<vmem_shared>>) offsets(%dma_start3A_80 : memref<128xi32, #tpu.memory_space<vmem>>) semaphore(%run_scoped3A : memref<!tpu.dma_semaphore, #tpu.memory_space<semaphore_mem>>) {add = true}
        %dma_wait3A = arith.constant 0 : i32
        %dma_wait3A_84 = tpu.memref_slice %arg9[%add3A_73, %dma_wait3A] : memref<40x128xi32, #tpu.memory_space<vmem>> -> memref<1x128xi32, #tpu.memory_space<vmem>>
        %dma_wait3A_85 = tpu.memref_squeeze %dma_wait3A_84 : memref<1x128xi32, #tpu.memory_space<vmem>> -> memref<128xi32, #tpu.memory_space<vmem>>
        %dma_wait3A_86 = arith.constant 0 : i32
        %dma_wait3A_87 = arith.constant 0 : i32
        %dma_wait3A_88 = tpu.memref_slice %arg11[%dma_wait3A_86, %dma_wait3A_87] : memref<10240x16xf32, #tpu.memory_space<vmem_shared>> -> memref<10240x16xf32, #tpu.memory_space<vmem_shared>>
        tpu.wait_indirect_dma semaphore(%run_scoped3A : memref<!tpu.dma_semaphore, #tpu.memory_space<semaphore_mem>>) src(%arg10 : memref<128x16xf32, #tpu.memory_space<vmem>>) dst(%dma_wait3A_88 : memref<10240x16xf32, #tpu.memory_space<vmem_shared>>)
        tpu.yield
      }) : () -> ()
    }
    %scan3A_43 = arith.constant 40 : i32
    %broadcast_in_dim3A_44 = arith.constant 3 : i32
    %broadcast_in_dim3A_45 = vector.broadcast %broadcast_in_dim3A_44 : i32 to vector<16xi32>
    "tpu.region"() ({
      %run_scoped3A = tpu.sem_alloc : memref<!tpu.dma_semaphore, #tpu.memory_space<semaphore_mem>>
      %dma_start3A = arith.constant 120 : i32
      %dma_start3A_69 = arith.constant 0 : i32
      %dma_start3A_70 = tpu.memref_slice %arg3[%add3A, %dma_start3A, %dma_start3A_69] : memref<32x200x128xi32, #tpu.memory_space<hbm>> -> memref<1x40x128xi32, #tpu.memory_space<hbm>>
      %dma_start3A_71 = tpu.memref_squeeze %dma_start3A_70 : memref<1x40x128xi32, #tpu.memory_space<hbm>> -> memref<40x128xi32, #tpu.memory_space<hbm>>
      %dma_start3A_72 = arith.constant 120 : i32
      %dma_start3A_73 = arith.constant 0 : i32
      %dma_start3A_74 = tpu.memref_slice %arg3[%add3A, %dma_start3A_72, %dma_start3A_73] : memref<32x200x128xi32, #tpu.memory_space<hbm>> -> memref<1x40x128xi32, #tpu.memory_space<hbm>>
      %dma_start3A_75 = tpu.memref_squeeze %dma_start3A_74 : memref<1x40x128xi32, #tpu.memory_space<hbm>> -> memref<40x128xi32, #tpu.memory_space<hbm>>
      tpu.enqueue_dma source(%dma_start3A_75 : memref<40x128xi32, #tpu.memory_space<hbm>>) target(%arg8 : memref<40x128xi32, #tpu.memory_space<vmem>>) target_semaphore(%run_scoped3A : memref<!tpu.dma_semaphore, #tpu.memory_space<semaphore_mem>>)
      %dma_wait3A = arith.constant 120 : i32
      %dma_wait3A_76 = arith.constant 0 : i32
      %dma_wait3A_77 = tpu.memref_slice %arg3[%add3A, %dma_wait3A, %dma_wait3A_76] : memref<32x200x128xi32, #tpu.memory_space<hbm>> -> memref<1x40x128xi32, #tpu.memory_space<hbm>>
      %dma_wait3A_78 = tpu.memref_squeeze %dma_wait3A_77 : memref<1x40x128xi32, #tpu.memory_space<hbm>> -> memref<40x128xi32, #tpu.memory_space<hbm>>
      %dma_wait3A_79 = arith.constant 120 : i32
      %dma_wait3A_80 = arith.constant 0 : i32
      %dma_wait3A_81 = tpu.memref_slice %arg3[%add3A, %dma_wait3A_79, %dma_wait3A_80] : memref<32x200x128xi32, #tpu.memory_space<hbm>> -> memref<1x40x128xi32, #tpu.memory_space<hbm>>
      %dma_wait3A_82 = tpu.memref_squeeze %dma_wait3A_81 : memref<1x40x128xi32, #tpu.memory_space<hbm>> -> memref<40x128xi32, #tpu.memory_space<hbm>>
      tpu.wait_dma2 semaphore(%run_scoped3A : memref<!tpu.dma_semaphore, #tpu.memory_space<semaphore_mem>>) src(%dma_wait3A_82 : memref<40x128xi32, #tpu.memory_space<hbm>>) dst(%arg8 : memref<40x128xi32, #tpu.memory_space<vmem>>)
      tpu.yield
    }) : () -> ()
    "tpu.region"() ({
      %run_scoped3A = tpu.sem_alloc : memref<!tpu.dma_semaphore, #tpu.memory_space<semaphore_mem>>
      %dma_start3A = arith.constant 120 : i32
      %dma_start3A_69 = arith.constant 0 : i32
      %dma_start3A_70 = tpu.memref_slice %arg4[%add3A, %dma_start3A, %dma_start3A_69] : memref<32x200x128xi32, #tpu.memory_space<hbm>> -> memref<1x40x128xi32, #tpu.memory_space<hbm>>
      %dma_start3A_71 = tpu.memref_squeeze %dma_start3A_70 : memref<1x40x128xi32, #tpu.memory_space<hbm>> -> memref<40x128xi32, #tpu.memory_space<hbm>>
      %dma_start3A_72 = arith.constant 120 : i32
      %dma_start3A_73 = arith.constant 0 : i32
      %dma_start3A_74 = tpu.memref_slice %arg4[%add3A, %dma_start3A_72, %dma_start3A_73] : memref<32x200x128xi32, #tpu.memory_space<hbm>> -> memref<1x40x128xi32, #tpu.memory_space<hbm>>
      %dma_start3A_75 = tpu.memref_squeeze %dma_start3A_74 : memref<1x40x128xi32, #tpu.memory_space<hbm>> -> memref<40x128xi32, #tpu.memory_space<hbm>>
      tpu.enqueue_dma source(%dma_start3A_75 : memref<40x128xi32, #tpu.memory_space<hbm>>) target(%arg9 : memref<40x128xi32, #tpu.memory_space<vmem>>) target_semaphore(%run_scoped3A : memref<!tpu.dma_semaphore, #tpu.memory_space<semaphore_mem>>)
      %dma_wait3A = arith.constant 120 : i32
      %dma_wait3A_76 = arith.constant 0 : i32
      %dma_wait3A_77 = tpu.memref_slice %arg4[%add3A, %dma_wait3A, %dma_wait3A_76] : memref<32x200x128xi32, #tpu.memory_space<hbm>> -> memref<1x40x128xi32, #tpu.memory_space<hbm>>
      %dma_wait3A_78 = tpu.memref_squeeze %dma_wait3A_77 : memref<1x40x128xi32, #tpu.memory_space<hbm>> -> memref<40x128xi32, #tpu.memory_space<hbm>>
      %dma_wait3A_79 = arith.constant 120 : i32
      %dma_wait3A_80 = arith.constant 0 : i32
      %dma_wait3A_81 = tpu.memref_slice %arg4[%add3A, %dma_wait3A_79, %dma_wait3A_80] : memref<32x200x128xi32, #tpu.memory_space<hbm>> -> memref<1x40x128xi32, #tpu.memory_space<hbm>>
      %dma_wait3A_82 = tpu.memref_squeeze %dma_wait3A_81 : memref<1x40x128xi32, #tpu.memory_space<hbm>> -> memref<40x128xi32, #tpu.memory_space<hbm>>
      tpu.wait_dma2 semaphore(%run_scoped3A : memref<!tpu.dma_semaphore, #tpu.memory_space<semaphore_mem>>) src(%dma_wait3A_82 : memref<40x128xi32, #tpu.memory_space<hbm>>) dst(%arg9 : memref<40x128xi32, #tpu.memory_space<vmem>>)
      tpu.yield
    }) : () -> ()
    %scan3A_46 = arith.constant 0 : i32
    %scan3A_47 = arith.constant 128 : i32
    %scan3A_48 = arith.addi %scan3A_46, %scan3A_47 : i32
    %scan3A_49 = arith.constant 1 : i32
    scf.for %scan3A_69 = %scan3A_46 to %scan3A_48 step %scan3A_49  : i32 {
      %mul3A_70 = arith.constant 1 : i32
      %mul3A_71 = arith.muli %scan3A_69, %mul3A_70 : i32
      %add3A_72 = arith.constant 0 : i32
      %add3A_73 = arith.addi %add3A_72, %mul3A_71 : i32
      %swap3A = arith.index_cast %add3A_73 : i32 to index
      %swap3A_74 = arith.constant 0 : index
      %swap3A_75 = tpu.vector_load %arg10[%swap3A, %swap3A_74] {strides = array<i32>} : memref<128x16xf32, #tpu.memory_space<vmem>>, vector<16xf32>,
      tpu.vector_store %arg10[%swap3A, %swap3A_74], %broadcast_in_dim3A_7 {strides = array<i32>} : memref<128x16xf32, #tpu.memory_space<vmem>>, vector<16xf32>,
    }
    %scan3A_50 = arith.constant 128 : i32
    %scan3A_51 = arith.constant 0 : i32
    %scan3A_52 = arith.constant 40 : i32
    %scan3A_53 = arith.addi %scan3A_51, %scan3A_52 : i32
    %scan3A_54 = arith.constant 1 : i32
    scf.for %scan3A_69 = %scan3A_51 to %scan3A_53 step %scan3A_54  : i32 {
      %mul3A_70 = arith.constant 1 : i32
      %mul3A_71 = arith.muli %scan3A_69, %mul3A_70 : i32
      %add3A_72 = arith.constant 0 : i32
      %add3A_73 = arith.addi %add3A_72, %mul3A_71 : i32
      %scan3A_74 = arith.constant 0 : i32
      %scan3A_75 = arith.constant 8 : i32
      %scan3A_76 = arith.addi %scan3A_74, %scan3A_75 : i32
      %scan3A_77 = arith.constant 1 : i32
      scf.for %scan3A_79 = %scan3A_74 to %scan3A_76 step %scan3A_77  : i32 {
        %mul3A_80 = arith.constant 1 : i32
        %mul3A_81 = arith.muli %scan3A_79, %mul3A_80 : i32
        %add3A_82 = arith.constant 0 : i32
        %add3A_83 = arith.addi %add3A_82, %mul3A_81 : i32
        %mul3A_84 = arith.constant 16 : i32
        %mul3A_85 = arith.muli %add3A_83, %mul3A_84 : i32
        %get3A = arith.index_cast %add3A_73 : i32 to index
        %get3A_86 = arith.index_cast %mul3A_85 : i32 to index
        %get3A_87 = tpu.vector_load %arg8[%get3A, %get3A_86] {strides = array<i32>} : memref<40x128xi32, #tpu.memory_space<vmem>>, vector<16xi32>,
        %add3A_88 = arith.constant 30720 : i32
        %add3A_89 = vector.broadcast %add3A_88 : i32 to vector<16xi32>
        %add3A_90 = arith.addi %add3A_89, %get3A_87 : vector<16xi32>
        %gather3A = tpu.vector_load_idx %arg7[%add3A_90] : memref<51200xf32, #tpu.memory_space<vmem>>[vector<16xi32>], vector<16xf32>,
        %mul3A_91 = arith.constant 16 : i32
        %mul3A_92 = arith.muli %add3A_83, %mul3A_91 : i32
        %add3A_93 = vector.broadcast %mul3A_92 : i32 to vector<16xi32>
        %add3A_94 = arith.addi %add3A_93, %iota3A : vector<16xi32>
        tpu.vector_store_idx %arg10[%add3A_94, %broadcast_in_dim3A_45], %gather3A : memref<128x16xf32, #tpu.memory_space<vmem>>[vector<16xi32>, vector<16xi32>], vector<16xf32>,
      }
      %scan3A_78 = arith.constant 8 : i32
      "tpu.region"() ({
        %run_scoped3A = tpu.sem_alloc : memref<!tpu.dma_semaphore, #tpu.memory_space<semaphore_mem>>
        %dma_start3A = arith.constant 0 : i32
        %dma_start3A_79 = tpu.memref_slice %arg9[%add3A_73, %dma_start3A] : memref<40x128xi32, #tpu.memory_space<vmem>> -> memref<1x128xi32, #tpu.memory_space<vmem>>
        %dma_start3A_80 = tpu.memref_squeeze %dma_start3A_79 : memref<1x128xi32, #tpu.memory_space<vmem>> -> memref<128xi32, #tpu.memory_space<vmem>>
        %dma_start3A_81 = arith.constant 0 : i32
        %dma_start3A_82 = arith.constant 0 : i32
        %dma_start3A_83 = tpu.memref_slice %arg11[%dma_start3A_81, %dma_start3A_82] : memref<10240x16xf32, #tpu.memory_space<vmem_shared>> -> memref<10240x16xf32, #tpu.memory_space<vmem_shared>>
        tpu.enqueue_indirect_dma source(%arg10 : memref<128x16xf32, #tpu.memory_space<vmem>>) target(%dma_start3A_83 : memref<10240x16xf32, #tpu.memory_space<vmem_shared>>) offsets(%dma_start3A_80 : memref<128xi32, #tpu.memory_space<vmem>>) semaphore(%run_scoped3A : memref<!tpu.dma_semaphore, #tpu.memory_space<semaphore_mem>>) {add = true}
        %dma_wait3A = arith.constant 0 : i32
        %dma_wait3A_84 = tpu.memref_slice %arg9[%add3A_73, %dma_wait3A] : memref<40x128xi32, #tpu.memory_space<vmem>> -> memref<1x128xi32, #tpu.memory_space<vmem>>
        %dma_wait3A_85 = tpu.memref_squeeze %dma_wait3A_84 : memref<1x128xi32, #tpu.memory_space<vmem>> -> memref<128xi32, #tpu.memory_space<vmem>>
        %dma_wait3A_86 = arith.constant 0 : i32
        %dma_wait3A_87 = arith.constant 0 : i32
        %dma_wait3A_88 = tpu.memref_slice %arg11[%dma_wait3A_86, %dma_wait3A_87] : memref<10240x16xf32, #tpu.memory_space<vmem_shared>> -> memref<10240x16xf32, #tpu.memory_space<vmem_shared>>
        tpu.wait_indirect_dma semaphore(%run_scoped3A : memref<!tpu.dma_semaphore, #tpu.memory_space<semaphore_mem>>) src(%arg10 : memref<128x16xf32, #tpu.memory_space<vmem>>) dst(%dma_wait3A_88 : memref<10240x16xf32, #tpu.memory_space<vmem_shared>>)
        tpu.yield
      }) : () -> ()
    }
    %scan3A_55 = arith.constant 40 : i32
    %broadcast_in_dim3A_56 = arith.constant 4 : i32
    %broadcast_in_dim3A_57 = vector.broadcast %broadcast_in_dim3A_56 : i32 to vector<16xi32>
    "tpu.region"() ({
      %run_scoped3A = tpu.sem_alloc : memref<!tpu.dma_semaphore, #tpu.memory_space<semaphore_mem>>
      %dma_start3A = arith.constant 160 : i32
      %dma_start3A_69 = arith.constant 0 : i32
      %dma_start3A_70 = tpu.memref_slice %arg3[%add3A, %dma_start3A, %dma_start3A_69] : memref<32x200x128xi32, #tpu.memory_space<hbm>> -> memref<1x40x128xi32, #tpu.memory_space<hbm>>
      %dma_start3A_71 = tpu.memref_squeeze %dma_start3A_70 : memref<1x40x128xi32, #tpu.memory_space<hbm>> -> memref<40x128xi32, #tpu.memory_space<hbm>>
      %dma_start3A_72 = arith.constant 160 : i32
      %dma_start3A_73 = arith.constant 0 : i32
      %dma_start3A_74 = tpu.memref_slice %arg3[%add3A, %dma_start3A_72, %dma_start3A_73] : memref<32x200x128xi32, #tpu.memory_space<hbm>> -> memref<1x40x128xi32, #tpu.memory_space<hbm>>
      %dma_start3A_75 = tpu.memref_squeeze %dma_start3A_74 : memref<1x40x128xi32, #tpu.memory_space<hbm>> -> memref<40x128xi32, #tpu.memory_space<hbm>>
      tpu.enqueue_dma source(%dma_start3A_75 : memref<40x128xi32, #tpu.memory_space<hbm>>) target(%arg8 : memref<40x128xi32, #tpu.memory_space<vmem>>) target_semaphore(%run_scoped3A : memref<!tpu.dma_semaphore, #tpu.memory_space<semaphore_mem>>)
      %dma_wait3A = arith.constant 160 : i32
      %dma_wait3A_76 = arith.constant 0 : i32
      %dma_wait3A_77 = tpu.memref_slice %arg3[%add3A, %dma_wait3A, %dma_wait3A_76] : memref<32x200x128xi32, #tpu.memory_space<hbm>> -> memref<1x40x128xi32, #tpu.memory_space<hbm>>
      %dma_wait3A_78 = tpu.memref_squeeze %dma_wait3A_77 : memref<1x40x128xi32, #tpu.memory_space<hbm>> -> memref<40x128xi32, #tpu.memory_space<hbm>>
      %dma_wait3A_79 = arith.constant 160 : i32
      %dma_wait3A_80 = arith.constant 0 : i32
      %dma_wait3A_81 = tpu.memref_slice %arg3[%add3A, %dma_wait3A_79, %dma_wait3A_80] : memref<32x200x128xi32, #tpu.memory_space<hbm>> -> memref<1x40x128xi32, #tpu.memory_space<hbm>>
      %dma_wait3A_82 = tpu.memref_squeeze %dma_wait3A_81 : memref<1x40x128xi32, #tpu.memory_space<hbm>> -> memref<40x128xi32, #tpu.memory_space<hbm>>
      tpu.wait_dma2 semaphore(%run_scoped3A : memref<!tpu.dma_semaphore, #tpu.memory_space<semaphore_mem>>) src(%dma_wait3A_82 : memref<40x128xi32, #tpu.memory_space<hbm>>) dst(%arg8 : memref<40x128xi32, #tpu.memory_space<vmem>>)
      tpu.yield
    }) : () -> ()
    "tpu.region"() ({
      %run_scoped3A = tpu.sem_alloc : memref<!tpu.dma_semaphore, #tpu.memory_space<semaphore_mem>>
      %dma_start3A = arith.constant 160 : i32
      %dma_start3A_69 = arith.constant 0 : i32
      %dma_start3A_70 = tpu.memref_slice %arg4[%add3A, %dma_start3A, %dma_start3A_69] : memref<32x200x128xi32, #tpu.memory_space<hbm>> -> memref<1x40x128xi32, #tpu.memory_space<hbm>>
      %dma_start3A_71 = tpu.memref_squeeze %dma_start3A_70 : memref<1x40x128xi32, #tpu.memory_space<hbm>> -> memref<40x128xi32, #tpu.memory_space<hbm>>
      %dma_start3A_72 = arith.constant 160 : i32
      %dma_start3A_73 = arith.constant 0 : i32
      %dma_start3A_74 = tpu.memref_slice %arg4[%add3A, %dma_start3A_72, %dma_start3A_73] : memref<32x200x128xi32, #tpu.memory_space<hbm>> -> memref<1x40x128xi32, #tpu.memory_space<hbm>>
      %dma_start3A_75 = tpu.memref_squeeze %dma_start3A_74 : memref<1x40x128xi32, #tpu.memory_space<hbm>> -> memref<40x128xi32, #tpu.memory_space<hbm>>
      tpu.enqueue_dma source(%dma_start3A_75 : memref<40x128xi32, #tpu.memory_space<hbm>>) target(%arg9 : memref<40x128xi32, #tpu.memory_space<vmem>>) target_semaphore(%run_scoped3A : memref<!tpu.dma_semaphore, #tpu.memory_space<semaphore_mem>>)
      %dma_wait3A = arith.constant 160 : i32
      %dma_wait3A_76 = arith.constant 0 : i32
      %dma_wait3A_77 = tpu.memref_slice %arg4[%add3A, %dma_wait3A, %dma_wait3A_76] : memref<32x200x128xi32, #tpu.memory_space<hbm>> -> memref<1x40x128xi32, #tpu.memory_space<hbm>>
      %dma_wait3A_78 = tpu.memref_squeeze %dma_wait3A_77 : memref<1x40x128xi32, #tpu.memory_space<hbm>> -> memref<40x128xi32, #tpu.memory_space<hbm>>
      %dma_wait3A_79 = arith.constant 160 : i32
      %dma_wait3A_80 = arith.constant 0 : i32
      %dma_wait3A_81 = tpu.memref_slice %arg4[%add3A, %dma_wait3A_79, %dma_wait3A_80] : memref<32x200x128xi32, #tpu.memory_space<hbm>> -> memref<1x40x128xi32, #tpu.memory_space<hbm>>
      %dma_wait3A_82 = tpu.memref_squeeze %dma_wait3A_81 : memref<1x40x128xi32, #tpu.memory_space<hbm>> -> memref<40x128xi32, #tpu.memory_space<hbm>>
      tpu.wait_dma2 semaphore(%run_scoped3A : memref<!tpu.dma_semaphore, #tpu.memory_space<semaphore_mem>>) src(%dma_wait3A_82 : memref<40x128xi32, #tpu.memory_space<hbm>>) dst(%arg9 : memref<40x128xi32, #tpu.memory_space<vmem>>)
      tpu.yield
    }) : () -> ()
    %scan3A_58 = arith.constant 0 : i32
    %scan3A_59 = arith.constant 128 : i32
    %scan3A_60 = arith.addi %scan3A_58, %scan3A_59 : i32
    %scan3A_61 = arith.constant 1 : i32
    scf.for %scan3A_69 = %scan3A_58 to %scan3A_60 step %scan3A_61  : i32 {
      %mul3A_70 = arith.constant 1 : i32
      %mul3A_71 = arith.muli %scan3A_69, %mul3A_70 : i32
      %add3A_72 = arith.constant 0 : i32
      %add3A_73 = arith.addi %add3A_72, %mul3A_71 : i32
      %swap3A = arith.index_cast %add3A_73 : i32 to index
      %swap3A_74 = arith.constant 0 : index
      %swap3A_75 = tpu.vector_load %arg10[%swap3A, %swap3A_74] {strides = array<i32>} : memref<128x16xf32, #tpu.memory_space<vmem>>, vector<16xf32>,
      tpu.vector_store %arg10[%swap3A, %swap3A_74], %broadcast_in_dim3A_7 {strides = array<i32>} : memref<128x16xf32, #tpu.memory_space<vmem>>, vector<16xf32>,
    }
    %scan3A_62 = arith.constant 128 : i32
    %scan3A_63 = arith.constant 0 : i32
    %scan3A_64 = arith.constant 40 : i32
    %scan3A_65 = arith.addi %scan3A_63, %scan3A_64 : i32
    %scan3A_66 = arith.constant 1 : i32
    scf.for %scan3A_69 = %scan3A_63 to %scan3A_65 step %scan3A_66  : i32 {
      %mul3A_70 = arith.constant 1 : i32
      %mul3A_71 = arith.muli %scan3A_69, %mul3A_70 : i32
      %add3A_72 = arith.constant 0 : i32
      %add3A_73 = arith.addi %add3A_72, %mul3A_71 : i32
      %scan3A_74 = arith.constant 0 : i32
      %scan3A_75 = arith.constant 8 : i32
      %scan3A_76 = arith.addi %scan3A_74, %scan3A_75 : i32
      %scan3A_77 = arith.constant 1 : i32
      scf.for %scan3A_79 = %scan3A_74 to %scan3A_76 step %scan3A_77  : i32 {
        %mul3A_80 = arith.constant 1 : i32
        %mul3A_81 = arith.muli %scan3A_79, %mul3A_80 : i32
        %add3A_82 = arith.constant 0 : i32
        %add3A_83 = arith.addi %add3A_82, %mul3A_81 : i32
        %mul3A_84 = arith.constant 16 : i32
        %mul3A_85 = arith.muli %add3A_83, %mul3A_84 : i32
        %get3A = arith.index_cast %add3A_73 : i32 to index
        %get3A_86 = arith.index_cast %mul3A_85 : i32 to index
        %get3A_87 = tpu.vector_load %arg8[%get3A, %get3A_86] {strides = array<i32>} : memref<40x128xi32, #tpu.memory_space<vmem>>, vector<16xi32>,
        %add3A_88 = arith.constant 40960 : i32
        %add3A_89 = vector.broadcast %add3A_88 : i32 to vector<16xi32>
        %add3A_90 = arith.addi %add3A_89, %get3A_87 : vector<16xi32>
        %gather3A = tpu.vector_load_idx %arg7[%add3A_90] : memref<51200xf32, #tpu.memory_space<vmem>>[vector<16xi32>], vector<16xf32>,
        %mul3A_91 = arith.constant 16 : i32
        %mul3A_92 = arith.muli %add3A_83, %mul3A_91 : i32
        %add3A_93 = vector.broadcast %mul3A_92 : i32 to vector<16xi32>
        %add3A_94 = arith.addi %add3A_93, %iota3A : vector<16xi32>
        tpu.vector_store_idx %arg10[%add3A_94, %broadcast_in_dim3A_57], %gather3A : memref<128x16xf32, #tpu.memory_space<vmem>>[vector<16xi32>, vector<16xi32>], vector<16xf32>,
      }
      %scan3A_78 = arith.constant 8 : i32
      "tpu.region"() ({
        %run_scoped3A = tpu.sem_alloc : memref<!tpu.dma_semaphore, #tpu.memory_space<semaphore_mem>>
        %dma_start3A = arith.constant 0 : i32
        %dma_start3A_79 = tpu.memref_slice %arg9[%add3A_73, %dma_start3A] : memref<40x128xi32, #tpu.memory_space<vmem>> -> memref<1x128xi32, #tpu.memory_space<vmem>>
        %dma_start3A_80 = tpu.memref_squeeze %dma_start3A_79 : memref<1x128xi32, #tpu.memory_space<vmem>> -> memref<128xi32, #tpu.memory_space<vmem>>
        %dma_start3A_81 = arith.constant 0 : i32
        %dma_start3A_82 = arith.constant 0 : i32
        %dma_start3A_83 = tpu.memref_slice %arg11[%dma_start3A_81, %dma_start3A_82] : memref<10240x16xf32, #tpu.memory_space<vmem_shared>> -> memref<10240x16xf32, #tpu.memory_space<vmem_shared>>
        tpu.enqueue_indirect_dma source(%arg10 : memref<128x16xf32, #tpu.memory_space<vmem>>) target(%dma_start3A_83 : memref<10240x16xf32, #tpu.memory_space<vmem_shared>>) offsets(%dma_start3A_80 : memref<128xi32, #tpu.memory_space<vmem>>) semaphore(%run_scoped3A : memref<!tpu.dma_semaphore, #tpu.memory_space<semaphore_mem>>) {add = true}
        %dma_wait3A = arith.constant 0 : i32
        %dma_wait3A_84 = tpu.memref_slice %arg9[%add3A_73, %dma_wait3A] : memref<40x128xi32, #tpu.memory_space<vmem>> -> memref<1x128xi32, #tpu.memory_space<vmem>>
        %dma_wait3A_85 = tpu.memref_squeeze %dma_wait3A_84 : memref<1x128xi32, #tpu.memory_space<vmem>> -> memref<128xi32, #tpu.memory_space<vmem>>
        %dma_wait3A_86 = arith.constant 0 : i32
        %dma_wait3A_87 = arith.constant 0 : i32
        %dma_wait3A_88 = tpu.memref_slice %arg11[%dma_wait3A_86, %dma_wait3A_87] : memref<10240x16xf32, #tpu.memory_space<vmem_shared>> -> memref<10240x16xf32, #tpu.memory_space<vmem_shared>>
        tpu.wait_indirect_dma semaphore(%run_scoped3A : memref<!tpu.dma_semaphore, #tpu.memory_space<semaphore_mem>>) src(%arg10 : memref<128x16xf32, #tpu.memory_space<vmem>>) dst(%dma_wait3A_88 : memref<10240x16xf32, #tpu.memory_space<vmem_shared>>)
        tpu.yield
      }) : () -> ()
    }
    %scan3A_67 = arith.constant 40 : i32
    %barrier3A_68 = arith.constant 0 : index
    tpu.barrier barrier_id(%barrier3A_68)
    "tpu.region"() ({
      %run_scoped3A = tpu.sem_alloc : memref<!tpu.dma_semaphore, #tpu.memory_space<semaphore_mem>>
      %dma_start3A = arith.constant 0 : i32
      %dma_start3A_69 = tpu.memref_slice %arg6[%arg0, %mul3A_2, %dma_start3A] : memref<2x10240x16xf32, #tpu.memory_space<hbm>> -> memref<1x640x16xf32, #tpu.memory_space<hbm>>
      %dma_start3A_70 = tpu.memref_squeeze %dma_start3A_69 : memref<1x640x16xf32, #tpu.memory_space<hbm>> -> memref<640x16xf32, #tpu.memory_space<hbm>>
      %dma_start3A_71 = arith.constant 0 : i32
      %dma_start3A_72 = tpu.memref_slice %arg11[%mul3A_2, %dma_start3A_71] : memref<10240x16xf32, #tpu.memory_space<vmem_shared>> -> memref<640x16xf32, #tpu.memory_space<vmem_shared>>
      tpu.enqueue_dma source(%dma_start3A_72 : memref<640x16xf32, #tpu.memory_space<vmem_shared>>) target(%dma_start3A_70 : memref<640x16xf32, #tpu.memory_space<hbm>>) target_semaphore(%run_scoped3A : memref<!tpu.dma_semaphore, #tpu.memory_space<semaphore_mem>>)
      %dma_wait3A = arith.constant 0 : i32
      %dma_wait3A_73 = tpu.memref_slice %arg6[%arg0, %mul3A_2, %dma_wait3A] : memref<2x10240x16xf32, #tpu.memory_space<hbm>> -> memref<1x640x16xf32, #tpu.memory_space<hbm>>
      %dma_wait3A_74 = tpu.memref_squeeze %dma_wait3A_73 : memref<1x640x16xf32, #tpu.memory_space<hbm>> -> memref<640x16xf32, #tpu.memory_space<hbm>>
      %dma_wait3A_75 = arith.constant 0 : i32
      %dma_wait3A_76 = tpu.memref_slice %arg11[%mul3A_2, %dma_wait3A_75] : memref<10240x16xf32, #tpu.memory_space<vmem_shared>> -> memref<640x16xf32, #tpu.memory_space<vmem_shared>>
      tpu.wait_dma2 semaphore(%run_scoped3A : memref<!tpu.dma_semaphore, #tpu.memory_space<semaphore_mem>>) src(%dma_wait3A_76 : memref<640x16xf32, #tpu.memory_space<vmem_shared>>) dst(%dma_wait3A_74 : memref<640x16xf32, #tpu.memory_space<hbm>>)
      tpu.yield
    }) : () -> ()
    return
  }
}

module attributes {stable_mosaic.version = 14 : i64} {
  func.func @_dense_body(%arg0: i32, %arg1: i32, %arg2: memref<1024x128xf32, #tpu.memory_space<vmem>>, %arg3: memref<1024x128xf32, #tpu.memory_space<vmem>>, %arg4: memref<1024x128xf32, #tpu.memory_space<vmem>>, %arg5: memref<1024x128xf32, #tpu.memory_space<vmem>>, %arg6: memref<1024x1xf32, #tpu.memory_space<vmem>>, %arg7: memref<256x512xf32, #tpu.memory_space<vmem>>, %arg8: memref<1x512xf32, #tpu.memory_space<vmem>>, %arg9: memref<1x512xf32, #tpu.memory_space<vmem>>, %arg10: memref<1024x16xf32, #tpu.memory_space<vmem>>) attributes {dimension_semantics = [#tpu.dimension_semantics<arbitrary>, #tpu.dimension_semantics<arbitrary>], iteration_bounds = array<i64: 5, 10>, scalar_prefetch = 0 : i64, scratch_operands = 0 : i64, tpu.core_type = #tpu.core_type<tc>, window_params = [{transform_indices = @transform_0, window_bounds = array<i64: 1024, 128>}, {transform_indices = @transform_1, window_bounds = array<i64: 1024, 128>}, {transform_indices = @transform_2, window_bounds = array<i64: 1024, 128>}, {transform_indices = @transform_3, window_bounds = array<i64: 1024, 128>}, {transform_indices = @transform_4, window_bounds = array<i64: 1024, 1>}, {pipeline_mode = #tpu.pipeline_mode<synchronous>, transform_indices = @transform_5, window_bounds = array<i64: 256, 512>}, {pipeline_mode = #tpu.pipeline_mode<synchronous>, transform_indices = @transform_6, window_bounds = array<i64: 1, 512>}, {pipeline_mode = #tpu.pipeline_mode<synchronous>, transform_indices = @transform_7, window_bounds = array<i64: 1, 512>}, {transform_indices = @transform_8, window_bounds = array<i64: 1024, 16>}]} {
    %get3A = arith.constant 0 : index
    %get3A_0 = arith.constant 0 : index
    %get3A_1 = vector.load %arg6[%get3A, %get3A_0] : memref<1024x1xf32, #tpu.memory_space<vmem>>, vector<1024x1xf32>
    %get3A_2 = arith.constant 0 : index
    %get3A_3 = arith.constant 0 : index
    %get3A_4 = vector.load %arg2[%get3A_2, %get3A_3] : memref<1024x128xf32, #tpu.memory_space<vmem>>, vector<1024x128xf32>
    %get3A_5 = arith.constant 0 : index
    %get3A_6 = arith.constant 0 : index
    %get3A_7 = vector.load %arg4[%get3A_5, %get3A_6] : memref<1024x128xf32, #tpu.memory_space<vmem>>, vector<1024x128xf32>
    %add3A = arith.addf %get3A_4, %get3A_7 : vector<1024x128xf32>
    %mul3A = vector.broadcast %get3A_1 : vector<1024x1xf32> to vector<1024x128xf32>
    %mul3A_8 = arith.mulf %mul3A, %add3A : vector<1024x128xf32>
    %get3A_9 = arith.constant 0 : index
    %get3A_10 = arith.constant 0 : index
    %get3A_11 = vector.load %arg6[%get3A_9, %get3A_10] : memref<1024x1xf32, #tpu.memory_space<vmem>>, vector<1024x1xf32>
    %get3A_12 = arith.constant 0 : index
    %get3A_13 = arith.constant 0 : index
    %get3A_14 = vector.load %arg3[%get3A_12, %get3A_13] : memref<1024x128xf32, #tpu.memory_space<vmem>>, vector<1024x128xf32>
    %get3A_15 = arith.constant 0 : index
    %get3A_16 = arith.constant 0 : index
    %get3A_17 = vector.load %arg5[%get3A_15, %get3A_16] : memref<1024x128xf32, #tpu.memory_space<vmem>>, vector<1024x128xf32>
    %add3A_18 = arith.addf %get3A_14, %get3A_17 : vector<1024x128xf32>
    %mul3A_19 = vector.broadcast %get3A_11 : vector<1024x1xf32> to vector<1024x128xf32>
    %mul3A_20 = arith.mulf %mul3A_19, %add3A_18 : vector<1024x128xf32>
    %get3A_21 = arith.constant 0 : index
    %get3A_22 = arith.constant 0 : index
    %get3A_23 = vector.load %arg7[%get3A_21, %get3A_22] : memref<256x512xf32, #tpu.memory_space<vmem>>, vector<256x512xf32>
    %slice3A = vector.extract_strided_slice %get3A_23 {offsets = [0, 0], sizes = [128, 512], strides = [1, 1]} : vector<256x512xf32> to vector<128x512xf32>
    %dot_general3A = arith.constant dense<0.000000e+00> : vector<1024x512xf32>
    %dot_general3A_24 = tpu.matmul %mul3A_8, %slice3A, %dot_general3A {dimension_numbers = #tpu.dot_dimension_numbers<[1], [0], [0], [1], [0, 0, 1, 1], [], []>, precision = #tpu.contract_precision<fp32>, transpose_lhs_hint = false} : vector<1024x128xf32>, vector<128x512xf32>, vector<1024x512xf32> -> vector<1024x512xf32>
    %slice3A_25 = vector.extract_strided_slice %get3A_23 {offsets = [128, 0], sizes = [128, 512], strides = [1, 1]} : vector<256x512xf32> to vector<128x512xf32>
    %dot_general3A_26 = arith.constant dense<0.000000e+00> : vector<1024x512xf32>
    %dot_general3A_27 = tpu.matmul %mul3A_20, %slice3A_25, %dot_general3A_26 {dimension_numbers = #tpu.dot_dimension_numbers<[1], [0], [0], [1], [0, 0, 1, 1], [], []>, precision = #tpu.contract_precision<fp32>, transpose_lhs_hint = false} : vector<1024x128xf32>, vector<128x512xf32>, vector<1024x512xf32> -> vector<1024x512xf32>
    %add3A_28 = arith.addf %dot_general3A_24, %dot_general3A_27 : vector<1024x512xf32>
    %get3A_29 = arith.constant 0 : index
    %get3A_30 = arith.constant 0 : index
    %get3A_31 = vector.load %arg8[%get3A_29, %get3A_30] : memref<1x512xf32, #tpu.memory_space<vmem>>, vector<1x512xf32>
    %add3A_32 = vector.broadcast %get3A_31 : vector<1x512xf32> to vector<1024x512xf32>
    %add3A_33 = arith.addf %add3A_28, %add3A_32 : vector<1024x512xf32>
    %max3A = arith.constant 0.000000e+00 : f32
    %max3A_34 = vector.broadcast %max3A : f32 to vector<1024x512xf32>
    %max3A_35 = arith.maximumf %add3A_33, %max3A_34 : vector<1024x512xf32>
    %get3A_36 = arith.constant 0 : index
    %get3A_37 = arith.constant 0 : index
    %get3A_38 = vector.load %arg9[%get3A_36, %get3A_37] : memref<1x512xf32, #tpu.memory_space<vmem>>, vector<1x512xf32>
    %mul3A_39 = vector.broadcast %get3A_38 : vector<1x512xf32> to vector<1024x512xf32>
    %mul3A_40 = arith.mulf %max3A_35, %mul3A_39 : vector<1024x512xf32>
    %reduce_sum3A = arith.constant dense<0.000000e+00> : vector<1024xf32>
    %reduce_sum3A_41 = vector.multi_reduction <add>, %mul3A_40, %reduce_sum3A [1] : vector<1024x512xf32> to vector<1024xf32>
    %broadcast_in_dim3A = vector.shape_cast %reduce_sum3A_41 : vector<1024xf32> to vector<1024x1xf32>
    %get3A_42 = arith.constant 0 : index
    %get3A_43 = arith.constant 0 : index
    %get3A_44 = vector.load %arg6[%get3A_42, %get3A_43] : memref<1024x1xf32, #tpu.memory_space<vmem>>, vector<1024x1xf32>
    %mul3A_45 = arith.mulf %get3A_44, %broadcast_in_dim3A : vector<1024x1xf32>
    %broadcast_in_dim3A_46 = vector.shape_cast %mul3A_45 : vector<1024x1xf32> to vector<1024x1xf32>
    %broadcast_in_dim3A_47 = vector.broadcast %broadcast_in_dim3A_46 : vector<1024x1xf32> to vector<1024x16xf32>
    %swap3A = arith.constant 0 : index
    %swap3A_48 = arith.constant 0 : index
    %swap3A_49 = vector.load %arg10[%swap3A, %swap3A_48] : memref<1024x16xf32, #tpu.memory_space<vmem>>, vector<1024x16xf32>
    tpu.vector_store %arg10[%swap3A, %swap3A_48], %broadcast_in_dim3A_47 {strides = array<i32>} : memref<1024x16xf32, #tpu.memory_space<vmem>>, vector<1024x16xf32>,
    return
  }
  func.func @transform_0(%arg0: i32, %arg1: i32) -> (i32, i32) {
    %mul3A = arith.constant 2 : i32
    %mul3A_0 = arith.muli %arg0, %mul3A : i32
    %mul3A_1 = arith.constant 10 : i32
    %mul3A_2 = arith.muli %mul3A_0, %mul3A_1 : i32
    %add3A = arith.addi %mul3A_2, %arg1 : i32
    %c0_i32 = arith.constant 0 : i32
    %c0_i32_3 = arith.constant 0 : i32
    return %add3A, %c0_i32 : i32, i32
  }
  func.func @transform_1(%arg0: i32, %arg1: i32) -> (i32, i32) {
    %mul3A = arith.constant 2 : i32
    %mul3A_0 = arith.muli %arg0, %mul3A : i32
    %add3A = arith.constant 1 : i32
    %add3A_1 = arith.addi %mul3A_0, %add3A : i32
    %mul3A_2 = arith.constant 10 : i32
    %mul3A_3 = arith.muli %add3A_1, %mul3A_2 : i32
    %add3A_4 = arith.addi %mul3A_3, %arg1 : i32
    %c0_i32 = arith.constant 0 : i32
    %c0_i32_5 = arith.constant 0 : i32
    return %add3A_4, %c0_i32 : i32, i32
  }
  func.func @transform_2(%arg0: i32, %arg1: i32) -> (i32, i32) {
    %mul3A = arith.constant 2 : i32
    %mul3A_0 = arith.muli %arg0, %mul3A : i32
    %mul3A_1 = arith.constant 10 : i32
    %mul3A_2 = arith.muli %mul3A_0, %mul3A_1 : i32
    %add3A = arith.addi %mul3A_2, %arg1 : i32
    %c0_i32 = arith.constant 0 : i32
    %c0_i32_3 = arith.constant 0 : i32
    return %add3A, %c0_i32 : i32, i32
  }
  func.func @transform_3(%arg0: i32, %arg1: i32) -> (i32, i32) {
    %mul3A = arith.constant 2 : i32
    %mul3A_0 = arith.muli %arg0, %mul3A : i32
    %add3A = arith.constant 1 : i32
    %add3A_1 = arith.addi %mul3A_0, %add3A : i32
    %mul3A_2 = arith.constant 10 : i32
    %mul3A_3 = arith.muli %add3A_1, %mul3A_2 : i32
    %add3A_4 = arith.addi %mul3A_3, %arg1 : i32
    %c0_i32 = arith.constant 0 : i32
    %c0_i32_5 = arith.constant 0 : i32
    return %add3A_4, %c0_i32 : i32, i32
  }
  func.func @transform_4(%arg0: i32, %arg1: i32) -> (i32, i32) {
    %mul3A = arith.constant 10 : i32
    %mul3A_0 = arith.muli %arg0, %mul3A : i32
    %add3A = arith.addi %mul3A_0, %arg1 : i32
    %c0_i32 = arith.constant 0 : i32
    %c0_i32_1 = arith.constant 0 : i32
    return %add3A, %c0_i32 : i32, i32
  }
  func.func @transform_5(%arg0: i32, %arg1: i32) -> (i32, i32) {
    %c0_i32 = arith.constant 0 : i32
    %c0_i32_0 = arith.constant 0 : i32
    %c0_i32_1 = arith.constant 0 : i32
    return %c0_i32, %c0_i32_0 : i32, i32
  }
  func.func @transform_6(%arg0: i32, %arg1: i32) -> (i32, i32) {
    %c0_i32 = arith.constant 0 : i32
    %c0_i32_0 = arith.constant 0 : i32
    %c0_i32_1 = arith.constant 0 : i32
    return %c0_i32, %c0_i32_0 : i32, i32
  }
  func.func @transform_7(%arg0: i32, %arg1: i32) -> (i32, i32) {
    %c0_i32 = arith.constant 0 : i32
    %c0_i32_0 = arith.constant 0 : i32
    %c0_i32_1 = arith.constant 0 : i32
    return %c0_i32, %c0_i32_0 : i32, i32
  }
  func.func @transform_8(%arg0: i32, %arg1: i32) -> (i32, i32) {
    %mul3A = arith.constant 10 : i32
    %mul3A_0 = arith.muli %arg0, %mul3A : i32
    %add3A = arith.addi %mul3A_0, %arg1 : i32
    %c0_i32 = arith.constant 0 : i32
    %c0_i32_1 = arith.constant 0 : i32
    return %add3A, %c0_i32 : i32, i32
  }
}

</mosaic_0001>

<sc_bundles>
// kernel: kernel.12.cloned.1.call-start
scs
__scs_entry_jumppad:
0x0: {  	(pc) =	sbr.rel $0x88, $3  }
0x1: {  	(tag) =	ssettag $0x0;
	lr =	simm.s32 $0x1  }
0x2: {  	[smem:$0x3F9B] =	sst lr;
	_ =	strace $0xD0000000  }
0x3: {  	_ = 	snop  }
0x4: {  	_ = 	snop  }
0x5: {  	_ = 	snop  }
0x6: {  	_ = 	snop  }
0x7: {  	_ = 	snop  }
__scs_overlays_trampoline_lowered:
0x8: {  	[smem:$0x3FAA] =	sst s0  }
0x9: {  	[smem:$0x3FAB] =	sst s1  }
0xa: {  	[smem:$0x3FAC] =	sst s2  }
0xb: {  	[smem:$0x3FAD] =	sst s3  }
0xc: {  	[smem:$0x3FAE] =	sst s4  }
0xd: {  	[smem:$0x3FAF] =	sst s5  }
0xe: {  	[smem:$0x3FB0] =	sst s6  }
0xf: {  	[smem:$0x3FB1] =	sst s7  }
0x10: {  	[smem:$0x3FB2] =	sst s8  }
0x11: {  	[smem:$0x3FB3] =	sst s9;
	s0 =	simm.s32 @!p0 $0x0  }
0x12: {  	s1 =	sld [smem:$0x3F99];
	s0 =	simm.s32 @p0 $0x1  }
0x13: {  	[smem:$0x3FB4] =	sst s0;
	s0 =	simm.s32 @!p1 $0x0  }
0x14: {  	s2 =	sld [smem:$0x3F98];
	s0 =	simm.s32 @p1 $0x1  }
0x15: {  	[smem:$0x3FB5] =	sst s0;
	s0 =	simm.s32 @!p2 $0x0  }
0x16: {  	s3 =	sld [smem:$0x3FDB];
	s0 =	simm.s32 @p2 $0x1  }
0x17: {  	s4 =	simm.s32 $0x1BF5;
	[smem:$0x3FB7] =	sst s0  }
0x18: {  	s0 =	sld [smem:$0x3F9A];
	_ =	swait.ge [sflag:s4], $0x0  }
0x19: {  	s7 =	sld [smem:$0x3F9B]  }
0x1a: {  	s8 =	sadd.s32 $0xFFFFE003, lr  }
0x1b: {  	s9 =	sadd.s32 $0xFFFFFEF7, lr;
	s5 =	simm.s32 $0xFFFFFFFF;
	p2 =	slt.u32 s8, $0xFFFFF086  }
0x1c: {  	p1 =	slt.u32 s9, $0xF7A;
	s5 =	simm.s32 @!p2 $0x0  }
0x1d: {  	s5 =	simm.s32 @p1 $0x1;
	p0 =	seq.s32 s7, s2  }
0x1e: {  	s7 =	smul.u32 @!p0 $0xF7A, s2;
	p2 =	seq.s32 @!p0 s5, $0x0  }
0x1f: {  	s9 =	smul.u32 $0xF7A, s1;
	s8 =	simm.s32 @!p0 $0x1BF5;
	p2 =	por !p2, p0  }
0x20: {  	[sflag:s8] =	ssyncset.s32 @!p0 $0xFFFFF086;
	s6 =	sadd.s32 @!p0 s3, s7;
	s7 =	simm.s32 @!p0 $0x108  }
0x21: {  	s3 =	sadd.s32 s3, s9;
	s6 =	sadd.s32 @!p0 $0x88, s6;
	s7 =	simm.s32 @p2 $0x1082  }
0x22: {  	[simem:s7], [sflag:s8] =	dma.local @!p0 [hbm:s6], $0xF7A  }
0x23: {  	s9 =	sor.u32 $0xD0000000, s2;
	s6 =	simm.s32 $0x108;
	_ =	swait.ge @!p0 [sflag:s8], $0x0  }
0x24: {  	s3 =	sadd.s32 $0x88, s3;
	s6 =	simm.s32 @!p1 $0x1082;
	[sflag:s4] =	ssyncset.s32 $0xFFFFF086  }
0x25: {  	[simem:s6], [sflag:s4] =	dma.local [hbm:s3], $0xF7A  }
0x26: {  	[smem:$0x3F9B] =	sst s1;
	(tag) =	ssettag s2;
	_ =	strace s9  }
0x27: {  	s1 =	sld [smem:$0x3FAB]  }
0x28: {  	s2 =	sld [smem:$0x3FAC]  }
0x29: {  	s4 =	sld [smem:$0x3FAE]  }
0x2a: {  	p0 =	seq.s32 s5, $0x0;
	s5 =	sld [smem:$0x3FAF]  }
0x2b: {  	s6 =	sld [smem:$0x3FB0]  }
0x2c: {  	s7 =	sld [smem:$0x3FB1]  }
0x2d: {  	s3 =	simm.s32 $0x108;
	s8 =	sld [smem:$0x3FB2]  }
0x2e: {  	s3 =	simm.s32 @!p0 $0x1082;
	s9 =	sld [smem:$0x3FB3]  }
0x2f: {  	lr =	sadd.s32 s0, s3;
	s0 =	sld [smem:$0x3FAA]  }
0x30: {  	s3 =	sld [smem:$0x3FAD]  }
0x31: {  	[smem:$0x3FB6] =	sst s10  }
0x32: {  	s10 =	sld [smem:$0x3FB4];
	_ =	sdelay $0x3  }
0x33: {  	p0 =	seq.s32 s10, $0x1;
	s10 =	sld [smem:$0x3FB6];
	_ =	sdelay $0x3  }
0x34: {  	[smem:$0x3FB6] =	sst s10  }
0x35: {  	s10 =	sld [smem:$0x3FB5];
	_ =	sdelay $0x3  }
0x36: {  	p1 =	seq.s32 s10, $0x1;
	s10 =	sld [smem:$0x3FB6];
	_ =	sdelay $0x3  }
0x37: {  	[smem:$0x3FB6] =	sst s10  }
0x38: {  	s10 =	sld [smem:$0x3FB7]  }
0x39: {  	_ = 	snop;
	(pc) =	sbr.ind lr, $3  }
0x3a: {  	_ = 	snop  }
0x3b: {  	_ = 	snop  }
0x3c: {  	p2 =	seq.s32 s10, $0x1;
	s10 =	sld [smem:$0x3FB6]  }
0x3d: {  	_ =	shalt  }
0x3e: {  	_ =	shalt  }
0x3f: {  	_ =	shalt  }
0x40: {  	_ =	shalt  }
0x41: {  	_ =	shalt  }
0x42: {  	_ =	shalt  }
0x43: {  	_ =	shalt  }
0x44: {  	_ =	shalt  }
0x45: {  	_ =	shalt  }
0x46: {  	_ =	shalt  }
0x47: {  	_ =	shalt  }
0x48: {  	_ =	shalt  }
0x49: {  	_ =	shalt  }
0x4a: {  	_ =	shalt  }
0x4b: {  	_ =	shalt  }
0x4c: {  	_ =	shalt  }
0x4d: {  	_ =	shalt  }
0x4e: {  	_ =	shalt  }
0x4f: {  	_ =	shalt  }
0x50: {  	_ =	shalt  }
0x51: {  	_ =	shalt  }
0x52: {  	_ =	shalt  }
0x53: {  	_ =	shalt  }
0x54: {  	_ =	shalt  }
0x55: {  	_ =	shalt  }
0x56: {  	_ =	shalt  }
0x57: {  	_ =	shalt  }
0x58: {  	_ =	shalt  }
0x59: {  	_ =	shalt  }
0x5a: {  	_ =	shalt  }
0x5b: {  	_ =	shalt  }
0x5c: {  	_ =	shalt  }
0x5d: {  	_ =	shalt  }
0x5e: {  	_ =	shalt  }
0x5f: {  	_ =	shalt  }
0x60: {  	_ =	shalt  }
0x61: {  	_ =	shalt  }
0x62: {  	_ =	shalt  }
0x63: {  	_ =	shalt  }
0x64: {  	_ =	shalt  }
0x65: {  	_ =	shalt  }
0x66: {  	_ =	shalt  }
0x67: {  	_ =	shalt  }
0x68: {  	_ =	shalt  }
0x69: {  	_ =	shalt  }
0x6a: {  	_ =	shalt  }
0x6b: {  	_ =	shalt  }
0x6c: {  	_ =	shalt  }
0x6d: {  	_ =	shalt  }
0x6e: {  	_ =	shalt  }
0x6f: {  	_ =	shalt  }
0x70: {  	_ =	shalt  }
0x71: {  	_ =	shalt  }
0x72: {  	_ =	shalt  }
0x73: {  	_ =	shalt  }
0x74: {  	_ =	shalt  }
0x75: {  	_ =	shalt  }
0x76: {  	_ =	shalt  }
0x77: {  	_ =	shalt  }
0x78: {  	_ =	shalt  }
0x79: {  	_ =	shalt  }
0x7a: {  	_ =	shalt  }
0x7b: {  	_ =	shalt  }
0x7c: {  	_ =	shalt  }
0x7d: {  	_ =	shalt  }
0x7e: {  	_ =	shalt  }
0x7f: {  	_ =	shalt  }
0x80: {  	_ =	shalt  }
0x81: {  	_ =	shalt  }
0x82: {  	_ =	shalt  }
0x83: {  	_ =	shalt  }
0x84: {  	_ =	shalt  }
0x85: {  	_ =	shalt  }
0x86: {  	_ =	shalt  }
0x87: {  	_ =	shalt  }
.Lfunc_end0:
.L_simem_size_0:
called_computation.3_lowered:
.L_overlay_start_0:
0x88: {  	s2 =	sld [smem:$0x3FD9]  }
0x89: {  	s3 =	sld [smem:$0x3FFE];
	_ =	sdelay $0x1  }
0x8a: {  	s1 =	srdreg.scid  }
0x8b: {  	s0 =	sand.u32 $0x1, s1  }
0x8c: {  	s16 =	sshll.u32 s0, $0xA;
	s2 =	sadd.s32 s3, s2  }
0x8d: {  	s2 =	sadd.s32 s2, s16  }
0x8e: {  	[smem:$0x3FC2] =	sst s2  }
0x8f: {  	_ = 	snop  }
0x90: {  	(tm) =	ssettm $0x1  }
0x91: {  	s17 =	sld [smem:$0x3FFB];
	_ =	sdelay $0x3  }
0x92: {  	_ =	strace s17  }
0x93: {  	s2 =	sld [smem:$0x3FFC];
	_ =	sdelay $0x3  }
0x94: {  	_ =	strace s2  }
0x95: {  	s2 =	sld [smem:$0x3FFD];
	_ =	sdelay $0x3  }
0x96: {  	_ =	strace s2  }
0x97: {  	_ =	strace $0x8FFFFFFF  }
0x98: {  	s18 =	sld [smem:$0x3FDB];
	_ =	sdelay $0x1  }
0x99: {  	s19 =	simm.s32 $_scs_section_size  }
0x9a: {  	s4 =	simm.s32 $_size__tile_overlayer_lowered;
	s5 =	simm.s32 $_tile_overlayer_lowered  }
0x9b: {  	s22 =	simm.s32 $0x1BFF;
	s21 =	sshll.u32 s5, $0x1;
	s2 =	sadd.s32 s19, s18  }
0x9c: {  	s6 =	simm.s32 $0x0;
	s20 =	sshll.u32 s4, $0x1;
	s4 =	sadd.s32 s21, s2  }
0x9d: {  	[timem:s6], [sflag:s22] =	dma.local [hbm:s4], s20  }
0x9e: {  	_ =	swait.ge [sflag:s22], s20  }
0x9f: {  	s3 =	ssub.s32 $0x0, s20;
	[sflag:s22] =	ssyncset.done $0x0  }
0xa0: {  	[sflag:s22] =	ssyncadd.s32 s3;
	_ =	sdelay $0x1  }
0xa1: {  	s23 =	simm.s32 $0x1B8B  }
0xa2: {  	_ =	swait.ge [sflag:s23], $0x1  }
0xa3: {  	[sflag:s23] =	ssyncset.done $0x0  }
0xa4: {  	s25 =	simm.s32 $0x1B8E;
	s24 =	sld [smem:$0x3FFE];
	[sflag:s23] =	ssyncadd.s32 $0xFFFFFFFF  }
0xa5: {  	s26 =	simm.s32 $execute0_lowered;
	[smem:$0x3FD2] =	sst s25  }
0xa6: {  	s4 =	sshll.u32 s26, $0x1;
	_ =	strace $0x8000004F;
	[dreg:$0x1] =	wrdreg $0xFFFFFFFF  }
0xa7: {  	s28 =	simm.s32 $_size_execute0_lowered;
	s2 =	sadd.s32 s2, s4;
	[dreg:$0x0] =	wrdreg $0x0  }
0xa8: {  	s4 =	sshll.u32 s28, $0x1;
	[dreg:$0x2] =	wrdreg s2  }
0xa9: {  	[dreg:$0x3] =	wrdreg s4  }
0xaa: {  	[dreg:$0x4] =	wrdreg $0xC0  }
0xab: {  	_ =	task [dreg:s6], $0x5FFFF  }
0xac: {  	[dreg:$0x1] =	wrdreg $0xFFFFFFFF  }
0xad: {  	[dreg:$0x0] =	wrdreg $0x60  }
0xae: {  	[dreg:$0x2] =	wrdreg s24  }
0xaf: {  	[dreg:$0x3] =	wrdreg $0xF8000  }
0xb0: {  	[dreg:$0x4] =	wrdreg $0x9  }
0xb1: {  	_ =	task.clear_ibuf [dreg:s6], $0x5FFFF;
	_ =	strace $0x9000004F  }
0xb2: {  	s29 =	simm.s32 $0x9;
	_ =	strace $0x80000051  }
0xb3: {  	_ =	swait.ge [sflag:s29], $0x1  }
0xb4: {  	[sflag:s29] =	ssyncadd.s32 $0xFFFFFFFF  }
0xb5: {  	_ =	strace $0x90000051  }
0xb6: {  	_ =	sfence  }
0xb7: {  	s30 =	sld [smem:$0x0];
	_ =	sdelay $0x2  }
0xb8: {  	s31 =	sshll.u32 s1, $0xD;
	s1 =	sshrl.u32 s1, $0x2  }
0xb9: {  	s3 =	sand.u32 $0x4000, s31;
	s1 =	sadd.s32 s1, s30  }
0xba: {  	s0 =	sor.u32 s3, s0;
	s1 =	sshll.u32 s1, $0x11  }
0xbb: {  	s0 =	sor.u32 s1, s0  }
0xbc: {  	s0 =	sadd.s32 $0x8F2B, s0  }
0xbd: {  	[sflag:s0] =	ssyncadd.remote.s32 $0x1  }
0xbe: {  	_ =	sfence.sel $0xFFFF  }
0xbf: {  	[dreg:$0x0] =	wrdreg $0xFFFFFFFF;
	(pc) =	sbr.abs _section_cstart, $3  }
0xc0: {  	[dreg:$0x1] =	wrdreg $0xFFFFFFFF  }
0xc1: {  	_ =	task.clear_ibuf [dreg:s6], $0x2FFFF;
	_ =	strace $0x9FFFFFFF  }
0xc2: {  	(tm) =	ssettm $0x7FFFFFFF  }
0xc3: {  	_ =	shalt  }
tec
execute0_lowered:
.L_overlay_start_1:
0x0: {  	(tag) =	ssettag $0x1  }
0x1: {  	s8 =	rddreg [dreg:$0x0]  }
0x2: {  	s2 =	rddreg [dreg:$0x1]  }
0x3: {  	s0 =	srdreg.scid;
	s4 =	simm.s32 $0x0;
	s7 =	stileid.u32  }
0x4: {  	s28 =	simm.s32 $0xDC00;
	s29 =	simm.s32 $0x80;
	s30 =	simm.s32 $0x0  }
0x5: {  	s0 =	sand.u32 $0x1, s0;
	[smem:$0x7FF] =	sst s4;
	s3 =	smul.u32 $0x2800, s7  }
0x6: {  	s5 =	sadd.s32 $0x205200, s8;
	s6 =	sshll.u32 s7, $0x1;
	s7 =	smul.u32 $0xA000, s7  }
0x7: {  	s16 =	sadd.s32 $0x32000, s8;
	s9 =	sadd.s32 $0x4B600, s8;
	s1 =	smul.u32 $0x28000, s0  }
0x8: {  	_ =	strace $0x80000050;
	s6 =	sor.u32 s0, s6;
	s0 =	ssub.s32 $0x2, s0  }
0x9: {  	[dreg:$0x3] =	wrdreg s9;
	s6 =	smul.u32 $0x6400, s6;
	s23 =	sshrl.u32 s0, $0x1  }
0xa: {  	s7 =	sshrl.u32 s7, $0x2;
	s31 =	sadd.s32 s3, s2;
	s1 =	sadd.s32 s3, s1  }
0xb: {  	s0 =	ssub.s32 s0, s23;
	s23 =	simm.s32 $0x1;
	s1 =	sshrl.u32 s1, $0x3  }
0xc: {  	s13 =	sshrl.u32 s6, $0x3;
	s6 =	sadd.s32 s7, s2;
	s18 =	smax.u32 s0, $0x1  }
0xd: {  	s1 =	sadd.s32 s1, s8;
	s24 =	sadd.s32 s5, s13;
	s8 =	sadd.s32 s16, s13  }
0xe: {  	s25 =	sadd.s32 $0x280, s13;
	s12 =	sadd.s32 $0x500, s13;
	s26 =	sadd.s32 $0x780, s13  }
0xf: {  	s17 =	sadd.s32 $0xA00, s13;
	s19 =	sadd.s32 $0x800, s6;
	s20 =	sadd.s32 $0x1000, s6  }
0x10: {  	s21 =	sadd.s32 $0x1800, s6;
	s22 =	sadd.s32 $0x2000, s6;
	[dreg:$0x4] =	wrdreg s24  }
0x11: {  	s9 =	sadd.s32 s5, s25;
	s10 =	sadd.s32 s16, s25;
	s11 =	sadd.s32 s5, s12  }
0x12: {  	s12 =	sadd.s32 s16, s12;
	s13 =	sadd.s32 s5, s26;
	s14 =	sadd.s32 s16, s26  }
0x13: {  	v1 =	vlaneseq.u32;
	s15 =	sadd.s32 s5, s17;
	s16 =	sadd.s32 s16, s17;
	s17 =	sadd.s32 $0x1A00, s1  }
0x14: {  	v0 =	vimm.f32 $0.0e+00;
	v1 =	vmul.u32 $0x10, v1;
	s24 =	simm.s32 $0xF000;
	s25 =	sshrl.u32 s31, $0x3;
	s26 =	simm.s32 $0xC800  }
.LBB2_1:
0x15: {  	s0 =	rddreg [dreg:$0x0]  }
0x16: {  	[tilespmem:s4], [sflag:$0x1] =	stream.linear.gather [hbm4b:s0+s4], $0xC800, $0x38;
	[tilespmem:$0x12000] =	vst v63  }
0x17: {  	_ =	swait.ge [sflag:s23], $0xC800  }
0x18: {  	[sflag:s23] =	ssyncset.done $0x0  }
0x19: {  	s7 =	rddreg [dreg:$0x3];
	[sflag:s23] =	ssyncadd.s32 $0xFFFF3800  }
0x1a: {  	[tilespmem:s24], [sflag:$0x1] =	stream.linear.gather [hbm4b:s7+s4], $0x800, $0x38;
	[tilespmem:$0x12000] =	vst v63  }
0x1b: {  	_ =	swait.ge [sflag:s23], $0x800  }
0x1c: {  	[sflag:s23] =	ssyncset.done $0x0  }
0x1d: {  	[sflag:s23] =	ssyncadd.s32 $0xFFFFF800  }
0x1e: {  	[spmem:s6] =	stream.linear.scatter [tilespmem:s24], [sflag:$0x1], $0x800, $0x38;
	[tilespmem:$0x12000] =	vst v63  }
0x1f: {  	_ =	swait.ge [sflag:s23], $0x800  }
0x20: {  	[sflag:s23] =	ssyncset.done $0x0  }
0x21: {  	[sflag:s23] =	ssyncadd.s32 $0xFFFFF800  }
0x22: {  	[spmem:s19] =	stream.linear.scatter [tilespmem:s24], [sflag:$0x1], $0x800, $0x38;
	[tilespmem:$0x12000] =	vst v63  }
0x23: {  	_ =	swait.ge [sflag:s23], $0x800  }
0x24: {  	[sflag:s23] =	ssyncset.done $0x0  }
0x25: {  	[sflag:s23] =	ssyncadd.s32 $0xFFFFF800  }
0x26: {  	[spmem:s20] =	stream.linear.scatter [tilespmem:s24], [sflag:$0x1], $0x800, $0x38;
	[tilespmem:$0x12000] =	vst v63  }
0x27: {  	_ =	swait.ge [sflag:s23], $0x800  }
0x28: {  	[sflag:s23] =	ssyncset.done $0x0  }
0x29: {  	[sflag:s23] =	ssyncadd.s32 $0xFFFFF800  }
0x2a: {  	[spmem:s21] =	stream.linear.scatter [tilespmem:s24], [sflag:$0x1], $0x800, $0x38;
	[tilespmem:$0x12000] =	vst v63  }
0x2b: {  	_ =	swait.ge [sflag:s23], $0x800  }
0x2c: {  	[sflag:s23] =	ssyncset.done $0x0  }
0x2d: {  	[sflag:s23] =	ssyncadd.s32 $0xFFFFF800  }
0x2e: {  	[spmem:s22] =	stream.linear.scatter [tilespmem:s24], [sflag:$0x1], $0x800, $0x38;
	[tilespmem:$0x12000] =	vst v63  }
0x2f: {  	_ =	swait.ge [sflag:s23], $0x800  }
0x30: {  	[sflag:s23] =	ssyncset.done $0x0  }
0x31: {  	[sflag:s23] =	ssyncadd.s32 $0xFFFFF800  }
0x32: {  	[bflag:$0x0] =	sbarrier.arrive $0xFFFF  }
0x33: {  	s31 =	rddreg [dreg:$0x4]  }
0x34: {  	[tilespmem:s26], [sflag:$0x1] =	stream.linear.gather [hbm4b:s31+s4], $0x1400, $0x38;
	[tilespmem:$0x12000] =	vst v63  }
0x35: {  	_ =	swait.ge [sflag:s23], $0x1400  }
0x36: {  	[sflag:s23] =	ssyncset.done $0x0  }
0x37: {  	[sflag:s23] =	ssyncadd.s32 $0xFFFFEC00  }
0x38: {  	[tilespmem:s28], [sflag:$0x1] =	stream.linear.gather [hbm4b:s8+s4], $0x1400, $0x38;
	[tilespmem:$0x12000] =	vst v63  }
0x39: {  	_ =	swait.ge [sflag:s23], $0x1400  }
0x3a: {  	[sflag:s23] =	ssyncset.done $0x0  }
0x3b: {  	s0 =	simm.s32 $0x0;
	[sflag:s23] =	ssyncadd.s32 $0xFFFFEC00  }
.LBB2_2:
0x3c: {  	p0 =	sne.s32 s0, $0x1FC0  }
.Ltmp0:
0x3d: {  	_ = 	snop;
	(pc) =	sbr.rel @p0 .LBB2_2-.Ltmp0, $3  }
0x3e: {  	_ =	sdelay $0x1  }
0x3f: {  	s1 =	sshra.s32 s0, $0x2  }
0x40: {  	s0 =	sadd.s32 $0x40, s0;
	[tilespmem:s1+$0xF000] =	vst v0  }
0x41: {  	s0 =	simm.s32 $0x0;
	s31 =	simm.s32 $0xC800  }
.LBB2_4:
0x42: {  	s1 =	sshll.u32 s0, $0x9  }
0x43: {  	v2 =	vld [tilespmem:s31+$0x0];
	s3 =	simm.s32 $0x10;
	s5 =	simm.s32 $0x0;
	s7 =	smov.u32 s31  }
.LBB2_5:
0x44: {  	p0 =	sne.s32 s3, $0x70;
	_ =	sdelay $0x5  }
0x45: {  	v3 =	vmov s5;
	s5 =	smov.u32 s3  }
0x46: {  	v3 =	vshll.u32 v3, $0x4;
	v2 =	vld.idx.msk [tilespmem:v2+s4+$0x0], $0xffff  }
0x47: {  	v3 =	vor.u32 v1, v3;
	_ =	sdelay $0x1  }
.Ltmp1:
0x48: {  	(pc) =	sbr.rel @p0 .LBB2_5-.Ltmp1, $3  }
0x49: {  	_ =	sdelay $0x1  }
0x4a: {  	s7 =	sadd.s32 $0x10, s7;
	[tilespmem:v3+s24+$0x0] =	vst.idx.msk $0xffff, v2  }
0x4b: {  	s3 =	sadd.s32 $0x10, s3;
	v2 =	vld [tilespmem:s7+$0x0]  }
0x4c: {  	_ =	sdelay $0x5  }
0x4d: {  	v3 =	vmov s5  }
0x4e: {  	v3 =	vshll.u32 v3, $0x4  }
0x4f: {  	v3 =	vor.u32 v1, v3;
	v2 =	vld.idx.msk [tilespmem:v2+s4+$0x0], $0xffff;
	_ =	sdelay $0x2  }
0x50: {  	s0 =	sadd.s32 $0x1, s0  }
0x51: {  	s1 =	sshrl.u32 s1, $0x2;
	p0 =	sne.s32 s0, $0x28  }
.Ltmp2:
0x52: {  	s1 =	sadd.s32 $0xDC00, s1;
	[tilespmem:v3+s24+$0x0] =	vst.idx.msk $0xffff, v2;
	(pc) =	sbr.rel @p0 .LBB2_4-.Ltmp2, $4  }
0x53: {  	[spmem:s2] =	stream.indirect.scatter.add.f32 [tilespmem:s24], [sflag:$0x1], $0x10, s1, s29, $0xb8;
	[tilespmem:$0x12000] =	vst v63  }
0x54: {  	_ =	swait.ge [sflag:s23], $0x800  }
0x55: {  	[sflag:s23] =	ssyncset.done $0x0  }
0x56: {  	s31 =	sadd.s32 $0x80, s31;
	[sflag:s23] =	ssyncadd.s32 $0xFFFFF800  }
0x57: {  	s31 =	simm.s32 $0x0  }
0x58: {  	[tilespmem:s26], [sflag:$0x1] =	stream.linear.gather [hbm4b:s9+s31], $0x1400, $0x38;
	[tilespmem:$0x12000] =	vst v63  }
0x59: {  	_ =	swait.ge [sflag:s23], $0x1400  }
0x5a: {  	[sflag:s23] =	ssyncset.done $0x0  }
0x5b: {  	[sflag:s23] =	ssyncadd.s32 $0xFFFFEC00  }
0x5c: {  	[tilespmem:s28], [sflag:$0x1] =	stream.linear.gather [hbm4b:s10+s31], $0x1400, $0x38;
	[tilespmem:$0x12000] =	vst v63  }
0x5d: {  	_ =	swait.ge [sflag:s23], $0x1400  }
0x5e: {  	[sflag:s23] =	ssyncset.done $0x0  }
0x5f: {  	s0 =	simm.s32 $0x0;
	[sflag:s23] =	ssyncadd.s32 $0xFFFFEC00  }
.LBB2_8:
0x60: {  	p0 =	sne.s32 s0, $0x1FC0  }
.Ltmp3:
0x61: {  	_ = 	snop;
	(pc) =	sbr.rel @p0 .LBB2_8-.Ltmp3, $3  }
0x62: {  	_ =	sdelay $0x1  }
0x63: {  	s1 =	sshra.s32 s0, $0x2  }
0x64: {  	s0 =	sadd.s32 $0x40, s0;
	[tilespmem:s1+$0xF000] =	vst v0  }
0x65: {  	s7 =	simm.s32 $0xC800  }
.LBB2_10:
0x66: {  	s1 =	sshll.u32 s31, $0x9  }
0x67: {  	s3 =	simm.s32 $0x0;
	v2 =	vld [tilespmem:s7+$0x0];
	s5 =	simm.s32 $0x10;
	s0 =	smov.u32 s7  }
.LBB2_11:
0x68: {  	p0 =	sne.s32 s5, $0x70;
	_ =	sdelay $0x3  }
0x69: {  	v2 =	vadd.s32 $0x2800, v2;
	_ =	sdelay $0x2  }
0x6a: {  	v3 =	vmov s3;
	s3 =	smov.u32 s5  }
0x6b: {  	v3 =	vshll.u32 v3, $0x4  }
0x6c: {  	v3 =	vor.u32 v1, v3;
	v2 =	vld.idx.msk [tilespmem:v2+s4+$0x0], $0xffff  }
0x6d: {  	v3 =	vor.u32 $0x1, v3;
	_ =	sdelay $0x1  }
.Ltmp4:
0x6e: {  	(pc) =	sbr.rel @p0 .LBB2_11-.Ltmp4, $3  }
0x6f: {  	_ =	sdelay $0x1  }
0x70: {  	s0 =	sadd.s32 $0x10, s0;
	[tilespmem:v3+s24+$0x0] =	vst.idx.msk $0xffff, v2  }
0x71: {  	s5 =	sadd.s32 $0x10, s5;
	v2 =	vld [tilespmem:s0+$0x0]  }
0x72: {  	_ =	sdelay $0x3  }
0x73: {  	v2 =	vadd.s32 $0x2800, v2;
	_ =	sdelay $0x1  }
0x74: {  	v3 =	vmov s3  }
0x75: {  	v3 =	vshll.u32 v3, $0x4  }
0x76: {  	v3 =	vor.u32 v1, v3  }
0x77: {  	v3 =	vor.u32 $0x1, v3;
	v2 =	vld.idx.msk [tilespmem:v2+s4+$0x0], $0xffff;
	_ =	sdelay $0x2  }
0x78: {  	s31 =	sadd.s32 $0x1, s31  }
0x79: {  	s0 =	sshrl.u32 s1, $0x2;
	p0 =	sne.s32 s31, $0x28  }
.Ltmp5:
0x7a: {  	s0 =	sadd.s32 $0xDC00, s0;
	[tilespmem:v3+s24+$0x0] =	vst.idx.msk $0xffff, v2;
	(pc) =	sbr.rel @p0 .LBB2_10-.Ltmp5, $4  }
0x7b: {  	[spmem:s2] =	stream.indirect.scatter.add.f32 [tilespmem:s24], [sflag:$0x1], $0x10, s0, s29, $0xb8;
	[tilespmem:$0x12000] =	vst v63  }
0x7c: {  	_ =	swait.ge [sflag:s23], $0x800  }
0x7d: {  	[sflag:s23] =	ssyncset.done $0x0  }
0x7e: {  	s7 =	sadd.s32 $0x80, s7;
	[sflag:s23] =	ssyncadd.s32 $0xFFFFF800  }
0x7f: {  	s31 =	simm.s32 $0x0  }
0x80: {  	[tilespmem:s26], [sflag:$0x1] =	stream.linear.gather [hbm4b:s11+s31], $0x1400, $0x38;
	[tilespmem:$0x12000] =	vst v63  }
0x81: {  	_ =	swait.ge [sflag:s23], $0x1400  }
0x82: {  	[sflag:s23] =	ssyncset.done $0x0  }
0x83: {  	[sflag:s23] =	ssyncadd.s32 $0xFFFFEC00  }
0x84: {  	[tilespmem:s28], [sflag:$0x1] =	stream.linear.gather [hbm4b:s12+s31], $0x1400, $0x38;
	[tilespmem:$0x12000] =	vst v63  }
0x85: {  	_ =	swait.ge [sflag:s23], $0x1400  }
0x86: {  	[sflag:s23] =	ssyncset.done $0x0  }
0x87: {  	s0 =	simm.s32 $0x0;
	[sflag:s23] =	ssyncadd.s32 $0xFFFFEC00  }
.LBB2_14:
0x88: {  	p0 =	sne.s32 s0, $0x1FC0  }
.Ltmp6:
0x89: {  	_ = 	snop;
	(pc) =	sbr.rel @p0 .LBB2_14-.Ltmp6, $3  }
0x8a: {  	_ =	sdelay $0x1  }
0x8b: {  	s1 =	sshra.s32 s0, $0x2  }
0x8c: {  	s0 =	sadd.s32 $0x40, s0;
	[tilespmem:s1+$0xF000] =	vst v0  }
0x8d: {  	s0 =	simm.s32 $0xC800  }
.LBB2_16:
0x8e: {  	s1 =	sshll.u32 s31, $0x9  }
0x8f: {  	s3 =	simm.s32 $0x0;
	v2 =	vld [tilespmem:s0+$0x0];
	s5 =	simm.s32 $0x10;
	s7 =	smov.u32 s0  }
.LBB2_17:
0x90: {  	p0 =	sne.s32 s5, $0x70;
	_ =	sdelay $0x3  }
0x91: {  	v2 =	vadd.s32 $0x5000, v2;
	_ =	sdelay $0x2  }
0x92: {  	v3 =	vmov s3;
	s3 =	smov.u32 s5  }
0x93: {  	v3 =	vshll.u32 v3, $0x4  }
0x94: {  	v3 =	vor.u32 v1, v3;
	v2 =	vld.idx.msk [tilespmem:v2+s4+$0x0], $0xffff  }
0x95: {  	v3 =	vor.u32 $0x2, v3;
	_ =	sdelay $0x1  }
.Ltmp7:
0x96: {  	(pc) =	sbr.rel @p0 .LBB2_17-.Ltmp7, $3  }
0x97: {  	_ =	sdelay $0x1  }
0x98: {  	s7 =	sadd.s32 $0x10, s7;
	[tilespmem:v3+s24+$0x0] =	vst.idx.msk $0xffff, v2  }
0x99: {  	s5 =	sadd.s32 $0x10, s5;
	v2 =	vld [tilespmem:s7+$0x0]  }
0x9a: {  	_ =	sdelay $0x3  }
0x9b: {  	v2 =	vadd.s32 $0x5000, v2;
	_ =	sdelay $0x1  }
0x9c: {  	v3 =	vmov s3  }
0x9d: {  	v3 =	vshll.u32 v3, $0x4  }
0x9e: {  	v3 =	vor.u32 v1, v3  }
0x9f: {  	v3 =	vor.u32 $0x2, v3;
	v2 =	vld.idx.msk [tilespmem:v2+s4+$0x0], $0xffff;
	_ =	sdelay $0x2  }
0xa0: {  	s31 =	sadd.s32 $0x1, s31  }
0xa1: {  	s1 =	sshrl.u32 s1, $0x2;
	p0 =	sne.s32 s31, $0x28  }
.Ltmp8:
0xa2: {  	s1 =	sadd.s32 $0xDC00, s1;
	[tilespmem:v3+s24+$0x0] =	vst.idx.msk $0xffff, v2;
	(pc) =	sbr.rel @p0 .LBB2_16-.Ltmp8, $4  }
0xa3: {  	[spmem:s2] =	stream.indirect.scatter.add.f32 [tilespmem:s24], [sflag:$0x1], $0x10, s1, s29, $0xb8;
	[tilespmem:$0x12000] =	vst v63  }
0xa4: {  	_ =	swait.ge [sflag:s23], $0x800  }
0xa5: {  	[sflag:s23] =	ssyncset.done $0x0  }
0xa6: {  	s0 =	sadd.s32 $0x80, s0;
	[sflag:s23] =	ssyncadd.s32 $0xFFFFF800  }
0xa7: {  	s31 =	simm.s32 $0x0  }
0xa8: {  	[tilespmem:s26], [sflag:$0x1] =	stream.linear.gather [hbm4b:s13+s31], $0x1400, $0x38;
	[tilespmem:$0x12000] =	vst v63  }
0xa9: {  	_ =	swait.ge [sflag:s23], $0x1400  }
0xaa: {  	[sflag:s23] =	ssyncset.done $0x0  }
0xab: {  	[sflag:s23] =	ssyncadd.s32 $0xFFFFEC00  }
0xac: {  	[tilespmem:s28], [sflag:$0x1] =	stream.linear.gather [hbm4b:s14+s31], $0x1400, $0x38;
	[tilespmem:$0x12000] =	vst v63  }
0xad: {  	_ =	swait.ge [sflag:s23], $0x1400  }
0xae: {  	[sflag:s23] =	ssyncset.done $0x0  }
0xaf: {  	s0 =	simm.s32 $0x0;
	[sflag:s23] =	ssyncadd.s32 $0xFFFFEC00  }
.LBB2_20:
0xb0: {  	p0 =	sne.s32 s0, $0x1FC0  }
.Ltmp9:
0xb1: {  	_ = 	snop;
	(pc) =	sbr.rel @p0 .LBB2_20-.Ltmp9, $3  }
0xb2: {  	_ =	sdelay $0x1  }
0xb3: {  	s1 =	sshra.s32 s0, $0x2  }
0xb4: {  	s0 =	sadd.s32 $0x40, s0;
	[tilespmem:s1+$0xF000] =	vst v0  }
0xb5: {  	s0 =	simm.s32 $0xC800  }
.LBB2_22:
0xb6: {  	s1 =	sshll.u32 s31, $0x9  }
0xb7: {  	s3 =	simm.s32 $0x0;
	v2 =	vld [tilespmem:s0+$0x0];
	s5 =	simm.s32 $0x10;
	s7 =	smov.u32 s0  }
.LBB2_23:
0xb8: {  	p0 =	sne.s32 s5, $0x70;
	_ =	sdelay $0x3  }
0xb9: {  	v2 =	vadd.s32 $0x7800, v2;
	_ =	sdelay $0x2  }
0xba: {  	v3 =	vmov s3;
	s3 =	smov.u32 s5  }
0xbb: {  	v3 =	vshll.u32 v3, $0x4  }
0xbc: {  	v3 =	vor.u32 v1, v3;
	v2 =	vld.idx.msk [tilespmem:v2+s4+$0x0], $0xffff  }
0xbd: {  	v3 =	vor.u32 $0x3, v3;
	_ =	sdelay $0x1  }
.Ltmp10:
0xbe: {  	(pc) =	sbr.rel @p0 .LBB2_23-.Ltmp10, $3  }
0xbf: {  	_ =	sdelay $0x1  }
0xc0: {  	s7 =	sadd.s32 $0x10, s7;
	[tilespmem:v3+s24+$0x0] =	vst.idx.msk $0xffff, v2  }
0xc1: {  	s5 =	sadd.s32 $0x10, s5;
	v2 =	vld [tilespmem:s7+$0x0]  }
0xc2: {  	_ =	sdelay $0x3  }
0xc3: {  	v2 =	vadd.s32 $0x7800, v2;
	_ =	sdelay $0x1  }
0xc4: {  	v3 =	vmov s3  }
0xc5: {  	v3 =	vshll.u32 v3, $0x4  }
0xc6: {  	v3 =	vor.u32 v1, v3  }
0xc7: {  	v3 =	vor.u32 $0x3, v3;
	v2 =	vld.idx.msk [tilespmem:v2+s4+$0x0], $0xffff;
	_ =	sdelay $0x2  }
0xc8: {  	s31 =	sadd.s32 $0x1, s31  }
0xc9: {  	s1 =	sshrl.u32 s1, $0x2;
	p0 =	sne.s32 s31, $0x28  }
.Ltmp11:
0xca: {  	s1 =	sadd.s32 $0xDC00, s1;
	[tilespmem:v3+s24+$0x0] =	vst.idx.msk $0xffff, v2;
	(pc) =	sbr.rel @p0 .LBB2_22-.Ltmp11, $4  }
0xcb: {  	[spmem:s2] =	stream.indirect.scatter.add.f32 [tilespmem:s24], [sflag:$0x1], $0x10, s1, s29, $0xb8;
	[tilespmem:$0x12000] =	vst v63  }
0xcc: {  	_ =	swait.ge [sflag:s23], $0x800  }
0xcd: {  	[sflag:s23] =	ssyncset.done $0x0  }
0xce: {  	s0 =	sadd.s32 $0x80, s0;
	[sflag:s23] =	ssyncadd.s32 $0xFFFFF800  }
0xcf: {  	s31 =	simm.s32 $0x0  }
0xd0: {  	[tilespmem:s26], [sflag:$0x1] =	stream.linear.gather [hbm4b:s15+s31], $0x1400, $0x38;
	[tilespmem:$0x12000] =	vst v63  }
0xd1: {  	_ =	swait.ge [sflag:s23], $0x1400  }
0xd2: {  	[sflag:s23] =	ssyncset.done $0x0  }
0xd3: {  	[sflag:s23] =	ssyncadd.s32 $0xFFFFEC00  }
0xd4: {  	[tilespmem:s28], [sflag:$0x1] =	stream.linear.gather [hbm4b:s16+s31], $0x1400, $0x38;
	[tilespmem:$0x12000] =	vst v63  }
0xd5: {  	_ =	swait.ge [sflag:s23], $0x1400  }
0xd6: {  	[sflag:s23] =	ssyncset.done $0x0  }
0xd7: {  	s0 =	simm.s32 $0x0;
	[sflag:s23] =	ssyncadd.s32 $0xFFFFEC00  }
.LBB2_26:
0xd8: {  	p0 =	sne.s32 s0, $0x1FC0  }
.Ltmp12:
0xd9: {  	_ = 	snop;
	(pc) =	sbr.rel @p0 .LBB2_26-.Ltmp12, $3  }
0xda: {  	_ =	sdelay $0x1  }
0xdb: {  	s1 =	sshra.s32 s0, $0x2  }
0xdc: {  	s0 =	sadd.s32 $0x40, s0;
	[tilespmem:s1+$0xF000] =	vst v0  }
0xdd: {  	s0 =	simm.s32 $0xC800  }
.LBB2_28:
0xde: {  	s1 =	sshll.u32 s31, $0x9  }
0xdf: {  	s3 =	simm.s32 $0x0;
	v2 =	vld [tilespmem:s0+$0x0];
	s5 =	simm.s32 $0x10;
	s7 =	smov.u32 s0  }
.LBB2_29:
0xe0: {  	p0 =	sne.s32 s5, $0x70;
	_ =	sdelay $0x3  }
0xe1: {  	v2 =	vadd.s32 $0xA000, v2;
	_ =	sdelay $0x2  }
0xe2: {  	v3 =	vmov s3;
	s3 =	smov.u32 s5  }
0xe3: {  	v3 =	vshll.u32 v3, $0x4  }
0xe4: {  	v3 =	vor.u32 v1, v3;
	v2 =	vld.idx.msk [tilespmem:v2+s4+$0x0], $0xffff  }
0xe5: {  	v3 =	vor.u32 $0x4, v3;
	_ =	sdelay $0x1  }
.Ltmp13:
0xe6: {  	(pc) =	sbr.rel @p0 .LBB2_29-.Ltmp13, $3  }
0xe7: {  	_ =	sdelay $0x1  }
0xe8: {  	s7 =	sadd.s32 $0x10, s7;
	[tilespmem:v3+s24+$0x0] =	vst.idx.msk $0xffff, v2  }
0xe9: {  	s5 =	sadd.s32 $0x10, s5;
	v2 =	vld [tilespmem:s7+$0x0]  }
0xea: {  	_ =	sdelay $0x3  }
0xeb: {  	v2 =	vadd.s32 $0xA000, v2;
	_ =	sdelay $0x1  }
0xec: {  	v3 =	vmov s3  }
0xed: {  	v3 =	vshll.u32 v3, $0x4  }
0xee: {  	v3 =	vor.u32 v1, v3  }
0xef: {  	v3 =	vor.u32 $0x4, v3;
	v2 =	vld.idx.msk [tilespmem:v2+s4+$0x0], $0xffff;
	_ =	sdelay $0x2  }
0xf0: {  	s31 =	sadd.s32 $0x1, s31  }
0xf1: {  	s1 =	sshrl.u32 s1, $0x2;
	p0 =	sne.s32 s31, $0x28  }
.Ltmp14:
0xf2: {  	s1 =	sadd.s32 $0xDC00, s1;
	[tilespmem:v3+s24+$0x0] =	vst.idx.msk $0xffff, v2;
	(pc) =	sbr.rel @p0 .LBB2_28-.Ltmp14, $4  }
0xf3: {  	[spmem:s2] =	stream.indirect.scatter.add.f32 [tilespmem:s24], [sflag:$0x1], $0x10, s1, s29, $0xb8;
	[tilespmem:$0x12000] =	vst v63  }
0xf4: {  	_ =	swait.ge [sflag:s23], $0x800  }
0xf5: {  	[sflag:s23] =	ssyncset.done $0x0  }
0xf6: {  	s0 =	sadd.s32 $0x80, s0;
	[sflag:s23] =	ssyncadd.s32 $0xFFFFF800  }
0xf7: {  	s0 =	stileid.u32;
	s30 =	sadd.s32 $0x1, s30  }
0xf8: {  	s0 =	sshll.u32 s0, $0x6;
	p0 =	sne.s32 s30, s18  }
.Ltmp15:
0xf9: {  	[bflag:$0x0] =	sbarrier.arrive $0xFFFF;
	s0 =	sor.u32 $0x1C01, s0;
	(pc) =	sbr.rel @p0 .LBB2_1-.Ltmp15, $4  }
0xfa: {  	[hbm:s17], [sflag:s0] =	dma.local [spmem:s25], $0x500  }
0xfb: {  	_ =	swait.ge [sflag:s23], $0x500  }
0xfc: {  	[sflag:s23] =	ssyncset.done $0x0  }
0xfd: {  	[sflag:s23] =	ssyncadd.s32 $0xFFFFFB00  }
0xfe: {  	_ =	sfence.sel $0x180000  }
0xff: {  	[bflag:$0x0] =	sbarrier.arrive $0xFFFF  }
0x100: {  	_ =	strace $0x90000050  }
0x101: {  	s0 =	stileid.u32;
	[bflag:$0x2] =	sbarrier.arrive $0xFFFF  }
0x102: {  	p0 =	sne.s32 s0, $0x0;
	s0 =	rddreg [dreg:$0x2]  }
0x103: {  	s0 =	sadd.s32 @!p0 $0x100000, s0  }
0x104: {  	[sflag:s0] =	ssyncadd.tile.s32 @!p0 $0x1;
	_ =	shalt  }
.Lfunc_end2:
_tile_overlayer_lowered:
.L_overlay_start_2:
0x105: {  	(tag) =	ssettag $0x2  }
0x106: {  	s0 =	rddreg [dreg:$0x0];
	s2 =	stileid.u32  }
0x107: {  	s1 =	rddreg [dreg:$0x1];
	p0 =	sne.s32 s2, $0x0  }
0x108: {  	s3 =	rddreg [dreg:$0x2];
	[bflag:$0x3] =	sbarrier.arrive $0xFFFF;
	s2 =	simm.s32 @!p0 $0x1C01  }
0x109: {  	[timem:s3], [sflag:s2] =	dma.local @!p0 [hbm:s0], s1  }
0x10a: {  	s0 =	simm.s32 @!p0 $0x1  }
0x10b: {  	_ =	swait.ge @!p0 [sflag:s0], s1  }
0x10c: {  	s1 =	ssub.s32 @!p0 $0x0, s1;
	[sflag:s0] =	ssyncset.done @!p0 $0x0  }
0x10d: {  	[sflag:s0] =	ssyncadd.s32 @!p0 s1  }
0x10e: {  	[bflag:$0x3] =	sbarrier.arrive $0xFFFF  }
0x10f: {  	_ =	shalt  }

// kernel: kernel.6.cloned.1.call-start
scs
__scs_entry_jumppad:
0x0: {  	(pc) =	sbr.rel $0x88, $3  }
0x1: {  	(tag) =	ssettag $0x0;
	lr =	simm.s32 $0x1  }
0x2: {  	[smem:$0x3F9B] =	sst lr;
	_ =	strace $0xD0000000  }
0x3: {  	_ = 	snop  }
0x4: {  	_ = 	snop  }
0x5: {  	_ = 	snop  }
0x6: {  	_ = 	snop  }
0x7: {  	_ = 	snop  }
__scs_overlays_trampoline_lowered:
0x8: {  	[smem:$0x3FAA] =	sst s0  }
0x9: {  	[smem:$0x3FAB] =	sst s1  }
0xa: {  	[smem:$0x3FAC] =	sst s2  }
0xb: {  	[smem:$0x3FAD] =	sst s3  }
0xc: {  	[smem:$0x3FAE] =	sst s4  }
0xd: {  	[smem:$0x3FAF] =	sst s5  }
0xe: {  	[smem:$0x3FB0] =	sst s6  }
0xf: {  	[smem:$0x3FB1] =	sst s7  }
0x10: {  	[smem:$0x3FB2] =	sst s8  }
0x11: {  	[smem:$0x3FB3] =	sst s9;
	s0 =	simm.s32 @!p0 $0x0  }
0x12: {  	s1 =	sld [smem:$0x3F99];
	s0 =	simm.s32 @p0 $0x1  }
0x13: {  	[smem:$0x3FB4] =	sst s0;
	s0 =	simm.s32 @!p1 $0x0  }
0x14: {  	s2 =	sld [smem:$0x3F98];
	s0 =	simm.s32 @p1 $0x1  }
0x15: {  	[smem:$0x3FB5] =	sst s0;
	s0 =	simm.s32 @!p2 $0x0  }
0x16: {  	s3 =	sld [smem:$0x3FDB];
	s0 =	simm.s32 @p2 $0x1  }
0x17: {  	s4 =	simm.s32 $0x1BF5;
	[smem:$0x3FB7] =	sst s0  }
0x18: {  	s0 =	sld [smem:$0x3F9A];
	_ =	swait.ge [sflag:s4], $0x0  }
0x19: {  	s7 =	sld [smem:$0x3F9B]  }
0x1a: {  	s8 =	sadd.s32 $0xFFFFE003, lr  }
0x1b: {  	s9 =	sadd.s32 $0xFFFFFEF7, lr;
	s5 =	simm.s32 $0xFFFFFFFF;
	p2 =	slt.u32 s8, $0xFFFFF086  }
0x1c: {  	p1 =	slt.u32 s9, $0xF7A;
	s5 =	simm.s32 @!p2 $0x0  }
0x1d: {  	s5 =	simm.s32 @p1 $0x1;
	p0 =	seq.s32 s7, s2  }
0x1e: {  	s7 =	smul.u32 @!p0 $0xF7A, s2;
	p2 =	seq.s32 @!p0 s5, $0x0  }
0x1f: {  	s9 =	smul.u32 $0xF7A, s1;
	s8 =	simm.s32 @!p0 $0x1BF5;
	p2 =	por !p2, p0  }
0x20: {  	[sflag:s8] =	ssyncset.s32 @!p0 $0xFFFFF086;
	s6 =	sadd.s32 @!p0 s3, s7;
	s7 =	simm.s32 @!p0 $0x108  }
0x21: {  	s3 =	sadd.s32 s3, s9;
	s6 =	sadd.s32 @!p0 $0x88, s6;
	s7 =	simm.s32 @p2 $0x1082  }
0x22: {  	[simem:s7], [sflag:s8] =	dma.local @!p0 [hbm:s6], $0xF7A  }
0x23: {  	s9 =	sor.u32 $0xD0000000, s2;
	s6 =	simm.s32 $0x108;
	_ =	swait.ge @!p0 [sflag:s8], $0x0  }
0x24: {  	s3 =	sadd.s32 $0x88, s3;
	s6 =	simm.s32 @!p1 $0x1082;
	[sflag:s4] =	ssyncset.s32 $0xFFFFF086  }
0x25: {  	[simem:s6], [sflag:s4] =	dma.local [hbm:s3], $0xF7A  }
0x26: {  	[smem:$0x3F9B] =	sst s1;
	(tag) =	ssettag s2;
	_ =	strace s9  }
0x27: {  	s1 =	sld [smem:$0x3FAB]  }
0x28: {  	s2 =	sld [smem:$0x3FAC]  }
0x29: {  	s4 =	sld [smem:$0x3FAE]  }
0x2a: {  	p0 =	seq.s32 s5, $0x0;
	s5 =	sld [smem:$0x3FAF]  }
0x2b: {  	s6 =	sld [smem:$0x3FB0]  }
0x2c: {  	s7 =	sld [smem:$0x3FB1]  }
0x2d: {  	s3 =	simm.s32 $0x108;
	s8 =	sld [smem:$0x3FB2]  }
0x2e: {  	s3 =	simm.s32 @!p0 $0x1082;
	s9 =	sld [smem:$0x3FB3]  }
0x2f: {  	lr =	sadd.s32 s0, s3;
	s0 =	sld [smem:$0x3FAA]  }
0x30: {  	s3 =	sld [smem:$0x3FAD]  }
0x31: {  	[smem:$0x3FB6] =	sst s10  }
0x32: {  	s10 =	sld [smem:$0x3FB4];
	_ =	sdelay $0x3  }
0x33: {  	p0 =	seq.s32 s10, $0x1;
	s10 =	sld [smem:$0x3FB6];
	_ =	sdelay $0x3  }
0x34: {  	[smem:$0x3FB6] =	sst s10  }
0x35: {  	s10 =	sld [smem:$0x3FB5];
	_ =	sdelay $0x3  }
0x36: {  	p1 =	seq.s32 s10, $0x1;
	s10 =	sld [smem:$0x3FB6];
	_ =	sdelay $0x3  }
0x37: {  	[smem:$0x3FB6] =	sst s10  }
0x38: {  	s10 =	sld [smem:$0x3FB7]  }
0x39: {  	_ = 	snop;
	(pc) =	sbr.ind lr, $3  }
0x3a: {  	_ = 	snop  }
0x3b: {  	_ = 	snop  }
0x3c: {  	p2 =	seq.s32 s10, $0x1;
	s10 =	sld [smem:$0x3FB6]  }
0x3d: {  	_ =	shalt  }
0x3e: {  	_ =	shalt  }
0x3f: {  	_ =	shalt  }
0x40: {  	_ =	shalt  }
0x41: {  	_ =	shalt  }
0x42: {  	_ =	shalt  }
0x43: {  	_ =	shalt  }
0x44: {  	_ =	shalt  }
0x45: {  	_ =	shalt  }
0x46: {  	_ =	shalt  }
0x47: {  	_ =	shalt  }
0x48: {  	_ =	shalt  }
0x49: {  	_ =	shalt  }
0x4a: {  	_ =	shalt  }
0x4b: {  	_ =	shalt  }
0x4c: {  	_ =	shalt  }
0x4d: {  	_ =	shalt  }
0x4e: {  	_ =	shalt  }
0x4f: {  	_ =	shalt  }
0x50: {  	_ =	shalt  }
0x51: {  	_ =	shalt  }
0x52: {  	_ =	shalt  }
0x53: {  	_ =	shalt  }
0x54: {  	_ =	shalt  }
0x55: {  	_ =	shalt  }
0x56: {  	_ =	shalt  }
0x57: {  	_ =	shalt  }
0x58: {  	_ =	shalt  }
0x59: {  	_ =	shalt  }
0x5a: {  	_ =	shalt  }
0x5b: {  	_ =	shalt  }
0x5c: {  	_ =	shalt  }
0x5d: {  	_ =	shalt  }
0x5e: {  	_ =	shalt  }
0x5f: {  	_ =	shalt  }
0x60: {  	_ =	shalt  }
0x61: {  	_ =	shalt  }
0x62: {  	_ =	shalt  }
0x63: {  	_ =	shalt  }
0x64: {  	_ =	shalt  }
0x65: {  	_ =	shalt  }
0x66: {  	_ =	shalt  }
0x67: {  	_ =	shalt  }
0x68: {  	_ =	shalt  }
0x69: {  	_ =	shalt  }
0x6a: {  	_ =	shalt  }
0x6b: {  	_ =	shalt  }
0x6c: {  	_ =	shalt  }
0x6d: {  	_ =	shalt  }
0x6e: {  	_ =	shalt  }
0x6f: {  	_ =	shalt  }
0x70: {  	_ =	shalt  }
0x71: {  	_ =	shalt  }
0x72: {  	_ =	shalt  }
0x73: {  	_ =	shalt  }
0x74: {  	_ =	shalt  }
0x75: {  	_ =	shalt  }
0x76: {  	_ =	shalt  }
0x77: {  	_ =	shalt  }
0x78: {  	_ =	shalt  }
0x79: {  	_ =	shalt  }
0x7a: {  	_ =	shalt  }
0x7b: {  	_ =	shalt  }
0x7c: {  	_ =	shalt  }
0x7d: {  	_ =	shalt  }
0x7e: {  	_ =	shalt  }
0x7f: {  	_ =	shalt  }
0x80: {  	_ =	shalt  }
0x81: {  	_ =	shalt  }
0x82: {  	_ =	shalt  }
0x83: {  	_ =	shalt  }
0x84: {  	_ =	shalt  }
0x85: {  	_ =	shalt  }
0x86: {  	_ =	shalt  }
0x87: {  	_ =	shalt  }
.Lfunc_end0:
.L_simem_size_0:
called_computation.1_lowered:
.L_overlay_start_0:
0x88: {  	s2 =	sld [smem:$0x3FD9]  }
0x89: {  	s3 =	sld [smem:$0x3FFE];
	_ =	sdelay $0x1  }
0x8a: {  	s1 =	srdreg.scid  }
0x8b: {  	s0 =	sand.u32 $0x1, s1  }
0x8c: {  	s16 =	sshll.u32 s0, $0xA;
	s2 =	sadd.s32 s3, s2  }
0x8d: {  	s2 =	sadd.s32 s2, s16  }
0x8e: {  	[smem:$0x3FC2] =	sst s2  }
0x8f: {  	_ = 	snop  }
0x90: {  	(tm) =	ssettm $0x1  }
0x91: {  	s17 =	sld [smem:$0x3FFB];
	_ =	sdelay $0x3  }
0x92: {  	_ =	strace s17  }
0x93: {  	s2 =	sld [smem:$0x3FFC];
	_ =	sdelay $0x3  }
0x94: {  	_ =	strace s2  }
0x95: {  	s2 =	sld [smem:$0x3FFD];
	_ =	sdelay $0x3  }
0x96: {  	_ =	strace s2  }
0x97: {  	_ =	strace $0x8FFFFFFF  }
0x98: {  	s18 =	sld [smem:$0x3FDB];
	_ =	sdelay $0x1  }
0x99: {  	s19 =	simm.s32 $_scs_section_size  }
0x9a: {  	s4 =	simm.s32 $_size__tile_overlayer_lowered;
	s5 =	simm.s32 $_tile_overlayer_lowered  }
0x9b: {  	s22 =	simm.s32 $0x1BFF;
	s21 =	sshll.u32 s5, $0x1;
	s2 =	sadd.s32 s19, s18  }
0x9c: {  	s6 =	simm.s32 $0x0;
	s20 =	sshll.u32 s4, $0x1;
	s4 =	sadd.s32 s21, s2  }
0x9d: {  	[timem:s6], [sflag:s22] =	dma.local [hbm:s4], s20  }
0x9e: {  	_ =	swait.ge [sflag:s22], s20  }
0x9f: {  	s3 =	ssub.s32 $0x0, s20;
	[sflag:s22] =	ssyncset.done $0x0  }
0xa0: {  	[sflag:s22] =	ssyncadd.s32 s3;
	_ =	sdelay $0x1  }
0xa1: {  	s23 =	simm.s32 $0x1B8B  }
0xa2: {  	_ =	swait.ge [sflag:s23], $0x1  }
0xa3: {  	[sflag:s23] =	ssyncset.done $0x0  }
0xa4: {  	s25 =	simm.s32 $0x1B8E;
	s24 =	sld [smem:$0x3FFE];
	[sflag:s23] =	ssyncadd.s32 $0xFFFFFFFF  }
0xa5: {  	s26 =	simm.s32 $execute0_lowered;
	[smem:$0x3FD2] =	sst s25  }
0xa6: {  	s4 =	sshll.u32 s26, $0x1;
	_ =	strace $0x80000046;
	[dreg:$0x1] =	wrdreg $0xFFFFFFFF  }
0xa7: {  	s28 =	simm.s32 $_size_execute0_lowered;
	s2 =	sadd.s32 s2, s4;
	[dreg:$0x0] =	wrdreg $0x0  }
0xa8: {  	s4 =	sshll.u32 s28, $0x1;
	[dreg:$0x2] =	wrdreg s2  }
0xa9: {  	[dreg:$0x3] =	wrdreg s4  }
0xaa: {  	[dreg:$0x4] =	wrdreg $0xC0  }
0xab: {  	_ =	task [dreg:s6], $0x5FFFF  }
0xac: {  	[dreg:$0x1] =	wrdreg $0xFFFFFFFF  }
0xad: {  	[dreg:$0x0] =	wrdreg $0x60  }
0xae: {  	[dreg:$0x2] =	wrdreg s24  }
0xaf: {  	[dreg:$0x3] =	wrdreg $0x44000  }
0xb0: {  	[dreg:$0x4] =	wrdreg $0x9  }
0xb1: {  	_ =	task.clear_ibuf [dreg:s6], $0x5FFFF;
	_ =	strace $0x90000046  }
0xb2: {  	s29 =	simm.s32 $0x9;
	_ =	strace $0x80000048  }
0xb3: {  	_ =	swait.ge [sflag:s29], $0x1  }
0xb4: {  	[sflag:s29] =	ssyncadd.s32 $0xFFFFFFFF  }
0xb5: {  	_ =	strace $0x90000048  }
0xb6: {  	_ =	sfence  }
0xb7: {  	s30 =	sld [smem:$0x0];
	_ =	sdelay $0x2  }
0xb8: {  	s31 =	sshll.u32 s1, $0xD;
	s1 =	sshrl.u32 s1, $0x2  }
0xb9: {  	s3 =	sand.u32 $0x4000, s31;
	s1 =	sadd.s32 s1, s30  }
0xba: {  	s0 =	sor.u32 s3, s0;
	s1 =	sshll.u32 s1, $0x11  }
0xbb: {  	s0 =	sor.u32 s1, s0  }
0xbc: {  	s0 =	sadd.s32 $0x8F2B, s0  }
0xbd: {  	[sflag:s0] =	ssyncadd.remote.s32 $0x1  }
0xbe: {  	_ =	sfence.sel $0xFFFF  }
0xbf: {  	[dreg:$0x0] =	wrdreg $0xFFFFFFFF;
	(pc) =	sbr.abs _section_cstart, $3  }
0xc0: {  	[dreg:$0x1] =	wrdreg $0xFFFFFFFF  }
0xc1: {  	_ =	task.clear_ibuf [dreg:s6], $0x2FFFF;
	_ =	strace $0x9FFFFFFF  }
0xc2: {  	(tm) =	ssettm $0x7FFFFFFF  }
0xc3: {  	_ =	shalt  }
tec
execute0_lowered:
.L_overlay_start_1:
0x0: {  	(tag) =	ssettag $0x1  }
0x1: {  	s1 =	srdreg.scid;
	s7 =	rddreg [dreg:$0x0]  }
0x2: {  	s0 =	stileid.u32;
	s2 =	rddreg [dreg:$0x1]  }
0x3: {  	s3 =	simm.s32 $0x0;
	s18 =	simm.s32 $0x1400;
	s19 =	simm.s32 $0x1  }
0x4: {  	s20 =	simm.s32 $0x3C00;
	s21 =	simm.s32 $0x80;
	s22 =	simm.s32 $0x1C00  }
0x5: {  	s23 =	simm.s32 $0x2400;
	s24 =	simm.s32 $0x2C00;
	s26 =	simm.s32 $0x3400  }
0x6: {  	s28 =	simm.s32 $0x0;
	s6 =	sand.u32 $0x1, s1;
	s13 =	smul.u32 $0x2800, s0  }
0x7: {  	s29 =	sshll.u32 s0, $0x1;
	[smem:$0x7FF] =	sst s3;
	s9 =	smul.u32 $0xA000, s0  }
0x8: {  	s1 =	sor.u32 s6, s29;
	s5 =	smul.u32 $0x28000, s6;
	s6 =	ssub.s32 $0x2, s6  }
0x9: {  	s4 =	smul.u32 $0x6400, s1;
	s1 =	rddreg [dreg:$0x2];
	_ =	strace $0x80000047  }
0xa: {  	s30 =	sshrl.u32 s6, $0x1;
	s31 =	sshrl.u32 s9, $0x2;
	s25 =	sadd.s32 s13, s2  }
0xb: {  	s8 =	sadd.s32 s13, s5;
	s5 =	sadd.s32 $0x4B600, s7;
	s14 =	ssub.s32 s6, s30  }
0xc: {  	s6 =	sadd.s32 s31, s2;
	s25 =	sshrl.u32 s25, $0x3;
	s4 =	sshrl.u32 s4, $0x3  }
0xd: {  	s8 =	sshrl.u32 s8, $0x3;
	s13 =	smax.u32 s14, $0x1;
	s14 =	sadd.s32 $0x800, s6  }
0xe: {  	s15 =	sadd.s32 $0x1000, s6;
	s16 =	sadd.s32 $0x1800, s6;
	s17 =	sadd.s32 $0x2000, s6  }
0xf: {  	s11 =	sadd.s32 s4, s7;
	s4 =	sadd.s32 $0x4B000, s7;
	s12 =	sadd.s32 s8, s7  }
0x10: {  	s7 =	sadd.s32 $0x32000, s11;
	s8 =	sadd.s32 $0x32280, s11;
	s9 =	sadd.s32 $0x32500, s11  }
0x11: {  	s10 =	sadd.s32 $0x32780, s11;
	s11 =	sadd.s32 $0x32A00, s11;
	s12 =	sadd.s32 $0x4B800, s12  }
.LBB2_1:
0x12: {  	[tilespmem:s18], [sflag:$0x1] =	stream.linear.gather [hbm4b:s4+s3], $0x2800, $0x38;
	[tilespmem:$0x6C00] =	vst v63  }
0x13: {  	_ =	swait.ge [sflag:s19], $0x2800  }
0x14: {  	[sflag:s19] =	ssyncset.done $0x0  }
0x15: {  	[sflag:s19] =	ssyncadd.s32 $0xFFFFD800  }
0x16: {  	[tilespmem:s20], [sflag:$0x1] =	stream.linear.gather [hbm4b:s5+s3], $0x800, $0x38;
	[tilespmem:$0x6C00] =	vst v63  }
0x17: {  	_ =	swait.ge [sflag:s19], $0x800  }
0x18: {  	[sflag:s19] =	ssyncset.done $0x0  }
0x19: {  	[sflag:s19] =	ssyncadd.s32 $0xFFFFF800  }
0x1a: {  	[spmem:s6] =	stream.linear.scatter [tilespmem:s20], [sflag:$0x1], $0x800, $0x38;
	[tilespmem:$0x6C00] =	vst v63  }
0x1b: {  	_ =	swait.ge [sflag:s19], $0x800  }
0x1c: {  	[sflag:s19] =	ssyncset.done $0x0  }
0x1d: {  	[sflag:s19] =	ssyncadd.s32 $0xFFFFF800  }
0x1e: {  	[spmem:s14] =	stream.linear.scatter [tilespmem:s20], [sflag:$0x1], $0x800, $0x38;
	[tilespmem:$0x6C00] =	vst v63  }
0x1f: {  	_ =	swait.ge [sflag:s19], $0x800  }
0x20: {  	[sflag:s19] =	ssyncset.done $0x0  }
0x21: {  	[sflag:s19] =	ssyncadd.s32 $0xFFFFF800  }
0x22: {  	[spmem:s15] =	stream.linear.scatter [tilespmem:s20], [sflag:$0x1], $0x800, $0x38;
	[tilespmem:$0x6C00] =	vst v63  }
0x23: {  	_ =	swait.ge [sflag:s19], $0x800  }
0x24: {  	[sflag:s19] =	ssyncset.done $0x0  }
0x25: {  	[sflag:s19] =	ssyncadd.s32 $0xFFFFF800  }
0x26: {  	[spmem:s16] =	stream.linear.scatter [tilespmem:s20], [sflag:$0x1], $0x800, $0x38;
	[tilespmem:$0x6C00] =	vst v63  }
0x27: {  	_ =	swait.ge [sflag:s19], $0x800  }
0x28: {  	[sflag:s19] =	ssyncset.done $0x0  }
0x29: {  	[sflag:s19] =	ssyncadd.s32 $0xFFFFF800  }
0x2a: {  	[spmem:s17] =	stream.linear.scatter [tilespmem:s20], [sflag:$0x1], $0x800, $0x38;
	[tilespmem:$0x6C00] =	vst v63  }
0x2b: {  	_ =	swait.ge [sflag:s19], $0x800  }
0x2c: {  	[sflag:s19] =	ssyncset.done $0x0  }
0x2d: {  	[sflag:s19] =	ssyncadd.s32 $0xFFFFF800  }
0x2e: {  	[bflag:$0x0] =	sbarrier.arrive $0xFFFF  }
0x2f: {  	[tilespmem:s3], [sflag:$0x1] =	stream.linear.gather [hbm4b:s7+s3], $0x1400, $0x38;
	[tilespmem:$0x6C00] =	vst v63  }
0x30: {  	_ =	swait.ge [sflag:s19], $0x1400  }
0x31: {  	[sflag:s19] =	ssyncset.done $0x0  }
0x32: {  	s29 =	simm.s32 $0x0;
	[sflag:s19] =	ssyncadd.s32 $0xFFFFEC00  }
0x33: {  	[spmem:s2] =	stream.indirect.scatter.add.f32 [tilespmem:s18], [sflag:$0x1], $0x10, s29, s21, $0xb8;
	[tilespmem:$0x6C00] =	vst v63  }
0x34: {  	_ =	swait.ge [sflag:s19], $0x800  }
0x35: {  	s29 =	simm.s32 $0x200;
	[sflag:s19] =	ssyncset.done $0x0  }
.LBB2_2:
0x36: {  	s30 =	sshra.s32 s29, $0x2;
	[sflag:s19] =	ssyncadd.s32 $0xFFFFF800;
	p0 =	sne.s32 s29, $0x4E00  }
0x37: {  	[spmem:s2] =	stream.indirect.scatter.add.f32 [tilespmem:s18], [sflag:$0x1], $0x10, s30, s21, $0xb8;
	[tilespmem:$0x6C00] =	vst v63  }
.Ltmp0:
0x38: {  	_ = 	snop;
	(pc) =	sbr.rel @p0 .LBB2_2-.Ltmp0, $4  }
0x39: {  	_ = 	snop  }
0x3a: {  	s29 =	sadd.s32 $0x200, s29  }
0x3b: {  	_ =	swait.ge [sflag:s19], $0x800  }
0x3c: {  	[sflag:s19] =	ssyncset.done $0x0  }
0x3d: {  	[sflag:s19] =	ssyncadd.s32 $0xFFFFF800;
	s29 =	simm.s32 $0x0  }
0x3e: {  	[tilespmem:s29], [sflag:$0x1] =	stream.linear.gather [hbm4b:s8+s29], $0x1400, $0x38;
	[tilespmem:$0x6C00] =	vst v63  }
0x3f: {  	_ =	swait.ge [sflag:s19], $0x1400  }
0x40: {  	[sflag:s19] =	ssyncset.done $0x0  }
0x41: {  	s29 =	simm.s32 $0x0;
	[sflag:s19] =	ssyncadd.s32 $0xFFFFEC00  }
0x42: {  	[spmem:s2] =	stream.indirect.scatter.add.f32 [tilespmem:s22], [sflag:$0x1], $0x10, s29, s21, $0xb8;
	[tilespmem:$0x6C00] =	vst v63  }
0x43: {  	_ =	swait.ge [sflag:s19], $0x800  }
0x44: {  	s29 =	simm.s32 $0x200;
	[sflag:s19] =	ssyncset.done $0x0  }
.LBB2_4:
0x45: {  	s30 =	sshra.s32 s29, $0x2;
	[sflag:s19] =	ssyncadd.s32 $0xFFFFF800;
	p0 =	sne.s32 s29, $0x4E00  }
0x46: {  	[spmem:s2] =	stream.indirect.scatter.add.f32 [tilespmem:s22], [sflag:$0x1], $0x10, s30, s21, $0xb8;
	[tilespmem:$0x6C00] =	vst v63  }
.Ltmp1:
0x47: {  	_ = 	snop;
	(pc) =	sbr.rel @p0 .LBB2_4-.Ltmp1, $4  }
0x48: {  	_ = 	snop  }
0x49: {  	s29 =	sadd.s32 $0x200, s29  }
0x4a: {  	_ =	swait.ge [sflag:s19], $0x800  }
0x4b: {  	[sflag:s19] =	ssyncset.done $0x0  }
0x4c: {  	[sflag:s19] =	ssyncadd.s32 $0xFFFFF800;
	s29 =	simm.s32 $0x0  }
0x4d: {  	[tilespmem:s29], [sflag:$0x1] =	stream.linear.gather [hbm4b:s9+s29], $0x1400, $0x38;
	[tilespmem:$0x6C00] =	vst v63  }
0x4e: {  	_ =	swait.ge [sflag:s19], $0x1400  }
0x4f: {  	[sflag:s19] =	ssyncset.done $0x0  }
0x50: {  	s29 =	simm.s32 $0x0;
	[sflag:s19] =	ssyncadd.s32 $0xFFFFEC00  }
0x51: {  	[spmem:s2] =	stream.indirect.scatter.add.f32 [tilespmem:s23], [sflag:$0x1], $0x10, s29, s21, $0xb8;
	[tilespmem:$0x6C00] =	vst v63  }
0x52: {  	_ =	swait.ge [sflag:s19], $0x800  }
0x53: {  	s29 =	simm.s32 $0x200;
	[sflag:s19] =	ssyncset.done $0x0  }
.LBB2_6:
0x54: {  	s30 =	sshra.s32 s29, $0x2;
	[sflag:s19] =	ssyncadd.s32 $0xFFFFF800;
	p0 =	sne.s32 s29, $0x4E00  }
0x55: {  	[spmem:s2] =	stream.indirect.scatter.add.f32 [tilespmem:s23], [sflag:$0x1], $0x10, s30, s21, $0xb8;
	[tilespmem:$0x6C00] =	vst v63  }
.Ltmp2:
0x56: {  	_ = 	snop;
	(pc) =	sbr.rel @p0 .LBB2_6-.Ltmp2, $4  }
0x57: {  	_ = 	snop  }
0x58: {  	s29 =	sadd.s32 $0x200, s29  }
0x59: {  	_ =	swait.ge [sflag:s19], $0x800  }
0x5a: {  	[sflag:s19] =	ssyncset.done $0x0  }
0x5b: {  	[sflag:s19] =	ssyncadd.s32 $0xFFFFF800;
	s29 =	simm.s32 $0x0  }
0x5c: {  	[tilespmem:s29], [sflag:$0x1] =	stream.linear.gather [hbm4b:s10+s29], $0x1400, $0x38;
	[tilespmem:$0x6C00] =	vst v63  }
0x5d: {  	_ =	swait.ge [sflag:s19], $0x1400  }
0x5e: {  	[sflag:s19] =	ssyncset.done $0x0  }
0x5f: {  	s29 =	simm.s32 $0x0;
	[sflag:s19] =	ssyncadd.s32 $0xFFFFEC00  }
0x60: {  	[spmem:s2] =	stream.indirect.scatter.add.f32 [tilespmem:s24], [sflag:$0x1], $0x10, s29, s21, $0xb8;
	[tilespmem:$0x6C00] =	vst v63  }
0x61: {  	_ =	swait.ge [sflag:s19], $0x800  }
0x62: {  	s29 =	simm.s32 $0x200;
	[sflag:s19] =	ssyncset.done $0x0  }
.LBB2_8:
0x63: {  	s30 =	sshra.s32 s29, $0x2;
	[sflag:s19] =	ssyncadd.s32 $0xFFFFF800;
	p0 =	sne.s32 s29, $0x4E00  }
0x64: {  	[spmem:s2] =	stream.indirect.scatter.add.f32 [tilespmem:s24], [sflag:$0x1], $0x10, s30, s21, $0xb8;
	[tilespmem:$0x6C00] =	vst v63  }
.Ltmp3:
0x65: {  	_ = 	snop;
	(pc) =	sbr.rel @p0 .LBB2_8-.Ltmp3, $4  }
0x66: {  	_ = 	snop  }
0x67: {  	s29 =	sadd.s32 $0x200, s29  }
0x68: {  	_ =	swait.ge [sflag:s19], $0x800  }
0x69: {  	[sflag:s19] =	ssyncset.done $0x0  }
0x6a: {  	[sflag:s19] =	ssyncadd.s32 $0xFFFFF800;
	s29 =	simm.s32 $0x0  }
0x6b: {  	[tilespmem:s29], [sflag:$0x1] =	stream.linear.gather [hbm4b:s11+s29], $0x1400, $0x38;
	[tilespmem:$0x6C00] =	vst v63  }
0x6c: {  	_ =	swait.ge [sflag:s19], $0x1400  }
0x6d: {  	[sflag:s19] =	ssyncset.done $0x0  }
0x6e: {  	s29 =	simm.s32 $0x0;
	[sflag:s19] =	ssyncadd.s32 $0xFFFFEC00  }
0x6f: {  	[spmem:s2] =	stream.indirect.scatter.add.f32 [tilespmem:s26], [sflag:$0x1], $0x10, s29, s21, $0xb8;
	[tilespmem:$0x6C00] =	vst v63  }
0x70: {  	_ =	swait.ge [sflag:s19], $0x800  }
0x71: {  	s29 =	simm.s32 $0x200;
	[sflag:s19] =	ssyncset.done $0x0  }
.LBB2_10:
0x72: {  	s30 =	sshra.s32 s29, $0x2;
	[sflag:s19] =	ssyncadd.s32 $0xFFFFF800;
	p0 =	sne.s32 s29, $0x4E00  }
0x73: {  	[spmem:s2] =	stream.indirect.scatter.add.f32 [tilespmem:s26], [sflag:$0x1], $0x10, s30, s21, $0xb8;
	[tilespmem:$0x6C00] =	vst v63  }
.Ltmp4:
0x74: {  	_ = 	snop;
	(pc) =	sbr.rel @p0 .LBB2_10-.Ltmp4, $4  }
0x75: {  	_ = 	snop  }
0x76: {  	s29 =	sadd.s32 $0x200, s29  }
0x77: {  	_ =	swait.ge [sflag:s19], $0x800  }
0x78: {  	[sflag:s19] =	ssyncset.done $0x0  }
0x79: {  	s28 =	sadd.s32 $0x1, s28  }
0x7a: {  	[sflag:s19] =	ssyncadd.s32 $0xFFFFF800;
	s29 =	sshll.u32 s0, $0x6;
	p0 =	sne.s32 s28, s13  }
.Ltmp5:
0x7b: {  	[bflag:$0x0] =	sbarrier.arrive $0xFFFF;
	s29 =	sor.u32 $0x1C01, s29;
	(pc) =	sbr.rel @p0 .LBB2_1-.Ltmp5, $4  }
0x7c: {  	[hbm:s12], [sflag:s29] =	dma.local [spmem:s25], $0x500  }
0x7d: {  	_ =	swait.ge [sflag:s19], $0x500  }
0x7e: {  	[sflag:s19] =	ssyncset.done $0x0  }
0x7f: {  	[sflag:s19] =	ssyncadd.s32 $0xFFFFFB00  }
0x80: {  	_ =	sfence.sel $0x180000  }
0x81: {  	[bflag:$0x0] =	sbarrier.arrive $0xFFFF  }
0x82: {  	p0 =	sne.s32 s0, $0x0;
	_ =	strace $0x90000047  }
0x83: {  	s0 =	sadd.s32 @!p0 $0x100000, s1;
	[bflag:$0x2] =	sbarrier.arrive $0xFFFF  }
0x84: {  	[sflag:s0] =	ssyncadd.tile.s32 @!p0 $0x1;
	_ =	shalt  }
.Lfunc_end2:
_tile_overlayer_lowered:
.L_overlay_start_2:
0x85: {  	(tag) =	ssettag $0x2  }
0x86: {  	s0 =	rddreg [dreg:$0x0];
	s2 =	stileid.u32  }
0x87: {  	s1 =	rddreg [dreg:$0x1];
	p0 =	sne.s32 s2, $0x0  }
0x88: {  	s3 =	rddreg [dreg:$0x2];
	[bflag:$0x3] =	sbarrier.arrive $0xFFFF;
	s2 =	simm.s32 @!p0 $0x1C01  }
0x89: {  	[timem:s3], [sflag:s2] =	dma.local @!p0 [hbm:s0], s1  }
0x8a: {  	s0 =	simm.s32 @!p0 $0x1  }
0x8b: {  	_ =	swait.ge @!p0 [sflag:s0], s1  }
0x8c: {  	s1 =	ssub.s32 @!p0 $0x0, s1;
	[sflag:s0] =	ssyncset.done @!p0 $0x0  }
0x8d: {  	[sflag:s0] =	ssyncadd.s32 @!p0 s1  }
0x8e: {  	[bflag:$0x3] =	sbarrier.arrive $0xFFFF  }
0x8f: {  	_ =	shalt  }

// kernel: kernel.9.cloned.1.call-start
scs
__scs_entry_jumppad:
0x0: {  	(pc) =	sbr.rel $0x88, $3  }
0x1: {  	(tag) =	ssettag $0x0;
	lr =	simm.s32 $0x1  }
0x2: {  	[smem:$0x3F9B] =	sst lr;
	_ =	strace $0xD0000000  }
0x3: {  	_ = 	snop  }
0x4: {  	_ = 	snop  }
0x5: {  	_ = 	snop  }
0x6: {  	_ = 	snop  }
0x7: {  	_ = 	snop  }
__scs_overlays_trampoline_lowered:
0x8: {  	[smem:$0x3FAA] =	sst s0  }
0x9: {  	[smem:$0x3FAB] =	sst s1  }
0xa: {  	[smem:$0x3FAC] =	sst s2  }
0xb: {  	[smem:$0x3FAD] =	sst s3  }
0xc: {  	[smem:$0x3FAE] =	sst s4  }
0xd: {  	[smem:$0x3FAF] =	sst s5  }
0xe: {  	[smem:$0x3FB0] =	sst s6  }
0xf: {  	[smem:$0x3FB1] =	sst s7  }
0x10: {  	[smem:$0x3FB2] =	sst s8  }
0x11: {  	[smem:$0x3FB3] =	sst s9;
	s0 =	simm.s32 @!p0 $0x0  }
0x12: {  	s1 =	sld [smem:$0x3F99];
	s0 =	simm.s32 @p0 $0x1  }
0x13: {  	[smem:$0x3FB4] =	sst s0;
	s0 =	simm.s32 @!p1 $0x0  }
0x14: {  	s2 =	sld [smem:$0x3F98];
	s0 =	simm.s32 @p1 $0x1  }
0x15: {  	[smem:$0x3FB5] =	sst s0;
	s0 =	simm.s32 @!p2 $0x0  }
0x16: {  	s3 =	sld [smem:$0x3FDB];
	s0 =	simm.s32 @p2 $0x1  }
0x17: {  	s4 =	simm.s32 $0x1BF5;
	[smem:$0x3FB7] =	sst s0  }
0x18: {  	s0 =	sld [smem:$0x3F9A];
	_ =	swait.ge [sflag:s4], $0x0  }
0x19: {  	s7 =	sld [smem:$0x3F9B]  }
0x1a: {  	s8 =	sadd.s32 $0xFFFFE003, lr  }
0x1b: {  	s9 =	sadd.s32 $0xFFFFFEF7, lr;
	s5 =	simm.s32 $0xFFFFFFFF;
	p2 =	slt.u32 s8, $0xFFFFF086  }
0x1c: {  	p1 =	slt.u32 s9, $0xF7A;
	s5 =	simm.s32 @!p2 $0x0  }
0x1d: {  	s5 =	simm.s32 @p1 $0x1;
	p0 =	seq.s32 s7, s2  }
0x1e: {  	s7 =	smul.u32 @!p0 $0xF7A, s2;
	p2 =	seq.s32 @!p0 s5, $0x0  }
0x1f: {  	s9 =	smul.u32 $0xF7A, s1;
	s8 =	simm.s32 @!p0 $0x1BF5;
	p2 =	por !p2, p0  }
0x20: {  	[sflag:s8] =	ssyncset.s32 @!p0 $0xFFFFF086;
	s6 =	sadd.s32 @!p0 s3, s7;
	s7 =	simm.s32 @!p0 $0x108  }
0x21: {  	s3 =	sadd.s32 s3, s9;
	s6 =	sadd.s32 @!p0 $0x88, s6;
	s7 =	simm.s32 @p2 $0x1082  }
0x22: {  	[simem:s7], [sflag:s8] =	dma.local @!p0 [hbm:s6], $0xF7A  }
0x23: {  	s9 =	sor.u32 $0xD0000000, s2;
	s6 =	simm.s32 $0x108;
	_ =	swait.ge @!p0 [sflag:s8], $0x0  }
0x24: {  	s3 =	sadd.s32 $0x88, s3;
	s6 =	simm.s32 @!p1 $0x1082;
	[sflag:s4] =	ssyncset.s32 $0xFFFFF086  }
0x25: {  	[simem:s6], [sflag:s4] =	dma.local [hbm:s3], $0xF7A  }
0x26: {  	[smem:$0x3F9B] =	sst s1;
	(tag) =	ssettag s2;
	_ =	strace s9  }
0x27: {  	s1 =	sld [smem:$0x3FAB]  }
0x28: {  	s2 =	sld [smem:$0x3FAC]  }
0x29: {  	s4 =	sld [smem:$0x3FAE]  }
0x2a: {  	p0 =	seq.s32 s5, $0x0;
	s5 =	sld [smem:$0x3FAF]  }
0x2b: {  	s6 =	sld [smem:$0x3FB0]  }
0x2c: {  	s7 =	sld [smem:$0x3FB1]  }
0x2d: {  	s3 =	simm.s32 $0x108;
	s8 =	sld [smem:$0x3FB2]  }
0x2e: {  	s3 =	simm.s32 @!p0 $0x1082;
	s9 =	sld [smem:$0x3FB3]  }
0x2f: {  	lr =	sadd.s32 s0, s3;
	s0 =	sld [smem:$0x3FAA]  }
0x30: {  	s3 =	sld [smem:$0x3FAD]  }
0x31: {  	[smem:$0x3FB6] =	sst s10  }
0x32: {  	s10 =	sld [smem:$0x3FB4];
	_ =	sdelay $0x3  }
0x33: {  	p0 =	seq.s32 s10, $0x1;
	s10 =	sld [smem:$0x3FB6];
	_ =	sdelay $0x3  }
0x34: {  	[smem:$0x3FB6] =	sst s10  }
0x35: {  	s10 =	sld [smem:$0x3FB5];
	_ =	sdelay $0x3  }
0x36: {  	p1 =	seq.s32 s10, $0x1;
	s10 =	sld [smem:$0x3FB6];
	_ =	sdelay $0x3  }
0x37: {  	[smem:$0x3FB6] =	sst s10  }
0x38: {  	s10 =	sld [smem:$0x3FB7]  }
0x39: {  	_ = 	snop;
	(pc) =	sbr.ind lr, $3  }
0x3a: {  	_ = 	snop  }
0x3b: {  	_ = 	snop  }
0x3c: {  	p2 =	seq.s32 s10, $0x1;
	s10 =	sld [smem:$0x3FB6]  }
0x3d: {  	_ =	shalt  }
0x3e: {  	_ =	shalt  }
0x3f: {  	_ =	shalt  }
0x40: {  	_ =	shalt  }
0x41: {  	_ =	shalt  }
0x42: {  	_ =	shalt  }
0x43: {  	_ =	shalt  }
0x44: {  	_ =	shalt  }
0x45: {  	_ =	shalt  }
0x46: {  	_ =	shalt  }
0x47: {  	_ =	shalt  }
0x48: {  	_ =	shalt  }
0x49: {  	_ =	shalt  }
0x4a: {  	_ =	shalt  }
0x4b: {  	_ =	shalt  }
0x4c: {  	_ =	shalt  }
0x4d: {  	_ =	shalt  }
0x4e: {  	_ =	shalt  }
0x4f: {  	_ =	shalt  }
0x50: {  	_ =	shalt  }
0x51: {  	_ =	shalt  }
0x52: {  	_ =	shalt  }
0x53: {  	_ =	shalt  }
0x54: {  	_ =	shalt  }
0x55: {  	_ =	shalt  }
0x56: {  	_ =	shalt  }
0x57: {  	_ =	shalt  }
0x58: {  	_ =	shalt  }
0x59: {  	_ =	shalt  }
0x5a: {  	_ =	shalt  }
0x5b: {  	_ =	shalt  }
0x5c: {  	_ =	shalt  }
0x5d: {  	_ =	shalt  }
0x5e: {  	_ =	shalt  }
0x5f: {  	_ =	shalt  }
0x60: {  	_ =	shalt  }
0x61: {  	_ =	shalt  }
0x62: {  	_ =	shalt  }
0x63: {  	_ =	shalt  }
0x64: {  	_ =	shalt  }
0x65: {  	_ =	shalt  }
0x66: {  	_ =	shalt  }
0x67: {  	_ =	shalt  }
0x68: {  	_ =	shalt  }
0x69: {  	_ =	shalt  }
0x6a: {  	_ =	shalt  }
0x6b: {  	_ =	shalt  }
0x6c: {  	_ =	shalt  }
0x6d: {  	_ =	shalt  }
0x6e: {  	_ =	shalt  }
0x6f: {  	_ =	shalt  }
0x70: {  	_ =	shalt  }
0x71: {  	_ =	shalt  }
0x72: {  	_ =	shalt  }
0x73: {  	_ =	shalt  }
0x74: {  	_ =	shalt  }
0x75: {  	_ =	shalt  }
0x76: {  	_ =	shalt  }
0x77: {  	_ =	shalt  }
0x78: {  	_ =	shalt  }
0x79: {  	_ =	shalt  }
0x7a: {  	_ =	shalt  }
0x7b: {  	_ =	shalt  }
0x7c: {  	_ =	shalt  }
0x7d: {  	_ =	shalt  }
0x7e: {  	_ =	shalt  }
0x7f: {  	_ =	shalt  }
0x80: {  	_ =	shalt  }
0x81: {  	_ =	shalt  }
0x82: {  	_ =	shalt  }
0x83: {  	_ =	shalt  }
0x84: {  	_ =	shalt  }
0x85: {  	_ =	shalt  }
0x86: {  	_ =	shalt  }
0x87: {  	_ =	shalt  }
.Lfunc_end0:
.L_simem_size_0:
called_computation.2_lowered:
.L_overlay_start_0:
0x88: {  	s2 =	sld [smem:$0x3FD9]  }
0x89: {  	s3 =	sld [smem:$0x3FFE];
	_ =	sdelay $0x1  }
0x8a: {  	s1 =	srdreg.scid  }
0x8b: {  	s0 =	sand.u32 $0x1, s1  }
0x8c: {  	s16 =	sshll.u32 s0, $0xA;
	s2 =	sadd.s32 s3, s2  }
0x8d: {  	s2 =	sadd.s32 s2, s16  }
0x8e: {  	[smem:$0x3FC2] =	sst s2  }
0x8f: {  	_ = 	snop  }
0x90: {  	(tm) =	ssettm $0x1  }
0x91: {  	s17 =	sld [smem:$0x3FFB];
	_ =	sdelay $0x3  }
0x92: {  	_ =	strace s17  }
0x93: {  	s2 =	sld [smem:$0x3FFC];
	_ =	sdelay $0x3  }
0x94: {  	_ =	strace s2  }
0x95: {  	s2 =	sld [smem:$0x3FFD];
	_ =	sdelay $0x3  }
0x96: {  	_ =	strace s2  }
0x97: {  	_ =	strace $0x8FFFFFFF  }
0x98: {  	s18 =	sld [smem:$0x3FDB];
	_ =	sdelay $0x1  }
0x99: {  	s19 =	simm.s32 $_scs_section_size  }
0x9a: {  	s4 =	simm.s32 $_size__tile_overlayer_lowered;
	s5 =	simm.s32 $_tile_overlayer_lowered  }
0x9b: {  	s22 =	simm.s32 $0x1BFF;
	s21 =	sshll.u32 s5, $0x1;
	s2 =	sadd.s32 s19, s18  }
0x9c: {  	s6 =	simm.s32 $0x0;
	s20 =	sshll.u32 s4, $0x1;
	s4 =	sadd.s32 s21, s2  }
0x9d: {  	[timem:s6], [sflag:s22] =	dma.local [hbm:s4], s20  }
0x9e: {  	_ =	swait.ge [sflag:s22], s20  }
0x9f: {  	s3 =	ssub.s32 $0x0, s20;
	[sflag:s22] =	ssyncset.done $0x0  }
0xa0: {  	[sflag:s22] =	ssyncadd.s32 s3;
	_ =	sdelay $0x1  }
0xa1: {  	s23 =	simm.s32 $0x1B8B  }
0xa2: {  	_ =	swait.ge [sflag:s23], $0x1  }
0xa3: {  	[sflag:s23] =	ssyncset.done $0x0  }
0xa4: {  	s25 =	simm.s32 $0x1B8E;
	s24 =	sld [smem:$0x3FFE];
	[sflag:s23] =	ssyncadd.s32 $0xFFFFFFFF  }
0xa5: {  	s26 =	simm.s32 $execute0_lowered;
	[smem:$0x3FD2] =	sst s25  }
0xa6: {  	s4 =	sshll.u32 s26, $0x1;
	_ =	strace $0x8000004C;
	[dreg:$0x1] =	wrdreg $0xFFFFFFFF  }
0xa7: {  	s28 =	simm.s32 $_size_execute0_lowered;
	s2 =	sadd.s32 s2, s4;
	[dreg:$0x0] =	wrdreg $0x0  }
0xa8: {  	s4 =	sshll.u32 s28, $0x1;
	[dreg:$0x2] =	wrdreg s2  }
0xa9: {  	[dreg:$0x3] =	wrdreg s4  }
0xaa: {  	[dreg:$0x4] =	wrdreg $0xC0  }
0xab: {  	_ =	task [dreg:s6], $0x5FFFF  }
0xac: {  	[dreg:$0x1] =	wrdreg $0xFFFFFFFF  }
0xad: {  	[dreg:$0x0] =	wrdreg $0x60  }
0xae: {  	[dreg:$0x2] =	wrdreg s24  }
0xaf: {  	[dreg:$0x3] =	wrdreg $0xA8000  }
0xb0: {  	[dreg:$0x4] =	wrdreg $0x9  }
0xb1: {  	_ =	task.clear_ibuf [dreg:s6], $0x5FFFF;
	_ =	strace $0x9000004C  }
0xb2: {  	s29 =	simm.s32 $0x9;
	_ =	strace $0x8000004E  }
0xb3: {  	_ =	swait.ge [sflag:s29], $0x1  }
0xb4: {  	[sflag:s29] =	ssyncadd.s32 $0xFFFFFFFF  }
0xb5: {  	_ =	strace $0x9000004E  }
0xb6: {  	_ =	sfence  }
0xb7: {  	s30 =	sld [smem:$0x0];
	_ =	sdelay $0x2  }
0xb8: {  	s31 =	sshll.u32 s1, $0xD;
	s1 =	sshrl.u32 s1, $0x2  }
0xb9: {  	s3 =	sand.u32 $0x4000, s31;
	s1 =	sadd.s32 s1, s30  }
0xba: {  	s0 =	sor.u32 s3, s0;
	s1 =	sshll.u32 s1, $0x11  }
0xbb: {  	s0 =	sor.u32 s1, s0  }
0xbc: {  	s0 =	sadd.s32 $0x8F2B, s0  }
0xbd: {  	[sflag:s0] =	ssyncadd.remote.s32 $0x1  }
0xbe: {  	_ =	sfence.sel $0xFFFF  }
0xbf: {  	[dreg:$0x0] =	wrdreg $0xFFFFFFFF;
	(pc) =	sbr.abs _section_cstart, $3  }
0xc0: {  	[dreg:$0x1] =	wrdreg $0xFFFFFFFF  }
0xc1: {  	_ =	task.clear_ibuf [dreg:s6], $0x2FFFF;
	_ =	strace $0x9FFFFFFF  }
0xc2: {  	(tm) =	ssettm $0x7FFFFFFF  }
0xc3: {  	_ =	shalt  }
tec
execute0_lowered:
.L_overlay_start_1:
0x0: {  	(tag) =	ssettag $0x1  }
0x1: {  	s0 =	srdreg.scid;
	s8 =	stileid.u32  }
0x2: {  	s2 =	rddreg [dreg:$0x0];
	s0 =	sand.u32 $0x1, s0;
	s5 =	smul.u32 $0x2800, s8  }
0x3: {  	s3 =	rddreg [dreg:$0x1];
	s4 =	simm.s32 $0x0;
	s1 =	smul.u32 $0x28000, s0  }
0x4: {  	s6 =	smul.u32 $0x280, s8;
	[smem:$0x7FF] =	sst s4  }
0x5: {  	s8 =	smul.u32 $0x50000, s8;
	s1 =	sadd.s32 s5, s1;
	s5 =	sshrl.u32 s5, $0x3  }
0x6: {  	s7 =	smul.u32 $0x2800, s0;
	s0 =	ssub.s32 $0x2, s0;
	s5 =	sadd.s32 s5, s2  }
0x7: {  	_ =	strace $0x8000004D;
	s24 =	sshrl.u32 s0, $0x1;
	s25 =	sadd.s32 $0x19000, s5  }
0x8: {  	s21 =	sshrl.u32 s8, $0x2;
	s10 =	sadd.s32 $0x19280, s5;
	[dreg:$0x4] =	wrdreg s25  }
0x9: {  	s6 =	sadd.s32 s6, s7;
	s12 =	sadd.s32 $0x1E000, s5;
	[dreg:$0x6] =	wrdreg s10  }
0xa: {  	s0 =	ssub.s32 s0, s24;
	s15 =	sadd.s32 $0x1E280, s5;
	[dreg:$0x8] =	wrdreg s12  }
0xb: {  	s28 =	sadd.s32 s21, s3;
	s16 =	sadd.s32 $0x23000, s5;
	[dreg:$0xb] =	wrdreg s15  }
0xc: {  	s1 =	sshrl.u32 s1, $0x3;
	s18 =	sadd.s32 $0x23280, s5;
	[dreg:$0xc] =	wrdreg s16  }
0xd: {  	s6 =	sshll.u32 s6, $0x4;
	s20 =	sadd.s32 $0x28000, s5;
	[dreg:$0xe] =	wrdreg s18  }
0xe: {  	s1 =	sadd.s32 s1, s2;
	s24 =	sadd.s32 $0x28280, s5;
	[dreg:$0x10] =	wrdreg s20  }
0xf: {  	s7 =	sadd.s32 $0xC000, s28;
	s9 =	sadd.s32 $0x382600, s1;
	[dreg:$0x14] =	wrdreg s24  }
0x10: {  	s8 =	sadd.s32 $0x10000, s28;
	s26 =	sadd.s32 $0x382880, s1;
	[dreg:$0x3] =	wrdreg s9  }
0x11: {  	s6 =	sadd.s32 s6, s2;
	s11 =	sadd.s32 $0x38C600, s1;
	[dreg:$0x5] =	wrdreg s26  }
0x12: {  	s13 =	sadd.s32 $0x38C880, s1;
	s14 =	sadd.s32 $0x396600, s1;
	[dreg:$0x7] =	wrdreg s11  }
0x13: {  	s17 =	sadd.s32 $0x396880, s1;
	s19 =	sadd.s32 $0x3A0600, s1;
	[dreg:$0x9] =	wrdreg s13  }
0x14: {  	s22 =	sadd.s32 $0x3A0880, s1;
	s23 =	sadd.s32 $0x3AA600, s1;
	[dreg:$0xa] =	wrdreg s14  }
0x15: {  	s1 =	sadd.s32 $0x3AA880, s1;
	s25 =	sadd.s32 $0x2D000, s5;
	[dreg:$0xd] =	wrdreg s17  }
0x16: {  	s29 =	sadd.s32 $0x115200, s6;
	s30 =	sadd.s32 $0x165200, s6;
	[dreg:$0xf] =	wrdreg s19  }
0x17: {  	s31 =	sadd.s32 $0x1B5200, s6;
	s10 =	simm.s32 $0x5;
	[dreg:$0x11] =	wrdreg s22  }
0x18: {  	s12 =	simm.s32 $0x80;
	s15 =	simm.s32 $0x3;
	[dreg:$0x12] =	wrdreg s23  }
0x19: {  	s16 =	simm.s32 $0x2;
	s18 =	simm.s32 $0x2780;
	[dreg:$0x13] =	wrdreg s1  }
0x1a: {  	[dreg:$0x15] =	wrdreg s25;
	s26 =	sadd.s32 $0x2D280, s5;
	s25 =	sadd.s32 $0x75200, s6  }
0x1b: {  	s1 =	smax.u32 s0, $0x1;
	s0 =	sadd.s32 $0x3B4600, s2;
	s5 =	sadd.s32 $0x4000, s28  }
0x1c: {  	s9 =	simm.s32 $0x2800;
	s11 =	simm.s32 $0x1400;
	s13 =	simm.s32 $0x1  }
0x1d: {  	s14 =	simm.s32 $0x6800;
	s17 =	simm.s32 $0x4;
	s19 =	simm.s32 $0x0  }
0x1e: {  	[dreg:$0x16] =	wrdreg s26;
	s26 =	sadd.s32 $0xC5200, s6;
	s6 =	sadd.s32 $0x8000, s28  }
.LBB2_1:
0x1f: {  	[tilespmem:s9], [sflag:$0x5] =	stream.linear.gather [hbm4b:s2+s4], $0x4000, $0x38;
	[tilespmem:$0x1E800] =	vst v63  }
0x20: {  	_ =	swait.ge [sflag:s10], $0x4000  }
0x21: {  	[sflag:s10] =	ssyncset.done $0x0  }
0x22: {  	[sflag:s10] =	ssyncadd.s32 $0xFFFFC000  }
0x23: {  	[spmem:s28] =	stream.linear.scatter [tilespmem:s9], [sflag:$0x5], $0x4000, $0x38;
	[tilespmem:$0x1E800] =	vst v63  }
0x24: {  	_ =	swait.ge [sflag:s10], $0x4000  }
0x25: {  	[sflag:s10] =	ssyncset.done $0x0  }
0x26: {  	[sflag:s10] =	ssyncadd.s32 $0xFFFFC000  }
0x27: {  	[spmem:s5] =	stream.linear.scatter [tilespmem:s9], [sflag:$0x5], $0x4000, $0x38;
	[tilespmem:$0x1E800] =	vst v63  }
0x28: {  	_ =	swait.ge [sflag:s10], $0x4000  }
0x29: {  	[sflag:s10] =	ssyncset.done $0x0  }
0x2a: {  	[sflag:s10] =	ssyncadd.s32 $0xFFFFC000  }
0x2b: {  	[spmem:s6] =	stream.linear.scatter [tilespmem:s9], [sflag:$0x5], $0x4000, $0x38;
	[tilespmem:$0x1E800] =	vst v63  }
0x2c: {  	_ =	swait.ge [sflag:s10], $0x4000  }
0x2d: {  	[sflag:s10] =	ssyncset.done $0x0  }
0x2e: {  	[sflag:s10] =	ssyncadd.s32 $0xFFFFC000  }
0x2f: {  	[spmem:s7] =	stream.linear.scatter [tilespmem:s9], [sflag:$0x5], $0x4000, $0x38;
	[tilespmem:$0x1E800] =	vst v63  }
0x30: {  	_ =	swait.ge [sflag:s10], $0x4000  }
0x31: {  	[sflag:s10] =	ssyncset.done $0x0  }
0x32: {  	[sflag:s10] =	ssyncadd.s32 $0xFFFFC000  }
0x33: {  	[spmem:s8] =	stream.linear.scatter [tilespmem:s9], [sflag:$0x5], $0x4000, $0x38;
	[tilespmem:$0x1E800] =	vst v63  }
0x34: {  	_ =	swait.ge [sflag:s10], $0x4000  }
0x35: {  	[sflag:s10] =	ssyncset.done $0x0  }
0x36: {  	[sflag:s10] =	ssyncadd.s32 $0xFFFFC000  }
0x37: {  	[bflag:$0x0] =	sbarrier.arrive $0xFFFF  }
0x38: {  	s20 =	rddreg [dreg:$0x3]  }
0x39: {  	[tilespmem:s4], [sflag:$0x5] =	stream.linear.gather [hbm4b:s20+s4], $0x1400, $0x38;
	[tilespmem:$0x1E800] =	vst v63  }
0x3a: {  	_ =	swait.ge [sflag:s10], $0x1400  }
0x3b: {  	[sflag:s10] =	ssyncset.done $0x0  }
0x3c: {  	s21 =	rddreg [dreg:$0x4];
	[sflag:s10] =	ssyncadd.s32 $0xFFFFEC00  }
0x3d: {  	[tilespmem:s11], [sflag:$0x5] =	stream.linear.gather [hbm4b:s21+s4], $0x1400, $0x38;
	[tilespmem:$0x1E800] =	vst v63  }
0x3e: {  	_ =	swait.ge [sflag:s10], $0x1400  }
0x3f: {  	[sflag:s10] =	ssyncset.done $0x0  }
0x40: {  	[sflag:s10] =	ssyncadd.s32 $0xFFFFEC00  }
0x41: {  	[tilespmem:s9], [sflag:$0x1] =	stream.indirect.gather [hbm4b:s0+s12], $0x80, s4, s12, $0xb8;
	[tilespmem:$0x1E800] =	vst v63  }
0x42: {  	_ =	swait.ge [sflag:s13], $0x4000  }
0x43: {  	[sflag:s13] =	ssyncset.done $0x0  }
0x44: {  	[sflag:s13] =	ssyncadd.s32 $0xFFFFC000  }
0x45: {  	[tilespmem:s14], [sflag:$0x2] =	stream.indirect.gather [hbm4b:s0+s12], $0x80, s12, s12, $0xb8;
	[tilespmem:$0x1E800] =	vst v63  }
0x46: {  	_ = 	snop  }
0x47: {  	[spmem:s3] =	stream.indirect.scatter.add.f32 [tilespmem:s9], [sflag:$0x3], $0x80, s11, s12, $0xb8;
	[tilespmem:$0x1E800] =	vst v63  }
0x48: {  	_ =	swait.ge [sflag:s15], $0x4000  }
0x49: {  	[sflag:s15] =	ssyncset.done $0x0  }
0x4a: {  	[sflag:s15] =	ssyncadd.s32 $0xFFFFC000  }
0x4b: {  	_ =	swait.ge [sflag:s16], $0x4000  }
0x4c: {  	[sflag:s16] =	ssyncset.done $0x0  }
0x4d: {  	s22 =	simm.s32 $0x100;
	[sflag:s16] =	ssyncadd.s32 $0xFFFFC000  }
0x4e: {  	[tilespmem:s9], [sflag:$0x1] =	stream.indirect.gather [hbm4b:s0+s12], $0x80, s22, s12, $0xb8;
	[tilespmem:$0x1E800] =	vst v63  }
0x4f: {  	s23 =	simm.s32 $0x1480  }
0x50: {  	[spmem:s3] =	stream.indirect.scatter.add.f32 [tilespmem:s14], [sflag:$0x4], $0x80, s23, s12, $0xb8;
	[tilespmem:$0x1E800] =	vst v63  }
0x51: {  	_ =	swait.ge [sflag:s17], $0x4000  }
0x52: {  	[sflag:s17] =	ssyncset.done $0x0  }
0x53: {  	[sflag:s17] =	ssyncadd.s32 $0xFFFFC000  }
0x54: {  	_ =	swait.ge [sflag:s13], $0x4000  }
0x55: {  	s24 =	simm.s32 $0x180;
	[sflag:s13] =	ssyncset.done $0x0  }
0x56: {  	s20 =	simm.s32 $0xFFFFB800;
	s21 =	simm.s32 $0x1500;
	[sflag:s13] =	ssyncadd.s32 $0xFFFFC000  }
0x57: {  	[tilespmem:s14], [sflag:$0x2] =	stream.indirect.gather [hbm4b:s0+s12], $0x80, s24, s12, $0xb8;
	[tilespmem:$0x1E800] =	vst v63  }
.LBB2_2:
0x58: {  	[spmem:s3] =	stream.indirect.scatter.add.f32 [tilespmem:s9], [sflag:$0x3], $0x80, s21, s12, $0xb8;
	[tilespmem:$0x1E800] =	vst v63  }
0x59: {  	s21 =	smov.u32 s20  }
0x5a: {  	p0 =	sne.s32 s20, $0xFFFFFC00;
	s20 =	sadd.s32 $0x400, s20;
	_ =	swait.ge [sflag:s15], $0x4000  }
0x5b: {  	[sflag:s15] =	ssyncset.done $0x0  }
0x5c: {  	[sflag:s15] =	ssyncadd.s32 $0xFFFFC000  }
0x5d: {  	_ =	swait.ge [sflag:s16], $0x4000  }
0x5e: {  	s21 =	sshra.s32 s21, $0x2;
	[sflag:s16] =	ssyncset.done $0x0  }
0x5f: {  	s22 =	sadd.s32 $0x1400, s21;
	[sflag:s16] =	ssyncadd.s32 $0xFFFFC000  }
0x60: {  	[tilespmem:s9], [sflag:$0x1] =	stream.indirect.gather [hbm4b:s0+s12], $0x80, s22, s12, $0xb8;
	[tilespmem:$0x1E800] =	vst v63  }
0x61: {  	s22 =	sadd.s32 $0x2780, s21  }
0x62: {  	[spmem:s3] =	stream.indirect.scatter.add.f32 [tilespmem:s14], [sflag:$0x4], $0x80, s22, s12, $0xb8;
	[tilespmem:$0x1E800] =	vst v63  }
0x63: {  	_ =	swait.ge [sflag:s17], $0x4000  }
0x64: {  	[sflag:s17] =	ssyncset.done $0x0  }
0x65: {  	[sflag:s17] =	ssyncadd.s32 $0xFFFFC000  }
.Ltmp0:
0x66: {  	_ =	swait.ge [sflag:s13], $0x4000;
	(pc) =	sbr.rel @p0 .LBB2_2-.Ltmp0, $4  }
0x67: {  	[sflag:s13] =	ssyncset.done $0x0  }
0x68: {  	s22 =	sadd.s32 $0x1480, s21;
	[sflag:s13] =	ssyncadd.s32 $0xFFFFC000  }
0x69: {  	[tilespmem:s14], [sflag:$0x2] =	stream.indirect.gather [hbm4b:s0+s12], $0x80, s22, s12, $0xb8;
	[tilespmem:$0x1E800] =	vst v63  }
0x6a: {  	s21 =	sadd.s32 $0x2800, s21  }
0x6b: {  	[spmem:s3] =	stream.indirect.scatter.add.f32 [tilespmem:s9], [sflag:$0x3], $0x80, s21, s12, $0xb8;
	[tilespmem:$0x1E800] =	vst v63  }
0x6c: {  	_ =	swait.ge [sflag:s15], $0x4000  }
0x6d: {  	[sflag:s15] =	ssyncset.done $0x0  }
0x6e: {  	[sflag:s15] =	ssyncadd.s32 $0xFFFFC000  }
0x6f: {  	_ =	swait.ge [sflag:s16], $0x4000  }
0x70: {  	[sflag:s16] =	ssyncset.done $0x0  }
0x71: {  	[sflag:s16] =	ssyncadd.s32 $0xFFFFC000  }
0x72: {  	[spmem:s3] =	stream.indirect.scatter.add.f32 [tilespmem:s14], [sflag:$0x4], $0x80, s18, s12, $0xb8;
	[tilespmem:$0x1E800] =	vst v63  }
0x73: {  	_ =	swait.ge [sflag:s17], $0x4000  }
0x74: {  	[sflag:s17] =	ssyncset.done $0x0  }
0x75: {  	s20 =	rddreg [dreg:$0x5];
	[sflag:s17] =	ssyncadd.s32 $0xFFFFC000  }
0x76: {  	[tilespmem:s4], [sflag:$0x5] =	stream.linear.gather [hbm4b:s20+s4], $0x1400, $0x38;
	[tilespmem:$0x1E800] =	vst v63  }
0x77: {  	_ =	swait.ge [sflag:s10], $0x1400  }
0x78: {  	[sflag:s10] =	ssyncset.done $0x0  }
0x79: {  	s21 =	rddreg [dreg:$0x6];
	[sflag:s10] =	ssyncadd.s32 $0xFFFFEC00  }
0x7a: {  	[tilespmem:s11], [sflag:$0x5] =	stream.linear.gather [hbm4b:s21+s4], $0x1400, $0x38;
	[tilespmem:$0x1E800] =	vst v63  }
0x7b: {  	_ =	swait.ge [sflag:s10], $0x1400  }
0x7c: {  	[sflag:s10] =	ssyncset.done $0x0  }
0x7d: {  	[sflag:s10] =	ssyncadd.s32 $0xFFFFEC00  }
0x7e: {  	[tilespmem:s9], [sflag:$0x1] =	stream.indirect.gather [hbm4b:s0+s12], $0x80, s4, s12, $0xb8;
	[tilespmem:$0x1E800] =	vst v63  }
0x7f: {  	_ =	swait.ge [sflag:s13], $0x4000  }
0x80: {  	[sflag:s13] =	ssyncset.done $0x0  }
0x81: {  	[sflag:s13] =	ssyncadd.s32 $0xFFFFC000  }
0x82: {  	[tilespmem:s14], [sflag:$0x2] =	stream.indirect.gather [hbm4b:s0+s12], $0x80, s12, s12, $0xb8;
	[tilespmem:$0x1E800] =	vst v63  }
0x83: {  	_ = 	snop  }
0x84: {  	[spmem:s3] =	stream.indirect.scatter.add.f32 [tilespmem:s9], [sflag:$0x3], $0x80, s11, s12, $0xb8;
	[tilespmem:$0x1E800] =	vst v63  }
0x85: {  	_ =	swait.ge [sflag:s15], $0x4000  }
0x86: {  	[sflag:s15] =	ssyncset.done $0x0  }
0x87: {  	[sflag:s15] =	ssyncadd.s32 $0xFFFFC000  }
0x88: {  	_ =	swait.ge [sflag:s16], $0x4000  }
0x89: {  	[sflag:s16] =	ssyncset.done $0x0  }
0x8a: {  	s22 =	simm.s32 $0x100;
	[sflag:s16] =	ssyncadd.s32 $0xFFFFC000  }
0x8b: {  	[tilespmem:s9], [sflag:$0x1] =	stream.indirect.gather [hbm4b:s0+s12], $0x80, s22, s12, $0xb8;
	[tilespmem:$0x1E800] =	vst v63  }
0x8c: {  	s23 =	simm.s32 $0x1480  }
0x8d: {  	[spmem:s3] =	stream.indirect.scatter.add.f32 [tilespmem:s14], [sflag:$0x4], $0x80, s23, s12, $0xb8;
	[tilespmem:$0x1E800] =	vst v63  }
0x8e: {  	_ =	swait.ge [sflag:s17], $0x4000  }
0x8f: {  	[sflag:s17] =	ssyncset.done $0x0  }
0x90: {  	[sflag:s17] =	ssyncadd.s32 $0xFFFFC000  }
0x91: {  	_ =	swait.ge [sflag:s13], $0x4000  }
0x92: {  	s24 =	simm.s32 $0x180;
	[sflag:s13] =	ssyncset.done $0x0  }
0x93: {  	s20 =	simm.s32 $0xFFFFB800;
	s21 =	simm.s32 $0x1500;
	[sflag:s13] =	ssyncadd.s32 $0xFFFFC000  }
0x94: {  	[tilespmem:s14], [sflag:$0x2] =	stream.indirect.gather [hbm4b:s0+s12], $0x80, s24, s12, $0xb8;
	[tilespmem:$0x1E800] =	vst v63  }
.LBB2_4:
0x95: {  	[spmem:s3] =	stream.indirect.scatter.add.f32 [tilespmem:s9], [sflag:$0x3], $0x80, s21, s12, $0xb8;
	[tilespmem:$0x1E800] =	vst v63  }
0x96: {  	s21 =	smov.u32 s20  }
0x97: {  	p0 =	sne.s32 s20, $0xFFFFFC00;
	s20 =	sadd.s32 $0x400, s20;
	_ =	swait.ge [sflag:s15], $0x4000  }
0x98: {  	[sflag:s15] =	ssyncset.done $0x0  }
0x99: {  	[sflag:s15] =	ssyncadd.s32 $0xFFFFC000  }
0x9a: {  	_ =	swait.ge [sflag:s16], $0x4000  }
0x9b: {  	s21 =	sshra.s32 s21, $0x2;
	[sflag:s16] =	ssyncset.done $0x0  }
0x9c: {  	s22 =	sadd.s32 $0x1400, s21;
	[sflag:s16] =	ssyncadd.s32 $0xFFFFC000  }
0x9d: {  	[tilespmem:s9], [sflag:$0x1] =	stream.indirect.gather [hbm4b:s0+s12], $0x80, s22, s12, $0xb8;
	[tilespmem:$0x1E800] =	vst v63  }
0x9e: {  	s22 =	sadd.s32 $0x2780, s21  }
0x9f: {  	[spmem:s3] =	stream.indirect.scatter.add.f32 [tilespmem:s14], [sflag:$0x4], $0x80, s22, s12, $0xb8;
	[tilespmem:$0x1E800] =	vst v63  }
0xa0: {  	_ =	swait.ge [sflag:s17], $0x4000  }
0xa1: {  	[sflag:s17] =	ssyncset.done $0x0  }
0xa2: {  	[sflag:s17] =	ssyncadd.s32 $0xFFFFC000  }
.Ltmp1:
0xa3: {  	_ =	swait.ge [sflag:s13], $0x4000;
	(pc) =	sbr.rel @p0 .LBB2_4-.Ltmp1, $4  }
0xa4: {  	[sflag:s13] =	ssyncset.done $0x0  }
0xa5: {  	s22 =	sadd.s32 $0x1480, s21;
	[sflag:s13] =	ssyncadd.s32 $0xFFFFC000  }
0xa6: {  	[tilespmem:s14], [sflag:$0x2] =	stream.indirect.gather [hbm4b:s0+s12], $0x80, s22, s12, $0xb8;
	[tilespmem:$0x1E800] =	vst v63  }
0xa7: {  	s21 =	sadd.s32 $0x2800, s21  }
0xa8: {  	[spmem:s3] =	stream.indirect.scatter.add.f32 [tilespmem:s9], [sflag:$0x3], $0x80, s21, s12, $0xb8;
	[tilespmem:$0x1E800] =	vst v63  }
0xa9: {  	_ =	swait.ge [sflag:s15], $0x4000  }
0xaa: {  	[sflag:s15] =	ssyncset.done $0x0  }
0xab: {  	[sflag:s15] =	ssyncadd.s32 $0xFFFFC000  }
0xac: {  	_ =	swait.ge [sflag:s16], $0x4000  }
0xad: {  	[sflag:s16] =	ssyncset.done $0x0  }
0xae: {  	[sflag:s16] =	ssyncadd.s32 $0xFFFFC000  }
0xaf: {  	[spmem:s3] =	stream.indirect.scatter.add.f32 [tilespmem:s14], [sflag:$0x4], $0x80, s18, s12, $0xb8;
	[tilespmem:$0x1E800] =	vst v63  }
0xb0: {  	_ =	swait.ge [sflag:s17], $0x4000  }
0xb1: {  	s20 =	stileid.u32;
	[sflag:s17] =	ssyncset.done $0x0  }
0xb2: {  	s20 =	sshll.u32 s20, $0x6;
	[sflag:s17] =	ssyncadd.s32 $0xFFFFC000  }
0xb3: {  	s21 =	sshrl.u32 s28, $0x3;
	s20 =	sor.u32 $0x1C05, s20;
	[bflag:$0x0] =	sbarrier.arrive $0xFFFF  }
0xb4: {  	[hbm:s25], [sflag:s20] =	dma.local [spmem:s21], $0x2800  }
0xb5: {  	_ =	swait.ge [sflag:s10], $0x2800  }
0xb6: {  	[sflag:s10] =	ssyncset.done $0x0  }
0xb7: {  	[sflag:s10] =	ssyncadd.s32 $0xFFFFD800  }
0xb8: {  	[bflag:$0x0] =	sbarrier.arrive $0xFFFF  }
0xb9: {  	[tilespmem:s9], [sflag:$0x5] =	stream.linear.gather [hbm4b:s2+s4], $0x4000, $0x38;
	[tilespmem:$0x1E800] =	vst v63  }
0xba: {  	_ =	swait.ge [sflag:s10], $0x4000  }
0xbb: {  	[sflag:s10] =	ssyncset.done $0x0  }
0xbc: {  	[sflag:s10] =	ssyncadd.s32 $0xFFFFC000  }
0xbd: {  	[spmem:s28] =	stream.linear.scatter [tilespmem:s9], [sflag:$0x5], $0x4000, $0x38;
	[tilespmem:$0x1E800] =	vst v63  }
0xbe: {  	_ =	swait.ge [sflag:s10], $0x4000  }
0xbf: {  	[sflag:s10] =	ssyncset.done $0x0  }
0xc0: {  	[sflag:s10] =	ssyncadd.s32 $0xFFFFC000  }
0xc1: {  	[spmem:s5] =	stream.linear.scatter [tilespmem:s9], [sflag:$0x5], $0x4000, $0x38;
	[tilespmem:$0x1E800] =	vst v63  }
0xc2: {  	_ =	swait.ge [sflag:s10], $0x4000  }
0xc3: {  	[sflag:s10] =	ssyncset.done $0x0  }
0xc4: {  	[sflag:s10] =	ssyncadd.s32 $0xFFFFC000  }
0xc5: {  	[spmem:s6] =	stream.linear.scatter [tilespmem:s9], [sflag:$0x5], $0x4000, $0x38;
	[tilespmem:$0x1E800] =	vst v63  }
0xc6: {  	_ =	swait.ge [sflag:s10], $0x4000  }
0xc7: {  	[sflag:s10] =	ssyncset.done $0x0  }
0xc8: {  	[sflag:s10] =	ssyncadd.s32 $0xFFFFC000  }
0xc9: {  	[spmem:s7] =	stream.linear.scatter [tilespmem:s9], [sflag:$0x5], $0x4000, $0x38;
	[tilespmem:$0x1E800] =	vst v63  }
0xca: {  	_ =	swait.ge [sflag:s10], $0x4000  }
0xcb: {  	[sflag:s10] =	ssyncset.done $0x0  }
0xcc: {  	[sflag:s10] =	ssyncadd.s32 $0xFFFFC000  }
0xcd: {  	[spmem:s8] =	stream.linear.scatter [tilespmem:s9], [sflag:$0x5], $0x4000, $0x38;
	[tilespmem:$0x1E800] =	vst v63  }
0xce: {  	_ =	swait.ge [sflag:s10], $0x4000  }
0xcf: {  	[sflag:s10] =	ssyncset.done $0x0  }
0xd0: {  	[sflag:s10] =	ssyncadd.s32 $0xFFFFC000  }
0xd1: {  	[bflag:$0x0] =	sbarrier.arrive $0xFFFF  }
0xd2: {  	s22 =	rddreg [dreg:$0x7]  }
0xd3: {  	[tilespmem:s4], [sflag:$0x5] =	stream.linear.gather [hbm4b:s22+s4], $0x1400, $0x38;
	[tilespmem:$0x1E800] =	vst v63  }
0xd4: {  	_ =	swait.ge [sflag:s10], $0x1400  }
0xd5: {  	[sflag:s10] =	ssyncset.done $0x0  }
0xd6: {  	s23 =	rddreg [dreg:$0x8];
	[sflag:s10] =	ssyncadd.s32 $0xFFFFEC00  }
0xd7: {  	[tilespmem:s11], [sflag:$0x5] =	stream.linear.gather [hbm4b:s23+s4], $0x1400, $0x38;
	[tilespmem:$0x1E800] =	vst v63  }
0xd8: {  	_ =	swait.ge [sflag:s10], $0x1400  }
0xd9: {  	[sflag:s10] =	ssyncset.done $0x0  }
0xda: {  	[sflag:s10] =	ssyncadd.s32 $0xFFFFEC00  }
0xdb: {  	[tilespmem:s9], [sflag:$0x1] =	stream.indirect.gather [hbm4b:s0+s12], $0x80, s4, s12, $0xb8;
	[tilespmem:$0x1E800] =	vst v63  }
0xdc: {  	_ =	swait.ge [sflag:s13], $0x4000  }
0xdd: {  	[sflag:s13] =	ssyncset.done $0x0  }
0xde: {  	[sflag:s13] =	ssyncadd.s32 $0xFFFFC000  }
0xdf: {  	[tilespmem:s14], [sflag:$0x2] =	stream.indirect.gather [hbm4b:s0+s12], $0x80, s12, s12, $0xb8;
	[tilespmem:$0x1E800] =	vst v63  }
0xe0: {  	_ = 	snop  }
0xe1: {  	[spmem:s3] =	stream.indirect.scatter.add.f32 [tilespmem:s9], [sflag:$0x3], $0x80, s11, s12, $0xb8;
	[tilespmem:$0x1E800] =	vst v63  }
0xe2: {  	_ =	swait.ge [sflag:s15], $0x4000  }
0xe3: {  	[sflag:s15] =	ssyncset.done $0x0  }
0xe4: {  	[sflag:s15] =	ssyncadd.s32 $0xFFFFC000  }
0xe5: {  	_ =	swait.ge [sflag:s16], $0x4000  }
0xe6: {  	[sflag:s16] =	ssyncset.done $0x0  }
0xe7: {  	s24 =	simm.s32 $0x100;
	[sflag:s16] =	ssyncadd.s32 $0xFFFFC000  }
0xe8: {  	[tilespmem:s9], [sflag:$0x1] =	stream.indirect.gather [hbm4b:s0+s12], $0x80, s24, s12, $0xb8;
	[tilespmem:$0x1E800] =	vst v63  }
0xe9: {  	s23 =	simm.s32 $0x1480  }
0xea: {  	[spmem:s3] =	stream.indirect.scatter.add.f32 [tilespmem:s14], [sflag:$0x4], $0x80, s23, s12, $0xb8;
	[tilespmem:$0x1E800] =	vst v63  }
0xeb: {  	_ =	swait.ge [sflag:s17], $0x4000  }
0xec: {  	[sflag:s17] =	ssyncset.done $0x0  }
0xed: {  	[sflag:s17] =	ssyncadd.s32 $0xFFFFC000  }
0xee: {  	_ =	swait.ge [sflag:s13], $0x4000  }
0xef: {  	s22 =	simm.s32 $0xFFFFB800;
	[sflag:s13] =	ssyncset.done $0x0  }
0xf0: {  	s24 =	simm.s32 $0x180;
	s23 =	simm.s32 $0x1500;
	[sflag:s13] =	ssyncadd.s32 $0xFFFFC000  }
0xf1: {  	[tilespmem:s14], [sflag:$0x2] =	stream.indirect.gather [hbm4b:s0+s12], $0x80, s24, s12, $0xb8;
	[tilespmem:$0x1E800] =	vst v63  }
.LBB2_6:
0xf2: {  	[spmem:s3] =	stream.indirect.scatter.add.f32 [tilespmem:s9], [sflag:$0x3], $0x80, s23, s12, $0xb8;
	[tilespmem:$0x1E800] =	vst v63  }
0xf3: {  	s23 =	smov.u32 s22  }
0xf4: {  	p0 =	sne.s32 s22, $0xFFFFFC00;
	s22 =	sadd.s32 $0x400, s22;
	_ =	swait.ge [sflag:s15], $0x4000  }
0xf5: {  	[sflag:s15] =	ssyncset.done $0x0  }
0xf6: {  	[sflag:s15] =	ssyncadd.s32 $0xFFFFC000  }
0xf7: {  	_ =	swait.ge [sflag:s16], $0x4000  }
0xf8: {  	s23 =	sshra.s32 s23, $0x2;
	[sflag:s16] =	ssyncset.done $0x0  }
0xf9: {  	s24 =	sadd.s32 $0x1400, s23;
	[sflag:s16] =	ssyncadd.s32 $0xFFFFC000  }
0xfa: {  	[tilespmem:s9], [sflag:$0x1] =	stream.indirect.gather [hbm4b:s0+s12], $0x80, s24, s12, $0xb8;
	[tilespmem:$0x1E800] =	vst v63  }
0xfb: {  	s24 =	sadd.s32 $0x2780, s23  }
0xfc: {  	[spmem:s3] =	stream.indirect.scatter.add.f32 [tilespmem:s14], [sflag:$0x4], $0x80, s24, s12, $0xb8;
	[tilespmem:$0x1E800] =	vst v63  }
0xfd: {  	_ =	swait.ge [sflag:s17], $0x4000  }
0xfe: {  	[sflag:s17] =	ssyncset.done $0x0  }
0xff: {  	[sflag:s17] =	ssyncadd.s32 $0xFFFFC000  }
.Ltmp2:
0x100: {  	_ =	swait.ge [sflag:s13], $0x4000;
	(pc) =	sbr.rel @p0 .LBB2_6-.Ltmp2, $4  }
0x101: {  	[sflag:s13] =	ssyncset.done $0x0  }
0x102: {  	s24 =	sadd.s32 $0x1480, s23;
	[sflag:s13] =	ssyncadd.s32 $0xFFFFC000  }
0x103: {  	[tilespmem:s14], [sflag:$0x2] =	stream.indirect.gather [hbm4b:s0+s12], $0x80, s24, s12, $0xb8;
	[tilespmem:$0x1E800] =	vst v63  }
0x104: {  	s23 =	sadd.s32 $0x2800, s23  }
0x105: {  	[spmem:s3] =	stream.indirect.scatter.add.f32 [tilespmem:s9], [sflag:$0x3], $0x80, s23, s12, $0xb8;
	[tilespmem:$0x1E800] =	vst v63  }
0x106: {  	_ =	swait.ge [sflag:s15], $0x4000  }
0x107: {  	[sflag:s15] =	ssyncset.done $0x0  }
0x108: {  	[sflag:s15] =	ssyncadd.s32 $0xFFFFC000  }
0x109: {  	_ =	swait.ge [sflag:s16], $0x4000  }
0x10a: {  	[sflag:s16] =	ssyncset.done $0x0  }
0x10b: {  	[sflag:s16] =	ssyncadd.s32 $0xFFFFC000  }
0x10c: {  	[spmem:s3] =	stream.indirect.scatter.add.f32 [tilespmem:s14], [sflag:$0x4], $0x80, s18, s12, $0xb8;
	[tilespmem:$0x1E800] =	vst v63  }
0x10d: {  	_ =	swait.ge [sflag:s17], $0x4000  }
0x10e: {  	[sflag:s17] =	ssyncset.done $0x0  }
0x10f: {  	s22 =	rddreg [dreg:$0x9];
	[sflag:s17] =	ssyncadd.s32 $0xFFFFC000  }
0x110: {  	[tilespmem:s4], [sflag:$0x5] =	stream.linear.gather [hbm4b:s22+s4], $0x1400, $0x38;
	[tilespmem:$0x1E800] =	vst v63  }
0x111: {  	_ =	swait.ge [sflag:s10], $0x1400  }
0x112: {  	[sflag:s10] =	ssyncset.done $0x0  }
0x113: {  	s23 =	rddreg [dreg:$0xb];
	[sflag:s10] =	ssyncadd.s32 $0xFFFFEC00  }
0x114: {  	[tilespmem:s11], [sflag:$0x5] =	stream.linear.gather [hbm4b:s23+s4], $0x1400, $0x38;
	[tilespmem:$0x1E800] =	vst v63  }
0x115: {  	_ =	swait.ge [sflag:s10], $0x1400  }
0x116: {  	[sflag:s10] =	ssyncset.done $0x0  }
0x117: {  	[sflag:s10] =	ssyncadd.s32 $0xFFFFEC00  }
0x118: {  	[tilespmem:s9], [sflag:$0x1] =	stream.indirect.gather [hbm4b:s0+s12], $0x80, s4, s12, $0xb8;
	[tilespmem:$0x1E800] =	vst v63  }
0x119: {  	_ =	swait.ge [sflag:s13], $0x4000  }
0x11a: {  	[sflag:s13] =	ssyncset.done $0x0  }
0x11b: {  	[sflag:s13] =	ssyncadd.s32 $0xFFFFC000  }
0x11c: {  	[tilespmem:s14], [sflag:$0x2] =	stream.indirect.gather [hbm4b:s0+s12], $0x80, s12, s12, $0xb8;
	[tilespmem:$0x1E800] =	vst v63  }
0x11d: {  	_ = 	snop  }
0x11e: {  	[spmem:s3] =	stream.indirect.scatter.add.f32 [tilespmem:s9], [sflag:$0x3], $0x80, s11, s12, $0xb8;
	[tilespmem:$0x1E800] =	vst v63  }
0x11f: {  	_ =	swait.ge [sflag:s15], $0x4000  }
0x120: {  	[sflag:s15] =	ssyncset.done $0x0  }
0x121: {  	[sflag:s15] =	ssyncadd.s32 $0xFFFFC000  }
0x122: {  	_ =	swait.ge [sflag:s16], $0x4000  }
0x123: {  	[sflag:s16] =	ssyncset.done $0x0  }
0x124: {  	s24 =	simm.s32 $0x100;
	[sflag:s16] =	ssyncadd.s32 $0xFFFFC000  }
0x125: {  	[tilespmem:s9], [sflag:$0x1] =	stream.indirect.gather [hbm4b:s0+s12], $0x80, s24, s12, $0xb8;
	[tilespmem:$0x1E800] =	vst v63  }
0x126: {  	s23 =	simm.s32 $0x1480  }
0x127: {  	[spmem:s3] =	stream.indirect.scatter.add.f32 [tilespmem:s14], [sflag:$0x4], $0x80, s23, s12, $0xb8;
	[tilespmem:$0x1E800] =	vst v63  }
0x128: {  	_ =	swait.ge [sflag:s17], $0x4000  }
0x129: {  	[sflag:s17] =	ssyncset.done $0x0  }
0x12a: {  	[sflag:s17] =	ssyncadd.s32 $0xFFFFC000  }
0x12b: {  	_ =	swait.ge [sflag:s13], $0x4000  }
0x12c: {  	s22 =	simm.s32 $0xFFFFB800;
	[sflag:s13] =	ssyncset.done $0x0  }
0x12d: {  	s24 =	simm.s32 $0x180;
	s23 =	simm.s32 $0x1500;
	[sflag:s13] =	ssyncadd.s32 $0xFFFFC000  }
0x12e: {  	[tilespmem:s14], [sflag:$0x2] =	stream.indirect.gather [hbm4b:s0+s12], $0x80, s24, s12, $0xb8;
	[tilespmem:$0x1E800] =	vst v63  }
.LBB2_8:
0x12f: {  	[spmem:s3] =	stream.indirect.scatter.add.f32 [tilespmem:s9], [sflag:$0x3], $0x80, s23, s12, $0xb8;
	[tilespmem:$0x1E800] =	vst v63  }
0x130: {  	s23 =	smov.u32 s22  }
0x131: {  	p0 =	sne.s32 s22, $0xFFFFFC00;
	s22 =	sadd.s32 $0x400, s22;
	_ =	swait.ge [sflag:s15], $0x4000  }
0x132: {  	[sflag:s15] =	ssyncset.done $0x0  }
0x133: {  	[sflag:s15] =	ssyncadd.s32 $0xFFFFC000  }
0x134: {  	_ =	swait.ge [sflag:s16], $0x4000  }
0x135: {  	s23 =	sshra.s32 s23, $0x2;
	[sflag:s16] =	ssyncset.done $0x0  }
0x136: {  	s24 =	sadd.s32 $0x1400, s23;
	[sflag:s16] =	ssyncadd.s32 $0xFFFFC000  }
0x137: {  	[tilespmem:s9], [sflag:$0x1] =	stream.indirect.gather [hbm4b:s0+s12], $0x80, s24, s12, $0xb8;
	[tilespmem:$0x1E800] =	vst v63  }
0x138: {  	s24 =	sadd.s32 $0x2780, s23  }
0x139: {  	[spmem:s3] =	stream.indirect.scatter.add.f32 [tilespmem:s14], [sflag:$0x4], $0x80, s24, s12, $0xb8;
	[tilespmem:$0x1E800] =	vst v63  }
0x13a: {  	_ =	swait.ge [sflag:s17], $0x4000  }
0x13b: {  	[sflag:s17] =	ssyncset.done $0x0  }
0x13c: {  	[sflag:s17] =	ssyncadd.s32 $0xFFFFC000  }
.Ltmp3:
0x13d: {  	_ =	swait.ge [sflag:s13], $0x4000;
	(pc) =	sbr.rel @p0 .LBB2_8-.Ltmp3, $4  }
0x13e: {  	[sflag:s13] =	ssyncset.done $0x0  }
0x13f: {  	s24 =	sadd.s32 $0x1480, s23;
	[sflag:s13] =	ssyncadd.s32 $0xFFFFC000  }
0x140: {  	[tilespmem:s14], [sflag:$0x2] =	stream.indirect.gather [hbm4b:s0+s12], $0x80, s24, s12, $0xb8;
	[tilespmem:$0x1E800] =	vst v63  }
0x141: {  	s23 =	sadd.s32 $0x2800, s23  }
0x142: {  	[spmem:s3] =	stream.indirect.scatter.add.f32 [tilespmem:s9], [sflag:$0x3], $0x80, s23, s12, $0xb8;
	[tilespmem:$0x1E800] =	vst v63  }
0x143: {  	_ =	swait.ge [sflag:s15], $0x4000  }
0x144: {  	[sflag:s15] =	ssyncset.done $0x0  }
0x145: {  	[sflag:s15] =	ssyncadd.s32 $0xFFFFC000  }
0x146: {  	_ =	swait.ge [sflag:s16], $0x4000  }
0x147: {  	[sflag:s16] =	ssyncset.done $0x0  }
0x148: {  	[sflag:s16] =	ssyncadd.s32 $0xFFFFC000  }
0x149: {  	[spmem:s3] =	stream.indirect.scatter.add.f32 [tilespmem:s14], [sflag:$0x4], $0x80, s18, s12, $0xb8;
	[tilespmem:$0x1E800] =	vst v63  }
0x14a: {  	_ =	swait.ge [sflag:s17], $0x4000  }
0x14b: {  	[sflag:s17] =	ssyncset.done $0x0  }
0x14c: {  	[sflag:s17] =	ssyncadd.s32 $0xFFFFC000  }
0x14d: {  	[bflag:$0x0] =	sbarrier.arrive $0xFFFF  }
0x14e: {  	[hbm:s26], [sflag:s20] =	dma.local [spmem:s21], $0x2800  }
0x14f: {  	_ =	swait.ge [sflag:s10], $0x2800  }
0x150: {  	[sflag:s10] =	ssyncset.done $0x0  }
0x151: {  	[sflag:s10] =	ssyncadd.s32 $0xFFFFD800  }
0x152: {  	[bflag:$0x0] =	sbarrier.arrive $0xFFFF  }
0x153: {  	[tilespmem:s9], [sflag:$0x5] =	stream.linear.gather [hbm4b:s2+s4], $0x4000, $0x38;
	[tilespmem:$0x1E800] =	vst v63  }
0x154: {  	_ =	swait.ge [sflag:s10], $0x4000  }
0x155: {  	[sflag:s10] =	ssyncset.done $0x0  }
0x156: {  	[sflag:s10] =	ssyncadd.s32 $0xFFFFC000  }
0x157: {  	[spmem:s28] =	stream.linear.scatter [tilespmem:s9], [sflag:$0x5], $0x4000, $0x38;
	[tilespmem:$0x1E800] =	vst v63  }
0x158: {  	_ =	swait.ge [sflag:s10], $0x4000  }
0x159: {  	[sflag:s10] =	ssyncset.done $0x0  }
0x15a: {  	[sflag:s10] =	ssyncadd.s32 $0xFFFFC000  }
0x15b: {  	[spmem:s5] =	stream.linear.scatter [tilespmem:s9], [sflag:$0x5], $0x4000, $0x38;
	[tilespmem:$0x1E800] =	vst v63  }
0x15c: {  	_ =	swait.ge [sflag:s10], $0x4000  }
0x15d: {  	[sflag:s10] =	ssyncset.done $0x0  }
0x15e: {  	[sflag:s10] =	ssyncadd.s32 $0xFFFFC000  }
0x15f: {  	[spmem:s6] =	stream.linear.scatter [tilespmem:s9], [sflag:$0x5], $0x4000, $0x38;
	[tilespmem:$0x1E800] =	vst v63  }
0x160: {  	_ =	swait.ge [sflag:s10], $0x4000  }
0x161: {  	[sflag:s10] =	ssyncset.done $0x0  }
0x162: {  	[sflag:s10] =	ssyncadd.s32 $0xFFFFC000  }
0x163: {  	[spmem:s7] =	stream.linear.scatter [tilespmem:s9], [sflag:$0x5], $0x4000, $0x38;
	[tilespmem:$0x1E800] =	vst v63  }
0x164: {  	_ =	swait.ge [sflag:s10], $0x4000  }
0x165: {  	[sflag:s10] =	ssyncset.done $0x0  }
0x166: {  	[sflag:s10] =	ssyncadd.s32 $0xFFFFC000  }
0x167: {  	[spmem:s8] =	stream.linear.scatter [tilespmem:s9], [sflag:$0x5], $0x4000, $0x38;
	[tilespmem:$0x1E800] =	vst v63  }
0x168: {  	_ =	swait.ge [sflag:s10], $0x4000  }
0x169: {  	[sflag:s10] =	ssyncset.done $0x0  }
0x16a: {  	[sflag:s10] =	ssyncadd.s32 $0xFFFFC000  }
0x16b: {  	[bflag:$0x0] =	sbarrier.arrive $0xFFFF  }
0x16c: {  	s22 =	rddreg [dreg:$0xa]  }
0x16d: {  	[tilespmem:s4], [sflag:$0x5] =	stream.linear.gather [hbm4b:s22+s4], $0x1400, $0x38;
	[tilespmem:$0x1E800] =	vst v63  }
0x16e: {  	_ =	swait.ge [sflag:s10], $0x1400  }
0x16f: {  	[sflag:s10] =	ssyncset.done $0x0  }
0x170: {  	s23 =	rddreg [dreg:$0xc];
	[sflag:s10] =	ssyncadd.s32 $0xFFFFEC00  }
0x171: {  	[tilespmem:s11], [sflag:$0x5] =	stream.linear.gather [hbm4b:s23+s4], $0x1400, $0x38;
	[tilespmem:$0x1E800] =	vst v63  }
0x172: {  	_ =	swait.ge [sflag:s10], $0x1400  }
0x173: {  	[sflag:s10] =	ssyncset.done $0x0  }
0x174: {  	[sflag:s10] =	ssyncadd.s32 $0xFFFFEC00  }
0x175: {  	[tilespmem:s9], [sflag:$0x1] =	stream.indirect.gather [hbm4b:s0+s12], $0x80, s4, s12, $0xb8;
	[tilespmem:$0x1E800] =	vst v63  }
0x176: {  	_ =	swait.ge [sflag:s13], $0x4000  }
0x177: {  	[sflag:s13] =	ssyncset.done $0x0  }
0x178: {  	[sflag:s13] =	ssyncadd.s32 $0xFFFFC000  }
0x179: {  	[tilespmem:s14], [sflag:$0x2] =	stream.indirect.gather [hbm4b:s0+s12], $0x80, s12, s12, $0xb8;
	[tilespmem:$0x1E800] =	vst v63  }
0x17a: {  	_ = 	snop  }
0x17b: {  	[spmem:s3] =	stream.indirect.scatter.add.f32 [tilespmem:s9], [sflag:$0x3], $0x80, s11, s12, $0xb8;
	[tilespmem:$0x1E800] =	vst v63  }
0x17c: {  	_ =	swait.ge [sflag:s15], $0x4000  }
0x17d: {  	[sflag:s15] =	ssyncset.done $0x0  }
0x17e: {  	[sflag:s15] =	ssyncadd.s32 $0xFFFFC000  }
0x17f: {  	_ =	swait.ge [sflag:s16], $0x4000  }
0x180: {  	[sflag:s16] =	ssyncset.done $0x0  }
0x181: {  	s24 =	simm.s32 $0x100;
	[sflag:s16] =	ssyncadd.s32 $0xFFFFC000  }
0x182: {  	[tilespmem:s9], [sflag:$0x1] =	stream.indirect.gather [hbm4b:s0+s12], $0x80, s24, s12, $0xb8;
	[tilespmem:$0x1E800] =	vst v63  }
0x183: {  	s23 =	simm.s32 $0x1480  }
0x184: {  	[spmem:s3] =	stream.indirect.scatter.add.f32 [tilespmem:s14], [sflag:$0x4], $0x80, s23, s12, $0xb8;
	[tilespmem:$0x1E800] =	vst v63  }
0x185: {  	_ =	swait.ge [sflag:s17], $0x4000  }
0x186: {  	[sflag:s17] =	ssyncset.done $0x0  }
0x187: {  	[sflag:s17] =	ssyncadd.s32 $0xFFFFC000  }
0x188: {  	_ =	swait.ge [sflag:s13], $0x4000  }
0x189: {  	s22 =	simm.s32 $0xFFFFB800;
	[sflag:s13] =	ssyncset.done $0x0  }
0x18a: {  	s24 =	simm.s32 $0x180;
	s23 =	simm.s32 $0x1500;
	[sflag:s13] =	ssyncadd.s32 $0xFFFFC000  }
0x18b: {  	[tilespmem:s14], [sflag:$0x2] =	stream.indirect.gather [hbm4b:s0+s12], $0x80, s24, s12, $0xb8;
	[tilespmem:$0x1E800] =	vst v63  }
.LBB2_10:
0x18c: {  	[spmem:s3] =	stream.indirect.scatter.add.f32 [tilespmem:s9], [sflag:$0x3], $0x80, s23, s12, $0xb8;
	[tilespmem:$0x1E800] =	vst v63  }
0x18d: {  	s23 =	smov.u32 s22  }
0x18e: {  	p0 =	sne.s32 s22, $0xFFFFFC00;
	s22 =	sadd.s32 $0x400, s22;
	_ =	swait.ge [sflag:s15], $0x4000  }
0x18f: {  	[sflag:s15] =	ssyncset.done $0x0  }
0x190: {  	[sflag:s15] =	ssyncadd.s32 $0xFFFFC000  }
0x191: {  	_ =	swait.ge [sflag:s16], $0x4000  }
0x192: {  	s23 =	sshra.s32 s23, $0x2;
	[sflag:s16] =	ssyncset.done $0x0  }
0x193: {  	s24 =	sadd.s32 $0x1400, s23;
	[sflag:s16] =	ssyncadd.s32 $0xFFFFC000  }
0x194: {  	[tilespmem:s9], [sflag:$0x1] =	stream.indirect.gather [hbm4b:s0+s12], $0x80, s24, s12, $0xb8;
	[tilespmem:$0x1E800] =	vst v63  }
0x195: {  	s24 =	sadd.s32 $0x2780, s23  }
0x196: {  	[spmem:s3] =	stream.indirect.scatter.add.f32 [tilespmem:s14], [sflag:$0x4], $0x80, s24, s12, $0xb8;
	[tilespmem:$0x1E800] =	vst v63  }
0x197: {  	_ =	swait.ge [sflag:s17], $0x4000  }
0x198: {  	[sflag:s17] =	ssyncset.done $0x0  }
0x199: {  	[sflag:s17] =	ssyncadd.s32 $0xFFFFC000  }
.Ltmp4:
0x19a: {  	_ =	swait.ge [sflag:s13], $0x4000;
	(pc) =	sbr.rel @p0 .LBB2_10-.Ltmp4, $4  }
0x19b: {  	[sflag:s13] =	ssyncset.done $0x0  }
0x19c: {  	s24 =	sadd.s32 $0x1480, s23;
	[sflag:s13] =	ssyncadd.s32 $0xFFFFC000  }
0x19d: {  	[tilespmem:s14], [sflag:$0x2] =	stream.indirect.gather [hbm4b:s0+s12], $0x80, s24, s12, $0xb8;
	[tilespmem:$0x1E800] =	vst v63  }
0x19e: {  	s23 =	sadd.s32 $0x2800, s23  }
0x19f: {  	[spmem:s3] =	stream.indirect.scatter.add.f32 [tilespmem:s9], [sflag:$0x3], $0x80, s23, s12, $0xb8;
	[tilespmem:$0x1E800] =	vst v63  }
0x1a0: {  	_ =	swait.ge [sflag:s15], $0x4000  }
0x1a1: {  	[sflag:s15] =	ssyncset.done $0x0  }
0x1a2: {  	[sflag:s15] =	ssyncadd.s32 $0xFFFFC000  }
0x1a3: {  	_ =	swait.ge [sflag:s16], $0x4000  }
0x1a4: {  	[sflag:s16] =	ssyncset.done $0x0  }
0x1a5: {  	[sflag:s16] =	ssyncadd.s32 $0xFFFFC000  }
0x1a6: {  	[spmem:s3] =	stream.indirect.scatter.add.f32 [tilespmem:s14], [sflag:$0x4], $0x80, s18, s12, $0xb8;
	[tilespmem:$0x1E800] =	vst v63  }
0x1a7: {  	_ =	swait.ge [sflag:s17], $0x4000  }
0x1a8: {  	[sflag:s17] =	ssyncset.done $0x0  }
0x1a9: {  	s22 =	rddreg [dreg:$0xd];
	[sflag:s17] =	ssyncadd.s32 $0xFFFFC000  }
0x1aa: {  	[tilespmem:s4], [sflag:$0x5] =	stream.linear.gather [hbm4b:s22+s4], $0x1400, $0x38;
	[tilespmem:$0x1E800] =	vst v63  }
0x1ab: {  	_ =	swait.ge [sflag:s10], $0x1400  }
0x1ac: {  	[sflag:s10] =	ssyncset.done $0x0  }
0x1ad: {  	s23 =	rddreg [dreg:$0xe];
	[sflag:s10] =	ssyncadd.s32 $0xFFFFEC00  }
0x1ae: {  	[tilespmem:s11], [sflag:$0x5] =	stream.linear.gather [hbm4b:s23+s4], $0x1400, $0x38;
	[tilespmem:$0x1E800] =	vst v63  }
0x1af: {  	_ =	swait.ge [sflag:s10], $0x1400  }
0x1b0: {  	[sflag:s10] =	ssyncset.done $0x0  }
0x1b1: {  	[sflag:s10] =	ssyncadd.s32 $0xFFFFEC00  }
0x1b2: {  	[tilespmem:s9], [sflag:$0x1] =	stream.indirect.gather [hbm4b:s0+s12], $0x80, s4, s12, $0xb8;
	[tilespmem:$0x1E800] =	vst v63  }
0x1b3: {  	_ =	swait.ge [sflag:s13], $0x4000  }
0x1b4: {  	[sflag:s13] =	ssyncset.done $0x0  }
0x1b5: {  	[sflag:s13] =	ssyncadd.s32 $0xFFFFC000  }
0x1b6: {  	[tilespmem:s14], [sflag:$0x2] =	stream.indirect.gather [hbm4b:s0+s12], $0x80, s12, s12, $0xb8;
	[tilespmem:$0x1E800] =	vst v63  }
0x1b7: {  	_ = 	snop  }
0x1b8: {  	[spmem:s3] =	stream.indirect.scatter.add.f32 [tilespmem:s9], [sflag:$0x3], $0x80, s11, s12, $0xb8;
	[tilespmem:$0x1E800] =	vst v63  }
0x1b9: {  	_ =	swait.ge [sflag:s15], $0x4000  }
0x1ba: {  	[sflag:s15] =	ssyncset.done $0x0  }
0x1bb: {  	[sflag:s15] =	ssyncadd.s32 $0xFFFFC000  }
0x1bc: {  	_ =	swait.ge [sflag:s16], $0x4000  }
0x1bd: {  	[sflag:s16] =	ssyncset.done $0x0  }
0x1be: {  	s24 =	simm.s32 $0x100;
	[sflag:s16] =	ssyncadd.s32 $0xFFFFC000  }
0x1bf: {  	[tilespmem:s9], [sflag:$0x1] =	stream.indirect.gather [hbm4b:s0+s12], $0x80, s24, s12, $0xb8;
	[tilespmem:$0x1E800] =	vst v63  }
0x1c0: {  	s23 =	simm.s32 $0x1480  }
0x1c1: {  	[spmem:s3] =	stream.indirect.scatter.add.f32 [tilespmem:s14], [sflag:$0x4], $0x80, s23, s12, $0xb8;
	[tilespmem:$0x1E800] =	vst v63  }
0x1c2: {  	_ =	swait.ge [sflag:s17], $0x4000  }
0x1c3: {  	[sflag:s17] =	ssyncset.done $0x0  }
0x1c4: {  	[sflag:s17] =	ssyncadd.s32 $0xFFFFC000  }
0x1c5: {  	_ =	swait.ge [sflag:s13], $0x4000  }
0x1c6: {  	s22 =	simm.s32 $0xFFFFB800;
	[sflag:s13] =	ssyncset.done $0x0  }
0x1c7: {  	s24 =	simm.s32 $0x180;
	s23 =	simm.s32 $0x1500;
	[sflag:s13] =	ssyncadd.s32 $0xFFFFC000  }
0x1c8: {  	[tilespmem:s14], [sflag:$0x2] =	stream.indirect.gather [hbm4b:s0+s12], $0x80, s24, s12, $0xb8;
	[tilespmem:$0x1E800] =	vst v63  }
.LBB2_12:
0x1c9: {  	[spmem:s3] =	stream.indirect.scatter.add.f32 [tilespmem:s9], [sflag:$0x3], $0x80, s23, s12, $0xb8;
	[tilespmem:$0x1E800] =	vst v63  }
0x1ca: {  	s23 =	smov.u32 s22  }
0x1cb: {  	p0 =	sne.s32 s22, $0xFFFFFC00;
	s22 =	sadd.s32 $0x400, s22;
	_ =	swait.ge [sflag:s15], $0x4000  }
0x1cc: {  	[sflag:s15] =	ssyncset.done $0x0  }
0x1cd: {  	[sflag:s15] =	ssyncadd.s32 $0xFFFFC000  }
0x1ce: {  	_ =	swait.ge [sflag:s16], $0x4000  }
0x1cf: {  	s23 =	sshra.s32 s23, $0x2;
	[sflag:s16] =	ssyncset.done $0x0  }
0x1d0: {  	s24 =	sadd.s32 $0x1400, s23;
	[sflag:s16] =	ssyncadd.s32 $0xFFFFC000  }
0x1d1: {  	[tilespmem:s9], [sflag:$0x1] =	stream.indirect.gather [hbm4b:s0+s12], $0x80, s24, s12, $0xb8;
	[tilespmem:$0x1E800] =	vst v63  }
0x1d2: {  	s24 =	sadd.s32 $0x2780, s23  }
0x1d3: {  	[spmem:s3] =	stream.indirect.scatter.add.f32 [tilespmem:s14], [sflag:$0x4], $0x80, s24, s12, $0xb8;
	[tilespmem:$0x1E800] =	vst v63  }
0x1d4: {  	_ =	swait.ge [sflag:s17], $0x4000  }
0x1d5: {  	[sflag:s17] =	ssyncset.done $0x0  }
0x1d6: {  	[sflag:s17] =	ssyncadd.s32 $0xFFFFC000  }
.Ltmp5:
0x1d7: {  	_ =	swait.ge [sflag:s13], $0x4000;
	(pc) =	sbr.rel @p0 .LBB2_12-.Ltmp5, $4  }
0x1d8: {  	[sflag:s13] =	ssyncset.done $0x0  }
0x1d9: {  	s24 =	sadd.s32 $0x1480, s23;
	[sflag:s13] =	ssyncadd.s32 $0xFFFFC000  }
0x1da: {  	[tilespmem:s14], [sflag:$0x2] =	stream.indirect.gather [hbm4b:s0+s12], $0x80, s24, s12, $0xb8;
	[tilespmem:$0x1E800] =	vst v63  }
0x1db: {  	s23 =	sadd.s32 $0x2800, s23  }
0x1dc: {  	[spmem:s3] =	stream.indirect.scatter.add.f32 [tilespmem:s9], [sflag:$0x3], $0x80, s23, s12, $0xb8;
	[tilespmem:$0x1E800] =	vst v63  }
0x1dd: {  	_ =	swait.ge [sflag:s15], $0x4000  }
0x1de: {  	[sflag:s15] =	ssyncset.done $0x0  }
0x1df: {  	[sflag:s15] =	ssyncadd.s32 $0xFFFFC000  }
0x1e0: {  	_ =	swait.ge [sflag:s16], $0x4000  }
0x1e1: {  	[sflag:s16] =	ssyncset.done $0x0  }
0x1e2: {  	[sflag:s16] =	ssyncadd.s32 $0xFFFFC000  }
0x1e3: {  	[spmem:s3] =	stream.indirect.scatter.add.f32 [tilespmem:s14], [sflag:$0x4], $0x80, s18, s12, $0xb8;
	[tilespmem:$0x1E800] =	vst v63  }
0x1e4: {  	_ =	swait.ge [sflag:s17], $0x4000  }
0x1e5: {  	[sflag:s17] =	ssyncset.done $0x0  }
0x1e6: {  	[sflag:s17] =	ssyncadd.s32 $0xFFFFC000  }
0x1e7: {  	[bflag:$0x0] =	sbarrier.arrive $0xFFFF  }
0x1e8: {  	[hbm:s29], [sflag:s20] =	dma.local [spmem:s21], $0x2800  }
0x1e9: {  	_ =	swait.ge [sflag:s10], $0x2800  }
0x1ea: {  	[sflag:s10] =	ssyncset.done $0x0  }
0x1eb: {  	[sflag:s10] =	ssyncadd.s32 $0xFFFFD800  }
0x1ec: {  	[bflag:$0x0] =	sbarrier.arrive $0xFFFF  }
0x1ed: {  	[tilespmem:s9], [sflag:$0x5] =	stream.linear.gather [hbm4b:s2+s4], $0x4000, $0x38;
	[tilespmem:$0x1E800] =	vst v63  }
0x1ee: {  	_ =	swait.ge [sflag:s10], $0x4000  }
0x1ef: {  	[sflag:s10] =	ssyncset.done $0x0  }
0x1f0: {  	[sflag:s10] =	ssyncadd.s32 $0xFFFFC000  }
0x1f1: {  	[spmem:s28] =	stream.linear.scatter [tilespmem:s9], [sflag:$0x5], $0x4000, $0x38;
	[tilespmem:$0x1E800] =	vst v63  }
0x1f2: {  	_ =	swait.ge [sflag:s10], $0x4000  }
0x1f3: {  	[sflag:s10] =	ssyncset.done $0x0  }
0x1f4: {  	[sflag:s10] =	ssyncadd.s32 $0xFFFFC000  }
0x1f5: {  	[spmem:s5] =	stream.linear.scatter [tilespmem:s9], [sflag:$0x5], $0x4000, $0x38;
	[tilespmem:$0x1E800] =	vst v63  }
0x1f6: {  	_ =	swait.ge [sflag:s10], $0x4000  }
0x1f7: {  	[sflag:s10] =	ssyncset.done $0x0  }
0x1f8: {  	[sflag:s10] =	ssyncadd.s32 $0xFFFFC000  }
0x1f9: {  	[spmem:s6] =	stream.linear.scatter [tilespmem:s9], [sflag:$0x5], $0x4000, $0x38;
	[tilespmem:$0x1E800] =	vst v63  }
0x1fa: {  	_ =	swait.ge [sflag:s10], $0x4000  }
0x1fb: {  	[sflag:s10] =	ssyncset.done $0x0  }
0x1fc: {  	[sflag:s10] =	ssyncadd.s32 $0xFFFFC000  }
0x1fd: {  	[spmem:s7] =	stream.linear.scatter [tilespmem:s9], [sflag:$0x5], $0x4000, $0x38;
	[tilespmem:$0x1E800] =	vst v63  }
0x1fe: {  	_ =	swait.ge [sflag:s10], $0x4000  }
0x1ff: {  	[sflag:s10] =	ssyncset.done $0x0  }
0x200: {  	[sflag:s10] =	ssyncadd.s32 $0xFFFFC000  }
0x201: {  	[spmem:s8] =	stream.linear.scatter [tilespmem:s9], [sflag:$0x5], $0x4000, $0x38;
	[tilespmem:$0x1E800] =	vst v63  }
0x202: {  	_ =	swait.ge [sflag:s10], $0x4000  }
0x203: {  	[sflag:s10] =	ssyncset.done $0x0  }
0x204: {  	[sflag:s10] =	ssyncadd.s32 $0xFFFFC000  }
0x205: {  	[bflag:$0x0] =	sbarrier.arrive $0xFFFF  }
0x206: {  	s22 =	rddreg [dreg:$0xf]  }
0x207: {  	[tilespmem:s4], [sflag:$0x5] =	stream.linear.gather [hbm4b:s22+s4], $0x1400, $0x38;
	[tilespmem:$0x1E800] =	vst v63  }
0x208: {  	_ =	swait.ge [sflag:s10], $0x1400  }
0x209: {  	[sflag:s10] =	ssyncset.done $0x0  }
0x20a: {  	s23 =	rddreg [dreg:$0x10];
	[sflag:s10] =	ssyncadd.s32 $0xFFFFEC00  }
0x20b: {  	[tilespmem:s11], [sflag:$0x5] =	stream.linear.gather [hbm4b:s23+s4], $0x1400, $0x38;
	[tilespmem:$0x1E800] =	vst v63  }
0x20c: {  	_ =	swait.ge [sflag:s10], $0x1400  }
0x20d: {  	[sflag:s10] =	ssyncset.done $0x0  }
0x20e: {  	[sflag:s10] =	ssyncadd.s32 $0xFFFFEC00  }
0x20f: {  	[tilespmem:s9], [sflag:$0x1] =	stream.indirect.gather [hbm4b:s0+s12], $0x80, s4, s12, $0xb8;
	[tilespmem:$0x1E800] =	vst v63  }
0x210: {  	_ =	swait.ge [sflag:s13], $0x4000  }
0x211: {  	[sflag:s13] =	ssyncset.done $0x0  }
0x212: {  	[sflag:s13] =	ssyncadd.s32 $0xFFFFC000  }
0x213: {  	[tilespmem:s14], [sflag:$0x2] =	stream.indirect.gather [hbm4b:s0+s12], $0x80, s12, s12, $0xb8;
	[tilespmem:$0x1E800] =	vst v63  }
0x214: {  	_ = 	snop  }
0x215: {  	[spmem:s3] =	stream.indirect.scatter.add.f32 [tilespmem:s9], [sflag:$0x3], $0x80, s11, s12, $0xb8;
	[tilespmem:$0x1E800] =	vst v63  }
0x216: {  	_ =	swait.ge [sflag:s15], $0x4000  }
0x217: {  	[sflag:s15] =	ssyncset.done $0x0  }
0x218: {  	[sflag:s15] =	ssyncadd.s32 $0xFFFFC000  }
0x219: {  	_ =	swait.ge [sflag:s16], $0x4000  }
0x21a: {  	[sflag:s16] =	ssyncset.done $0x0  }
0x21b: {  	s24 =	simm.s32 $0x100;
	[sflag:s16] =	ssyncadd.s32 $0xFFFFC000  }
0x21c: {  	[tilespmem:s9], [sflag:$0x1] =	stream.indirect.gather [hbm4b:s0+s12], $0x80, s24, s12, $0xb8;
	[tilespmem:$0x1E800] =	vst v63  }
0x21d: {  	s23 =	simm.s32 $0x1480  }
0x21e: {  	[spmem:s3] =	stream.indirect.scatter.add.f32 [tilespmem:s14], [sflag:$0x4], $0x80, s23, s12, $0xb8;
	[tilespmem:$0x1E800] =	vst v63  }
0x21f: {  	_ =	swait.ge [sflag:s17], $0x4000  }
0x220: {  	[sflag:s17] =	ssyncset.done $0x0  }
0x221: {  	[sflag:s17] =	ssyncadd.s32 $0xFFFFC000  }
0x222: {  	_ =	swait.ge [sflag:s13], $0x4000  }
0x223: {  	s22 =	simm.s32 $0xFFFFB800;
	[sflag:s13] =	ssyncset.done $0x0  }
0x224: {  	s24 =	simm.s32 $0x180;
	s23 =	simm.s32 $0x1500;
	[sflag:s13] =	ssyncadd.s32 $0xFFFFC000  }
0x225: {  	[tilespmem:s14], [sflag:$0x2] =	stream.indirect.gather [hbm4b:s0+s12], $0x80, s24, s12, $0xb8;
	[tilespmem:$0x1E800] =	vst v63  }
.LBB2_14:
0x226: {  	[spmem:s3] =	stream.indirect.scatter.add.f32 [tilespmem:s9], [sflag:$0x3], $0x80, s23, s12, $0xb8;
	[tilespmem:$0x1E800] =	vst v63  }
0x227: {  	s23 =	smov.u32 s22  }
0x228: {  	p0 =	sne.s32 s22, $0xFFFFFC00;
	s22 =	sadd.s32 $0x400, s22;
	_ =	swait.ge [sflag:s15], $0x4000  }
0x229: {  	[sflag:s15] =	ssyncset.done $0x0  }
0x22a: {  	[sflag:s15] =	ssyncadd.s32 $0xFFFFC000  }
0x22b: {  	_ =	swait.ge [sflag:s16], $0x4000  }
0x22c: {  	s23 =	sshra.s32 s23, $0x2;
	[sflag:s16] =	ssyncset.done $0x0  }
0x22d: {  	s24 =	sadd.s32 $0x1400, s23;
	[sflag:s16] =	ssyncadd.s32 $0xFFFFC000  }
0x22e: {  	[tilespmem:s9], [sflag:$0x1] =	stream.indirect.gather [hbm4b:s0+s12], $0x80, s24, s12, $0xb8;
	[tilespmem:$0x1E800] =	vst v63  }
0x22f: {  	s24 =	sadd.s32 $0x2780, s23  }
0x230: {  	[spmem:s3] =	stream.indirect.scatter.add.f32 [tilespmem:s14], [sflag:$0x4], $0x80, s24, s12, $0xb8;
	[tilespmem:$0x1E800] =	vst v63  }
0x231: {  	_ =	swait.ge [sflag:s17], $0x4000  }
0x232: {  	[sflag:s17] =	ssyncset.done $0x0  }
0x233: {  	[sflag:s17] =	ssyncadd.s32 $0xFFFFC000  }
.Ltmp6:
0x234: {  	_ =	swait.ge [sflag:s13], $0x4000;
	(pc) =	sbr.rel @p0 .LBB2_14-.Ltmp6, $4  }
0x235: {  	[sflag:s13] =	ssyncset.done $0x0  }
0x236: {  	s24 =	sadd.s32 $0x1480, s23;
	[sflag:s13] =	ssyncadd.s32 $0xFFFFC000  }
0x237: {  	[tilespmem:s14], [sflag:$0x2] =	stream.indirect.gather [hbm4b:s0+s12], $0x80, s24, s12, $0xb8;
	[tilespmem:$0x1E800] =	vst v63  }
0x238: {  	s23 =	sadd.s32 $0x2800, s23  }
0x239: {  	[spmem:s3] =	stream.indirect.scatter.add.f32 [tilespmem:s9], [sflag:$0x3], $0x80, s23, s12, $0xb8;
	[tilespmem:$0x1E800] =	vst v63  }
0x23a: {  	_ =	swait.ge [sflag:s15], $0x4000  }
0x23b: {  	[sflag:s15] =	ssyncset.done $0x0  }
0x23c: {  	[sflag:s15] =	ssyncadd.s32 $0xFFFFC000  }
0x23d: {  	_ =	swait.ge [sflag:s16], $0x4000  }
0x23e: {  	[sflag:s16] =	ssyncset.done $0x0  }
0x23f: {  	[sflag:s16] =	ssyncadd.s32 $0xFFFFC000  }
0x240: {  	[spmem:s3] =	stream.indirect.scatter.add.f32 [tilespmem:s14], [sflag:$0x4], $0x80, s18, s12, $0xb8;
	[tilespmem:$0x1E800] =	vst v63  }
0x241: {  	_ =	swait.ge [sflag:s17], $0x4000  }
0x242: {  	[sflag:s17] =	ssyncset.done $0x0  }
0x243: {  	s22 =	rddreg [dreg:$0x11];
	[sflag:s17] =	ssyncadd.s32 $0xFFFFC000  }
0x244: {  	[tilespmem:s4], [sflag:$0x5] =	stream.linear.gather [hbm4b:s22+s4], $0x1400, $0x38;
	[tilespmem:$0x1E800] =	vst v63  }
0x245: {  	_ =	swait.ge [sflag:s10], $0x1400  }
0x246: {  	[sflag:s10] =	ssyncset.done $0x0  }
0x247: {  	s23 =	rddreg [dreg:$0x14];
	[sflag:s10] =	ssyncadd.s32 $0xFFFFEC00  }
0x248: {  	[tilespmem:s11], [sflag:$0x5] =	stream.linear.gather [hbm4b:s23+s4], $0x1400, $0x38;
	[tilespmem:$0x1E800] =	vst v63  }
0x249: {  	_ =	swait.ge [sflag:s10], $0x1400  }
0x24a: {  	[sflag:s10] =	ssyncset.done $0x0  }
0x24b: {  	[sflag:s10] =	ssyncadd.s32 $0xFFFFEC00  }
0x24c: {  	[tilespmem:s9], [sflag:$0x1] =	stream.indirect.gather [hbm4b:s0+s12], $0x80, s4, s12, $0xb8;
	[tilespmem:$0x1E800] =	vst v63  }
0x24d: {  	_ =	swait.ge [sflag:s13], $0x4000  }
0x24e: {  	[sflag:s13] =	ssyncset.done $0x0  }
0x24f: {  	[sflag:s13] =	ssyncadd.s32 $0xFFFFC000  }
0x250: {  	[tilespmem:s14], [sflag:$0x2] =	stream.indirect.gather [hbm4b:s0+s12], $0x80, s12, s12, $0xb8;
	[tilespmem:$0x1E800] =	vst v63  }
0x251: {  	_ = 	snop  }
0x252: {  	[spmem:s3] =	stream.indirect.scatter.add.f32 [tilespmem:s9], [sflag:$0x3], $0x80, s11, s12, $0xb8;
	[tilespmem:$0x1E800] =	vst v63  }
0x253: {  	_ =	swait.ge [sflag:s15], $0x4000  }
0x254: {  	[sflag:s15] =	ssyncset.done $0x0  }
0x255: {  	[sflag:s15] =	ssyncadd.s32 $0xFFFFC000  }
0x256: {  	_ =	swait.ge [sflag:s16], $0x4000  }
0x257: {  	[sflag:s16] =	ssyncset.done $0x0  }
0x258: {  	s24 =	simm.s32 $0x100;
	[sflag:s16] =	ssyncadd.s32 $0xFFFFC000  }
0x259: {  	[tilespmem:s9], [sflag:$0x1] =	stream.indirect.gather [hbm4b:s0+s12], $0x80, s24, s12, $0xb8;
	[tilespmem:$0x1E800] =	vst v63  }
0x25a: {  	s23 =	simm.s32 $0x1480  }
0x25b: {  	[spmem:s3] =	stream.indirect.scatter.add.f32 [tilespmem:s14], [sflag:$0x4], $0x80, s23, s12, $0xb8;
	[tilespmem:$0x1E800] =	vst v63  }
0x25c: {  	_ =	swait.ge [sflag:s17], $0x4000  }
0x25d: {  	[sflag:s17] =	ssyncset.done $0x0  }
0x25e: {  	[sflag:s17] =	ssyncadd.s32 $0xFFFFC000  }
0x25f: {  	_ =	swait.ge [sflag:s13], $0x4000  }
0x260: {  	s22 =	simm.s32 $0xFFFFB800;
	[sflag:s13] =	ssyncset.done $0x0  }
0x261: {  	s24 =	simm.s32 $0x180;
	s23 =	simm.s32 $0x1500;
	[sflag:s13] =	ssyncadd.s32 $0xFFFFC000  }
0x262: {  	[tilespmem:s14], [sflag:$0x2] =	stream.indirect.gather [hbm4b:s0+s12], $0x80, s24, s12, $0xb8;
	[tilespmem:$0x1E800] =	vst v63  }
.LBB2_16:
0x263: {  	[spmem:s3] =	stream.indirect.scatter.add.f32 [tilespmem:s9], [sflag:$0x3], $0x80, s23, s12, $0xb8;
	[tilespmem:$0x1E800] =	vst v63  }
0x264: {  	s23 =	smov.u32 s22  }
0x265: {  	p0 =	sne.s32 s22, $0xFFFFFC00;
	s22 =	sadd.s32 $0x400, s22;
	_ =	swait.ge [sflag:s15], $0x4000  }
0x266: {  	[sflag:s15] =	ssyncset.done $0x0  }
0x267: {  	[sflag:s15] =	ssyncadd.s32 $0xFFFFC000  }
0x268: {  	_ =	swait.ge [sflag:s16], $0x4000  }
0x269: {  	s23 =	sshra.s32 s23, $0x2;
	[sflag:s16] =	ssyncset.done $0x0  }
0x26a: {  	s24 =	sadd.s32 $0x1400, s23;
	[sflag:s16] =	ssyncadd.s32 $0xFFFFC000  }
0x26b: {  	[tilespmem:s9], [sflag:$0x1] =	stream.indirect.gather [hbm4b:s0+s12], $0x80, s24, s12, $0xb8;
	[tilespmem:$0x1E800] =	vst v63  }
0x26c: {  	s24 =	sadd.s32 $0x2780, s23  }
0x26d: {  	[spmem:s3] =	stream.indirect.scatter.add.f32 [tilespmem:s14], [sflag:$0x4], $0x80, s24, s12, $0xb8;
	[tilespmem:$0x1E800] =	vst v63  }
0x26e: {  	_ =	swait.ge [sflag:s17], $0x4000  }
0x26f: {  	[sflag:s17] =	ssyncset.done $0x0  }
0x270: {  	[sflag:s17] =	ssyncadd.s32 $0xFFFFC000  }
.Ltmp7:
0x271: {  	_ =	swait.ge [sflag:s13], $0x4000;
	(pc) =	sbr.rel @p0 .LBB2_16-.Ltmp7, $4  }
0x272: {  	[sflag:s13] =	ssyncset.done $0x0  }
0x273: {  	s24 =	sadd.s32 $0x1480, s23;
	[sflag:s13] =	ssyncadd.s32 $0xFFFFC000  }
0x274: {  	[tilespmem:s14], [sflag:$0x2] =	stream.indirect.gather [hbm4b:s0+s12], $0x80, s24, s12, $0xb8;
	[tilespmem:$0x1E800] =	vst v63  }
0x275: {  	s23 =	sadd.s32 $0x2800, s23  }
0x276: {  	[spmem:s3] =	stream.indirect.scatter.add.f32 [tilespmem:s9], [sflag:$0x3], $0x80, s23, s12, $0xb8;
	[tilespmem:$0x1E800] =	vst v63  }
0x277: {  	_ =	swait.ge [sflag:s15], $0x4000  }
0x278: {  	[sflag:s15] =	ssyncset.done $0x0  }
0x279: {  	[sflag:s15] =	ssyncadd.s32 $0xFFFFC000  }
0x27a: {  	_ =	swait.ge [sflag:s16], $0x4000  }
0x27b: {  	[sflag:s16] =	ssyncset.done $0x0  }
0x27c: {  	[sflag:s16] =	ssyncadd.s32 $0xFFFFC000  }
0x27d: {  	[spmem:s3] =	stream.indirect.scatter.add.f32 [tilespmem:s14], [sflag:$0x4], $0x80, s18, s12, $0xb8;
	[tilespmem:$0x1E800] =	vst v63  }
0x27e: {  	_ =	swait.ge [sflag:s17], $0x4000  }
0x27f: {  	[sflag:s17] =	ssyncset.done $0x0  }
0x280: {  	[sflag:s17] =	ssyncadd.s32 $0xFFFFC000  }
0x281: {  	[bflag:$0x0] =	sbarrier.arrive $0xFFFF  }
0x282: {  	[hbm:s30], [sflag:s20] =	dma.local [spmem:s21], $0x2800  }
0x283: {  	_ =	swait.ge [sflag:s10], $0x2800  }
0x284: {  	[sflag:s10] =	ssyncset.done $0x0  }
0x285: {  	[sflag:s10] =	ssyncadd.s32 $0xFFFFD800  }
0x286: {  	[bflag:$0x0] =	sbarrier.arrive $0xFFFF  }
0x287: {  	[tilespmem:s9], [sflag:$0x5] =	stream.linear.gather [hbm4b:s2+s4], $0x4000, $0x38;
	[tilespmem:$0x1E800] =	vst v63  }
0x288: {  	_ =	swait.ge [sflag:s10], $0x4000  }
0x289: {  	[sflag:s10] =	ssyncset.done $0x0  }
0x28a: {  	[sflag:s10] =	ssyncadd.s32 $0xFFFFC000  }
0x28b: {  	[spmem:s28] =	stream.linear.scatter [tilespmem:s9], [sflag:$0x5], $0x4000, $0x38;
	[tilespmem:$0x1E800] =	vst v63  }
0x28c: {  	_ =	swait.ge [sflag:s10], $0x4000  }
0x28d: {  	[sflag:s10] =	ssyncset.done $0x0  }
0x28e: {  	[sflag:s10] =	ssyncadd.s32 $0xFFFFC000  }
0x28f: {  	[spmem:s5] =	stream.linear.scatter [tilespmem:s9], [sflag:$0x5], $0x4000, $0x38;
	[tilespmem:$0x1E800] =	vst v63  }
0x290: {  	_ =	swait.ge [sflag:s10], $0x4000  }
0x291: {  	[sflag:s10] =	ssyncset.done $0x0  }
0x292: {  	[sflag:s10] =	ssyncadd.s32 $0xFFFFC000  }
0x293: {  	[spmem:s6] =	stream.linear.scatter [tilespmem:s9], [sflag:$0x5], $0x4000, $0x38;
	[tilespmem:$0x1E800] =	vst v63  }
0x294: {  	_ =	swait.ge [sflag:s10], $0x4000  }
0x295: {  	[sflag:s10] =	ssyncset.done $0x0  }
0x296: {  	[sflag:s10] =	ssyncadd.s32 $0xFFFFC000  }
0x297: {  	[spmem:s7] =	stream.linear.scatter [tilespmem:s9], [sflag:$0x5], $0x4000, $0x38;
	[tilespmem:$0x1E800] =	vst v63  }
0x298: {  	_ =	swait.ge [sflag:s10], $0x4000  }
0x299: {  	[sflag:s10] =	ssyncset.done $0x0  }
0x29a: {  	[sflag:s10] =	ssyncadd.s32 $0xFFFFC000  }
0x29b: {  	[spmem:s8] =	stream.linear.scatter [tilespmem:s9], [sflag:$0x5], $0x4000, $0x38;
	[tilespmem:$0x1E800] =	vst v63  }
0x29c: {  	_ =	swait.ge [sflag:s10], $0x4000  }
0x29d: {  	[sflag:s10] =	ssyncset.done $0x0  }
0x29e: {  	[sflag:s10] =	ssyncadd.s32 $0xFFFFC000  }
0x29f: {  	[bflag:$0x0] =	sbarrier.arrive $0xFFFF  }
0x2a0: {  	s22 =	rddreg [dreg:$0x12]  }
0x2a1: {  	[tilespmem:s4], [sflag:$0x5] =	stream.linear.gather [hbm4b:s22+s4], $0x1400, $0x38;
	[tilespmem:$0x1E800] =	vst v63  }
0x2a2: {  	_ =	swait.ge [sflag:s10], $0x1400  }
0x2a3: {  	[sflag:s10] =	ssyncset.done $0x0  }
0x2a4: {  	s23 =	rddreg [dreg:$0x15];
	[sflag:s10] =	ssyncadd.s32 $0xFFFFEC00  }
0x2a5: {  	[tilespmem:s11], [sflag:$0x5] =	stream.linear.gather [hbm4b:s23+s4], $0x1400, $0x38;
	[tilespmem:$0x1E800] =	vst v63  }
0x2a6: {  	_ =	swait.ge [sflag:s10], $0x1400  }
0x2a7: {  	[sflag:s10] =	ssyncset.done $0x0  }
0x2a8: {  	[sflag:s10] =	ssyncadd.s32 $0xFFFFEC00  }
0x2a9: {  	[tilespmem:s9], [sflag:$0x1] =	stream.indirect.gather [hbm4b:s0+s12], $0x80, s4, s12, $0xb8;
	[tilespmem:$0x1E800] =	vst v63  }
0x2aa: {  	_ =	swait.ge [sflag:s13], $0x4000  }
0x2ab: {  	[sflag:s13] =	ssyncset.done $0x0  }
0x2ac: {  	[sflag:s13] =	ssyncadd.s32 $0xFFFFC000  }
0x2ad: {  	[tilespmem:s14], [sflag:$0x2] =	stream.indirect.gather [hbm4b:s0+s12], $0x80, s12, s12, $0xb8;
	[tilespmem:$0x1E800] =	vst v63  }
0x2ae: {  	_ = 	snop  }
0x2af: {  	[spmem:s3] =	stream.indirect.scatter.add.f32 [tilespmem:s9], [sflag:$0x3], $0x80, s11, s12, $0xb8;
	[tilespmem:$0x1E800] =	vst v63  }
0x2b0: {  	_ =	swait.ge [sflag:s15], $0x4000  }
0x2b1: {  	[sflag:s15] =	ssyncset.done $0x0  }
0x2b2: {  	[sflag:s15] =	ssyncadd.s32 $0xFFFFC000  }
0x2b3: {  	_ =	swait.ge [sflag:s16], $0x4000  }
0x2b4: {  	[sflag:s16] =	ssyncset.done $0x0  }
0x2b5: {  	s24 =	simm.s32 $0x100;
	[sflag:s16] =	ssyncadd.s32 $0xFFFFC000  }
0x2b6: {  	[tilespmem:s9], [sflag:$0x1] =	stream.indirect.gather [hbm4b:s0+s12], $0x80, s24, s12, $0xb8;
	[tilespmem:$0x1E800] =	vst v63  }
0x2b7: {  	s23 =	simm.s32 $0x1480  }
0x2b8: {  	[spmem:s3] =	stream.indirect.scatter.add.f32 [tilespmem:s14], [sflag:$0x4], $0x80, s23, s12, $0xb8;
	[tilespmem:$0x1E800] =	vst v63  }
0x2b9: {  	_ =	swait.ge [sflag:s17], $0x4000  }
0x2ba: {  	[sflag:s17] =	ssyncset.done $0x0  }
0x2bb: {  	[sflag:s17] =	ssyncadd.s32 $0xFFFFC000  }
0x2bc: {  	_ =	swait.ge [sflag:s13], $0x4000  }
0x2bd: {  	s22 =	simm.s32 $0xFFFFB800;
	[sflag:s13] =	ssyncset.done $0x0  }
0x2be: {  	s24 =	simm.s32 $0x180;
	s23 =	simm.s32 $0x1500;
	[sflag:s13] =	ssyncadd.s32 $0xFFFFC000  }
0x2bf: {  	[tilespmem:s14], [sflag:$0x2] =	stream.indirect.gather [hbm4b:s0+s12], $0x80, s24, s12, $0xb8;
	[tilespmem:$0x1E800] =	vst v63  }
.LBB2_18:
0x2c0: {  	[spmem:s3] =	stream.indirect.scatter.add.f32 [tilespmem:s9], [sflag:$0x3], $0x80, s23, s12, $0xb8;
	[tilespmem:$0x1E800] =	vst v63  }
0x2c1: {  	s23 =	smov.u32 s22  }
0x2c2: {  	p0 =	sne.s32 s22, $0xFFFFFC00;
	s22 =	sadd.s32 $0x400, s22;
	_ =	swait.ge [sflag:s15], $0x4000  }
0x2c3: {  	[sflag:s15] =	ssyncset.done $0x0  }
0x2c4: {  	[sflag:s15] =	ssyncadd.s32 $0xFFFFC000  }
0x2c5: {  	_ =	swait.ge [sflag:s16], $0x4000  }
0x2c6: {  	s23 =	sshra.s32 s23, $0x2;
	[sflag:s16] =	ssyncset.done $0x0  }
0x2c7: {  	s24 =	sadd.s32 $0x1400, s23;
	[sflag:s16] =	ssyncadd.s32 $0xFFFFC000  }
0x2c8: {  	[tilespmem:s9], [sflag:$0x1] =	stream.indirect.gather [hbm4b:s0+s12], $0x80, s24, s12, $0xb8;
	[tilespmem:$0x1E800] =	vst v63  }
0x2c9: {  	s24 =	sadd.s32 $0x2780, s23  }
0x2ca: {  	[spmem:s3] =	stream.indirect.scatter.add.f32 [tilespmem:s14], [sflag:$0x4], $0x80, s24, s12, $0xb8;
	[tilespmem:$0x1E800] =	vst v63  }
0x2cb: {  	_ =	swait.ge [sflag:s17], $0x4000  }
0x2cc: {  	[sflag:s17] =	ssyncset.done $0x0  }
0x2cd: {  	[sflag:s17] =	ssyncadd.s32 $0xFFFFC000  }
.Ltmp8:
0x2ce: {  	_ =	swait.ge [sflag:s13], $0x4000;
	(pc) =	sbr.rel @p0 .LBB2_18-.Ltmp8, $4  }
0x2cf: {  	[sflag:s13] =	ssyncset.done $0x0  }
0x2d0: {  	s24 =	sadd.s32 $0x1480, s23;
	[sflag:s13] =	ssyncadd.s32 $0xFFFFC000  }
0x2d1: {  	[tilespmem:s14], [sflag:$0x2] =	stream.indirect.gather [hbm4b:s0+s12], $0x80, s24, s12, $0xb8;
	[tilespmem:$0x1E800] =	vst v63  }
0x2d2: {  	s23 =	sadd.s32 $0x2800, s23  }
0x2d3: {  	[spmem:s3] =	stream.indirect.scatter.add.f32 [tilespmem:s9], [sflag:$0x3], $0x80, s23, s12, $0xb8;
	[tilespmem:$0x1E800] =	vst v63  }
0x2d4: {  	_ =	swait.ge [sflag:s15], $0x4000  }
0x2d5: {  	[sflag:s15] =	ssyncset.done $0x0  }
0x2d6: {  	[sflag:s15] =	ssyncadd.s32 $0xFFFFC000  }
0x2d7: {  	_ =	swait.ge [sflag:s16], $0x4000  }
0x2d8: {  	[sflag:s16] =	ssyncset.done $0x0  }
0x2d9: {  	[sflag:s16] =	ssyncadd.s32 $0xFFFFC000  }
0x2da: {  	[spmem:s3] =	stream.indirect.scatter.add.f32 [tilespmem:s14], [sflag:$0x4], $0x80, s18, s12, $0xb8;
	[tilespmem:$0x1E800] =	vst v63  }
0x2db: {  	_ =	swait.ge [sflag:s17], $0x4000  }
0x2dc: {  	[sflag:s17] =	ssyncset.done $0x0  }
0x2dd: {  	s22 =	rddreg [dreg:$0x13];
	[sflag:s17] =	ssyncadd.s32 $0xFFFFC000  }
0x2de: {  	[tilespmem:s4], [sflag:$0x5] =	stream.linear.gather [hbm4b:s22+s4], $0x1400, $0x38;
	[tilespmem:$0x1E800] =	vst v63  }
0x2df: {  	_ =	swait.ge [sflag:s10], $0x1400  }
0x2e0: {  	[sflag:s10] =	ssyncset.done $0x0  }
0x2e1: {  	s23 =	rddreg [dreg:$0x16];
	[sflag:s10] =	ssyncadd.s32 $0xFFFFEC00  }
0x2e2: {  	[tilespmem:s11], [sflag:$0x5] =	stream.linear.gather [hbm4b:s23+s4], $0x1400, $0x38;
	[tilespmem:$0x1E800] =	vst v63  }
0x2e3: {  	_ =	swait.ge [sflag:s10], $0x1400  }
0x2e4: {  	[sflag:s10] =	ssyncset.done $0x0  }
0x2e5: {  	[sflag:s10] =	ssyncadd.s32 $0xFFFFEC00  }
0x2e6: {  	[tilespmem:s9], [sflag:$0x1] =	stream.indirect.gather [hbm4b:s0+s12], $0x80, s4, s12, $0xb8;
	[tilespmem:$0x1E800] =	vst v63  }
0x2e7: {  	_ =	swait.ge [sflag:s13], $0x4000  }
0x2e8: {  	[sflag:s13] =	ssyncset.done $0x0  }
0x2e9: {  	[sflag:s13] =	ssyncadd.s32 $0xFFFFC000  }
0x2ea: {  	[tilespmem:s14], [sflag:$0x2] =	stream.indirect.gather [hbm4b:s0+s12], $0x80, s12, s12, $0xb8;
	[tilespmem:$0x1E800] =	vst v63  }
0x2eb: {  	_ = 	snop  }
0x2ec: {  	[spmem:s3] =	stream.indirect.scatter.add.f32 [tilespmem:s9], [sflag:$0x3], $0x80, s11, s12, $0xb8;
	[tilespmem:$0x1E800] =	vst v63  }
0x2ed: {  	_ =	swait.ge [sflag:s15], $0x4000  }
0x2ee: {  	[sflag:s15] =	ssyncset.done $0x0  }
0x2ef: {  	[sflag:s15] =	ssyncadd.s32 $0xFFFFC000  }
0x2f0: {  	_ =	swait.ge [sflag:s16], $0x4000  }
0x2f1: {  	[sflag:s16] =	ssyncset.done $0x0  }
0x2f2: {  	s24 =	simm.s32 $0x100;
	[sflag:s16] =	ssyncadd.s32 $0xFFFFC000  }
0x2f3: {  	[tilespmem:s9], [sflag:$0x1] =	stream.indirect.gather [hbm4b:s0+s12], $0x80, s24, s12, $0xb8;
	[tilespmem:$0x1E800] =	vst v63  }
0x2f4: {  	s23 =	simm.s32 $0x1480  }
0x2f5: {  	[spmem:s3] =	stream.indirect.scatter.add.f32 [tilespmem:s14], [sflag:$0x4], $0x80, s23, s12, $0xb8;
	[tilespmem:$0x1E800] =	vst v63  }
0x2f6: {  	_ =	swait.ge [sflag:s17], $0x4000  }
0x2f7: {  	[sflag:s17] =	ssyncset.done $0x0  }
0x2f8: {  	[sflag:s17] =	ssyncadd.s32 $0xFFFFC000  }
0x2f9: {  	_ =	swait.ge [sflag:s13], $0x4000  }
0x2fa: {  	s22 =	simm.s32 $0xFFFFB800;
	[sflag:s13] =	ssyncset.done $0x0  }
0x2fb: {  	s24 =	simm.s32 $0x180;
	s23 =	simm.s32 $0x1500;
	[sflag:s13] =	ssyncadd.s32 $0xFFFFC000  }
0x2fc: {  	[tilespmem:s14], [sflag:$0x2] =	stream.indirect.gather [hbm4b:s0+s12], $0x80, s24, s12, $0xb8;
	[tilespmem:$0x1E800] =	vst v63  }
.LBB2_20:
0x2fd: {  	[spmem:s3] =	stream.indirect.scatter.add.f32 [tilespmem:s9], [sflag:$0x3], $0x80, s23, s12, $0xb8;
	[tilespmem:$0x1E800] =	vst v63  }
0x2fe: {  	s23 =	smov.u32 s22  }
0x2ff: {  	p0 =	sne.s32 s22, $0xFFFFFC00;
	s22 =	sadd.s32 $0x400, s22;
	_ =	swait.ge [sflag:s15], $0x4000  }
0x300: {  	[sflag:s15] =	ssyncset.done $0x0  }
0x301: {  	[sflag:s15] =	ssyncadd.s32 $0xFFFFC000  }
0x302: {  	_ =	swait.ge [sflag:s16], $0x4000  }
0x303: {  	s23 =	sshra.s32 s23, $0x2;
	[sflag:s16] =	ssyncset.done $0x0  }
0x304: {  	s24 =	sadd.s32 $0x1400, s23;
	[sflag:s16] =	ssyncadd.s32 $0xFFFFC000  }
0x305: {  	[tilespmem:s9], [sflag:$0x1] =	stream.indirect.gather [hbm4b:s0+s12], $0x80, s24, s12, $0xb8;
	[tilespmem:$0x1E800] =	vst v63  }
0x306: {  	s24 =	sadd.s32 $0x2780, s23  }
0x307: {  	[spmem:s3] =	stream.indirect.scatter.add.f32 [tilespmem:s14], [sflag:$0x4], $0x80, s24, s12, $0xb8;
	[tilespmem:$0x1E800] =	vst v63  }
0x308: {  	_ =	swait.ge [sflag:s17], $0x4000  }
0x309: {  	[sflag:s17] =	ssyncset.done $0x0  }
0x30a: {  	[sflag:s17] =	ssyncadd.s32 $0xFFFFC000  }
.Ltmp9:
0x30b: {  	_ =	swait.ge [sflag:s13], $0x4000;
	(pc) =	sbr.rel @p0 .LBB2_20-.Ltmp9, $4  }
0x30c: {  	[sflag:s13] =	ssyncset.done $0x0  }
0x30d: {  	s24 =	sadd.s32 $0x1480, s23;
	[sflag:s13] =	ssyncadd.s32 $0xFFFFC000  }
0x30e: {  	[tilespmem:s14], [sflag:$0x2] =	stream.indirect.gather [hbm4b:s0+s12], $0x80, s24, s12, $0xb8;
	[tilespmem:$0x1E800] =	vst v63  }
0x30f: {  	s23 =	sadd.s32 $0x2800, s23  }
0x310: {  	[spmem:s3] =	stream.indirect.scatter.add.f32 [tilespmem:s9], [sflag:$0x3], $0x80, s23, s12, $0xb8;
	[tilespmem:$0x1E800] =	vst v63  }
0x311: {  	_ =	swait.ge [sflag:s15], $0x4000  }
0x312: {  	[sflag:s15] =	ssyncset.done $0x0  }
0x313: {  	[sflag:s15] =	ssyncadd.s32 $0xFFFFC000  }
0x314: {  	_ =	swait.ge [sflag:s16], $0x4000  }
0x315: {  	[sflag:s16] =	ssyncset.done $0x0  }
0x316: {  	[sflag:s16] =	ssyncadd.s32 $0xFFFFC000  }
0x317: {  	[spmem:s3] =	stream.indirect.scatter.add.f32 [tilespmem:s14], [sflag:$0x4], $0x80, s18, s12, $0xb8;
	[tilespmem:$0x1E800] =	vst v63  }
0x318: {  	_ =	swait.ge [sflag:s17], $0x4000  }
0x319: {  	[sflag:s17] =	ssyncset.done $0x0  }
0x31a: {  	s19 =	sadd.s32 $0x1, s19;
	[sflag:s17] =	ssyncadd.s32 $0xFFFFC000  }
0x31b: {  	p0 =	sne.s32 s19, s1;
	[bflag:$0x0] =	sbarrier.arrive $0xFFFF  }
0x31c: {  	[hbm:s31], [sflag:s20] =	dma.local [spmem:s21], $0x2800  }
.Ltmp10:
0x31d: {  	_ =	swait.ge [sflag:s10], $0x2800;
	(pc) =	sbr.rel @p0 .LBB2_1-.Ltmp10, $3  }
0x31e: {  	[sflag:s10] =	ssyncset.done $0x0  }
0x31f: {  	[sflag:s10] =	ssyncadd.s32 $0xFFFFD800  }
0x320: {  	[bflag:$0x0] =	sbarrier.arrive $0xFFFF;
	_ =	sdelay $0x1  }
0x321: {  	_ =	sfence.sel $0x180000  }
0x322: {  	[bflag:$0x0] =	sbarrier.arrive $0xFFFF  }
0x323: {  	_ =	strace $0x9000004D  }
0x324: {  	s0 =	stileid.u32;
	[bflag:$0x2] =	sbarrier.arrive $0xFFFF  }
0x325: {  	p0 =	sne.s32 s0, $0x0;
	s0 =	rddreg [dreg:$0x2]  }
0x326: {  	s0 =	sadd.s32 @!p0 $0x100000, s0  }
0x327: {  	[sflag:s0] =	ssyncadd.tile.s32 @!p0 $0x1;
	_ =	shalt  }
.Lfunc_end2:
_tile_overlayer_lowered:
.L_overlay_start_2:
0x328: {  	(tag) =	ssettag $0x2  }
0x329: {  	s0 =	rddreg [dreg:$0x0];
	s2 =	stileid.u32  }
0x32a: {  	s1 =	rddreg [dreg:$0x1];
	p0 =	sne.s32 s2, $0x0  }
0x32b: {  	s3 =	rddreg [dreg:$0x2];
	[bflag:$0x3] =	sbarrier.arrive $0xFFFF;
	s2 =	simm.s32 @!p0 $0x1C05  }
0x32c: {  	[timem:s3], [sflag:s2] =	dma.local @!p0 [hbm:s0], s1  }
0x32d: {  	s0 =	simm.s32 @!p0 $0x5  }
0x32e: {  	_ =	swait.ge @!p0 [sflag:s0], s1  }
0x32f: {  	s1 =	ssub.s32 @!p0 $0x0, s1;
	[sflag:s0] =	ssyncset.done @!p0 $0x0  }
0x330: {  	[sflag:s0] =	ssyncadd.s32 @!p0 s1  }
0x331: {  	[bflag:$0x3] =	sbarrier.arrive $0xFFFF  }
0x332: {  	_ =	shalt  }

// kernel: sparse-core-data-format-call.cloned.1.call-start
scs
called_computation_lowered:
.L_overlay_start_0:
0x0: {  	s1 =	sld [smem:$0x3FD9]  }
0x1: {  	s2 =	sld [smem:$0x3FFE];
	_ =	sdelay $0x1  }
0x2: {  	s3 =	srdreg.scid  }
0x3: {  	s0 =	sand.u32 $0x1, s3  }
0x4: {  	s17 =	sshll.u32 s0, $0xA;
	s1 =	sadd.s32 s2, s1  }
0x5: {  	s1 =	sadd.s32 s1, s17  }
0x6: {  	[smem:$0x3FC2] =	sst s1  }
0x7: {  	_ = 	snop  }
0x8: {  	(tm) =	ssettm $0x1  }
0x9: {  	s18 =	sld [smem:$0x3FFB];
	_ =	sdelay $0x3  }
0xa: {  	_ =	strace s18  }
0xb: {  	s1 =	sld [smem:$0x3FFC];
	_ =	sdelay $0x3  }
0xc: {  	_ =	strace s1  }
0xd: {  	s1 =	sld [smem:$0x3FFD];
	_ =	sdelay $0x3  }
0xe: {  	_ =	strace s1  }
0xf: {  	_ =	strace $0x8FFFFFFF  }
0x10: {  	s19 =	sld [smem:$0x3FDB];
	_ =	sdelay $0x1  }
0x11: {  	s20 =	simm.s32 $_scs_section_size  }
0x12: {  	s4 =	simm.s32 $_size__tile_overlayer_lowered;
	s5 =	simm.s32 $_tile_overlayer_lowered  }
0x13: {  	s23 =	simm.s32 $0x1BFF;
	s22 =	sshll.u32 s5, $0x1;
	s1 =	sadd.s32 s20, s19  }
0x14: {  	s6 =	simm.s32 $0x0;
	s21 =	sshll.u32 s4, $0x1;
	s4 =	sadd.s32 s22, s1  }
0x15: {  	[timem:s6], [sflag:s23] =	dma.local [hbm:s4], s21  }
0x16: {  	_ =	swait.ge [sflag:s23], s21  }
0x17: {  	s2 =	ssub.s32 $0x0, s21;
	[sflag:s23] =	ssyncset.done $0x0  }
0x18: {  	[sflag:s23] =	ssyncadd.s32 s2;
	_ =	sdelay $0x1  }
0x19: {  	s24 =	simm.s32 $0x1B8B  }
0x1a: {  	_ =	swait.ge [sflag:s24], $0x1  }
0x1b: {  	[sflag:s24] =	ssyncset.done $0x0  }
0x1c: {  	s26 =	simm.s32 $0x1B8E;
	s25 =	sld [smem:$0x3FFE];
	[sflag:s24] =	ssyncadd.s32 $0xFFFFFFFF  }
0x1d: {  	s27 =	simm.s32 $execute0_lowered;
	[smem:$0x3FD2] =	sst s26  }
0x1e: {  	s4 =	sshll.u32 s27, $0x1;
	_ =	strace $0x80000049;
	[dreg:$0x1] =	wrdreg $0xFFFFFFFF  }
0x1f: {  	s28 =	simm.s32 $_size_execute0_lowered;
	s1 =	sadd.s32 s1, s4;
	[dreg:$0x0] =	wrdreg $0x0  }
0x20: {  	s4 =	sshll.u32 s28, $0x1;
	[dreg:$0x2] =	wrdreg s1  }
0x21: {  	[dreg:$0x3] =	wrdreg s4  }
0x22: {  	[dreg:$0x4] =	wrdreg $0xC0  }
0x23: {  	_ =	task [dreg:s6], $0x5FFFF  }
0x24: {  	[dreg:$0x1] =	wrdreg $0xFFFFFFFF  }
0x25: {  	[dreg:$0x0] =	wrdreg $0x60  }
0x26: {  	[dreg:$0x2] =	wrdreg s25  }
0x27: {  	[dreg:$0x3] =	wrdreg $0x9  }
0x28: {  	_ =	task.clear_ibuf [dreg:s6], $0x4FFFF;
	_ =	strace $0x90000049  }
0x29: {  	s29 =	simm.s32 $0x9;
	_ =	strace $0x8000004B  }
0x2a: {  	_ =	swait.ge [sflag:s29], $0x1  }
0x2b: {  	[sflag:s29] =	ssyncadd.s32 $0xFFFFFFFF  }
0x2c: {  	_ =	strace $0x9000004B  }
0x2d: {  	_ =	sfence  }
0x2e: {  	s30 =	sld [smem:$0x0];
	_ =	sdelay $0x2  }
0x2f: {  	s31 =	sshll.u32 s3, $0xD;
	s3 =	sshrl.u32 s3, $0x2  }
0x30: {  	s2 =	sand.u32 $0x4000, s31;
	s1 =	sadd.s32 s3, s30  }
0x31: {  	s0 =	sor.u32 s2, s0;
	s1 =	sshll.u32 s1, $0x11  }
0x32: {  	s0 =	sor.u32 s1, s0  }
0x33: {  	s0 =	sadd.s32 $0x8F2B, s0  }
0x34: {  	[sflag:s0] =	ssyncadd.remote.s32 $0x1  }
0x35: {  	_ =	sfence.sel $0xFFFF  }
0x36: {  	[dreg:$0x0] =	wrdreg $0xFFFFFFFF;
	(pc) =	sbr.abs _section_cstart, $3  }
0x37: {  	[dreg:$0x1] =	wrdreg $0xFFFFFFFF  }
0x38: {  	_ =	task.clear_ibuf [dreg:s6], $0x2FFFF;
	_ =	strace $0x9FFFFFFF  }
0x39: {  	(tm) =	ssettm $0x7FFFFFFF  }
tec
execute0_lowered:
.L_overlay_start_1:
0x0: {  	(tag) =	ssettag $0x1  }
0x1: {  	s2 =	stileid.u32  }
0x2: {  	s0 =	srdreg.scid;
	s28 =	rddreg [dreg:$0x0]  }
0x3: {  	_ =	strace $0x8000004A;
	s29 =	simm.s32 $0x1;
	s30 =	simm.s32 $0x2  }
0x4: {  	s17 =	simm.s32 $0x0;
	s1 =	sshll.u32 s2, $0x6;
	s0 =	sshll.u32 s0, $0xA  }
0x5: {  	s19 =	simm.s32 $0x0;
	s18 =	simm.s32 $0x0;
	s0 =	sor.u32 s1, s0  }
0x6: {  	s10 =	simm.s32 $0x0;
	s8 =	sand.u32 $0x1, s2;
	s20 =	sand.u32 $0x780, s0  }
0x7: {  	s11 =	simm.s32 $0x0;
	s26 =	ssub.s32 $0x2, s8;
	s27 =	ssub.s32 $0x2700, s20  }
0x8: {  	s4 =	sshrl.u32 s26, $0x1;
	s0 =	sand.u32 $0x1, s26;
	s2 =	sshrl.u32 s27, $0xB  }
0x9: {  	s31 =	sadd.s32 $0x1FBC00, s28;
	s0 =	sadd.s32 s0, s4;
	s2 =	sadd.s32 $0x1, s2  }
0xa: {  	s13 =	simm.s32 $0x0;
	[dreg:$0x6] =	wrdreg s31;
	s0 =	smul.u32 s2, s0  }
.Ltmp0:
0xb: {  	s22 =	sadd.s32 $0x75200, s28;
	[dreg:$0x2] =	wrdreg s8;
	(pc) =	sbr.rel .LBB1_1-.Ltmp0, $4  }
0xc: {  	s14 =	simm.s32 $0x0;
	[dreg:$0x5] =	wrdreg s22;
	s21 =	smul.u32 $0x5, s0  }
0xd: {  	s16 =	simm.s32 $0x0;
	[sflag:s29] =	ssyncpa.u1 $0x0;
	[dreg:$0x3] =	wrdreg s20  }
0xe: {  	[sflag:s30] =	ssyncpa.u1 $0x0;
	s23 =	sadd.s32 $0x1, s21;
	[dreg:$0x4] =	wrdreg s21  }
0xf: {  	s15 =	smov.u32 s8;
	s12 =	smov.u32 s20;
	[dreg:$0x7] =	wrdreg s23  }
.LBB1_11:
0x10: {  	s0 =	sand.u32 $0x1FFFFFF, s10  }
0x11: {  	s1 =	smulhi.u32 $0x1A36E2F, s0;
	_ =	sdelay $0x1  }
0x12: {  	s2 =	smul.u32 $0x27100, s13;
	s29 =	rddreg [dreg:$0x6];
	s1 =	sshrl.u32 s1, $0x6  }
0x13: {  	s30 =	rddreg [dreg:$0x8];
	s1 =	smul.u32 $0x2710, s1  }
0x14: {  	s3 =	smul.u32 $0x4E200, s11;
	s31 =	simm.s32 $0x0;
	s8 =	rddreg [dreg:$0x2]  }
0x15: {  	s21 =	rddreg [dreg:$0x4];
	s0 =	ssub.s32 s0, s1;
	s1 =	sadd.s32 s29, s2  }
0x16: {  	s22 =	rddreg [dreg:$0x5];
	s0 =	sshll.u32 s0, $0x4;
	s1 =	sadd.s32 s3, s1  }
0x17: {  	s23 =	rddreg [dreg:$0x7];
	s2 =	sor.u32 $0x8000, s30;
	s0 =	sadd.s32 s0, s1  }
0x18: {  	[hbm4b:s0+s31] =	stream.linear.scatter [tilespmem:s2], [sflag:$0x2], s20, $0x38;
	[tilespmem:$0x10000] =	vst v63  }
0x19: {  	s20 =	rddreg [dreg:$0x3]  }
.LBB1_12:
0x1a: {  	p0 =	slt.u32 s16, $0x2  }
0x1b: {  	p1 =	sgt.s32 @!p0 s19, $0x4  }
0x1c: {  	s0 =	smov.u32 s19;
	s1 =	sshra.s32 @!p0 s19, $0x1F;
	p1 =	por !p1, p0  }
0x1d: {  	s3 =	smov.u32 s17;
	s1 =	sand.u32 @!p0 s1, s19;
	s0 =	simm.s32 @p1 $0x4  }
0x1e: {  	p2 =	sgt.s32 @!p0 s18, $0x1;
	s2 =	sshra.s32 @!p0 s18, $0x1F;
	s0 =	ssub.s32 @!p0 s0, s1  }
0x1f: {  	s4 =	sshra.s32 @!p0 s17, $0x1F;
	p2 =	por !p2, p0;
	s1 =	sadd.s32 @!p0 $0xFFFFFFFC, s0  }
0x20: {  	s2 =	sand.u32 @!p0 s2, s18;
	p1 =	sgt.s32 @!p0 s1, $0x0;
	s1 =	smov.u32 s18  }
0x21: {  	s2 =	sxor.u32 @!p0 $0xFFFFFFFF, s2;
	s1 =	simm.s32 @p2 $0x1;
	p2 =	sgt.s32 @!p0 s17, $0x2690  }
0x22: {  	s0 =	ssub.s32 @!p0 $0x5, s0;
	p1 =	por !p1, p0;
	p2 =	por !p2, p0  }
0x23: {  	s1 =	sadd.s32 @!p0 s2, s1;
	s2 =	sand.u32 @!p0 s4, s17;
	s3 =	simm.s32 @p2 $0x2690  }
0x24: {  	p2 =	sgt.s32 @!p0 s1, $0x0;
	s1 =	sshll.u32 @!p0 s1, $0x7;
	s2 =	ssub.s32 @!p0 s3, s2  }
0x25: {  	s1 =	ssub.s32 @!p0 $0x80, s1;
	p2 =	por !p2, p0;
	s3 =	sadd.s32 @!p0 $0xFFFFD970, s2  }
0x26: {  	s0 =	simm.s32 @!p1 $0x0;
	s1 =	simm.s32 @!p2 $0x0;
	p1 =	sgt.s32 @!p0 s3, $0x7F  }
0x27: {  	s2 =	ssub.s32 @!p0 $0x2710, s2;
	s0 =	smul.u32 @!p0 s0, s1;
	p1 =	por !p1, p0  }
0x28: {  	s1 =	sadd.s32 $0x800, s12;
	s2 =	simm.s32 @!p1 $0x0  }
0x29: {  	p1 =	sgt.s32 s1, $0x270F;
	s0 =	smul.u32 @!p0 s2, s0;
	s2 =	simm.s32 $0x1  }
0x2a: {  	s2 =	simm.s32 @!p1 $0x0  }
0x2b: {  	s2 =	sadd.s32 s2, s14  }
0x2c: {  	s5 =	smov.u32 s15;
	s4 =	sadd.s32 $0x2, s15;
	p2 =	sgt.s32 s2, $0x4  }
0x2d: {  	s19 =	smov.u32 s11;
	s5 =	smov.u32 @p2 s4  }
0x2e: {  	s11 =	smov.u32 s14;
	s1 =	smov.u32 @p1 s20;
	p1 =	sgt.s32 s5, $0x1  }
0x2f: {  	s18 =	smov.u32 s13;
	s5 =	smov.u32 @p1 s8;
	p1 =	sne.s32 s16, s23  }
.Ltmp1:
0x30: {  	s3 =	simm.s32 @!p0 $0x2;
	s0 =	sand.u32 @!p0 $0x3FFFFF80, s0;
	(pc) =	sbr.rel @!p1 .LBB1_13-.Ltmp1, $4  }
0x31: {  	s13 =	smov.u32 s15;
	s17 =	smov.u32 s10;
	_ =	swait.ge @!p0 [sflag:s3], s0  }
0x32: {  	s10 =	smov.u32 s12;
	s0 =	ssub.s32 @!p0 $0x0, s0;
	[sflag:s3] =	ssyncset.done @!p0 $0x0  }
0x33: {  	s12 =	smov.u32 s1;
	s2 =	simm.s32 @p2 $0x0;
	[sflag:s3] =	ssyncadd.s32 @!p0 s0  }
0x34: {  	s14 =	smov.u32 s2;
	s16 =	sadd.s32 $0x1, s16;
	s15 =	smov.u32 s5  }
.LBB1_1:
0x35: {  	p0 =	sge.u32 s16, s21;
	s4 =	smov.u32 s15;
	s7 =	smov.u32 s14  }
0x36: {  	s31 =	sadd.s32 $0xFFFFFFFF, s16;
	s0 =	sand.u32 @!p0 $0x1FFFFFF, s12;
	p1 =	sgt.s32 @!p0 s15, $0x1  }
0x37: {  	s6 =	sshra.s32 @!p0 s15, $0x1F;
	s9 =	sshra.s32 @!p0 s14, $0x1F;
	s2 =	smulhi.u32 @!p0 $0x1A36E2F, s0  }
0x38: {  	p1 =	por !p1, p0;
	s6 =	sand.u32 @!p0 s6, s15;
	s9 =	sand.u32 @!p0 s9, s14  }
0x39: {  	s4 =	simm.s32 @p1 $0x1;
	p1 =	sgt.s32 @!p0 s14, $0x4;
	s6 =	sxor.u32 @!p0 $0xFFFFFFFF, s6  }
0x3a: {  	s2 =	sshrl.u32 @!p0 s2, $0x6;
	p1 =	por !p1, p0;
	s4 =	sadd.s32 @!p0 s6, s4  }
0x3b: {  	s2 =	smul.u32 @!p0 $0x2710, s2;
	s7 =	simm.s32 @p1 $0x4;
	p1 =	sgt.s32 @!p0 s12, $0x2690  }
0x3c: {  	p2 =	sgt.s32 @!p0 s4, $0x0;
	s4 =	sshll.u32 @!p0 s4, $0x7;
	s6 =	ssub.s32 @!p0 s7, s9  }
0x3d: {  	p1 =	por !p1, p0;
	s7 =	smov.u32 s12;
	s9 =	sadd.s32 @!p0 $0xFFFFFFFC, s6  }
0x3e: {  	s7 =	simm.s32 @p1 $0x2690;
	p1 =	sgt.s32 @!p0 s9, $0x0;
	s9 =	sshra.s32 @!p0 s12, $0x1F  }
0x3f: {  	s4 =	ssub.s32 @!p0 $0x80, s4;
	p2 =	por !p2, p0;
	s9 =	sand.u32 @!p0 s9, s12  }
0x40: {  	s6 =	ssub.s32 @!p0 $0x5, s6;
	p1 =	por !p1, p0;
	s7 =	ssub.s32 @!p0 s7, s9  }
0x41: {  	s4 =	simm.s32 @!p2 $0x0;
	s6 =	simm.s32 @!p1 $0x0;
	s9 =	sadd.s32 @!p0 $0xFFFFD970, s7  }
0x42: {  	s0 =	ssub.s32 @!p0 s0, s2;
	s4 =	smul.u32 @!p0 s6, s4;
	p1 =	sgt.s32 @!p0 s9, $0x7F  }
0x43: {  	s6 =	ssub.s32 @!p0 $0x2710, s7;
	s7 =	smul.u32 @!p0 $0xC3500, s15;
	p1 =	por !p1, p0  }
0x44: {  	s2 =	smul.u32 @!p0 $0x27100, s14;
	s9 =	sxor.u32 @!p0 $0xFFFFFFFF, s16;
	s6 =	simm.s32 @!p1 $0x0  }
0x45: {  	s9 =	sshll.u32 @!p0 s9, $0xE;
	s4 =	smul.u32 @!p0 s6, s4;
	s6 =	sadd.s32 @!p0 s22, s7  }
0x46: {  	s0 =	sshll.u32 @!p0 s0, $0x4;
	s7 =	sand.u32 @!p0 $0x4000, s9;
	s2 =	sadd.s32 @!p0 s2, s6  }
0x47: {  	s4 =	sand.u32 @!p0 $0x3FFFFF80, s4;
	s0 =	sadd.s32 @!p0 s0, s2;
	s2 =	simm.s32 @!p0 $0x0  }
0x48: {  	[tilespmem:s7], [sflag:$0x1] =	stream.linear.gather @!p0 [hbm4b:s0+s2], s4, $0x38;
	[tilespmem:$0x10000] =	vst v63  }
0x49: {  	p0 =	sge.u32 s31, s21  }
.Ltmp2:
0x4a: {  	_ = 	snop;
	(pc) =	sbr.rel @p0 .LBB1_12-.Ltmp2, $1  }
0x4b: {  	_ =	sdelay $0x3  }
0x4c: {  	s0 =	sshra.s32 s13, $0x1F  }
0x4d: {  	p0 =	sgt.s32 s13, $0x1;
	s2 =	smov.u32 s13;
	p1 =	sgt.s32 s11, $0x4  }
0x4e: {  	s4 =	sshra.s32 s11, $0x1F;
	s6 =	sshra.s32 s10, $0x1F;
	s0 =	sand.u32 s0, s13  }
0x4f: {  	s2 =	simm.s32 @!p0 $0x1;
	s4 =	sand.u32 s4, s11;
	s0 =	sxor.u32 $0xFFFFFFFF, s0  }
0x50: {  	s6 =	sand.u32 s6, s10;
	s0 =	sadd.s32 s0, s2;
	s2 =	smov.u32 s11  }
0x51: {  	p0 =	sgt.s32 s0, $0x0;
	s2 =	simm.s32 @!p1 $0x4;
	p1 =	sgt.s32 s10, $0x2690  }
0x52: {  	s0 =	sshll.u32 s0, $0x7;
	s2 =	ssub.s32 s2, s4;
	s4 =	smov.u32 s10  }
0x53: {  	s0 =	ssub.s32 $0x80, s0;
	s7 =	sadd.s32 $0xFFFFFFFC, s2;
	s4 =	simm.s32 @!p1 $0x2690  }
0x54: {  	s2 =	ssub.s32 $0x5, s2;
	p1 =	sgt.s32 s7, $0x0;
	s4 =	ssub.s32 s4, s6  }
0x55: {  	s0 =	simm.s32 @p0 $0x0;
	s6 =	sadd.s32 $0xFFFFD970, s4;
	s2 =	simm.s32 @p1 $0x0  }
0x56: {  	s4 =	ssub.s32 $0x2710, s4;
	s0 =	smul.u32 s2, s0;
	s2 =	sadd.s32 $0x1, s13  }
0x57: {  	p1 =	sgt.s32 s6, $0x7F;
	s6 =	sadd.s32 $0x1, s11;
	p0 =	slt.s32 s2, $0x2  }
0x58: {  	s4 =	simm.s32 @p1 $0x0;
	s2 =	simm.s32 @!p0 $0x2;
	p0 =	slt.s32 s6, $0x5  }
0x59: {  	s21 =	ssub.s32 s2, s13;
	s6 =	simm.s32 @!p0 $0x5;
	s2 =	sadd.s32 $0x80, s10  }
0x5a: {  	s22 =	ssub.s32 s6, s11;
	p1 =	slt.s32 s2, $0x2710;
	p0 =	slt.s32 s21, $0x1  }
0x5b: {  	s2 =	simm.s32 @!p1 $0x2710;
	p1 =	slt.s32 @!p0 s22, $0x1  }
0x5c: {  	s24 =	ssub.s32 s2, s10;
	p1 =	por p0, p1  }
0x5d: {  	p2 =	slt.s32 @!p1 s24, $0x1  }
0x5e: {  	s0 =	smul.u32 s4, s0;
	p1 =	por p1, p2  }
.Ltmp3:
0x5f: {  	_ = 	snop;
	(pc) =	sbr.rel @p1 .LBB1_11-.Ltmp3, $4  }
0x60: {  	s1 =	simm.s32 $0x1;
	s20 =	sand.u32 $0x3FFFFF80, s0  }
0x61: {  	s30 =	sshll.u32 s16, $0xE;
	_ =	swait.ge [sflag:s1], s20  }
0x62: {  	s31 =	sand.u32 $0x4000, s30;
	s0 =	ssub.s32 $0x0, s20;
	[sflag:s1] =	ssyncset.done $0x0  }
0x63: {  	[dreg:$0x8] =	wrdreg s31;
	[sflag:s1] =	ssyncadd.s32 s0  }
0x64: {  	s1 =	rddreg [dreg:$0x8]  }
0x65: {  	s0 =	sor.u32 @!p0 $0x8000, s1  }
.Ltmp4:
0x66: {  	v0 =	vmov s1;
	v1 =	vmov @!p0 s0;
	(pc) =	sbr.rel .LBB1_4-.Ltmp4, $2  }
0x67: {  	_ =	sdelay $0x2  }
0x68: {  	s25 =	simm.s32 $0x0  }
.LBB1_10:
0x69: {  	s25 =	sadd.s32 $0x1, s25  }
0x6a: {  	p0 =	sne.s32 s25, s21  }
.Ltmp5:
0x6b: {  	_ = 	snop;
	(pc) =	sbr.rel @!p0 .LBB1_11-.Ltmp5, $1  }
0x6c: {  	_ =	sdelay $0x3  }
.LBB1_4:
0x6d: {  	s26 =	simm.s32 $0x0  }
.LBB1_5:
0x6e: {  	p1 =	sne.s32 s24, $0x1  }
.Ltmp6:
0x6f: {  	_ = 	snop;
	(pc) =	sbr.rel @!p1 .LBB1_6-.Ltmp6, $3  }
0x70: {  	_ =	sdelay $0x1  }
0x71: {  	s0 =	sadd.s32 s25, s26;
	s31 =	simm.s32 $0x0;
	s4 =	sadd.s32 $0xFFFFFFFF, s24  }
0x72: {  	p0 =	por $0x0, $0x0;
	s27 =	sshll.u32 s0, $0xE;
	s6 =	sand.u32 $0x3F80, s31  }
0x73: {  	_ =	sdelay $0x2  }
0x74: {  	s8 =	sor.u32 s27, s6  }
0x75: {  	v7 =	vld.idx.msk [tilespmem:v0+s8+$0x0 ss:$0x1], $0xffff;
	s30 =	sor.u32 $0x70, s8  }
0x76: {  	p1 =	sne.s32 s4, $0x1;
	s29 =	sor.u32 $0x10, s8;
	v4 =	vld.idx.msk [tilespmem:v0+s30+$0x0 ss:$0x1], $0xffff  }
.Ltmp7:
0x77: {  	s31 =	sor.u32 $0x20, s8;
	v3 =	vld.idx.msk [tilespmem:v0+s29+$0x0 ss:$0x1], $0xffff;
	(pc) =	sbr.rel @!p1 .LBB1_9-.Ltmp7, $4  }
0x78: {  	s9 =	sor.u32 $0x30, s8;
	v2 =	vld.idx.msk [tilespmem:v0+s31+$0x0 ss:$0x1], $0xffff  }
0x79: {  	s2 =	sor.u32 $0x40, s8;
	v5 =	vld.idx.msk [tilespmem:v0+s9+$0x0 ss:$0x1], $0xffff  }
0x7a: {  	s7 =	simm.s32 $0x80;
	s4 =	sadd.s32 $0xFFFFFFFF, s4;
	s0 =	sor.u32 $0x50, s8;
	v6 =	vld.idx.msk [tilespmem:v0+s2+$0x0 ss:$0x1], $0xffff  }
0x7b: {  	p0 =	por $0x1, $0x1;
	s28 =	sor.u32 $0x60, s8;
	s6 =	sand.u32 $0x3F80, s7;
	[tilespmem:v1+s8+$0x0 ss:$0x1] =	vst.idx.msk $0xffff, v7;
	v7 =	vld.idx.msk [tilespmem:v0+s0+$0x0 ss:$0x1], $0xffff  }
.LBB1_8:
0x7c: {  	p1 =	sne.s32 s4, $0x1;
	s8 =	sor.u32 s27, s6;
	v8 =	vld.idx.msk [tilespmem:v0+s28+$0x0 ss:$0x1], $0xffff;
	[tilespmem:v1+s30+$0x0 ss:$0x1] =	vst.idx.msk $0xffff, v4  }
0x7d: {  	v9 =	vld.idx.msk [tilespmem:v0+s8+$0x0 ss:$0x1], $0xffff;
	s6 =	sor.u32 $0x20, s8;
	s30 =	sor.u32 $0x70, s8;
	[tilespmem:v1+s29+$0x0 ss:$0x1] =	vst.idx.msk $0xffff, v3;
	s29 =	sor.u32 $0x10, s8  }
0x7e: {  	s1 =	sor.u32 $0x30, s8;
	s3 =	sor.u32 $0x40, s8;
	s5 =	sor.u32 $0x50, s8;
	v4 =	vld.idx.msk [tilespmem:v0+s30+$0x0 ss:$0x1], $0xffff;
	[tilespmem:v1+s31+$0x0 ss:$0x1] =	vst.idx.msk $0xffff, v2  }
.Ltmp8:
0x7f: {  	s23 =	sor.u32 $0x60, s8;
	s31 =	smov.u32 s6;
	v3 =	vld.idx.msk [tilespmem:v0+s29+$0x0 ss:$0x1], $0xffff;
	[tilespmem:v1+s9+$0x0 ss:$0x1] =	vst.idx.msk $0xffff, v5;
	(pc) =	sbr.rel @p1 .LBB1_8-.Ltmp8, $4  }
0x80: {  	s9 =	smov.u32 s1;
	v2 =	vld.idx.msk [tilespmem:v0+s31+$0x0 ss:$0x1], $0xffff;
	[tilespmem:v1+s2+$0x0 ss:$0x1] =	vst.idx.msk $0xffff, v6;
	s2 =	smov.u32 s3  }
0x81: {  	v5 =	vld.idx.msk [tilespmem:v0+s9+$0x0 ss:$0x1], $0xffff;
	[tilespmem:v1+s0+$0x0 ss:$0x1] =	vst.idx.msk $0xffff, v7;
	s0 =	smov.u32 s5  }
0x82: {  	s7 =	sadd.s32 $0x80, s7;
	v6 =	vld.idx.msk [tilespmem:v0+s2+$0x0 ss:$0x1], $0xffff;
	[tilespmem:v1+s28+$0x0 ss:$0x1] =	vst.idx.msk $0xffff, v8;
	s28 =	smov.u32 s23  }
0x83: {  	s4 =	sadd.s32 $0xFFFFFFFF, s4;
	s6 =	sand.u32 $0x3F80, s7;
	[tilespmem:v1+s8+$0x0 ss:$0x1] =	vst.idx.msk $0xffff, v9;
	v7 =	vld.idx.msk [tilespmem:v0+s0+$0x0 ss:$0x1], $0xffff  }
.LBB1_9:
0x84: {  	_ =	sdelay $0x3  }
0x85: {  	[tilespmem:v1+s30+$0x0 ss:$0x1] =	vst.idx.msk @p0 $0xffff, v4  }
0x86: {  	s1 =	sor.u32 s27, s6;
	v4 =	vld.idx.msk @p0 [tilespmem:v0+s28+$0x0 ss:$0x1], $0xffff;
	[tilespmem:v1+s29+$0x0 ss:$0x1] =	vst.idx.msk @p0 $0xffff, v3  }
0x87: {  	v3 =	vld.idx.msk [tilespmem:v0+s1+$0x0 ss:$0x1], $0xffff;
	s3 =	sor.u32 $0x70, s1;
	[tilespmem:v1+s31+$0x0 ss:$0x1] =	vst.idx.msk @p0 $0xffff, v2  }
0x88: {  	s4 =	sor.u32 $0x10, s1;
	v2 =	vld.idx.msk [tilespmem:v0+s3+$0x0 ss:$0x1], $0xffff;
	[tilespmem:v1+s9+$0x0 ss:$0x1] =	vst.idx.msk @p0 $0xffff, v5  }
0x89: {  	s5 =	sor.u32 $0x20, s1;
	v60 =	vld.idx.msk [tilespmem:v0+s4+$0x0 ss:$0x1], $0xffff;
	[tilespmem:v1+s2+$0x0 ss:$0x1] =	vst.idx.msk @p0 $0xffff, v6  }
0x8a: {  	s30 =	sor.u32 $0x30, s1;
	v61 =	vld.idx.msk [tilespmem:v0+s5+$0x0 ss:$0x1], $0xffff;
	[tilespmem:v1+s0+$0x0 ss:$0x1] =	vst.idx.msk @p0 $0xffff, v7  }
0x8b: {  	s31 =	sor.u32 $0x40, s1;
	v62 =	vld.idx.msk [tilespmem:v0+s30+$0x0 ss:$0x1], $0xffff;
	[tilespmem:v1+s28+$0x0 ss:$0x1] =	vst.idx.msk @p0 $0xffff, v4  }
0x8c: {  	s6 =	sor.u32 $0x50, s1;
	v63 =	vld.idx.msk [tilespmem:v0+s31+$0x0 ss:$0x1], $0xffff;
	[tilespmem:v1+s1+$0x0 ss:$0x1] =	vst.idx.msk $0xffff, v3  }
0x8d: {  	s26 =	sadd.s32 $0x1, s26;
	s1 =	sor.u32 $0x60, s1;
	v3 =	vld.idx.msk [tilespmem:v0+s6+$0x0 ss:$0x1], $0xffff;
	[tilespmem:v1+s3+$0x0 ss:$0x1] =	vst.idx.msk $0xffff, v2  }
0x8e: {  	p0 =	sne.s32 s26, s22;
	v2 =	vld.idx.msk [tilespmem:v0+s1+$0x0 ss:$0x1], $0xffff;
	[tilespmem:v1+s4+$0x0 ss:$0x1] =	vst.idx.msk $0xffff, v60  }
.Ltmp9:
0x8f: {  	[tilespmem:v1+s5+$0x0 ss:$0x1] =	vst.idx.msk $0xffff, v61;
	(pc) =	sbr.rel @p0 .LBB1_5-.Ltmp9, $4  }
.Ltmp10:
0x90: {  	[tilespmem:v1+s30+$0x0 ss:$0x1] =	vst.idx.msk $0xffff, v62;
	(pc) =	sbr.rel @!p0 .LBB1_10-.Ltmp10, $4  }
0x91: {  	[tilespmem:v1+s31+$0x0 ss:$0x1] =	vst.idx.msk $0xffff, v63  }
0x92: {  	[tilespmem:v1+s6+$0x0 ss:$0x1] =	vst.idx.msk $0xffff, v3  }
0x93: {  	[tilespmem:v1+s1+$0x0 ss:$0x1] =	vst.idx.msk $0xffff, v2  }
0x94: {  	_ = 	snop  }
.LBB1_6:
.Ltmp11:
0x95: {  	(pc) =	sbr.rel .LBB1_9-.Ltmp11, $2  }
0x96: {  	_ =	sdelay $0x2  }
0x97: {  	_ = 	snop  }
.LBB1_13:
0x98: {  	_ =	sfence.sel $0x180000  }
0x99: {  	s0 =	simm.s32 $0x1;
	[bflag:$0x0] =	sbarrier.arrive $0xFFFF  }
0x9a: {  	s30 =	simm.s32 $0x2;
	[sflag:s0] =	ssyncpa.u1 $0x1  }
0x9b: {  	[sflag:s30] =	ssyncpa.u1 $0x1  }
0x9c: {  	_ =	strace $0x9000004A  }
0x9d: {  	s31 =	stileid.u32;
	[bflag:$0x2] =	sbarrier.arrive $0xFFFF  }
0x9e: {  	p0 =	sne.s32 s31, $0x0;
	s0 =	rddreg [dreg:$0x1]  }
0x9f: {  	s0 =	sadd.s32 @!p0 $0x100000, s0  }
0xa0: {  	[sflag:s0] =	ssyncadd.tile.s32 @!p0 $0x1;
	_ =	shalt  }
.Lfunc_end1:
_tile_overlayer_lowered:
.L_overlay_start_2:
0xa1: {  	(tag) =	ssettag $0x2  }
0xa2: {  	s0 =	rddreg [dreg:$0x0];
	s2 =	stileid.u32  }
0xa3: {  	s1 =	rddreg [dreg:$0x1];
	p0 =	sne.s32 s2, $0x0  }
0xa4: {  	s3 =	rddreg [dreg:$0x2];
	[bflag:$0x3] =	sbarrier.arrive $0xFFFF;
	s2 =	simm.s32 @!p0 $0x1C01  }
0xa5: {  	[timem:s3], [sflag:s2] =	dma.local @!p0 [hbm:s0], s1  }
0xa6: {  	s0 =	simm.s32 @!p0 $0x1  }
0xa7: {  	_ =	swait.ge @!p0 [sflag:s0], s1  }
0xa8: {  	s1 =	ssub.s32 @!p0 $0x0, s1;
	[sflag:s0] =	ssyncset.done @!p0 $0x0  }
0xa9: {  	[sflag:s0] =	ssyncadd.s32 @!p0 s1  }
0xaa: {  	[bflag:$0x3] =	sbarrier.arrive $0xFFFF  }
0xab: {  	_ =	shalt  }

</sc_bundles>
